<compile_context>
chip_gen: v7x
topology: tpu7x:2x2x1
jax: 0.10.2.dev20260603
libtpu: 0.0.44.dev20260713+nightly
codegen_flags: <defaults>
</compile_context>

<pallas_src>
import functools

import jax
import jax.numpy as jnp
from jax import lax
from jax.experimental import pallas as pl
from jax.experimental.pallas import tpu as pltpu
from jax.experimental.pallas import tpu_sc as plsc

NC = 2
NS = 16
NW = NC * NS
CHUNK = 128

_MESH = dict(core_axis_name="c", subcore_axis_name="s")


def _ab_body(h_ref, wt_ref, wb_ref, bm1_ref, a_ref, b_ref):
    h = h_ref[...]
    a_ref[...] = (
        jnp.dot(h, wt_ref[...], preferred_element_type=jnp.float32) + bm1_ref[...]
    )
    b_ref[...] = jnp.dot(h, wb_ref[...], preferred_element_type=jnp.float32)


def _gather_body(
    a_hbm, b_hbm, row_hbm, col_hbm,
    ar_hbm, bc_hbm,
    ir0, ic0, ir1, ic1,
    bufa0, bufb0,
    bufa1, bufb1,
    isem0, isem1, gsem0, gsem1, wsem0, wsem1,
    *, cpw, epw,
):
    sid = lax.axis_index("s")
    wid = sid * NC + lax.axis_index("c")
    base = wid * epw

    slots = (
        (ir0, ic0, bufa0, bufb0, isem0, gsem0, wsem0),
        (ir1, ic1, bufa1, bufb1, isem1, gsem1, wsem1),
    )

    def issue_idx(j, s):
        ir, ic = slots[s][0], slots[s][1]
        isem = slots[s][4]
        off = base + j * CHUNK
        pltpu.async_copy(row_hbm.at[pl.ds(off, CHUNK)], ir, isem)
        pltpu.async_copy(col_hbm.at[pl.ds(off, CHUNK)], ic, isem)

    def wait_idx(s):
        ir, ic = slots[s][0], slots[s][1]
        isem = slots[s][4]
        pltpu.make_async_copy(row_hbm.at[pl.ds(0, CHUNK)], ir, isem).wait()
        pltpu.make_async_copy(col_hbm.at[pl.ds(0, CHUNK)], ic, isem).wait()

    def issue_gather(s):
        ir, ic, ba, bb, _, gs, _w = slots[s]
        pltpu.async_copy(a_hbm.at[ir], ba, gs)
        pltpu.async_copy(b_hbm.at[ic], bb, gs)

    def wait_gather(s):
        _, _, ba, bb, _, gs, _w = slots[s]
        pltpu.make_async_copy(a_hbm.at[pl.ds(0, CHUNK)], ba, gs).wait()
        pltpu.make_async_copy(b_hbm.at[pl.ds(0, CHUNK)], bb, gs).wait()

    def issue_write(j, s):
        _, _, ba, bb, _, _g, ws = slots[s]
        off = base + j * CHUNK
        pltpu.async_copy(ba, ar_hbm.at[pl.ds(off, CHUNK)], ws)
        pltpu.async_copy(bb, bc_hbm.at[pl.ds(off, CHUNK)], ws)

    def wait_write(s):
        _, _, ba, bb, _, _g, ws = slots[s]
        pltpu.make_async_copy(ba, ar_hbm.at[pl.ds(0, CHUNK)], ws).wait()
        pltpu.make_async_copy(bb, bc_hbm.at[pl.ds(0, CHUNK)], ws).wait()

    issue_idx(0, 0)
    wait_idx(0)
    issue_gather(0)
    issue_idx(1, 1)

    def half(jn, s_cur, s_next):
        @pl.when(jn >= 1)
        def _():
            wait_write(s_next)

        @pl.when(jn + 1 < cpw)
        def _():
            wait_idx(s_next)
            issue_gather(s_next)

        wait_gather(s_cur)

        @pl.when(jn + 2 < cpw)
        def _():
            issue_idx(jn + 2, s_cur)

        issue_write(jn, s_cur)

    def outer(i, carry):
        half(2 * i, 0, 1)
        half(2 * i + 1, 1, 0)
        return carry

    lax.fori_loop(0, cpw // 2, outer, 0)
    wait_write(1)


def _rel_body(
    x4f_hbm, row_hbm, col_hbm,
    rel_hbm,
    x4v,
    ir0, ic0, ir1, ic1, rb0, rb1,
    isem0, isem1, wsem0, wsem1,
    *, cpw, epw,
):
    sid = lax.axis_index("s")
    wid = sid * NC + lax.axis_index("c")
    base = wid * epw
    pltpu.sync_copy(x4f_hbm, x4v)

    slots = ((ir0, ic0, rb0, isem0, wsem0), (ir1, ic1, rb1, isem1, wsem1))

    def issue_idx(j, s):
        ir, ic, _, isem, _w = slots[s]
        off = base + j * CHUNK
        pltpu.async_copy(row_hbm.at[pl.ds(off, CHUNK)], ir, isem)
        pltpu.async_copy(col_hbm.at[pl.ds(off, CHUNK)], ic, isem)

    def wait_idx(s):
        ir, ic, _, isem, _w = slots[s]
        pltpu.make_async_copy(row_hbm.at[pl.ds(0, CHUNK)], ir, isem).wait()
        pltpu.make_async_copy(col_hbm.at[pl.ds(0, CHUNK)], ic, isem).wait()

    def compute_rel(s):
        ir, ic, rb, _, _w = slots[s]
        it = lax.iota(jnp.int32, 16)
        rep = lax.shift_right_logical(it, 2)
        lane = lax.bitwise_and(it, 3)
        for k in range(CHUNK // 4):
            rv = plsc.load_gather(ir, [k * 4 + rep])
            cv = plsc.load_gather(ic, [k * 4 + rep])
            xr = plsc.load_gather(x4v, [rv * 4 + lane])
            xc = plsc.load_gather(x4v, [cv * 4 + lane])
            rb[pl.ds(k * 16, 16)] = xr - xc

    def issue_write(j, s):
        rb, ws = slots[s][2], slots[s][4]
        off = (base + j * CHUNK) * 4
        pltpu.async_copy(rb, rel_hbm.at[pl.ds(off, CHUNK * 4)], ws)

    def wait_write(s):
        rb, ws = slots[s][2], slots[s][4]
        pltpu.make_async_copy(rb, rel_hbm.at[pl.ds(0, CHUNK * 4)], ws).wait()

    issue_idx(0, 0)

    def half(jn, s_cur, s_next):
        @pl.when(jn + 1 < cpw)
        def _():
            issue_idx(jn + 1, s_next)

        wait_idx(s_cur)

        @pl.when(jn >= 2)
        def _():
            wait_write(s_cur)

        compute_rel(s_cur)
        issue_write(jn, s_cur)

    def outer(i, carry):
        half(2 * i, 0, 1)
        half(2 * i + 1, 1, 0)
        return carry

    lax.fori_loop(0, cpw // 2, outer, 0)
    wait_write(0)
    wait_write(1)


def _edge_body(ar_ref, bc_ref, rel_ref, wd_ref, wm2_ref, bm2_ref,
               wc1_ref, bc1_ref, wc2_ref, msg_ref, c4_ref):
    rel = rel_ref[...]
    d2 = jnp.sum(rel * rel, axis=1, keepdims=True)
    dist = jnp.sqrt(d2)
    m_in = ar_ref[...] + bc_ref[...] + dist * wd_ref[...]
    m = jax.nn.silu(m_in)
    msg = jax.nn.silu(
        jnp.dot(m, wm2_ref[...], preferred_element_type=jnp.float32) + bm2_ref[...]
    )
    msg_ref[...] = msg
    cm = jax.nn.silu(
        jnp.dot(msg, wc1_ref[...], preferred_element_type=jnp.float32) + bc1_ref[...]
    )
    cmult = jnp.tanh(jnp.sum(cm * wc2_ref[...], axis=1, keepdims=True))
    rel_dir = rel / (dist + 1e-8)
    coord = cmult * rel_dir
    z = jnp.zeros_like(msg[:, 4:])
    c128 = jnp.concatenate([coord, z], axis=1)
    lane = lax.broadcasted_iota(jnp.int32, c128.shape, 1)
    c4_ref[...] = jnp.where(lane == 3, 1.0, c128)


def _scatter_body(
    msg_hbm, col_hbm, zd_hbm,
    agg_hbm,
    cv0, cv1, bufm0, bufm1, aggs,
    rsem0, rsem1,
    *, cpt, np_rows,
):
    cid = lax.axis_index("c")
    sid = lax.axis_index("s")
    wid = sid * NC + cid
    rt = np_rows // NS
    pltpu.sync_copy(zd_hbm.at[pl.ds(sid * rt, rt)], aggs.at[pl.ds(sid * rt, rt)])
    plsc.subcore_barrier()

    slots = ((cv0, bufm0, rsem0), (cv1, bufm1, rsem1))

    def issue_read(j, s):
        cv, bm, rs = slots[s]
        off = (wid * cpt + j) * CHUNK
        pltpu.async_copy(msg_hbm.at[pl.ds(off, CHUNK)], bm, rs)
        pltpu.async_copy(col_hbm.at[pl.ds(off, CHUNK)], cv, rs)

    def wait_read(s):
        cv, bm, rs = slots[s]
        pltpu.make_async_copy(msg_hbm.at[pl.ds(0, CHUNK)], bm, rs).wait()
        pltpu.make_async_copy(col_hbm.at[pl.ds(0, CHUNK)], cv, rs).wait()

    issue_read(0, 0)

    def half(jn, s_cur, s_next):
        @pl.when(jn + 1 < cpt)
        def _():
            issue_read(jn + 1, s_next)

        wait_read(s_cur)
        cv, bm, _ = slots[s_cur]
        pltpu.sync_copy(bm, aggs.at[cv], add=True)

    def outer(i, carry):
        half(2 * i, 0, 1)
        half(2 * i + 1, 1, 0)
        return carry

    lax.fori_loop(0, cpt // 2, outer, 0)
    plsc.subcore_barrier()
    pltpu.sync_copy(aggs.at[pl.ds(sid * rt, rt)],
                    agg_hbm.at[pl.ds(cid * np_rows + sid * rt, rt)])


def _node_body(h_ref, agg2_ref, cu_ref, x4_ref, wn1t_ref, wn1b_ref,
               bn1_ref, wn2_ref, bn2_ref, g_ref, bt_ref, hnew_ref, xnew_ref):
    h = h_ref[...]
    agg = agg2_ref[0] + agg2_ref[1]
    t = jax.nn.silu(
        jnp.dot(h, wn1t_ref[...], preferred_element_type=jnp.float32)
        + jnp.dot(agg, wn1b_ref[...], preferred_element_type=jnp.float32)
        + bn1_ref[...]
    )
    hu = jnp.dot(t, wn2_ref[...], preferred_element_type=jnp.float32) + bn2_ref[...]
    hn = h + hu
    mean = jnp.mean(hn, axis=1, keepdims=True)
    cen = hn - mean
    var = jnp.mean(cen * cen, axis=1, keepdims=True)
    hnew_ref[...] = cen * lax.rsqrt(var + 1e-5) * g_ref[...] + bt_ref[...]
    cu = cu_ref[0][:, :4] + cu_ref[1][:, :4]
    deg = cu[:, 3:4]
    xnew_ref[...] = x4_ref[...] + cu / (deg + 1.0)


def kernel(h, x, edge_index, Wm1, bm1, Wm2, bm2, Wc1, bc1, Wc2,
           Wn1, bn1, Wn2, bn2, gamma, beta):
    n, d = h.shape
    e = edge_index.shape[1]
    hw = d // 2
    f32 = jnp.float32

    npad = ((n + 1023) // 1024) * 1024
    cpw = -(-e // (NW * CHUNK))
    cpw += cpw % 2
    ep = NW * CHUNK * cpw
    epw = cpw * CHUNK
    g_chunks = ep // CHUNK
    cpt = g_chunks // NS

    row = edge_index[0].astype(jnp.int32)
    col = edge_index[1].astype(jnp.int32)
    pad = ep - e
    pad_idx = n + jnp.arange(pad, dtype=jnp.int32) % (npad - n)
    row_p = jnp.concatenate([row, pad_idx])
    col_p = jnp.concatenate([col, pad_idx])

    h_p = jnp.pad(h, ((0, npad - n), (0, 0)))
    x4 = jnp.pad(x, ((0, 0), (0, 1)))
    x4_p = jnp.pad(x4, ((0, npad - n), (0, 0)))

    wm1t = Wm1[:d]
    wm1b = Wm1[d:2 * d]
    wd = Wm1[2 * d].reshape(1, d)
    bm1r = bm1.reshape(1, d)
    bm2r = bm2.reshape(1, d)
    bc1r = bc1.reshape(1, d)
    wc2r = Wc2[:, 0].reshape(1, d)
    wn1t = Wn1[:d]
    wn1bl = Wn1[d:d + hw]
    wn1br = Wn1[d + hw:]
    bn1r = bn1.reshape(1, d)
    bn2r = bn2.reshape(1, d)
    gr = gamma.reshape(1, d)
    br = beta.reshape(1, d)

    nb = npad // 1024
    full = lambda s: pl.BlockSpec(s, lambda i: (0,) * len(s))
    a_tab, b_tab = pl.pallas_call(
        _ab_body,
        grid=(nb,),
        in_specs=[
            pl.BlockSpec((1024, d), lambda i: (i, 0)),
            full((d, d)), full((d, d)), full((1, d)),
        ],
        out_specs=[
            pl.BlockSpec((1024, d), lambda i: (i, 0)),
            pl.BlockSpec((1024, d), lambda i: (i, 0)),
        ],
        out_shape=[
            jax.ShapeDtypeStruct((npad, d), f32),
            jax.ShapeDtypeStruct((npad, d), f32),
        ],
    )(h_p, wm1t, wm1b, bm1r)

    mesh = plsc.VectorSubcoreMesh(**_MESH)
    gather_fn = pl.kernel(
        functools.partial(_gather_body, cpw=cpw, epw=epw),
        out_type=[
            jax.ShapeDtypeStruct((ep, d), f32),
            jax.ShapeDtypeStruct((ep, d), f32),
        ],
        mesh=mesh,
        compiler_params=pltpu.CompilerParams(use_tc_tiling_on_sc=False),
        scratch_types=[
            pltpu.VMEM((CHUNK,), jnp.int32), pltpu.VMEM((CHUNK,), jnp.int32),
            pltpu.VMEM((CHUNK,), jnp.int32), pltpu.VMEM((CHUNK,), jnp.int32),
            pltpu.VMEM((CHUNK, d), f32), pltpu.VMEM((CHUNK, d), f32),
            pltpu.VMEM((CHUNK, d), f32), pltpu.VMEM((CHUNK, d), f32),
            pltpu.SemaphoreType.DMA, pltpu.SemaphoreType.DMA,
            pltpu.SemaphoreType.DMA, pltpu.SemaphoreType.DMA,
            pltpu.SemaphoreType.DMA, pltpu.SemaphoreType.DMA,
        ],
    )
    ar, bc_g = gather_fn(a_tab, b_tab, row_p, col_p)

    rel_fn = pl.kernel(
        functools.partial(_rel_body, cpw=cpw, epw=epw),
        out_type=[jax.ShapeDtypeStruct((ep * 4,), f32)],
        mesh=mesh,
        compiler_params=pltpu.CompilerParams(
            use_tc_tiling_on_sc=False, needs_layout_passes=False),
        scratch_types=[
            pltpu.VMEM((npad * 4,), f32),
            pltpu.VMEM((CHUNK,), jnp.int32), pltpu.VMEM((CHUNK,), jnp.int32),
            pltpu.VMEM((CHUNK,), jnp.int32), pltpu.VMEM((CHUNK,), jnp.int32),
            pltpu.VMEM((CHUNK * 4,), f32), pltpu.VMEM((CHUNK * 4,), f32),
            pltpu.SemaphoreType.DMA, pltpu.SemaphoreType.DMA,
            pltpu.SemaphoreType.DMA, pltpu.SemaphoreType.DMA,
        ],
    )
    rel4 = rel_fn(x4_p.reshape(-1), row_p, col_p)[0].reshape(ep, 4)

    eb = 2048
    msg, c4 = pl.pallas_call(
        _edge_body,
        grid=(ep // eb,),
        in_specs=[
            pl.BlockSpec((eb, d), lambda i: (i, 0)),
            pl.BlockSpec((eb, d), lambda i: (i, 0)),
            pl.BlockSpec((eb, 4), lambda i: (i, 0)),
            full((1, d)), full((d, d)), full((1, d)),
            full((d, d)), full((1, d)), full((1, d)),
        ],
        out_specs=[
            pl.BlockSpec((eb, d), lambda i: (i, 0)),
            pl.BlockSpec((eb, d), lambda i: (i, 0)),
        ],
        out_shape=[
            jax.ShapeDtypeStruct((ep, d), f32),
            jax.ShapeDtypeStruct((ep, d), f32),
        ],
    )(ar, bc_g, rel4, wd, Wm2, bm2r, Wc1, bc1r, wc2r)

    cpt = g_chunks // NW
    zd = jnp.zeros((npad, d), f32)
    scatter_fn = pl.kernel(
        functools.partial(_scatter_body, cpt=cpt, np_rows=npad),
        out_type=[jax.ShapeDtypeStruct((NC * npad, d), f32)],
        mesh=mesh,
        scratch_types=[
            pltpu.VMEM((CHUNK,), jnp.int32), pltpu.VMEM((CHUNK,), jnp.int32),
            pltpu.VMEM((CHUNK, d), f32), pltpu.VMEM((CHUNK, d), f32),
            pltpu.VMEM_SHARED((npad, d), f32),
            pltpu.SemaphoreType.DMA, pltpu.SemaphoreType.DMA,
        ],
    )
    agg2 = scatter_fn(msg, col_p, zd)[0].reshape(NC, npad, d)
    cu2 = scatter_fn(c4, col_p, zd)[0].reshape(NC, npad, d)

    nbn = 10
    bnr = n // nbn
    hnew, xnew4 = pl.pallas_call(
        _node_body,
        grid=(nbn,),
        in_specs=[
            pl.BlockSpec((bnr, d), lambda i: (i, 0)),
            pl.BlockSpec((NC, bnr, d), lambda i: (0, i, 0)),
            pl.BlockSpec((NC, bnr, d), lambda i: (0, i, 0)),
            pl.BlockSpec((bnr, 4), lambda i: (i, 0)),
            full((d, d)), full((d, d)), full((1, d)),
            full((d, d)), full((1, d)), full((1, d)), full((1, d)),
        ],
        out_specs=[
            pl.BlockSpec((bnr, d), lambda i: (i, 0)),
            pl.BlockSpec((bnr, 4), lambda i: (i, 0)),
        ],
        out_shape=[
            jax.ShapeDtypeStruct((n, d), f32),
            jax.ShapeDtypeStruct((n, 4), f32),
        ],
    )(h, agg2, cu2, x4, wn1t, Wn1[d:], bn1r, Wn2, bn2r, gr, br)

    return hnew, xnew4[:, :3]

# --- scband reference (transcript-rebuilt; emitter-appended) ---
"""Pipeline reference for scband-equivariant-conv-1864015807169 (READ-ONLY COPY).

The authoritative reference and input builder live on the scoring server;
editing this copy changes nothing except your own understanding.
"""

import jax, jax.numpy as jnp
import numpy as np

N = 10000
E = 320000
D = 128


def _glorot(key, shape):
    fan_in = shape[0]
    return jax.random.normal(key, shape, dtype=jnp.float32) * (1.0 / np.sqrt(fan_in))


def setup_inputs(seed: int = 0) -> dict:
    key = jax.random.key(seed)
    ks = jax.random.split(key, 16)
    h = jax.random.normal(ks[0], (N, D), dtype=jnp.float32)
    x = jax.random.normal(ks[1], (N, 3), dtype=jnp.float32)
    edge_index = jax.random.randint(ks[2], (2, E), 0, N, dtype=jnp.int64 if jax.config.jax_enable_x64 else jnp.int32)
    # message_mlp: Linear(2D+1, D), SiLU, Linear(D, D), SiLU
    Wm1 = _glorot(ks[3], (2 * D + 1, D)); bm1 = jnp.zeros((D,), jnp.float32)
    Wm2 = _glorot(ks[4], (D, D)); bm2 = jnp.zeros((D,), jnp.float32)
    # coord_mlp: Linear(D, D), SiLU, Linear(D, 1, bias=False), Tanh
    Wc1 = _glorot(ks[5], (D, D)); bc1 = jnp.zeros((D,), jnp.float32)
    Wc2 = _glorot(ks[6], (D, 1))
    # node_update_mlp: Linear(2D, D), SiLU, Linear(D, D)
    Wn1 = _glorot(ks[7], (2 * D, D)); bn1 = jnp.zeros((D,), jnp.float32)
    Wn2 = _glorot(ks[8], (D, D)); bn2 = jnp.zeros((D,), jnp.float32)
    # LayerNorm(D)
    gamma = jnp.ones((D,), jnp.float32); beta = jnp.zeros((D,), jnp.float32)
    return {"h": h, "x": x, "edge_index": edge_index,
            "Wm1": Wm1, "bm1": bm1, "Wm2": Wm2, "bm2": bm2,
            "Wc1": Wc1, "bc1": bc1, "Wc2": Wc2,
            "Wn1": Wn1, "bn1": bn1, "Wn2": Wn2, "bn2": bn2,
            "gamma": gamma, "beta": beta}


def reference(h, x, edge_index, Wm1, bm1, Wm2, bm2, Wc1, bc1, Wc2, Wn1, bn1, Wn2, bn2, gamma, beta):
    row = edge_index[0]
    col = edge_index[1]
    rel_coords = x[row] - x[col]                              # gather [E,3]
    dist = jnp.linalg.norm(rel_coords, axis=-1, keepdims=True)  # [E,1]
    message_input = jnp.concatenate([h[row], h[col], dist], axis=-1)  # gather [E,2D+1]
    m = jax.nn.silu(message_input @ Wm1 + bm1)
    messages = jax.nn.silu(m @ Wm2 + bm2)                     # [E,D]
    agg_messages = jnp.zeros_like(h).at[col].add(messages)    # scatter-add [N,D]
    rel_dir = rel_coords / (dist + 1e-08)
    cm = jax.nn.silu(messages @ Wc1 + bc1)
    coord_mult = jnp.tanh(cm @ Wc2)                           # [E,1]
    coord_update_src = coord_mult * rel_dir                   # [E,3]
    coord_update = jnp.zeros_like(x).at[col].add(coord_update_src)  # scatter-add [N,3]
    num_nodes = x.shape[0]
    in_degree = jnp.zeros((num_nodes,), x.dtype).at[col].add(1.0)[:, None]
    x_new = x + coord_update / (in_degree + 1.0)
    node_update_input = jnp.concatenate([h, agg_messages], axis=-1)
    hu = jax.nn.silu(node_update_input @ Wn1 + bn1) @ Wn2 + bn2
    h_new = h + hu
    mean = jnp.mean(h_new, axis=-1, keepdims=True)
    var = jnp.var(h_new, axis=-1, keepdims=True)
    h_new = (h_new - mean) / jnp.sqrt(var + 1e-05) * gamma + beta
    return (h_new, x_new)

if __name__ == "__main__":
    import jax
    _d = setup_inputs()
    print(jax.jit(kernel)(*tuple(_d.values())))

</pallas_src>

<mosaic_0001>
#map = affine_map<(d0, d1) -> (0)>
module attributes {stable_mosaic.version = 14 : i64} {
  func.func @_rel_body(%arg0: i32, %arg1: i32, %arg2: memref<40960xf32, #tpu.memory_space<hbm>>, %arg3: memref<327680xi32, #tpu.memory_space<hbm>>, %arg4: memref<327680xi32, #tpu.memory_space<hbm>>, %arg5: memref<1310720xf32, #tpu.memory_space<hbm>>, %arg6: memref<40960xf32, #tpu.memory_space<vmem>>, %arg7: memref<128xi32, #tpu.memory_space<vmem>>, %arg8: memref<128xi32, #tpu.memory_space<vmem>>, %arg9: memref<128xi32, #tpu.memory_space<vmem>>, %arg10: memref<128xi32, #tpu.memory_space<vmem>>, %arg11: memref<512xf32, #tpu.memory_space<vmem>>, %arg12: memref<512xf32, #tpu.memory_space<vmem>>, %arg13: memref<!tpu.dma_semaphore, #tpu.memory_space<semaphore_mem>>, %arg14: memref<!tpu.dma_semaphore, #tpu.memory_space<semaphore_mem>>, %arg15: memref<!tpu.dma_semaphore, #tpu.memory_space<semaphore_mem>>, %arg16: memref<!tpu.dma_semaphore, #tpu.memory_space<semaphore_mem>>) attributes {dimension_semantics = [#tpu.dimension_semantics<core_parallel>, #tpu.dimension_semantics<subcore_parallel>], iteration_bounds = array<i64: 2, 16>, scalar_prefetch = 0 : i64, scratch_operands = 11 : i64, tpu.core_type = #tpu.core_type<sc_vector_subcore>, window_params = [{transform_indices = #map}, {transform_indices = #map}, {transform_indices = #map}, {transform_indices = #map}]} {
    %mul3A = arith.constant 2 : i32
    %mul3A_0 = arith.muli %arg1, %mul3A : i32
    %add3A = arith.addi %mul3A_0, %arg0 : i32
    %mul3A_1 = arith.constant 10240 : i32
    %mul3A_2 = arith.muli %add3A, %mul3A_1 : i32
    "tpu.region"() ({
      %run_scoped3A = tpu.sem_alloc : memref<!tpu.dma_semaphore, #tpu.memory_space<semaphore_mem>>
      tpu.enqueue_dma source(%arg2 : memref<40960xf32, #tpu.memory_space<hbm>>) target(%arg6 : memref<40960xf32, #tpu.memory_space<vmem>>) target_semaphore(%run_scoped3A : memref<!tpu.dma_semaphore, #tpu.memory_space<semaphore_mem>>)
      tpu.wait_dma2 semaphore(%run_scoped3A : memref<!tpu.dma_semaphore, #tpu.memory_space<semaphore_mem>>) src(%arg2 : memref<40960xf32, #tpu.memory_space<hbm>>) dst(%arg6 : memref<40960xf32, #tpu.memory_space<vmem>>)
      tpu.yield
    }) : () -> ()
    %add3A_3 = arith.constant 0 : i32
    %add3A_4 = arith.addi %mul3A_2, %add3A_3 : i32
    %dma_start3A = tpu.memref_slice %arg3[%add3A_4] : memref<327680xi32, #tpu.memory_space<hbm>> -> memref<128xi32, #tpu.memory_space<hbm>>
    %dma_start3A_5 = tpu.memref_slice %arg3[%add3A_4] : memref<327680xi32, #tpu.memory_space<hbm>> -> memref<128xi32, #tpu.memory_space<hbm>>
    tpu.enqueue_dma source(%dma_start3A_5 : memref<128xi32, #tpu.memory_space<hbm>>) target(%arg7 : memref<128xi32, #tpu.memory_space<vmem>>) target_semaphore(%arg13 : memref<!tpu.dma_semaphore, #tpu.memory_space<semaphore_mem>>)
    %dma_start3A_6 = tpu.memref_slice %arg4[%add3A_4] : memref<327680xi32, #tpu.memory_space<hbm>> -> memref<128xi32, #tpu.memory_space<hbm>>
    %dma_start3A_7 = tpu.memref_slice %arg4[%add3A_4] : memref<327680xi32, #tpu.memory_space<hbm>> -> memref<128xi32, #tpu.memory_space<hbm>>
    tpu.enqueue_dma source(%dma_start3A_7 : memref<128xi32, #tpu.memory_space<hbm>>) target(%arg8 : memref<128xi32, #tpu.memory_space<vmem>>) target_semaphore(%arg13 : memref<!tpu.dma_semaphore, #tpu.memory_space<semaphore_mem>>)
    %scan3A = arith.constant 0 : i32
    %scan3A_8 = arith.constant 0 : i32
    %scan3A_9 = arith.constant 40 : i32
    %scan3A_10 = arith.addi %scan3A_8, %scan3A_9 : i32
    %scan3A_11 = arith.constant 1 : i32
    scf.for %scan3A_20 = %scan3A_8 to %scan3A_10 step %scan3A_11  : i32 {
      %mul3A_21 = arith.constant 2 : i32
      %mul3A_22 = arith.muli %mul3A_21, %scan3A_20 : i32
      %add3A_23 = arith.constant 1 : i32
      %add3A_24 = arith.addi %mul3A_22, %add3A_23 : i32
      %lt3A = arith.constant 80 : i32
      %lt3A_25 = arith.cmpi slt, %add3A_24, %lt3A : i32
      %convert_element_type3A = arith.extui %lt3A_25 : i1 to i32
      %cond3A = arith.constant 0 : i32
      %cond3A_26 = arith.cmpi ne, %convert_element_type3A, %cond3A : i32
      scf.if %cond3A_26 {
        %add3A_1429 = arith.constant 1 : i32
        %add3A_1430 = arith.addi %mul3A_22, %add3A_1429 : i32
        %mul3A_1431 = arith.constant 128 : i32
        %mul3A_1432 = arith.muli %add3A_1430, %mul3A_1431 : i32
        %add3A_1433 = arith.addi %mul3A_2, %mul3A_1432 : i32
        %dma_start3A_1434 = tpu.memref_slice %arg3[%add3A_1433] : memref<327680xi32, #tpu.memory_space<hbm>> -> memref<128xi32, #tpu.memory_space<hbm>>
        %dma_start3A_1435 = tpu.memref_slice %arg3[%add3A_1433] : memref<327680xi32, #tpu.memory_space<hbm>> -> memref<128xi32, #tpu.memory_space<hbm>>
        tpu.enqueue_dma source(%dma_start3A_1435 : memref<128xi32, #tpu.memory_space<hbm>>) target(%arg9 : memref<128xi32, #tpu.memory_space<vmem>>) target_semaphore(%arg14 : memref<!tpu.dma_semaphore, #tpu.memory_space<semaphore_mem>>)
        %dma_start3A_1436 = tpu.memref_slice %arg4[%add3A_1433] : memref<327680xi32, #tpu.memory_space<hbm>> -> memref<128xi32, #tpu.memory_space<hbm>>
        %dma_start3A_1437 = tpu.memref_slice %arg4[%add3A_1433] : memref<327680xi32, #tpu.memory_space<hbm>> -> memref<128xi32, #tpu.memory_space<hbm>>
        tpu.enqueue_dma source(%dma_start3A_1437 : memref<128xi32, #tpu.memory_space<hbm>>) target(%arg10 : memref<128xi32, #tpu.memory_space<vmem>>) target_semaphore(%arg14 : memref<!tpu.dma_semaphore, #tpu.memory_space<semaphore_mem>>)
      } else {
      }
      %dma_wait3A_27 = arith.constant 0 : i32
      %dma_wait3A_28 = tpu.memref_slice %arg3[%dma_wait3A_27] : memref<327680xi32, #tpu.memory_space<hbm>> -> memref<128xi32, #tpu.memory_space<hbm>>
      %dma_wait3A_29 = arith.constant 0 : i32
      %dma_wait3A_30 = tpu.memref_slice %arg3[%dma_wait3A_29] : memref<327680xi32, #tpu.memory_space<hbm>> -> memref<128xi32, #tpu.memory_space<hbm>>
      tpu.wait_dma2 semaphore(%arg13 : memref<!tpu.dma_semaphore, #tpu.memory_space<semaphore_mem>>) src(%dma_wait3A_30 : memref<128xi32, #tpu.memory_space<hbm>>) dst(%arg7 : memref<128xi32, #tpu.memory_space<vmem>>)
      %dma_wait3A_31 = arith.constant 0 : i32
      %dma_wait3A_32 = tpu.memref_slice %arg4[%dma_wait3A_31] : memref<327680xi32, #tpu.memory_space<hbm>> -> memref<128xi32, #tpu.memory_space<hbm>>
      %dma_wait3A_33 = arith.constant 0 : i32
      %dma_wait3A_34 = tpu.memref_slice %arg4[%dma_wait3A_33] : memref<327680xi32, #tpu.memory_space<hbm>> -> memref<128xi32, #tpu.memory_space<hbm>>
      tpu.wait_dma2 semaphore(%arg13 : memref<!tpu.dma_semaphore, #tpu.memory_space<semaphore_mem>>) src(%dma_wait3A_34 : memref<128xi32, #tpu.memory_space<hbm>>) dst(%arg8 : memref<128xi32, #tpu.memory_space<vmem>>)
      %ge3A = arith.constant 2 : i32
      %ge3A_35 = arith.cmpi sge, %mul3A_22, %ge3A : i32
      %convert_element_type3A_36 = arith.extui %ge3A_35 : i1 to i32
      %cond3A_37 = arith.constant 0 : i32
      %cond3A_38 = arith.cmpi ne, %convert_element_type3A_36, %cond3A_37 : i32
      scf.if %cond3A_38 {
        %dma_wait3A_1429 = arith.constant 0 : i32
        %dma_wait3A_1430 = tpu.memref_slice %arg5[%dma_wait3A_1429] : memref<1310720xf32, #tpu.memory_space<hbm>> -> memref<512xf32, #tpu.memory_space<hbm>>
        %dma_wait3A_1431 = arith.constant 0 : i32
        %dma_wait3A_1432 = tpu.memref_slice %arg5[%dma_wait3A_1431] : memref<1310720xf32, #tpu.memory_space<hbm>> -> memref<512xf32, #tpu.memory_space<hbm>>
        tpu.wait_dma2 semaphore(%arg15 : memref<!tpu.dma_semaphore, #tpu.memory_space<semaphore_mem>>) src(%arg11 : memref<512xf32, #tpu.memory_space<vmem>>) dst(%dma_wait3A_1432 : memref<512xf32, #tpu.memory_space<hbm>>)
      } else {
      }
      %iota3A = tpu.iota {dimensions = array<i32: 0>} : vector<16xi32>
      %shift_right_logical3A = arith.constant 2 : i32
      %shift_right_logical3A_39 = vector.broadcast %shift_right_logical3A : i32 to vector<16xi32>
      %shift_right_logical3A_40 = arith.shrui %iota3A, %shift_right_logical3A_39 : vector<16xi32>
      %and3A = arith.constant 3 : i32
      %and3A_41 = vector.broadcast %and3A : i32 to vector<16xi32>
      %and3A_42 = arith.andi %iota3A, %and3A_41 : vector<16xi32>
      %add3A_43 = arith.constant 0 : i32
      %add3A_44 = vector.broadcast %add3A_43 : i32 to vector<16xi32>
      %add3A_45 = arith.addi %add3A_44, %shift_right_logical3A_40 : vector<16xi32>
      %gather3A = tpu.vector_load_idx %arg7[%add3A_45] : memref<128xi32, #tpu.memory_space<vmem>>[vector<16xi32>], vector<16xi32>,
      %add3A_46 = arith.constant 0 : i32
      %add3A_47 = vector.broadcast %add3A_46 : i32 to vector<16xi32>
      %add3A_48 = arith.addi %add3A_47, %shift_right_logical3A_40 : vector<16xi32>
      %gather3A_49 = tpu.vector_load_idx %arg8[%add3A_48] : memref<128xi32, #tpu.memory_space<vmem>>[vector<16xi32>], vector<16xi32>,
      %mul3A_50 = arith.constant 4 : i32
      %mul3A_51 = vector.broadcast %mul3A_50 : i32 to vector<16xi32>
      %mul3A_52 = arith.muli %gather3A, %mul3A_51 : vector<16xi32>
      %add3A_53 = arith.addi %mul3A_52, %and3A_42 : vector<16xi32>
      %gather3A_54 = tpu.vector_load_idx %arg6[%add3A_53] : memref<40960xf32, #tpu.memory_space<vmem>>[vector<16xi32>], vector<16xf32>,
      %mul3A_55 = arith.constant 4 : i32
      %mul3A_56 = vector.broadcast %mul3A_55 : i32 to vector<16xi32>
      %mul3A_57 = arith.muli %gather3A_49, %mul3A_56 : vector<16xi32>
      %add3A_58 = arith.addi %mul3A_57, %and3A_42 : vector<16xi32>
      %gather3A_59 = tpu.vector_load_idx %arg6[%add3A_58] : memref<40960xf32, #tpu.memory_space<vmem>>[vector<16xi32>], vector<16xf32>,
      %sub3A = arith.subf %gather3A_54, %gather3A_59 : vector<16xf32>
      %swap3A = arith.constant 0 : index
      %swap3A_60 = tpu.vector_load %arg11[%swap3A] {strides = array<i32>} : memref<512xf32, #tpu.memory_space<vmem>>, vector<16xf32>,
      tpu.vector_store %arg11[%swap3A], %sub3A {strides = array<i32>} : memref<512xf32, #tpu.memory_space<vmem>>, vector<16xf32>,
      %add3A_61 = arith.constant 4 : i32
      %add3A_62 = vector.broadcast %add3A_61 : i32 to vector<16xi32>
      %add3A_63 = arith.addi %add3A_62, %shift_right_logical3A_40 : vector<16xi32>
      %gather3A_64 = tpu.vector_load_idx %arg7[%add3A_63] : memref<128xi32, #tpu.memory_space<vmem>>[vector<16xi32>], vector<16xi32>,
      %add3A_65 = arith.constant 4 : i32
      %add3A_66 = vector.broadcast %add3A_65 : i32 to vector<16xi32>
      %add3A_67 = arith.addi %add3A_66, %shift_right_logical3A_40 : vector<16xi32>
      %gather3A_68 = tpu.vector_load_idx %arg8[%add3A_67] : memref<128xi32, #tpu.memory_space<vmem>>[vector<16xi32>], vector<16xi32>,
      %mul3A_69 = arith.constant 4 : i32
      %mul3A_70 = vector.broadcast %mul3A_69 : i32 to vector<16xi32>
      %mul3A_71 = arith.muli %gather3A_64, %mul3A_70 : vector<16xi32>
      %add3A_72 = arith.addi %mul3A_71, %and3A_42 : vector<16xi32>
      %gather3A_73 = tpu.vector_load_idx %arg6[%add3A_72] : memref<40960xf32, #tpu.memory_space<vmem>>[vector<16xi32>], vector<16xf32>,
      %mul3A_74 = arith.constant 4 : i32
      %mul3A_75 = vector.broadcast %mul3A_74 : i32 to vector<16xi32>
      %mul3A_76 = arith.muli %gather3A_68, %mul3A_75 : vector<16xi32>
      %add3A_77 = arith.addi %mul3A_76, %and3A_42 : vector<16xi32>
      %gather3A_78 = tpu.vector_load_idx %arg6[%add3A_77] : memref<40960xf32, #tpu.memory_space<vmem>>[vector<16xi32>], vector<16xf32>,
      %sub3A_79 = arith.subf %gather3A_73, %gather3A_78 : vector<16xf32>
      %swap3A_80 = arith.constant 16 : index
      %swap3A_81 = tpu.vector_load %arg11[%swap3A_80] {strides = array<i32>} : memref<512xf32, #tpu.memory_space<vmem>>, vector<16xf32>,
      tpu.vector_store %arg11[%swap3A_80], %sub3A_79 {strides = array<i32>} : memref<512xf32, #tpu.memory_space<vmem>>, vector<16xf32>,
      %add3A_82 = arith.constant 8 : i32
      %add3A_83 = vector.broadcast %add3A_82 : i32 to vector<16xi32>
      %add3A_84 = arith.addi %add3A_83, %shift_right_logical3A_40 : vector<16xi32>
      %gather3A_85 = tpu.vector_load_idx %arg7[%add3A_84] : memref<128xi32, #tpu.memory_space<vmem>>[vector<16xi32>], vector<16xi32>,
      %add3A_86 = arith.constant 8 : i32
      %add3A_87 = vector.broadcast %add3A_86 : i32 to vector<16xi32>
      %add3A_88 = arith.addi %add3A_87, %shift_right_logical3A_40 : vector<16xi32>
      %gather3A_89 = tpu.vector_load_idx %arg8[%add3A_88] : memref<128xi32, #tpu.memory_space<vmem>>[vector<16xi32>], vector<16xi32>,
      %mul3A_90 = arith.constant 4 : i32
      %mul3A_91 = vector.broadcast %mul3A_90 : i32 to vector<16xi32>
      %mul3A_92 = arith.muli %gather3A_85, %mul3A_91 : vector<16xi32>
      %add3A_93 = arith.addi %mul3A_92, %and3A_42 : vector<16xi32>
      %gather3A_94 = tpu.vector_load_idx %arg6[%add3A_93] : memref<40960xf32, #tpu.memory_space<vmem>>[vector<16xi32>], vector<16xf32>,
      %mul3A_95 = arith.constant 4 : i32
      %mul3A_96 = vector.broadcast %mul3A_95 : i32 to vector<16xi32>
      %mul3A_97 = arith.muli %gather3A_89, %mul3A_96 : vector<16xi32>
      %add3A_98 = arith.addi %mul3A_97, %and3A_42 : vector<16xi32>
      %gather3A_99 = tpu.vector_load_idx %arg6[%add3A_98] : memref<40960xf32, #tpu.memory_space<vmem>>[vector<16xi32>], vector<16xf32>,
      %sub3A_100 = arith.subf %gather3A_94, %gather3A_99 : vector<16xf32>
      %swap3A_101 = arith.constant 32 : index
      %swap3A_102 = tpu.vector_load %arg11[%swap3A_101] {strides = array<i32>} : memref<512xf32, #tpu.memory_space<vmem>>, vector<16xf32>,
      tpu.vector_store %arg11[%swap3A_101], %sub3A_100 {strides = array<i32>} : memref<512xf32, #tpu.memory_space<vmem>>, vector<16xf32>,
      %add3A_103 = arith.constant 12 : i32
      %add3A_104 = vector.broadcast %add3A_103 : i32 to vector<16xi32>
      %add3A_105 = arith.addi %add3A_104, %shift_right_logical3A_40 : vector<16xi32>
      %gather3A_106 = tpu.vector_load_idx %arg7[%add3A_105] : memref<128xi32, #tpu.memory_space<vmem>>[vector<16xi32>], vector<16xi32>,
      %add3A_107 = arith.constant 12 : i32
      %add3A_108 = vector.broadcast %add3A_107 : i32 to vector<16xi32>
      %add3A_109 = arith.addi %add3A_108, %shift_right_logical3A_40 : vector<16xi32>
      %gather3A_110 = tpu.vector_load_idx %arg8[%add3A_109] : memref<128xi32, #tpu.memory_space<vmem>>[vector<16xi32>], vector<16xi32>,
      %mul3A_111 = arith.constant 4 : i32
      %mul3A_112 = vector.broadcast %mul3A_111 : i32 to vector<16xi32>
      %mul3A_113 = arith.muli %gather3A_106, %mul3A_112 : vector<16xi32>
      %add3A_114 = arith.addi %mul3A_113, %and3A_42 : vector<16xi32>
      %gather3A_115 = tpu.vector_load_idx %arg6[%add3A_114] : memref<40960xf32, #tpu.memory_space<vmem>>[vector<16xi32>], vector<16xf32>,
      %mul3A_116 = arith.constant 4 : i32
      %mul3A_117 = vector.broadcast %mul3A_116 : i32 to vector<16xi32>
      %mul3A_118 = arith.muli %gather3A_110, %mul3A_117 : vector<16xi32>
      %add3A_119 = arith.addi %mul3A_118, %and3A_42 : vector<16xi32>
      %gather3A_120 = tpu.vector_load_idx %arg6[%add3A_119] : memref<40960xf32, #tpu.memory_space<vmem>>[vector<16xi32>], vector<16xf32>,
      %sub3A_121 = arith.subf %gather3A_115, %gather3A_120 : vector<16xf32>
      %swap3A_122 = arith.constant 48 : index
      %swap3A_123 = tpu.vector_load %arg11[%swap3A_122] {strides = array<i32>} : memref<512xf32, #tpu.memory_space<vmem>>, vector<16xf32>,
      tpu.vector_store %arg11[%swap3A_122], %sub3A_121 {strides = array<i32>} : memref<512xf32, #tpu.memory_space<vmem>>, vector<16xf32>,
      %add3A_124 = arith.constant 16 : i32
      %add3A_125 = vector.broadcast %add3A_124 : i32 to vector<16xi32>
      %add3A_126 = arith.addi %add3A_125, %shift_right_logical3A_40 : vector<16xi32>
      %gather3A_127 = tpu.vector_load_idx %arg7[%add3A_126] : memref<128xi32, #tpu.memory_space<vmem>>[vector<16xi32>], vector<16xi32>,
      %add3A_128 = arith.constant 16 : i32
      %add3A_129 = vector.broadcast %add3A_128 : i32 to vector<16xi32>
      %add3A_130 = arith.addi %add3A_129, %shift_right_logical3A_40 : vector<16xi32>
      %gather3A_131 = tpu.vector_load_idx %arg8[%add3A_130] : memref<128xi32, #tpu.memory_space<vmem>>[vector<16xi32>], vector<16xi32>,
      %mul3A_132 = arith.constant 4 : i32
      %mul3A_133 = vector.broadcast %mul3A_132 : i32 to vector<16xi32>
      %mul3A_134 = arith.muli %gather3A_127, %mul3A_133 : vector<16xi32>
      %add3A_135 = arith.addi %mul3A_134, %and3A_42 : vector<16xi32>
      %gather3A_136 = tpu.vector_load_idx %arg6[%add3A_135] : memref<40960xf32, #tpu.memory_space<vmem>>[vector<16xi32>], vector<16xf32>,
      %mul3A_137 = arith.constant 4 : i32
      %mul3A_138 = vector.broadcast %mul3A_137 : i32 to vector<16xi32>
      %mul3A_139 = arith.muli %gather3A_131, %mul3A_138 : vector<16xi32>
      %add3A_140 = arith.addi %mul3A_139, %and3A_42 : vector<16xi32>
      %gather3A_141 = tpu.vector_load_idx %arg6[%add3A_140] : memref<40960xf32, #tpu.memory_space<vmem>>[vector<16xi32>], vector<16xf32>,
      %sub3A_142 = arith.subf %gather3A_136, %gather3A_141 : vector<16xf32>
      %swap3A_143 = arith.constant 64 : index
      %swap3A_144 = tpu.vector_load %arg11[%swap3A_143] {strides = array<i32>} : memref<512xf32, #tpu.memory_space<vmem>>, vector<16xf32>,
      tpu.vector_store %arg11[%swap3A_143], %sub3A_142 {strides = array<i32>} : memref<512xf32, #tpu.memory_space<vmem>>, vector<16xf32>,
      %add3A_145 = arith.constant 20 : i32
      %add3A_146 = vector.broadcast %add3A_145 : i32 to vector<16xi32>
      %add3A_147 = arith.addi %add3A_146, %shift_right_logical3A_40 : vector<16xi32>
      %gather3A_148 = tpu.vector_load_idx %arg7[%add3A_147] : memref<128xi32, #tpu.memory_space<vmem>>[vector<16xi32>], vector<16xi32>,
      %add3A_149 = arith.constant 20 : i32
      %add3A_150 = vector.broadcast %add3A_149 : i32 to vector<16xi32>
      %add3A_151 = arith.addi %add3A_150, %shift_right_logical3A_40 : vector<16xi32>
      %gather3A_152 = tpu.vector_load_idx %arg8[%add3A_151] : memref<128xi32, #tpu.memory_space<vmem>>[vector<16xi32>], vector<16xi32>,
      %mul3A_153 = arith.constant 4 : i32
      %mul3A_154 = vector.broadcast %mul3A_153 : i32 to vector<16xi32>
      %mul3A_155 = arith.muli %gather3A_148, %mul3A_154 : vector<16xi32>
      %add3A_156 = arith.addi %mul3A_155, %and3A_42 : vector<16xi32>
      %gather3A_157 = tpu.vector_load_idx %arg6[%add3A_156] : memref<40960xf32, #tpu.memory_space<vmem>>[vector<16xi32>], vector<16xf32>,
      %mul3A_158 = arith.constant 4 : i32
      %mul3A_159 = vector.broadcast %mul3A_158 : i32 to vector<16xi32>
      %mul3A_160 = arith.muli %gather3A_152, %mul3A_159 : vector<16xi32>
      %add3A_161 = arith.addi %mul3A_160, %and3A_42 : vector<16xi32>
      %gather3A_162 = tpu.vector_load_idx %arg6[%add3A_161] : memref<40960xf32, #tpu.memory_space<vmem>>[vector<16xi32>], vector<16xf32>,
      %sub3A_163 = arith.subf %gather3A_157, %gather3A_162 : vector<16xf32>
      %swap3A_164 = arith.constant 80 : index
      %swap3A_165 = tpu.vector_load %arg11[%swap3A_164] {strides = array<i32>} : memref<512xf32, #tpu.memory_space<vmem>>, vector<16xf32>,
      tpu.vector_store %arg11[%swap3A_164], %sub3A_163 {strides = array<i32>} : memref<512xf32, #tpu.memory_space<vmem>>, vector<16xf32>,
      %add3A_166 = arith.constant 24 : i32
      %add3A_167 = vector.broadcast %add3A_166 : i32 to vector<16xi32>
      %add3A_168 = arith.addi %add3A_167, %shift_right_logical3A_40 : vector<16xi32>
      %gather3A_169 = tpu.vector_load_idx %arg7[%add3A_168] : memref<128xi32, #tpu.memory_space<vmem>>[vector<16xi32>], vector<16xi32>,
      %add3A_170 = arith.constant 24 : i32
      %add3A_171 = vector.broadcast %add3A_170 : i32 to vector<16xi32>
      %add3A_172 = arith.addi %add3A_171, %shift_right_logical3A_40 : vector<16xi32>
      %gather3A_173 = tpu.vector_load_idx %arg8[%add3A_172] : memref<128xi32, #tpu.memory_space<vmem>>[vector<16xi32>], vector<16xi32>,
      %mul3A_174 = arith.constant 4 : i32
      %mul3A_175 = vector.broadcast %mul3A_174 : i32 to vector<16xi32>
      %mul3A_176 = arith.muli %gather3A_169, %mul3A_175 : vector<16xi32>
      %add3A_177 = arith.addi %mul3A_176, %and3A_42 : vector<16xi32>
      %gather3A_178 = tpu.vector_load_idx %arg6[%add3A_177] : memref<40960xf32, #tpu.memory_space<vmem>>[vector<16xi32>], vector<16xf32>,
      %mul3A_179 = arith.constant 4 : i32
      %mul3A_180 = vector.broadcast %mul3A_179 : i32 to vector<16xi32>
      %mul3A_181 = arith.muli %gather3A_173, %mul3A_180 : vector<16xi32>
      %add3A_182 = arith.addi %mul3A_181, %and3A_42 : vector<16xi32>
      %gather3A_183 = tpu.vector_load_idx %arg6[%add3A_182] : memref<40960xf32, #tpu.memory_space<vmem>>[vector<16xi32>], vector<16xf32>,
      %sub3A_184 = arith.subf %gather3A_178, %gather3A_183 : vector<16xf32>
      %swap3A_185 = arith.constant 96 : index
      %swap3A_186 = tpu.vector_load %arg11[%swap3A_185] {strides = array<i32>} : memref<512xf32, #tpu.memory_space<vmem>>, vector<16xf32>,
      tpu.vector_store %arg11[%swap3A_185], %sub3A_184 {strides = array<i32>} : memref<512xf32, #tpu.memory_space<vmem>>, vector<16xf32>,
      %add3A_187 = arith.constant 28 : i32
      %add3A_188 = vector.broadcast %add3A_187 : i32 to vector<16xi32>
      %add3A_189 = arith.addi %add3A_188, %shift_right_logical3A_40 : vector<16xi32>
      %gather3A_190 = tpu.vector_load_idx %arg7[%add3A_189] : memref<128xi32, #tpu.memory_space<vmem>>[vector<16xi32>], vector<16xi32>,
      %add3A_191 = arith.constant 28 : i32
      %add3A_192 = vector.broadcast %add3A_191 : i32 to vector<16xi32>
      %add3A_193 = arith.addi %add3A_192, %shift_right_logical3A_40 : vector<16xi32>
      %gather3A_194 = tpu.vector_load_idx %arg8[%add3A_193] : memref<128xi32, #tpu.memory_space<vmem>>[vector<16xi32>], vector<16xi32>,
      %mul3A_195 = arith.constant 4 : i32
      %mul3A_196 = vector.broadcast %mul3A_195 : i32 to vector<16xi32>
      %mul3A_197 = arith.muli %gather3A_190, %mul3A_196 : vector<16xi32>
      %add3A_198 = arith.addi %mul3A_197, %and3A_42 : vector<16xi32>
      %gather3A_199 = tpu.vector_load_idx %arg6[%add3A_198] : memref<40960xf32, #tpu.memory_space<vmem>>[vector<16xi32>], vector<16xf32>,
      %mul3A_200 = arith.constant 4 : i32
      %mul3A_201 = vector.broadcast %mul3A_200 : i32 to vector<16xi32>
      %mul3A_202 = arith.muli %gather3A_194, %mul3A_201 : vector<16xi32>
      %add3A_203 = arith.addi %mul3A_202, %and3A_42 : vector<16xi32>
      %gather3A_204 = tpu.vector_load_idx %arg6[%add3A_203] : memref<40960xf32, #tpu.memory_space<vmem>>[vector<16xi32>], vector<16xf32>,
      %sub3A_205 = arith.subf %gather3A_199, %gather3A_204 : vector<16xf32>
      %swap3A_206 = arith.constant 112 : index
      %swap3A_207 = tpu.vector_load %arg11[%swap3A_206] {strides = array<i32>} : memref<512xf32, #tpu.memory_space<vmem>>, vector<16xf32>,
      tpu.vector_store %arg11[%swap3A_206], %sub3A_205 {strides = array<i32>} : memref<512xf32, #tpu.memory_space<vmem>>, vector<16xf32>,
      %add3A_208 = arith.constant 32 : i32
      %add3A_209 = vector.broadcast %add3A_208 : i32 to vector<16xi32>
      %add3A_210 = arith.addi %add3A_209, %shift_right_logical3A_40 : vector<16xi32>
      %gather3A_211 = tpu.vector_load_idx %arg7[%add3A_210] : memref<128xi32, #tpu.memory_space<vmem>>[vector<16xi32>], vector<16xi32>,
      %add3A_212 = arith.constant 32 : i32
      %add3A_213 = vector.broadcast %add3A_212 : i32 to vector<16xi32>
      %add3A_214 = arith.addi %add3A_213, %shift_right_logical3A_40 : vector<16xi32>
      %gather3A_215 = tpu.vector_load_idx %arg8[%add3A_214] : memref<128xi32, #tpu.memory_space<vmem>>[vector<16xi32>], vector<16xi32>,
      %mul3A_216 = arith.constant 4 : i32
      %mul3A_217 = vector.broadcast %mul3A_216 : i32 to vector<16xi32>
      %mul3A_218 = arith.muli %gather3A_211, %mul3A_217 : vector<16xi32>
      %add3A_219 = arith.addi %mul3A_218, %and3A_42 : vector<16xi32>
      %gather3A_220 = tpu.vector_load_idx %arg6[%add3A_219] : memref<40960xf32, #tpu.memory_space<vmem>>[vector<16xi32>], vector<16xf32>,
      %mul3A_221 = arith.constant 4 : i32
      %mul3A_222 = vector.broadcast %mul3A_221 : i32 to vector<16xi32>
      %mul3A_223 = arith.muli %gather3A_215, %mul3A_222 : vector<16xi32>
      %add3A_224 = arith.addi %mul3A_223, %and3A_42 : vector<16xi32>
      %gather3A_225 = tpu.vector_load_idx %arg6[%add3A_224] : memref<40960xf32, #tpu.memory_space<vmem>>[vector<16xi32>], vector<16xf32>,
      %sub3A_226 = arith.subf %gather3A_220, %gather3A_225 : vector<16xf32>
      %swap3A_227 = arith.constant 128 : index
      %swap3A_228 = tpu.vector_load %arg11[%swap3A_227] {strides = array<i32>} : memref<512xf32, #tpu.memory_space<vmem>>, vector<16xf32>,
      tpu.vector_store %arg11[%swap3A_227], %sub3A_226 {strides = array<i32>} : memref<512xf32, #tpu.memory_space<vmem>>, vector<16xf32>,
      %add3A_229 = arith.constant 36 : i32
      %add3A_230 = vector.broadcast %add3A_229 : i32 to vector<16xi32>
      %add3A_231 = arith.addi %add3A_230, %shift_right_logical3A_40 : vector<16xi32>
      %gather3A_232 = tpu.vector_load_idx %arg7[%add3A_231] : memref<128xi32, #tpu.memory_space<vmem>>[vector<16xi32>], vector<16xi32>,
      %add3A_233 = arith.constant 36 : i32
      %add3A_234 = vector.broadcast %add3A_233 : i32 to vector<16xi32>
      %add3A_235 = arith.addi %add3A_234, %shift_right_logical3A_40 : vector<16xi32>
      %gather3A_236 = tpu.vector_load_idx %arg8[%add3A_235] : memref<128xi32, #tpu.memory_space<vmem>>[vector<16xi32>], vector<16xi32>,
      %mul3A_237 = arith.constant 4 : i32
      %mul3A_238 = vector.broadcast %mul3A_237 : i32 to vector<16xi32>
      %mul3A_239 = arith.muli %gather3A_232, %mul3A_238 : vector<16xi32>
      %add3A_240 = arith.addi %mul3A_239, %and3A_42 : vector<16xi32>
      %gather3A_241 = tpu.vector_load_idx %arg6[%add3A_240] : memref<40960xf32, #tpu.memory_space<vmem>>[vector<16xi32>], vector<16xf32>,
      %mul3A_242 = arith.constant 4 : i32
      %mul3A_243 = vector.broadcast %mul3A_242 : i32 to vector<16xi32>
      %mul3A_244 = arith.muli %gather3A_236, %mul3A_243 : vector<16xi32>
      %add3A_245 = arith.addi %mul3A_244, %and3A_42 : vector<16xi32>
      %gather3A_246 = tpu.vector_load_idx %arg6[%add3A_245] : memref<40960xf32, #tpu.memory_space<vmem>>[vector<16xi32>], vector<16xf32>,
      %sub3A_247 = arith.subf %gather3A_241, %gather3A_246 : vector<16xf32>
      %swap3A_248 = arith.constant 144 : index
      %swap3A_249 = tpu.vector_load %arg11[%swap3A_248] {strides = array<i32>} : memref<512xf32, #tpu.memory_space<vmem>>, vector<16xf32>,
      tpu.vector_store %arg11[%swap3A_248], %sub3A_247 {strides = array<i32>} : memref<512xf32, #tpu.memory_space<vmem>>, vector<16xf32>,
      %add3A_250 = arith.constant 40 : i32
      %add3A_251 = vector.broadcast %add3A_250 : i32 to vector<16xi32>
      %add3A_252 = arith.addi %add3A_251, %shift_right_logical3A_40 : vector<16xi32>
      %gather3A_253 = tpu.vector_load_idx %arg7[%add3A_252] : memref<128xi32, #tpu.memory_space<vmem>>[vector<16xi32>], vector<16xi32>,
      %add3A_254 = arith.constant 40 : i32
      %add3A_255 = vector.broadcast %add3A_254 : i32 to vector<16xi32>
      %add3A_256 = arith.addi %add3A_255, %shift_right_logical3A_40 : vector<16xi32>
      %gather3A_257 = tpu.vector_load_idx %arg8[%add3A_256] : memref<128xi32, #tpu.memory_space<vmem>>[vector<16xi32>], vector<16xi32>,
      %mul3A_258 = arith.constant 4 : i32
      %mul3A_259 = vector.broadcast %mul3A_258 : i32 to vector<16xi32>
      %mul3A_260 = arith.muli %gather3A_253, %mul3A_259 : vector<16xi32>
      %add3A_261 = arith.addi %mul3A_260, %and3A_42 : vector<16xi32>
      %gather3A_262 = tpu.vector_load_idx %arg6[%add3A_261] : memref<40960xf32, #tpu.memory_space<vmem>>[vector<16xi32>], vector<16xf32>,
      %mul3A_263 = arith.constant 4 : i32
      %mul3A_264 = vector.broadcast %mul3A_263 : i32 to vector<16xi32>
      %mul3A_265 = arith.muli %gather3A_257, %mul3A_264 : vector<16xi32>
      %add3A_266 = arith.addi %mul3A_265, %and3A_42 : vector<16xi32>
      %gather3A_267 = tpu.vector_load_idx %arg6[%add3A_266] : memref<40960xf32, #tpu.memory_space<vmem>>[vector<16xi32>], vector<16xf32>,
      %sub3A_268 = arith.subf %gather3A_262, %gather3A_267 : vector<16xf32>
      %swap3A_269 = arith.constant 160 : index
      %swap3A_270 = tpu.vector_load %arg11[%swap3A_269] {strides = array<i32>} : memref<512xf32, #tpu.memory_space<vmem>>, vector<16xf32>,
      tpu.vector_store %arg11[%swap3A_269], %sub3A_268 {strides = array<i32>} : memref<512xf32, #tpu.memory_space<vmem>>, vector<16xf32>,
      %add3A_271 = arith.constant 44 : i32
      %add3A_272 = vector.broadcast %add3A_271 : i32 to vector<16xi32>
      %add3A_273 = arith.addi %add3A_272, %shift_right_logical3A_40 : vector<16xi32>
      %gather3A_274 = tpu.vector_load_idx %arg7[%add3A_273] : memref<128xi32, #tpu.memory_space<vmem>>[vector<16xi32>], vector<16xi32>,
      %add3A_275 = arith.constant 44 : i32
      %add3A_276 = vector.broadcast %add3A_275 : i32 to vector<16xi32>
      %add3A_277 = arith.addi %add3A_276, %shift_right_logical3A_40 : vector<16xi32>
      %gather3A_278 = tpu.vector_load_idx %arg8[%add3A_277] : memref<128xi32, #tpu.memory_space<vmem>>[vector<16xi32>], vector<16xi32>,
      %mul3A_279 = arith.constant 4 : i32
      %mul3A_280 = vector.broadcast %mul3A_279 : i32 to vector<16xi32>
      %mul3A_281 = arith.muli %gather3A_274, %mul3A_280 : vector<16xi32>
      %add3A_282 = arith.addi %mul3A_281, %and3A_42 : vector<16xi32>
      %gather3A_283 = tpu.vector_load_idx %arg6[%add3A_282] : memref<40960xf32, #tpu.memory_space<vmem>>[vector<16xi32>], vector<16xf32>,
      %mul3A_284 = arith.constant 4 : i32
      %mul3A_285 = vector.broadcast %mul3A_284 : i32 to vector<16xi32>
      %mul3A_286 = arith.muli %gather3A_278, %mul3A_285 : vector<16xi32>
      %add3A_287 = arith.addi %mul3A_286, %and3A_42 : vector<16xi32>
      %gather3A_288 = tpu.vector_load_idx %arg6[%add3A_287] : memref<40960xf32, #tpu.memory_space<vmem>>[vector<16xi32>], vector<16xf32>,
      %sub3A_289 = arith.subf %gather3A_283, %gather3A_288 : vector<16xf32>
      %swap3A_290 = arith.constant 176 : index
      %swap3A_291 = tpu.vector_load %arg11[%swap3A_290] {strides = array<i32>} : memref<512xf32, #tpu.memory_space<vmem>>, vector<16xf32>,
      tpu.vector_store %arg11[%swap3A_290], %sub3A_289 {strides = array<i32>} : memref<512xf32, #tpu.memory_space<vmem>>, vector<16xf32>,
      %add3A_292 = arith.constant 48 : i32
      %add3A_293 = vector.broadcast %add3A_292 : i32 to vector<16xi32>
      %add3A_294 = arith.addi %add3A_293, %shift_right_logical3A_40 : vector<16xi32>
      %gather3A_295 = tpu.vector_load_idx %arg7[%add3A_294] : memref<128xi32, #tpu.memory_space<vmem>>[vector<16xi32>], vector<16xi32>,
      %add3A_296 = arith.constant 48 : i32
      %add3A_297 = vector.broadcast %add3A_296 : i32 to vector<16xi32>
      %add3A_298 = arith.addi %add3A_297, %shift_right_logical3A_40 : vector<16xi32>
      %gather3A_299 = tpu.vector_load_idx %arg8[%add3A_298] : memref<128xi32, #tpu.memory_space<vmem>>[vector<16xi32>], vector<16xi32>,
      %mul3A_300 = arith.constant 4 : i32
      %mul3A_301 = vector.broadcast %mul3A_300 : i32 to vector<16xi32>
      %mul3A_302 = arith.muli %gather3A_295, %mul3A_301 : vector<16xi32>
      %add3A_303 = arith.addi %mul3A_302, %and3A_42 : vector<16xi32>
      %gather3A_304 = tpu.vector_load_idx %arg6[%add3A_303] : memref<40960xf32, #tpu.memory_space<vmem>>[vector<16xi32>], vector<16xf32>,
      %mul3A_305 = arith.constant 4 : i32
      %mul3A_306 = vector.broadcast %mul3A_305 : i32 to vector<16xi32>
      %mul3A_307 = arith.muli %gather3A_299, %mul3A_306 : vector<16xi32>
      %add3A_308 = arith.addi %mul3A_307, %and3A_42 : vector<16xi32>
      %gather3A_309 = tpu.vector_load_idx %arg6[%add3A_308] : memref<40960xf32, #tpu.memory_space<vmem>>[vector<16xi32>], vector<16xf32>,
      %sub3A_310 = arith.subf %gather3A_304, %gather3A_309 : vector<16xf32>
      %swap3A_311 = arith.constant 192 : index
      %swap3A_312 = tpu.vector_load %arg11[%swap3A_311] {strides = array<i32>} : memref<512xf32, #tpu.memory_space<vmem>>, vector<16xf32>,
      tpu.vector_store %arg11[%swap3A_311], %sub3A_310 {strides = array<i32>} : memref<512xf32, #tpu.memory_space<vmem>>, vector<16xf32>,
      %add3A_313 = arith.constant 52 : i32
      %add3A_314 = vector.broadcast %add3A_313 : i32 to vector<16xi32>
      %add3A_315 = arith.addi %add3A_314, %shift_right_logical3A_40 : vector<16xi32>
      %gather3A_316 = tpu.vector_load_idx %arg7[%add3A_315] : memref<128xi32, #tpu.memory_space<vmem>>[vector<16xi32>], vector<16xi32>,
      %add3A_317 = arith.constant 52 : i32
      %add3A_318 = vector.broadcast %add3A_317 : i32 to vector<16xi32>
      %add3A_319 = arith.addi %add3A_318, %shift_right_logical3A_40 : vector<16xi32>
      %gather3A_320 = tpu.vector_load_idx %arg8[%add3A_319] : memref<128xi32, #tpu.memory_space<vmem>>[vector<16xi32>], vector<16xi32>,
      %mul3A_321 = arith.constant 4 : i32
      %mul3A_322 = vector.broadcast %mul3A_321 : i32 to vector<16xi32>
      %mul3A_323 = arith.muli %gather3A_316, %mul3A_322 : vector<16xi32>
      %add3A_324 = arith.addi %mul3A_323, %and3A_42 : vector<16xi32>
      %gather3A_325 = tpu.vector_load_idx %arg6[%add3A_324] : memref<40960xf32, #tpu.memory_space<vmem>>[vector<16xi32>], vector<16xf32>,
      %mul3A_326 = arith.constant 4 : i32
      %mul3A_327 = vector.broadcast %mul3A_326 : i32 to vector<16xi32>
      %mul3A_328 = arith.muli %gather3A_320, %mul3A_327 : vector<16xi32>
      %add3A_329 = arith.addi %mul3A_328, %and3A_42 : vector<16xi32>
      %gather3A_330 = tpu.vector_load_idx %arg6[%add3A_329] : memref<40960xf32, #tpu.memory_space<vmem>>[vector<16xi32>], vector<16xf32>,
      %sub3A_331 = arith.subf %gather3A_325, %gather3A_330 : vector<16xf32>
      %swap3A_332 = arith.constant 208 : index
      %swap3A_333 = tpu.vector_load %arg11[%swap3A_332] {strides = array<i32>} : memref<512xf32, #tpu.memory_space<vmem>>, vector<16xf32>,
      tpu.vector_store %arg11[%swap3A_332], %sub3A_331 {strides = array<i32>} : memref<512xf32, #tpu.memory_space<vmem>>, vector<16xf32>,
      %add3A_334 = arith.constant 56 : i32
      %add3A_335 = vector.broadcast %add3A_334 : i32 to vector<16xi32>
      %add3A_336 = arith.addi %add3A_335, %shift_right_logical3A_40 : vector<16xi32>
      %gather3A_337 = tpu.vector_load_idx %arg7[%add3A_336] : memref<128xi32, #tpu.memory_space<vmem>>[vector<16xi32>], vector<16xi32>,
      %add3A_338 = arith.constant 56 : i32
      %add3A_339 = vector.broadcast %add3A_338 : i32 to vector<16xi32>
      %add3A_340 = arith.addi %add3A_339, %shift_right_logical3A_40 : vector<16xi32>
      %gather3A_341 = tpu.vector_load_idx %arg8[%add3A_340] : memref<128xi32, #tpu.memory_space<vmem>>[vector<16xi32>], vector<16xi32>,
      %mul3A_342 = arith.constant 4 : i32
      %mul3A_343 = vector.broadcast %mul3A_342 : i32 to vector<16xi32>
      %mul3A_344 = arith.muli %gather3A_337, %mul3A_343 : vector<16xi32>
      %add3A_345 = arith.addi %mul3A_344, %and3A_42 : vector<16xi32>
      %gather3A_346 = tpu.vector_load_idx %arg6[%add3A_345] : memref<40960xf32, #tpu.memory_space<vmem>>[vector<16xi32>], vector<16xf32>,
      %mul3A_347 = arith.constant 4 : i32
      %mul3A_348 = vector.broadcast %mul3A_347 : i32 to vector<16xi32>
      %mul3A_349 = arith.muli %gather3A_341, %mul3A_348 : vector<16xi32>
      %add3A_350 = arith.addi %mul3A_349, %and3A_42 : vector<16xi32>
      %gather3A_351 = tpu.vector_load_idx %arg6[%add3A_350] : memref<40960xf32, #tpu.memory_space<vmem>>[vector<16xi32>], vector<16xf32>,
      %sub3A_352 = arith.subf %gather3A_346, %gather3A_351 : vector<16xf32>
      %swap3A_353 = arith.constant 224 : index
      %swap3A_354 = tpu.vector_load %arg11[%swap3A_353] {strides = array<i32>} : memref<512xf32, #tpu.memory_space<vmem>>, vector<16xf32>,
      tpu.vector_store %arg11[%swap3A_353], %sub3A_352 {strides = array<i32>} : memref<512xf32, #tpu.memory_space<vmem>>, vector<16xf32>,
      %add3A_355 = arith.constant 60 : i32
      %add3A_356 = vector.broadcast %add3A_355 : i32 to vector<16xi32>
      %add3A_357 = arith.addi %add3A_356, %shift_right_logical3A_40 : vector<16xi32>
      %gather3A_358 = tpu.vector_load_idx %arg7[%add3A_357] : memref<128xi32, #tpu.memory_space<vmem>>[vector<16xi32>], vector<16xi32>,
      %add3A_359 = arith.constant 60 : i32
      %add3A_360 = vector.broadcast %add3A_359 : i32 to vector<16xi32>
      %add3A_361 = arith.addi %add3A_360, %shift_right_logical3A_40 : vector<16xi32>
      %gather3A_362 = tpu.vector_load_idx %arg8[%add3A_361] : memref<128xi32, #tpu.memory_space<vmem>>[vector<16xi32>], vector<16xi32>,
      %mul3A_363 = arith.constant 4 : i32
      %mul3A_364 = vector.broadcast %mul3A_363 : i32 to vector<16xi32>
      %mul3A_365 = arith.muli %gather3A_358, %mul3A_364 : vector<16xi32>
      %add3A_366 = arith.addi %mul3A_365, %and3A_42 : vector<16xi32>
      %gather3A_367 = tpu.vector_load_idx %arg6[%add3A_366] : memref<40960xf32, #tpu.memory_space<vmem>>[vector<16xi32>], vector<16xf32>,
      %mul3A_368 = arith.constant 4 : i32
      %mul3A_369 = vector.broadcast %mul3A_368 : i32 to vector<16xi32>
      %mul3A_370 = arith.muli %gather3A_362, %mul3A_369 : vector<16xi32>
      %add3A_371 = arith.addi %mul3A_370, %and3A_42 : vector<16xi32>
      %gather3A_372 = tpu.vector_load_idx %arg6[%add3A_371] : memref<40960xf32, #tpu.memory_space<vmem>>[vector<16xi32>], vector<16xf32>,
      %sub3A_373 = arith.subf %gather3A_367, %gather3A_372 : vector<16xf32>
      %swap3A_374 = arith.constant 240 : index
      %swap3A_375 = tpu.vector_load %arg11[%swap3A_374] {strides = array<i32>} : memref<512xf32, #tpu.memory_space<vmem>>, vector<16xf32>,
      tpu.vector_store %arg11[%swap3A_374], %sub3A_373 {strides = array<i32>} : memref<512xf32, #tpu.memory_space<vmem>>, vector<16xf32>,
      %add3A_376 = arith.constant 64 : i32
      %add3A_377 = vector.broadcast %add3A_376 : i32 to vector<16xi32>
      %add3A_378 = arith.addi %add3A_377, %shift_right_logical3A_40 : vector<16xi32>
      %gather3A_379 = tpu.vector_load_idx %arg7[%add3A_378] : memref<128xi32, #tpu.memory_space<vmem>>[vector<16xi32>], vector<16xi32>,
      %add3A_380 = arith.constant 64 : i32
      %add3A_381 = vector.broadcast %add3A_380 : i32 to vector<16xi32>
      %add3A_382 = arith.addi %add3A_381, %shift_right_logical3A_40 : vector<16xi32>
      %gather3A_383 = tpu.vector_load_idx %arg8[%add3A_382] : memref<128xi32, #tpu.memory_space<vmem>>[vector<16xi32>], vector<16xi32>,
      %mul3A_384 = arith.constant 4 : i32
      %mul3A_385 = vector.broadcast %mul3A_384 : i32 to vector<16xi32>
      %mul3A_386 = arith.muli %gather3A_379, %mul3A_385 : vector<16xi32>
      %add3A_387 = arith.addi %mul3A_386, %and3A_42 : vector<16xi32>
      %gather3A_388 = tpu.vector_load_idx %arg6[%add3A_387] : memref<40960xf32, #tpu.memory_space<vmem>>[vector<16xi32>], vector<16xf32>,
      %mul3A_389 = arith.constant 4 : i32
      %mul3A_390 = vector.broadcast %mul3A_389 : i32 to vector<16xi32>
      %mul3A_391 = arith.muli %gather3A_383, %mul3A_390 : vector<16xi32>
      %add3A_392 = arith.addi %mul3A_391, %and3A_42 : vector<16xi32>
      %gather3A_393 = tpu.vector_load_idx %arg6[%add3A_392] : memref<40960xf32, #tpu.memory_space<vmem>>[vector<16xi32>], vector<16xf32>,
      %sub3A_394 = arith.subf %gather3A_388, %gather3A_393 : vector<16xf32>
      %swap3A_395 = arith.constant 256 : index
      %swap3A_396 = tpu.vector_load %arg11[%swap3A_395] {strides = array<i32>} : memref<512xf32, #tpu.memory_space<vmem>>, vector<16xf32>,
      tpu.vector_store %arg11[%swap3A_395], %sub3A_394 {strides = array<i32>} : memref<512xf32, #tpu.memory_space<vmem>>, vector<16xf32>,
      %add3A_397 = arith.constant 68 : i32
      %add3A_398 = vector.broadcast %add3A_397 : i32 to vector<16xi32>
      %add3A_399 = arith.addi %add3A_398, %shift_right_logical3A_40 : vector<16xi32>
      %gather3A_400 = tpu.vector_load_idx %arg7[%add3A_399] : memref<128xi32, #tpu.memory_space<vmem>>[vector<16xi32>], vector<16xi32>,
      %add3A_401 = arith.constant 68 : i32
      %add3A_402 = vector.broadcast %add3A_401 : i32 to vector<16xi32>
      %add3A_403 = arith.addi %add3A_402, %shift_right_logical3A_40 : vector<16xi32>
      %gather3A_404 = tpu.vector_load_idx %arg8[%add3A_403] : memref<128xi32, #tpu.memory_space<vmem>>[vector<16xi32>], vector<16xi32>,
      %mul3A_405 = arith.constant 4 : i32
      %mul3A_406 = vector.broadcast %mul3A_405 : i32 to vector<16xi32>
      %mul3A_407 = arith.muli %gather3A_400, %mul3A_406 : vector<16xi32>
      %add3A_408 = arith.addi %mul3A_407, %and3A_42 : vector<16xi32>
      %gather3A_409 = tpu.vector_load_idx %arg6[%add3A_408] : memref<40960xf32, #tpu.memory_space<vmem>>[vector<16xi32>], vector<16xf32>,
      %mul3A_410 = arith.constant 4 : i32
      %mul3A_411 = vector.broadcast %mul3A_410 : i32 to vector<16xi32>
      %mul3A_412 = arith.muli %gather3A_404, %mul3A_411 : vector<16xi32>
      %add3A_413 = arith.addi %mul3A_412, %and3A_42 : vector<16xi32>
      %gather3A_414 = tpu.vector_load_idx %arg6[%add3A_413] : memref<40960xf32, #tpu.memory_space<vmem>>[vector<16xi32>], vector<16xf32>,
      %sub3A_415 = arith.subf %gather3A_409, %gather3A_414 : vector<16xf32>
      %swap3A_416 = arith.constant 272 : index
      %swap3A_417 = tpu.vector_load %arg11[%swap3A_416] {strides = array<i32>} : memref<512xf32, #tpu.memory_space<vmem>>, vector<16xf32>,
      tpu.vector_store %arg11[%swap3A_416], %sub3A_415 {strides = array<i32>} : memref<512xf32, #tpu.memory_space<vmem>>, vector<16xf32>,
      %add3A_418 = arith.constant 72 : i32
      %add3A_419 = vector.broadcast %add3A_418 : i32 to vector<16xi32>
      %add3A_420 = arith.addi %add3A_419, %shift_right_logical3A_40 : vector<16xi32>
      %gather3A_421 = tpu.vector_load_idx %arg7[%add3A_420] : memref<128xi32, #tpu.memory_space<vmem>>[vector<16xi32>], vector<16xi32>,
      %add3A_422 = arith.constant 72 : i32
      %add3A_423 = vector.broadcast %add3A_422 : i32 to vector<16xi32>
      %add3A_424 = arith.addi %add3A_423, %shift_right_logical3A_40 : vector<16xi32>
      %gather3A_425 = tpu.vector_load_idx %arg8[%add3A_424] : memref<128xi32, #tpu.memory_space<vmem>>[vector<16xi32>], vector<16xi32>,
      %mul3A_426 = arith.constant 4 : i32
      %mul3A_427 = vector.broadcast %mul3A_426 : i32 to vector<16xi32>
      %mul3A_428 = arith.muli %gather3A_421, %mul3A_427 : vector<16xi32>
      %add3A_429 = arith.addi %mul3A_428, %and3A_42 : vector<16xi32>
      %gather3A_430 = tpu.vector_load_idx %arg6[%add3A_429] : memref<40960xf32, #tpu.memory_space<vmem>>[vector<16xi32>], vector<16xf32>,
      %mul3A_431 = arith.constant 4 : i32
      %mul3A_432 = vector.broadcast %mul3A_431 : i32 to vector<16xi32>
      %mul3A_433 = arith.muli %gather3A_425, %mul3A_432 : vector<16xi32>
      %add3A_434 = arith.addi %mul3A_433, %and3A_42 : vector<16xi32>
      %gather3A_435 = tpu.vector_load_idx %arg6[%add3A_434] : memref<40960xf32, #tpu.memory_space<vmem>>[vector<16xi32>], vector<16xf32>,
      %sub3A_436 = arith.subf %gather3A_430, %gather3A_435 : vector<16xf32>
      %swap3A_437 = arith.constant 288 : index
      %swap3A_438 = tpu.vector_load %arg11[%swap3A_437] {strides = array<i32>} : memref<512xf32, #tpu.memory_space<vmem>>, vector<16xf32>,
      tpu.vector_store %arg11[%swap3A_437], %sub3A_436 {strides = array<i32>} : memref<512xf32, #tpu.memory_space<vmem>>, vector<16xf32>,
      %add3A_439 = arith.constant 76 : i32
      %add3A_440 = vector.broadcast %add3A_439 : i32 to vector<16xi32>
      %add3A_441 = arith.addi %add3A_440, %shift_right_logical3A_40 : vector<16xi32>
      %gather3A_442 = tpu.vector_load_idx %arg7[%add3A_441] : memref<128xi32, #tpu.memory_space<vmem>>[vector<16xi32>], vector<16xi32>,
      %add3A_443 = arith.constant 76 : i32
      %add3A_444 = vector.broadcast %add3A_443 : i32 to vector<16xi32>
      %add3A_445 = arith.addi %add3A_444, %shift_right_logical3A_40 : vector<16xi32>
      %gather3A_446 = tpu.vector_load_idx %arg8[%add3A_445] : memref<128xi32, #tpu.memory_space<vmem>>[vector<16xi32>], vector<16xi32>,
      %mul3A_447 = arith.constant 4 : i32
      %mul3A_448 = vector.broadcast %mul3A_447 : i32 to vector<16xi32>
      %mul3A_449 = arith.muli %gather3A_442, %mul3A_448 : vector<16xi32>
      %add3A_450 = arith.addi %mul3A_449, %and3A_42 : vector<16xi32>
      %gather3A_451 = tpu.vector_load_idx %arg6[%add3A_450] : memref<40960xf32, #tpu.memory_space<vmem>>[vector<16xi32>], vector<16xf32>,
      %mul3A_452 = arith.constant 4 : i32
      %mul3A_453 = vector.broadcast %mul3A_452 : i32 to vector<16xi32>
      %mul3A_454 = arith.muli %gather3A_446, %mul3A_453 : vector<16xi32>
      %add3A_455 = arith.addi %mul3A_454, %and3A_42 : vector<16xi32>
      %gather3A_456 = tpu.vector_load_idx %arg6[%add3A_455] : memref<40960xf32, #tpu.memory_space<vmem>>[vector<16xi32>], vector<16xf32>,
      %sub3A_457 = arith.subf %gather3A_451, %gather3A_456 : vector<16xf32>
      %swap3A_458 = arith.constant 304 : index
      %swap3A_459 = tpu.vector_load %arg11[%swap3A_458] {strides = array<i32>} : memref<512xf32, #tpu.memory_space<vmem>>, vector<16xf32>,
      tpu.vector_store %arg11[%swap3A_458], %sub3A_457 {strides = array<i32>} : memref<512xf32, #tpu.memory_space<vmem>>, vector<16xf32>,
      %add3A_460 = arith.constant 80 : i32
      %add3A_461 = vector.broadcast %add3A_460 : i32 to vector<16xi32>
      %add3A_462 = arith.addi %add3A_461, %shift_right_logical3A_40 : vector<16xi32>
      %gather3A_463 = tpu.vector_load_idx %arg7[%add3A_462] : memref<128xi32, #tpu.memory_space<vmem>>[vector<16xi32>], vector<16xi32>,
      %add3A_464 = arith.constant 80 : i32
      %add3A_465 = vector.broadcast %add3A_464 : i32 to vector<16xi32>
      %add3A_466 = arith.addi %add3A_465, %shift_right_logical3A_40 : vector<16xi32>
      %gather3A_467 = tpu.vector_load_idx %arg8[%add3A_466] : memref<128xi32, #tpu.memory_space<vmem>>[vector<16xi32>], vector<16xi32>,
      %mul3A_468 = arith.constant 4 : i32
      %mul3A_469 = vector.broadcast %mul3A_468 : i32 to vector<16xi32>
      %mul3A_470 = arith.muli %gather3A_463, %mul3A_469 : vector<16xi32>
      %add3A_471 = arith.addi %mul3A_470, %and3A_42 : vector<16xi32>
      %gather3A_472 = tpu.vector_load_idx %arg6[%add3A_471] : memref<40960xf32, #tpu.memory_space<vmem>>[vector<16xi32>], vector<16xf32>,
      %mul3A_473 = arith.constant 4 : i32
      %mul3A_474 = vector.broadcast %mul3A_473 : i32 to vector<16xi32>
      %mul3A_475 = arith.muli %gather3A_467, %mul3A_474 : vector<16xi32>
      %add3A_476 = arith.addi %mul3A_475, %and3A_42 : vector<16xi32>
      %gather3A_477 = tpu.vector_load_idx %arg6[%add3A_476] : memref<40960xf32, #tpu.memory_space<vmem>>[vector<16xi32>], vector<16xf32>,
      %sub3A_478 = arith.subf %gather3A_472, %gather3A_477 : vector<16xf32>
      %swap3A_479 = arith.constant 320 : index
      %swap3A_480 = tpu.vector_load %arg11[%swap3A_479] {strides = array<i32>} : memref<512xf32, #tpu.memory_space<vmem>>, vector<16xf32>,
      tpu.vector_store %arg11[%swap3A_479], %sub3A_478 {strides = array<i32>} : memref<512xf32, #tpu.memory_space<vmem>>, vector<16xf32>,
      %add3A_481 = arith.constant 84 : i32
      %add3A_482 = vector.broadcast %add3A_481 : i32 to vector<16xi32>
      %add3A_483 = arith.addi %add3A_482, %shift_right_logical3A_40 : vector<16xi32>
      %gather3A_484 = tpu.vector_load_idx %arg7[%add3A_483] : memref<128xi32, #tpu.memory_space<vmem>>[vector<16xi32>], vector<16xi32>,
      %add3A_485 = arith.constant 84 : i32
      %add3A_486 = vector.broadcast %add3A_485 : i32 to vector<16xi32>
      %add3A_487 = arith.addi %add3A_486, %shift_right_logical3A_40 : vector<16xi32>
      %gather3A_488 = tpu.vector_load_idx %arg8[%add3A_487] : memref<128xi32, #tpu.memory_space<vmem>>[vector<16xi32>], vector<16xi32>,
      %mul3A_489 = arith.constant 4 : i32
      %mul3A_490 = vector.broadcast %mul3A_489 : i32 to vector<16xi32>
      %mul3A_491 = arith.muli %gather3A_484, %mul3A_490 : vector<16xi32>
      %add3A_492 = arith.addi %mul3A_491, %and3A_42 : vector<16xi32>
      %gather3A_493 = tpu.vector_load_idx %arg6[%add3A_492] : memref<40960xf32, #tpu.memory_space<vmem>>[vector<16xi32>], vector<16xf32>,
      %mul3A_494 = arith.constant 4 : i32
      %mul3A_495 = vector.broadcast %mul3A_494 : i32 to vector<16xi32>
      %mul3A_496 = arith.muli %gather3A_488, %mul3A_495 : vector<16xi32>
      %add3A_497 = arith.addi %mul3A_496, %and3A_42 : vector<16xi32>
      %gather3A_498 = tpu.vector_load_idx %arg6[%add3A_497] : memref<40960xf32, #tpu.memory_space<vmem>>[vector<16xi32>], vector<16xf32>,
      %sub3A_499 = arith.subf %gather3A_493, %gather3A_498 : vector<16xf32>
      %swap3A_500 = arith.constant 336 : index
      %swap3A_501 = tpu.vector_load %arg11[%swap3A_500] {strides = array<i32>} : memref<512xf32, #tpu.memory_space<vmem>>, vector<16xf32>,
      tpu.vector_store %arg11[%swap3A_500], %sub3A_499 {strides = array<i32>} : memref<512xf32, #tpu.memory_space<vmem>>, vector<16xf32>,
      %add3A_502 = arith.constant 88 : i32
      %add3A_503 = vector.broadcast %add3A_502 : i32 to vector<16xi32>
      %add3A_504 = arith.addi %add3A_503, %shift_right_logical3A_40 : vector<16xi32>
      %gather3A_505 = tpu.vector_load_idx %arg7[%add3A_504] : memref<128xi32, #tpu.memory_space<vmem>>[vector<16xi32>], vector<16xi32>,
      %add3A_506 = arith.constant 88 : i32
      %add3A_507 = vector.broadcast %add3A_506 : i32 to vector<16xi32>
      %add3A_508 = arith.addi %add3A_507, %shift_right_logical3A_40 : vector<16xi32>
      %gather3A_509 = tpu.vector_load_idx %arg8[%add3A_508] : memref<128xi32, #tpu.memory_space<vmem>>[vector<16xi32>], vector<16xi32>,
      %mul3A_510 = arith.constant 4 : i32
      %mul3A_511 = vector.broadcast %mul3A_510 : i32 to vector<16xi32>
      %mul3A_512 = arith.muli %gather3A_505, %mul3A_511 : vector<16xi32>
      %add3A_513 = arith.addi %mul3A_512, %and3A_42 : vector<16xi32>
      %gather3A_514 = tpu.vector_load_idx %arg6[%add3A_513] : memref<40960xf32, #tpu.memory_space<vmem>>[vector<16xi32>], vector<16xf32>,
      %mul3A_515 = arith.constant 4 : i32
      %mul3A_516 = vector.broadcast %mul3A_515 : i32 to vector<16xi32>
      %mul3A_517 = arith.muli %gather3A_509, %mul3A_516 : vector<16xi32>
      %add3A_518 = arith.addi %mul3A_517, %and3A_42 : vector<16xi32>
      %gather3A_519 = tpu.vector_load_idx %arg6[%add3A_518] : memref<40960xf32, #tpu.memory_space<vmem>>[vector<16xi32>], vector<16xf32>,
      %sub3A_520 = arith.subf %gather3A_514, %gather3A_519 : vector<16xf32>
      %swap3A_521 = arith.constant 352 : index
      %swap3A_522 = tpu.vector_load %arg11[%swap3A_521] {strides = array<i32>} : memref<512xf32, #tpu.memory_space<vmem>>, vector<16xf32>,
      tpu.vector_store %arg11[%swap3A_521], %sub3A_520 {strides = array<i32>} : memref<512xf32, #tpu.memory_space<vmem>>, vector<16xf32>,
      %add3A_523 = arith.constant 92 : i32
      %add3A_524 = vector.broadcast %add3A_523 : i32 to vector<16xi32>
      %add3A_525 = arith.addi %add3A_524, %shift_right_logical3A_40 : vector<16xi32>
      %gather3A_526 = tpu.vector_load_idx %arg7[%add3A_525] : memref<128xi32, #tpu.memory_space<vmem>>[vector<16xi32>], vector<16xi32>,
      %add3A_527 = arith.constant 92 : i32
      %add3A_528 = vector.broadcast %add3A_527 : i32 to vector<16xi32>
      %add3A_529 = arith.addi %add3A_528, %shift_right_logical3A_40 : vector<16xi32>
      %gather3A_530 = tpu.vector_load_idx %arg8[%add3A_529] : memref<128xi32, #tpu.memory_space<vmem>>[vector<16xi32>], vector<16xi32>,
      %mul3A_531 = arith.constant 4 : i32
      %mul3A_532 = vector.broadcast %mul3A_531 : i32 to vector<16xi32>
      %mul3A_533 = arith.muli %gather3A_526, %mul3A_532 : vector<16xi32>
      %add3A_534 = arith.addi %mul3A_533, %and3A_42 : vector<16xi32>
      %gather3A_535 = tpu.vector_load_idx %arg6[%add3A_534] : memref<40960xf32, #tpu.memory_space<vmem>>[vector<16xi32>], vector<16xf32>,
      %mul3A_536 = arith.constant 4 : i32
      %mul3A_537 = vector.broadcast %mul3A_536 : i32 to vector<16xi32>
      %mul3A_538 = arith.muli %gather3A_530, %mul3A_537 : vector<16xi32>
      %add3A_539 = arith.addi %mul3A_538, %and3A_42 : vector<16xi32>
      %gather3A_540 = tpu.vector_load_idx %arg6[%add3A_539] : memref<40960xf32, #tpu.memory_space<vmem>>[vector<16xi32>], vector<16xf32>,
      %sub3A_541 = arith.subf %gather3A_535, %gather3A_540 : vector<16xf32>
      %swap3A_542 = arith.constant 368 : index
      %swap3A_543 = tpu.vector_load %arg11[%swap3A_542] {strides = array<i32>} : memref<512xf32, #tpu.memory_space<vmem>>, vector<16xf32>,
      tpu.vector_store %arg11[%swap3A_542], %sub3A_541 {strides = array<i32>} : memref<512xf32, #tpu.memory_space<vmem>>, vector<16xf32>,
      %add3A_544 = arith.constant 96 : i32
      %add3A_545 = vector.broadcast %add3A_544 : i32 to vector<16xi32>
      %add3A_546 = arith.addi %add3A_545, %shift_right_logical3A_40 : vector<16xi32>
      %gather3A_547 = tpu.vector_load_idx %arg7[%add3A_546] : memref<128xi32, #tpu.memory_space<vmem>>[vector<16xi32>], vector<16xi32>,
      %add3A_548 = arith.constant 96 : i32
      %add3A_549 = vector.broadcast %add3A_548 : i32 to vector<16xi32>
      %add3A_550 = arith.addi %add3A_549, %shift_right_logical3A_40 : vector<16xi32>
      %gather3A_551 = tpu.vector_load_idx %arg8[%add3A_550] : memref<128xi32, #tpu.memory_space<vmem>>[vector<16xi32>], vector<16xi32>,
      %mul3A_552 = arith.constant 4 : i32
      %mul3A_553 = vector.broadcast %mul3A_552 : i32 to vector<16xi32>
      %mul3A_554 = arith.muli %gather3A_547, %mul3A_553 : vector<16xi32>
      %add3A_555 = arith.addi %mul3A_554, %and3A_42 : vector<16xi32>
      %gather3A_556 = tpu.vector_load_idx %arg6[%add3A_555] : memref<40960xf32, #tpu.memory_space<vmem>>[vector<16xi32>], vector<16xf32>,
      %mul3A_557 = arith.constant 4 : i32
      %mul3A_558 = vector.broadcast %mul3A_557 : i32 to vector<16xi32>
      %mul3A_559 = arith.muli %gather3A_551, %mul3A_558 : vector<16xi32>
      %add3A_560 = arith.addi %mul3A_559, %and3A_42 : vector<16xi32>
      %gather3A_561 = tpu.vector_load_idx %arg6[%add3A_560] : memref<40960xf32, #tpu.memory_space<vmem>>[vector<16xi32>], vector<16xf32>,
      %sub3A_562 = arith.subf %gather3A_556, %gather3A_561 : vector<16xf32>
      %swap3A_563 = arith.constant 384 : index
      %swap3A_564 = tpu.vector_load %arg11[%swap3A_563] {strides = array<i32>} : memref<512xf32, #tpu.memory_space<vmem>>, vector<16xf32>,
      tpu.vector_store %arg11[%swap3A_563], %sub3A_562 {strides = array<i32>} : memref<512xf32, #tpu.memory_space<vmem>>, vector<16xf32>,
      %add3A_565 = arith.constant 100 : i32
      %add3A_566 = vector.broadcast %add3A_565 : i32 to vector<16xi32>
      %add3A_567 = arith.addi %add3A_566, %shift_right_logical3A_40 : vector<16xi32>
      %gather3A_568 = tpu.vector_load_idx %arg7[%add3A_567] : memref<128xi32, #tpu.memory_space<vmem>>[vector<16xi32>], vector<16xi32>,
      %add3A_569 = arith.constant 100 : i32
      %add3A_570 = vector.broadcast %add3A_569 : i32 to vector<16xi32>
      %add3A_571 = arith.addi %add3A_570, %shift_right_logical3A_40 : vector<16xi32>
      %gather3A_572 = tpu.vector_load_idx %arg8[%add3A_571] : memref<128xi32, #tpu.memory_space<vmem>>[vector<16xi32>], vector<16xi32>,
      %mul3A_573 = arith.constant 4 : i32
      %mul3A_574 = vector.broadcast %mul3A_573 : i32 to vector<16xi32>
      %mul3A_575 = arith.muli %gather3A_568, %mul3A_574 : vector<16xi32>
      %add3A_576 = arith.addi %mul3A_575, %and3A_42 : vector<16xi32>
      %gather3A_577 = tpu.vector_load_idx %arg6[%add3A_576] : memref<40960xf32, #tpu.memory_space<vmem>>[vector<16xi32>], vector<16xf32>,
      %mul3A_578 = arith.constant 4 : i32
      %mul3A_579 = vector.broadcast %mul3A_578 : i32 to vector<16xi32>
      %mul3A_580 = arith.muli %gather3A_572, %mul3A_579 : vector<16xi32>
      %add3A_581 = arith.addi %mul3A_580, %and3A_42 : vector<16xi32>
      %gather3A_582 = tpu.vector_load_idx %arg6[%add3A_581] : memref<40960xf32, #tpu.memory_space<vmem>>[vector<16xi32>], vector<16xf32>,
      %sub3A_583 = arith.subf %gather3A_577, %gather3A_582 : vector<16xf32>
      %swap3A_584 = arith.constant 400 : index
      %swap3A_585 = tpu.vector_load %arg11[%swap3A_584] {strides = array<i32>} : memref<512xf32, #tpu.memory_space<vmem>>, vector<16xf32>,
      tpu.vector_store %arg11[%swap3A_584], %sub3A_583 {strides = array<i32>} : memref<512xf32, #tpu.memory_space<vmem>>, vector<16xf32>,
      %add3A_586 = arith.constant 104 : i32
      %add3A_587 = vector.broadcast %add3A_586 : i32 to vector<16xi32>
      %add3A_588 = arith.addi %add3A_587, %shift_right_logical3A_40 : vector<16xi32>
      %gather3A_589 = tpu.vector_load_idx %arg7[%add3A_588] : memref<128xi32, #tpu.memory_space<vmem>>[vector<16xi32>], vector<16xi32>,
      %add3A_590 = arith.constant 104 : i32
      %add3A_591 = vector.broadcast %add3A_590 : i32 to vector<16xi32>
      %add3A_592 = arith.addi %add3A_591, %shift_right_logical3A_40 : vector<16xi32>
      %gather3A_593 = tpu.vector_load_idx %arg8[%add3A_592] : memref<128xi32, #tpu.memory_space<vmem>>[vector<16xi32>], vector<16xi32>,
      %mul3A_594 = arith.constant 4 : i32
      %mul3A_595 = vector.broadcast %mul3A_594 : i32 to vector<16xi32>
      %mul3A_596 = arith.muli %gather3A_589, %mul3A_595 : vector<16xi32>
      %add3A_597 = arith.addi %mul3A_596, %and3A_42 : vector<16xi32>
      %gather3A_598 = tpu.vector_load_idx %arg6[%add3A_597] : memref<40960xf32, #tpu.memory_space<vmem>>[vector<16xi32>], vector<16xf32>,
      %mul3A_599 = arith.constant 4 : i32
      %mul3A_600 = vector.broadcast %mul3A_599 : i32 to vector<16xi32>
      %mul3A_601 = arith.muli %gather3A_593, %mul3A_600 : vector<16xi32>
      %add3A_602 = arith.addi %mul3A_601, %and3A_42 : vector<16xi32>
      %gather3A_603 = tpu.vector_load_idx %arg6[%add3A_602] : memref<40960xf32, #tpu.memory_space<vmem>>[vector<16xi32>], vector<16xf32>,
      %sub3A_604 = arith.subf %gather3A_598, %gather3A_603 : vector<16xf32>
      %swap3A_605 = arith.constant 416 : index
      %swap3A_606 = tpu.vector_load %arg11[%swap3A_605] {strides = array<i32>} : memref<512xf32, #tpu.memory_space<vmem>>, vector<16xf32>,
      tpu.vector_store %arg11[%swap3A_605], %sub3A_604 {strides = array<i32>} : memref<512xf32, #tpu.memory_space<vmem>>, vector<16xf32>,
      %add3A_607 = arith.constant 108 : i32
      %add3A_608 = vector.broadcast %add3A_607 : i32 to vector<16xi32>
      %add3A_609 = arith.addi %add3A_608, %shift_right_logical3A_40 : vector<16xi32>
      %gather3A_610 = tpu.vector_load_idx %arg7[%add3A_609] : memref<128xi32, #tpu.memory_space<vmem>>[vector<16xi32>], vector<16xi32>,
      %add3A_611 = arith.constant 108 : i32
      %add3A_612 = vector.broadcast %add3A_611 : i32 to vector<16xi32>
      %add3A_613 = arith.addi %add3A_612, %shift_right_logical3A_40 : vector<16xi32>
      %gather3A_614 = tpu.vector_load_idx %arg8[%add3A_613] : memref<128xi32, #tpu.memory_space<vmem>>[vector<16xi32>], vector<16xi32>,
      %mul3A_615 = arith.constant 4 : i32
      %mul3A_616 = vector.broadcast %mul3A_615 : i32 to vector<16xi32>
      %mul3A_617 = arith.muli %gather3A_610, %mul3A_616 : vector<16xi32>
      %add3A_618 = arith.addi %mul3A_617, %and3A_42 : vector<16xi32>
      %gather3A_619 = tpu.vector_load_idx %arg6[%add3A_618] : memref<40960xf32, #tpu.memory_space<vmem>>[vector<16xi32>], vector<16xf32>,
      %mul3A_620 = arith.constant 4 : i32
      %mul3A_621 = vector.broadcast %mul3A_620 : i32 to vector<16xi32>
      %mul3A_622 = arith.muli %gather3A_614, %mul3A_621 : vector<16xi32>
      %add3A_623 = arith.addi %mul3A_622, %and3A_42 : vector<16xi32>
      %gather3A_624 = tpu.vector_load_idx %arg6[%add3A_623] : memref<40960xf32, #tpu.memory_space<vmem>>[vector<16xi32>], vector<16xf32>,
      %sub3A_625 = arith.subf %gather3A_619, %gather3A_624 : vector<16xf32>
      %swap3A_626 = arith.constant 432 : index
      %swap3A_627 = tpu.vector_load %arg11[%swap3A_626] {strides = array<i32>} : memref<512xf32, #tpu.memory_space<vmem>>, vector<16xf32>,
      tpu.vector_store %arg11[%swap3A_626], %sub3A_625 {strides = array<i32>} : memref<512xf32, #tpu.memory_space<vmem>>, vector<16xf32>,
      %add3A_628 = arith.constant 112 : i32
      %add3A_629 = vector.broadcast %add3A_628 : i32 to vector<16xi32>
      %add3A_630 = arith.addi %add3A_629, %shift_right_logical3A_40 : vector<16xi32>
      %gather3A_631 = tpu.vector_load_idx %arg7[%add3A_630] : memref<128xi32, #tpu.memory_space<vmem>>[vector<16xi32>], vector<16xi32>,
      %add3A_632 = arith.constant 112 : i32
      %add3A_633 = vector.broadcast %add3A_632 : i32 to vector<16xi32>
      %add3A_634 = arith.addi %add3A_633, %shift_right_logical3A_40 : vector<16xi32>
      %gather3A_635 = tpu.vector_load_idx %arg8[%add3A_634] : memref<128xi32, #tpu.memory_space<vmem>>[vector<16xi32>], vector<16xi32>,
      %mul3A_636 = arith.constant 4 : i32
      %mul3A_637 = vector.broadcast %mul3A_636 : i32 to vector<16xi32>
      %mul3A_638 = arith.muli %gather3A_631, %mul3A_637 : vector<16xi32>
      %add3A_639 = arith.addi %mul3A_638, %and3A_42 : vector<16xi32>
      %gather3A_640 = tpu.vector_load_idx %arg6[%add3A_639] : memref<40960xf32, #tpu.memory_space<vmem>>[vector<16xi32>], vector<16xf32>,
      %mul3A_641 = arith.constant 4 : i32
      %mul3A_642 = vector.broadcast %mul3A_641 : i32 to vector<16xi32>
      %mul3A_643 = arith.muli %gather3A_635, %mul3A_642 : vector<16xi32>
      %add3A_644 = arith.addi %mul3A_643, %and3A_42 : vector<16xi32>
      %gather3A_645 = tpu.vector_load_idx %arg6[%add3A_644] : memref<40960xf32, #tpu.memory_space<vmem>>[vector<16xi32>], vector<16xf32>,
      %sub3A_646 = arith.subf %gather3A_640, %gather3A_645 : vector<16xf32>
      %swap3A_647 = arith.constant 448 : index
      %swap3A_648 = tpu.vector_load %arg11[%swap3A_647] {strides = array<i32>} : memref<512xf32, #tpu.memory_space<vmem>>, vector<16xf32>,
      tpu.vector_store %arg11[%swap3A_647], %sub3A_646 {strides = array<i32>} : memref<512xf32, #tpu.memory_space<vmem>>, vector<16xf32>,
      %add3A_649 = arith.constant 116 : i32
      %add3A_650 = vector.broadcast %add3A_649 : i32 to vector<16xi32>
      %add3A_651 = arith.addi %add3A_650, %shift_right_logical3A_40 : vector<16xi32>
      %gather3A_652 = tpu.vector_load_idx %arg7[%add3A_651] : memref<128xi32, #tpu.memory_space<vmem>>[vector<16xi32>], vector<16xi32>,
      %add3A_653 = arith.constant 116 : i32
      %add3A_654 = vector.broadcast %add3A_653 : i32 to vector<16xi32>
      %add3A_655 = arith.addi %add3A_654, %shift_right_logical3A_40 : vector<16xi32>
      %gather3A_656 = tpu.vector_load_idx %arg8[%add3A_655] : memref<128xi32, #tpu.memory_space<vmem>>[vector<16xi32>], vector<16xi32>,
      %mul3A_657 = arith.constant 4 : i32
      %mul3A_658 = vector.broadcast %mul3A_657 : i32 to vector<16xi32>
      %mul3A_659 = arith.muli %gather3A_652, %mul3A_658 : vector<16xi32>
      %add3A_660 = arith.addi %mul3A_659, %and3A_42 : vector<16xi32>
      %gather3A_661 = tpu.vector_load_idx %arg6[%add3A_660] : memref<40960xf32, #tpu.memory_space<vmem>>[vector<16xi32>], vector<16xf32>,
      %mul3A_662 = arith.constant 4 : i32
      %mul3A_663 = vector.broadcast %mul3A_662 : i32 to vector<16xi32>
      %mul3A_664 = arith.muli %gather3A_656, %mul3A_663 : vector<16xi32>
      %add3A_665 = arith.addi %mul3A_664, %and3A_42 : vector<16xi32>
      %gather3A_666 = tpu.vector_load_idx %arg6[%add3A_665] : memref<40960xf32, #tpu.memory_space<vmem>>[vector<16xi32>], vector<16xf32>,
      %sub3A_667 = arith.subf %gather3A_661, %gather3A_666 : vector<16xf32>
      %swap3A_668 = arith.constant 464 : index
      %swap3A_669 = tpu.vector_load %arg11[%swap3A_668] {strides = array<i32>} : memref<512xf32, #tpu.memory_space<vmem>>, vector<16xf32>,
      tpu.vector_store %arg11[%swap3A_668], %sub3A_667 {strides = array<i32>} : memref<512xf32, #tpu.memory_space<vmem>>, vector<16xf32>,
      %add3A_670 = arith.constant 120 : i32
      %add3A_671 = vector.broadcast %add3A_670 : i32 to vector<16xi32>
      %add3A_672 = arith.addi %add3A_671, %shift_right_logical3A_40 : vector<16xi32>
      %gather3A_673 = tpu.vector_load_idx %arg7[%add3A_672] : memref<128xi32, #tpu.memory_space<vmem>>[vector<16xi32>], vector<16xi32>,
      %add3A_674 = arith.constant 120 : i32
      %add3A_675 = vector.broadcast %add3A_674 : i32 to vector<16xi32>
      %add3A_676 = arith.addi %add3A_675, %shift_right_logical3A_40 : vector<16xi32>
      %gather3A_677 = tpu.vector_load_idx %arg8[%add3A_676] : memref<128xi32, #tpu.memory_space<vmem>>[vector<16xi32>], vector<16xi32>,
      %mul3A_678 = arith.constant 4 : i32
      %mul3A_679 = vector.broadcast %mul3A_678 : i32 to vector<16xi32>
      %mul3A_680 = arith.muli %gather3A_673, %mul3A_679 : vector<16xi32>
      %add3A_681 = arith.addi %mul3A_680, %and3A_42 : vector<16xi32>
      %gather3A_682 = tpu.vector_load_idx %arg6[%add3A_681] : memref<40960xf32, #tpu.memory_space<vmem>>[vector<16xi32>], vector<16xf32>,
      %mul3A_683 = arith.constant 4 : i32
      %mul3A_684 = vector.broadcast %mul3A_683 : i32 to vector<16xi32>
      %mul3A_685 = arith.muli %gather3A_677, %mul3A_684 : vector<16xi32>
      %add3A_686 = arith.addi %mul3A_685, %and3A_42 : vector<16xi32>
      %gather3A_687 = tpu.vector_load_idx %arg6[%add3A_686] : memref<40960xf32, #tpu.memory_space<vmem>>[vector<16xi32>], vector<16xf32>,
      %sub3A_688 = arith.subf %gather3A_682, %gather3A_687 : vector<16xf32>
      %swap3A_689 = arith.constant 480 : index
      %swap3A_690 = tpu.vector_load %arg11[%swap3A_689] {strides = array<i32>} : memref<512xf32, #tpu.memory_space<vmem>>, vector<16xf32>,
      tpu.vector_store %arg11[%swap3A_689], %sub3A_688 {strides = array<i32>} : memref<512xf32, #tpu.memory_space<vmem>>, vector<16xf32>,
      %add3A_691 = arith.constant 124 : i32
      %add3A_692 = vector.broadcast %add3A_691 : i32 to vector<16xi32>
      %add3A_693 = arith.addi %add3A_692, %shift_right_logical3A_40 : vector<16xi32>
      %gather3A_694 = tpu.vector_load_idx %arg7[%add3A_693] : memref<128xi32, #tpu.memory_space<vmem>>[vector<16xi32>], vector<16xi32>,
      %add3A_695 = arith.constant 124 : i32
      %add3A_696 = vector.broadcast %add3A_695 : i32 to vector<16xi32>
      %add3A_697 = arith.addi %add3A_696, %shift_right_logical3A_40 : vector<16xi32>
      %gather3A_698 = tpu.vector_load_idx %arg8[%add3A_697] : memref<128xi32, #tpu.memory_space<vmem>>[vector<16xi32>], vector<16xi32>,
      %mul3A_699 = arith.constant 4 : i32
      %mul3A_700 = vector.broadcast %mul3A_699 : i32 to vector<16xi32>
      %mul3A_701 = arith.muli %gather3A_694, %mul3A_700 : vector<16xi32>
      %add3A_702 = arith.addi %mul3A_701, %and3A_42 : vector<16xi32>
      %gather3A_703 = tpu.vector_load_idx %arg6[%add3A_702] : memref<40960xf32, #tpu.memory_space<vmem>>[vector<16xi32>], vector<16xf32>,
      %mul3A_704 = arith.constant 4 : i32
      %mul3A_705 = vector.broadcast %mul3A_704 : i32 to vector<16xi32>
      %mul3A_706 = arith.muli %gather3A_698, %mul3A_705 : vector<16xi32>
      %add3A_707 = arith.addi %mul3A_706, %and3A_42 : vector<16xi32>
      %gather3A_708 = tpu.vector_load_idx %arg6[%add3A_707] : memref<40960xf32, #tpu.memory_space<vmem>>[vector<16xi32>], vector<16xf32>,
      %sub3A_709 = arith.subf %gather3A_703, %gather3A_708 : vector<16xf32>
      %swap3A_710 = arith.constant 496 : index
      %swap3A_711 = tpu.vector_load %arg11[%swap3A_710] {strides = array<i32>} : memref<512xf32, #tpu.memory_space<vmem>>, vector<16xf32>,
      tpu.vector_store %arg11[%swap3A_710], %sub3A_709 {strides = array<i32>} : memref<512xf32, #tpu.memory_space<vmem>>, vector<16xf32>,
      %mul3A_712 = arith.constant 128 : i32
      %mul3A_713 = arith.muli %mul3A_22, %mul3A_712 : i32
      %add3A_714 = arith.addi %mul3A_2, %mul3A_713 : i32
      %mul3A_715 = arith.constant 4 : i32
      %mul3A_716 = arith.muli %add3A_714, %mul3A_715 : i32
      %dma_start3A_717 = tpu.memref_slice %arg5[%mul3A_716] : memref<1310720xf32, #tpu.memory_space<hbm>> -> memref<512xf32, #tpu.memory_space<hbm>>
      %dma_start3A_718 = tpu.memref_slice %arg5[%mul3A_716] : memref<1310720xf32, #tpu.memory_space<hbm>> -> memref<512xf32, #tpu.memory_space<hbm>>
      tpu.enqueue_dma source(%arg11 : memref<512xf32, #tpu.memory_space<vmem>>) target(%dma_start3A_718 : memref<512xf32, #tpu.memory_space<hbm>>) target_semaphore(%arg15 : memref<!tpu.dma_semaphore, #tpu.memory_space<semaphore_mem>>)
      %mul3A_719 = arith.constant 2 : i32
      %mul3A_720 = arith.muli %mul3A_719, %scan3A_20 : i32
      %add3A_721 = arith.constant 1 : i32
      %add3A_722 = arith.addi %mul3A_720, %add3A_721 : i32
      %add3A_723 = arith.constant 1 : i32
      %add3A_724 = arith.addi %add3A_722, %add3A_723 : i32
      %lt3A_725 = arith.constant 80 : i32
      %lt3A_726 = arith.cmpi slt, %add3A_724, %lt3A_725 : i32
      %convert_element_type3A_727 = arith.extui %lt3A_726 : i1 to i32
      %cond3A_728 = arith.constant 0 : i32
      %cond3A_729 = arith.cmpi ne, %convert_element_type3A_727, %cond3A_728 : i32
      scf.if %cond3A_729 {
        %add3A_1429 = arith.constant 1 : i32
        %add3A_1430 = arith.addi %add3A_722, %add3A_1429 : i32
        %mul3A_1431 = arith.constant 128 : i32
        %mul3A_1432 = arith.muli %add3A_1430, %mul3A_1431 : i32
        %add3A_1433 = arith.addi %mul3A_2, %mul3A_1432 : i32
        %dma_start3A_1434 = tpu.memref_slice %arg3[%add3A_1433] : memref<327680xi32, #tpu.memory_space<hbm>> -> memref<128xi32, #tpu.memory_space<hbm>>
        %dma_start3A_1435 = tpu.memref_slice %arg3[%add3A_1433] : memref<327680xi32, #tpu.memory_space<hbm>> -> memref<128xi32, #tpu.memory_space<hbm>>
        tpu.enqueue_dma source(%dma_start3A_1435 : memref<128xi32, #tpu.memory_space<hbm>>) target(%arg7 : memref<128xi32, #tpu.memory_space<vmem>>) target_semaphore(%arg13 : memref<!tpu.dma_semaphore, #tpu.memory_space<semaphore_mem>>)
        %dma_start3A_1436 = tpu.memref_slice %arg4[%add3A_1433] : memref<327680xi32, #tpu.memory_space<hbm>> -> memref<128xi32, #tpu.memory_space<hbm>>
        %dma_start3A_1437 = tpu.memref_slice %arg4[%add3A_1433] : memref<327680xi32, #tpu.memory_space<hbm>> -> memref<128xi32, #tpu.memory_space<hbm>>
        tpu.enqueue_dma source(%dma_start3A_1437 : memref<128xi32, #tpu.memory_space<hbm>>) target(%arg8 : memref<128xi32, #tpu.memory_space<vmem>>) target_semaphore(%arg13 : memref<!tpu.dma_semaphore, #tpu.memory_space<semaphore_mem>>)
      } else {
      }
      %dma_wait3A_730 = arith.constant 0 : i32
      %dma_wait3A_731 = tpu.memref_slice %arg3[%dma_wait3A_730] : memref<327680xi32, #tpu.memory_space<hbm>> -> memref<128xi32, #tpu.memory_space<hbm>>
      %dma_wait3A_732 = arith.constant 0 : i32
      %dma_wait3A_733 = tpu.memref_slice %arg3[%dma_wait3A_732] : memref<327680xi32, #tpu.memory_space<hbm>> -> memref<128xi32, #tpu.memory_space<hbm>>
      tpu.wait_dma2 semaphore(%arg14 : memref<!tpu.dma_semaphore, #tpu.memory_space<semaphore_mem>>) src(%dma_wait3A_733 : memref<128xi32, #tpu.memory_space<hbm>>) dst(%arg9 : memref<128xi32, #tpu.memory_space<vmem>>)
      %dma_wait3A_734 = arith.constant 0 : i32
      %dma_wait3A_735 = tpu.memref_slice %arg4[%dma_wait3A_734] : memref<327680xi32, #tpu.memory_space<hbm>> -> memref<128xi32, #tpu.memory_space<hbm>>
      %dma_wait3A_736 = arith.constant 0 : i32
      %dma_wait3A_737 = tpu.memref_slice %arg4[%dma_wait3A_736] : memref<327680xi32, #tpu.memory_space<hbm>> -> memref<128xi32, #tpu.memory_space<hbm>>
      tpu.wait_dma2 semaphore(%arg14 : memref<!tpu.dma_semaphore, #tpu.memory_space<semaphore_mem>>) src(%dma_wait3A_737 : memref<128xi32, #tpu.memory_space<hbm>>) dst(%arg10 : memref<128xi32, #tpu.memory_space<vmem>>)
      %ge3A_738 = arith.constant 2 : i32
      %ge3A_739 = arith.cmpi sge, %add3A_722, %ge3A_738 : i32
      %convert_element_type3A_740 = arith.extui %ge3A_739 : i1 to i32
      %cond3A_741 = arith.constant 0 : i32
      %cond3A_742 = arith.cmpi ne, %convert_element_type3A_740, %cond3A_741 : i32
      scf.if %cond3A_742 {
        %dma_wait3A_1429 = arith.constant 0 : i32
        %dma_wait3A_1430 = tpu.memref_slice %arg5[%dma_wait3A_1429] : memref<1310720xf32, #tpu.memory_space<hbm>> -> memref<512xf32, #tpu.memory_space<hbm>>
        %dma_wait3A_1431 = arith.constant 0 : i32
        %dma_wait3A_1432 = tpu.memref_slice %arg5[%dma_wait3A_1431] : memref<1310720xf32, #tpu.memory_space<hbm>> -> memref<512xf32, #tpu.memory_space<hbm>>
        tpu.wait_dma2 semaphore(%arg16 : memref<!tpu.dma_semaphore, #tpu.memory_space<semaphore_mem>>) src(%arg12 : memref<512xf32, #tpu.memory_space<vmem>>) dst(%dma_wait3A_1432 : memref<512xf32, #tpu.memory_space<hbm>>)
      } else {
      }
      %iota3A_743 = tpu.iota {dimensions = array<i32: 0>} : vector<16xi32>
      %shift_right_logical3A_744 = arith.constant 2 : i32
      %shift_right_logical3A_745 = vector.broadcast %shift_right_logical3A_744 : i32 to vector<16xi32>
      %shift_right_logical3A_746 = arith.shrui %iota3A_743, %shift_right_logical3A_745 : vector<16xi32>
      %and3A_747 = arith.constant 3 : i32
      %and3A_748 = vector.broadcast %and3A_747 : i32 to vector<16xi32>
      %and3A_749 = arith.andi %iota3A_743, %and3A_748 : vector<16xi32>
      %add3A_750 = arith.constant 0 : i32
      %add3A_751 = vector.broadcast %add3A_750 : i32 to vector<16xi32>
      %add3A_752 = arith.addi %add3A_751, %shift_right_logical3A_746 : vector<16xi32>
      %gather3A_753 = tpu.vector_load_idx %arg9[%add3A_752] : memref<128xi32, #tpu.memory_space<vmem>>[vector<16xi32>], vector<16xi32>,
      %add3A_754 = arith.constant 0 : i32
      %add3A_755 = vector.broadcast %add3A_754 : i32 to vector<16xi32>
      %add3A_756 = arith.addi %add3A_755, %shift_right_logical3A_746 : vector<16xi32>
      %gather3A_757 = tpu.vector_load_idx %arg10[%add3A_756] : memref<128xi32, #tpu.memory_space<vmem>>[vector<16xi32>], vector<16xi32>,
      %mul3A_758 = arith.constant 4 : i32
      %mul3A_759 = vector.broadcast %mul3A_758 : i32 to vector<16xi32>
      %mul3A_760 = arith.muli %gather3A_753, %mul3A_759 : vector<16xi32>
      %add3A_761 = arith.addi %mul3A_760, %and3A_749 : vector<16xi32>
      %gather3A_762 = tpu.vector_load_idx %arg6[%add3A_761] : memref<40960xf32, #tpu.memory_space<vmem>>[vector<16xi32>], vector<16xf32>,
      %mul3A_763 = arith.constant 4 : i32
      %mul3A_764 = vector.broadcast %mul3A_763 : i32 to vector<16xi32>
      %mul3A_765 = arith.muli %gather3A_757, %mul3A_764 : vector<16xi32>
      %add3A_766 = arith.addi %mul3A_765, %and3A_749 : vector<16xi32>
      %gather3A_767 = tpu.vector_load_idx %arg6[%add3A_766] : memref<40960xf32, #tpu.memory_space<vmem>>[vector<16xi32>], vector<16xf32>,
      %sub3A_768 = arith.subf %gather3A_762, %gather3A_767 : vector<16xf32>
      %swap3A_769 = arith.constant 0 : index
      %swap3A_770 = tpu.vector_load %arg12[%swap3A_769] {strides = array<i32>} : memref<512xf32, #tpu.memory_space<vmem>>, vector<16xf32>,
      tpu.vector_store %arg12[%swap3A_769], %sub3A_768 {strides = array<i32>} : memref<512xf32, #tpu.memory_space<vmem>>, vector<16xf32>,
      %add3A_771 = arith.constant 4 : i32
      %add3A_772 = vector.broadcast %add3A_771 : i32 to vector<16xi32>
      %add3A_773 = arith.addi %add3A_772, %shift_right_logical3A_746 : vector<16xi32>
      %gather3A_774 = tpu.vector_load_idx %arg9[%add3A_773] : memref<128xi32, #tpu.memory_space<vmem>>[vector<16xi32>], vector<16xi32>,
      %add3A_775 = arith.constant 4 : i32
      %add3A_776 = vector.broadcast %add3A_775 : i32 to vector<16xi32>
      %add3A_777 = arith.addi %add3A_776, %shift_right_logical3A_746 : vector<16xi32>
      %gather3A_778 = tpu.vector_load_idx %arg10[%add3A_777] : memref<128xi32, #tpu.memory_space<vmem>>[vector<16xi32>], vector<16xi32>,
      %mul3A_779 = arith.constant 4 : i32
      %mul3A_780 = vector.broadcast %mul3A_779 : i32 to vector<16xi32>
      %mul3A_781 = arith.muli %gather3A_774, %mul3A_780 : vector<16xi32>
      %add3A_782 = arith.addi %mul3A_781, %and3A_749 : vector<16xi32>
      %gather3A_783 = tpu.vector_load_idx %arg6[%add3A_782] : memref<40960xf32, #tpu.memory_space<vmem>>[vector<16xi32>], vector<16xf32>,
      %mul3A_784 = arith.constant 4 : i32
      %mul3A_785 = vector.broadcast %mul3A_784 : i32 to vector<16xi32>
      %mul3A_786 = arith.muli %gather3A_778, %mul3A_785 : vector<16xi32>
      %add3A_787 = arith.addi %mul3A_786, %and3A_749 : vector<16xi32>
      %gather3A_788 = tpu.vector_load_idx %arg6[%add3A_787] : memref<40960xf32, #tpu.memory_space<vmem>>[vector<16xi32>], vector<16xf32>,
      %sub3A_789 = arith.subf %gather3A_783, %gather3A_788 : vector<16xf32>
      %swap3A_790 = arith.constant 16 : index
      %swap3A_791 = tpu.vector_load %arg12[%swap3A_790] {strides = array<i32>} : memref<512xf32, #tpu.memory_space<vmem>>, vector<16xf32>,
      tpu.vector_store %arg12[%swap3A_790], %sub3A_789 {strides = array<i32>} : memref<512xf32, #tpu.memory_space<vmem>>, vector<16xf32>,
      %add3A_792 = arith.constant 8 : i32
      %add3A_793 = vector.broadcast %add3A_792 : i32 to vector<16xi32>
      %add3A_794 = arith.addi %add3A_793, %shift_right_logical3A_746 : vector<16xi32>
      %gather3A_795 = tpu.vector_load_idx %arg9[%add3A_794] : memref<128xi32, #tpu.memory_space<vmem>>[vector<16xi32>], vector<16xi32>,
      %add3A_796 = arith.constant 8 : i32
      %add3A_797 = vector.broadcast %add3A_796 : i32 to vector<16xi32>
      %add3A_798 = arith.addi %add3A_797, %shift_right_logical3A_746 : vector<16xi32>
      %gather3A_799 = tpu.vector_load_idx %arg10[%add3A_798] : memref<128xi32, #tpu.memory_space<vmem>>[vector<16xi32>], vector<16xi32>,
      %mul3A_800 = arith.constant 4 : i32
      %mul3A_801 = vector.broadcast %mul3A_800 : i32 to vector<16xi32>
      %mul3A_802 = arith.muli %gather3A_795, %mul3A_801 : vector<16xi32>
      %add3A_803 = arith.addi %mul3A_802, %and3A_749 : vector<16xi32>
      %gather3A_804 = tpu.vector_load_idx %arg6[%add3A_803] : memref<40960xf32, #tpu.memory_space<vmem>>[vector<16xi32>], vector<16xf32>,
      %mul3A_805 = arith.constant 4 : i32
      %mul3A_806 = vector.broadcast %mul3A_805 : i32 to vector<16xi32>
      %mul3A_807 = arith.muli %gather3A_799, %mul3A_806 : vector<16xi32>
      %add3A_808 = arith.addi %mul3A_807, %and3A_749 : vector<16xi32>
      %gather3A_809 = tpu.vector_load_idx %arg6[%add3A_808] : memref<40960xf32, #tpu.memory_space<vmem>>[vector<16xi32>], vector<16xf32>,
      %sub3A_810 = arith.subf %gather3A_804, %gather3A_809 : vector<16xf32>
      %swap3A_811 = arith.constant 32 : index
      %swap3A_812 = tpu.vector_load %arg12[%swap3A_811] {strides = array<i32>} : memref<512xf32, #tpu.memory_space<vmem>>, vector<16xf32>,
      tpu.vector_store %arg12[%swap3A_811], %sub3A_810 {strides = array<i32>} : memref<512xf32, #tpu.memory_space<vmem>>, vector<16xf32>,
      %add3A_813 = arith.constant 12 : i32
      %add3A_814 = vector.broadcast %add3A_813 : i32 to vector<16xi32>
      %add3A_815 = arith.addi %add3A_814, %shift_right_logical3A_746 : vector<16xi32>
      %gather3A_816 = tpu.vector_load_idx %arg9[%add3A_815] : memref<128xi32, #tpu.memory_space<vmem>>[vector<16xi32>], vector<16xi32>,
      %add3A_817 = arith.constant 12 : i32
      %add3A_818 = vector.broadcast %add3A_817 : i32 to vector<16xi32>
      %add3A_819 = arith.addi %add3A_818, %shift_right_logical3A_746 : vector<16xi32>
      %gather3A_820 = tpu.vector_load_idx %arg10[%add3A_819] : memref<128xi32, #tpu.memory_space<vmem>>[vector<16xi32>], vector<16xi32>,
      %mul3A_821 = arith.constant 4 : i32
      %mul3A_822 = vector.broadcast %mul3A_821 : i32 to vector<16xi32>
      %mul3A_823 = arith.muli %gather3A_816, %mul3A_822 : vector<16xi32>
      %add3A_824 = arith.addi %mul3A_823, %and3A_749 : vector<16xi32>
      %gather3A_825 = tpu.vector_load_idx %arg6[%add3A_824] : memref<40960xf32, #tpu.memory_space<vmem>>[vector<16xi32>], vector<16xf32>,
      %mul3A_826 = arith.constant 4 : i32
      %mul3A_827 = vector.broadcast %mul3A_826 : i32 to vector<16xi32>
      %mul3A_828 = arith.muli %gather3A_820, %mul3A_827 : vector<16xi32>
      %add3A_829 = arith.addi %mul3A_828, %and3A_749 : vector<16xi32>
      %gather3A_830 = tpu.vector_load_idx %arg6[%add3A_829] : memref<40960xf32, #tpu.memory_space<vmem>>[vector<16xi32>], vector<16xf32>,
      %sub3A_831 = arith.subf %gather3A_825, %gather3A_830 : vector<16xf32>
      %swap3A_832 = arith.constant 48 : index
      %swap3A_833 = tpu.vector_load %arg12[%swap3A_832] {strides = array<i32>} : memref<512xf32, #tpu.memory_space<vmem>>, vector<16xf32>,
      tpu.vector_store %arg12[%swap3A_832], %sub3A_831 {strides = array<i32>} : memref<512xf32, #tpu.memory_space<vmem>>, vector<16xf32>,
      %add3A_834 = arith.constant 16 : i32
      %add3A_835 = vector.broadcast %add3A_834 : i32 to vector<16xi32>
      %add3A_836 = arith.addi %add3A_835, %shift_right_logical3A_746 : vector<16xi32>
      %gather3A_837 = tpu.vector_load_idx %arg9[%add3A_836] : memref<128xi32, #tpu.memory_space<vmem>>[vector<16xi32>], vector<16xi32>,
      %add3A_838 = arith.constant 16 : i32
      %add3A_839 = vector.broadcast %add3A_838 : i32 to vector<16xi32>
      %add3A_840 = arith.addi %add3A_839, %shift_right_logical3A_746 : vector<16xi32>
      %gather3A_841 = tpu.vector_load_idx %arg10[%add3A_840] : memref<128xi32, #tpu.memory_space<vmem>>[vector<16xi32>], vector<16xi32>,
      %mul3A_842 = arith.constant 4 : i32
      %mul3A_843 = vector.broadcast %mul3A_842 : i32 to vector<16xi32>
      %mul3A_844 = arith.muli %gather3A_837, %mul3A_843 : vector<16xi32>
      %add3A_845 = arith.addi %mul3A_844, %and3A_749 : vector<16xi32>
      %gather3A_846 = tpu.vector_load_idx %arg6[%add3A_845] : memref<40960xf32, #tpu.memory_space<vmem>>[vector<16xi32>], vector<16xf32>,
      %mul3A_847 = arith.constant 4 : i32
      %mul3A_848 = vector.broadcast %mul3A_847 : i32 to vector<16xi32>
      %mul3A_849 = arith.muli %gather3A_841, %mul3A_848 : vector<16xi32>
      %add3A_850 = arith.addi %mul3A_849, %and3A_749 : vector<16xi32>
      %gather3A_851 = tpu.vector_load_idx %arg6[%add3A_850] : memref<40960xf32, #tpu.memory_space<vmem>>[vector<16xi32>], vector<16xf32>,
      %sub3A_852 = arith.subf %gather3A_846, %gather3A_851 : vector<16xf32>
      %swap3A_853 = arith.constant 64 : index
      %swap3A_854 = tpu.vector_load %arg12[%swap3A_853] {strides = array<i32>} : memref<512xf32, #tpu.memory_space<vmem>>, vector<16xf32>,
      tpu.vector_store %arg12[%swap3A_853], %sub3A_852 {strides = array<i32>} : memref<512xf32, #tpu.memory_space<vmem>>, vector<16xf32>,
      %add3A_855 = arith.constant 20 : i32
      %add3A_856 = vector.broadcast %add3A_855 : i32 to vector<16xi32>
      %add3A_857 = arith.addi %add3A_856, %shift_right_logical3A_746 : vector<16xi32>
      %gather3A_858 = tpu.vector_load_idx %arg9[%add3A_857] : memref<128xi32, #tpu.memory_space<vmem>>[vector<16xi32>], vector<16xi32>,
      %add3A_859 = arith.constant 20 : i32
      %add3A_860 = vector.broadcast %add3A_859 : i32 to vector<16xi32>
      %add3A_861 = arith.addi %add3A_860, %shift_right_logical3A_746 : vector<16xi32>
      %gather3A_862 = tpu.vector_load_idx %arg10[%add3A_861] : memref<128xi32, #tpu.memory_space<vmem>>[vector<16xi32>], vector<16xi32>,
      %mul3A_863 = arith.constant 4 : i32
      %mul3A_864 = vector.broadcast %mul3A_863 : i32 to vector<16xi32>
      %mul3A_865 = arith.muli %gather3A_858, %mul3A_864 : vector<16xi32>
      %add3A_866 = arith.addi %mul3A_865, %and3A_749 : vector<16xi32>
      %gather3A_867 = tpu.vector_load_idx %arg6[%add3A_866] : memref<40960xf32, #tpu.memory_space<vmem>>[vector<16xi32>], vector<16xf32>,
      %mul3A_868 = arith.constant 4 : i32
      %mul3A_869 = vector.broadcast %mul3A_868 : i32 to vector<16xi32>
      %mul3A_870 = arith.muli %gather3A_862, %mul3A_869 : vector<16xi32>
      %add3A_871 = arith.addi %mul3A_870, %and3A_749 : vector<16xi32>
      %gather3A_872 = tpu.vector_load_idx %arg6[%add3A_871] : memref<40960xf32, #tpu.memory_space<vmem>>[vector<16xi32>], vector<16xf32>,
      %sub3A_873 = arith.subf %gather3A_867, %gather3A_872 : vector<16xf32>
      %swap3A_874 = arith.constant 80 : index
      %swap3A_875 = tpu.vector_load %arg12[%swap3A_874] {strides = array<i32>} : memref<512xf32, #tpu.memory_space<vmem>>, vector<16xf32>,
      tpu.vector_store %arg12[%swap3A_874], %sub3A_873 {strides = array<i32>} : memref<512xf32, #tpu.memory_space<vmem>>, vector<16xf32>,
      %add3A_876 = arith.constant 24 : i32
      %add3A_877 = vector.broadcast %add3A_876 : i32 to vector<16xi32>
      %add3A_878 = arith.addi %add3A_877, %shift_right_logical3A_746 : vector<16xi32>
      %gather3A_879 = tpu.vector_load_idx %arg9[%add3A_878] : memref<128xi32, #tpu.memory_space<vmem>>[vector<16xi32>], vector<16xi32>,
      %add3A_880 = arith.constant 24 : i32
      %add3A_881 = vector.broadcast %add3A_880 : i32 to vector<16xi32>
      %add3A_882 = arith.addi %add3A_881, %shift_right_logical3A_746 : vector<16xi32>
      %gather3A_883 = tpu.vector_load_idx %arg10[%add3A_882] : memref<128xi32, #tpu.memory_space<vmem>>[vector<16xi32>], vector<16xi32>,
      %mul3A_884 = arith.constant 4 : i32
      %mul3A_885 = vector.broadcast %mul3A_884 : i32 to vector<16xi32>
      %mul3A_886 = arith.muli %gather3A_879, %mul3A_885 : vector<16xi32>
      %add3A_887 = arith.addi %mul3A_886, %and3A_749 : vector<16xi32>
      %gather3A_888 = tpu.vector_load_idx %arg6[%add3A_887] : memref<40960xf32, #tpu.memory_space<vmem>>[vector<16xi32>], vector<16xf32>,
      %mul3A_889 = arith.constant 4 : i32
      %mul3A_890 = vector.broadcast %mul3A_889 : i32 to vector<16xi32>
      %mul3A_891 = arith.muli %gather3A_883, %mul3A_890 : vector<16xi32>
      %add3A_892 = arith.addi %mul3A_891, %and3A_749 : vector<16xi32>
      %gather3A_893 = tpu.vector_load_idx %arg6[%add3A_892] : memref<40960xf32, #tpu.memory_space<vmem>>[vector<16xi32>], vector<16xf32>,
      %sub3A_894 = arith.subf %gather3A_888, %gather3A_893 : vector<16xf32>
      %swap3A_895 = arith.constant 96 : index
      %swap3A_896 = tpu.vector_load %arg12[%swap3A_895] {strides = array<i32>} : memref<512xf32, #tpu.memory_space<vmem>>, vector<16xf32>,
      tpu.vector_store %arg12[%swap3A_895], %sub3A_894 {strides = array<i32>} : memref<512xf32, #tpu.memory_space<vmem>>, vector<16xf32>,
      %add3A_897 = arith.constant 28 : i32
      %add3A_898 = vector.broadcast %add3A_897 : i32 to vector<16xi32>
      %add3A_899 = arith.addi %add3A_898, %shift_right_logical3A_746 : vector<16xi32>
      %gather3A_900 = tpu.vector_load_idx %arg9[%add3A_899] : memref<128xi32, #tpu.memory_space<vmem>>[vector<16xi32>], vector<16xi32>,
      %add3A_901 = arith.constant 28 : i32
      %add3A_902 = vector.broadcast %add3A_901 : i32 to vector<16xi32>
      %add3A_903 = arith.addi %add3A_902, %shift_right_logical3A_746 : vector<16xi32>
      %gather3A_904 = tpu.vector_load_idx %arg10[%add3A_903] : memref<128xi32, #tpu.memory_space<vmem>>[vector<16xi32>], vector<16xi32>,
      %mul3A_905 = arith.constant 4 : i32
      %mul3A_906 = vector.broadcast %mul3A_905 : i32 to vector<16xi32>
      %mul3A_907 = arith.muli %gather3A_900, %mul3A_906 : vector<16xi32>
      %add3A_908 = arith.addi %mul3A_907, %and3A_749 : vector<16xi32>
      %gather3A_909 = tpu.vector_load_idx %arg6[%add3A_908] : memref<40960xf32, #tpu.memory_space<vmem>>[vector<16xi32>], vector<16xf32>,
      %mul3A_910 = arith.constant 4 : i32
      %mul3A_911 = vector.broadcast %mul3A_910 : i32 to vector<16xi32>
      %mul3A_912 = arith.muli %gather3A_904, %mul3A_911 : vector<16xi32>
      %add3A_913 = arith.addi %mul3A_912, %and3A_749 : vector<16xi32>
      %gather3A_914 = tpu.vector_load_idx %arg6[%add3A_913] : memref<40960xf32, #tpu.memory_space<vmem>>[vector<16xi32>], vector<16xf32>,
      %sub3A_915 = arith.subf %gather3A_909, %gather3A_914 : vector<16xf32>
      %swap3A_916 = arith.constant 112 : index
      %swap3A_917 = tpu.vector_load %arg12[%swap3A_916] {strides = array<i32>} : memref<512xf32, #tpu.memory_space<vmem>>, vector<16xf32>,
      tpu.vector_store %arg12[%swap3A_916], %sub3A_915 {strides = array<i32>} : memref<512xf32, #tpu.memory_space<vmem>>, vector<16xf32>,
      %add3A_918 = arith.constant 32 : i32
      %add3A_919 = vector.broadcast %add3A_918 : i32 to vector<16xi32>
      %add3A_920 = arith.addi %add3A_919, %shift_right_logical3A_746 : vector<16xi32>
      %gather3A_921 = tpu.vector_load_idx %arg9[%add3A_920] : memref<128xi32, #tpu.memory_space<vmem>>[vector<16xi32>], vector<16xi32>,
      %add3A_922 = arith.constant 32 : i32
      %add3A_923 = vector.broadcast %add3A_922 : i32 to vector<16xi32>
      %add3A_924 = arith.addi %add3A_923, %shift_right_logical3A_746 : vector<16xi32>
      %gather3A_925 = tpu.vector_load_idx %arg10[%add3A_924] : memref<128xi32, #tpu.memory_space<vmem>>[vector<16xi32>], vector<16xi32>,
      %mul3A_926 = arith.constant 4 : i32
      %mul3A_927 = vector.broadcast %mul3A_926 : i32 to vector<16xi32>
      %mul3A_928 = arith.muli %gather3A_921, %mul3A_927 : vector<16xi32>
      %add3A_929 = arith.addi %mul3A_928, %and3A_749 : vector<16xi32>
      %gather3A_930 = tpu.vector_load_idx %arg6[%add3A_929] : memref<40960xf32, #tpu.memory_space<vmem>>[vector<16xi32>], vector<16xf32>,
      %mul3A_931 = arith.constant 4 : i32
      %mul3A_932 = vector.broadcast %mul3A_931 : i32 to vector<16xi32>
      %mul3A_933 = arith.muli %gather3A_925, %mul3A_932 : vector<16xi32>
      %add3A_934 = arith.addi %mul3A_933, %and3A_749 : vector<16xi32>
      %gather3A_935 = tpu.vector_load_idx %arg6[%add3A_934] : memref<40960xf32, #tpu.memory_space<vmem>>[vector<16xi32>], vector<16xf32>,
      %sub3A_936 = arith.subf %gather3A_930, %gather3A_935 : vector<16xf32>
      %swap3A_937 = arith.constant 128 : index
      %swap3A_938 = tpu.vector_load %arg12[%swap3A_937] {strides = array<i32>} : memref<512xf32, #tpu.memory_space<vmem>>, vector<16xf32>,
      tpu.vector_store %arg12[%swap3A_937], %sub3A_936 {strides = array<i32>} : memref<512xf32, #tpu.memory_space<vmem>>, vector<16xf32>,
      %add3A_939 = arith.constant 36 : i32
      %add3A_940 = vector.broadcast %add3A_939 : i32 to vector<16xi32>
      %add3A_941 = arith.addi %add3A_940, %shift_right_logical3A_746 : vector<16xi32>
      %gather3A_942 = tpu.vector_load_idx %arg9[%add3A_941] : memref<128xi32, #tpu.memory_space<vmem>>[vector<16xi32>], vector<16xi32>,
      %add3A_943 = arith.constant 36 : i32
      %add3A_944 = vector.broadcast %add3A_943 : i32 to vector<16xi32>
      %add3A_945 = arith.addi %add3A_944, %shift_right_logical3A_746 : vector<16xi32>
      %gather3A_946 = tpu.vector_load_idx %arg10[%add3A_945] : memref<128xi32, #tpu.memory_space<vmem>>[vector<16xi32>], vector<16xi32>,
      %mul3A_947 = arith.constant 4 : i32
      %mul3A_948 = vector.broadcast %mul3A_947 : i32 to vector<16xi32>
      %mul3A_949 = arith.muli %gather3A_942, %mul3A_948 : vector<16xi32>
      %add3A_950 = arith.addi %mul3A_949, %and3A_749 : vector<16xi32>
      %gather3A_951 = tpu.vector_load_idx %arg6[%add3A_950] : memref<40960xf32, #tpu.memory_space<vmem>>[vector<16xi32>], vector<16xf32>,
      %mul3A_952 = arith.constant 4 : i32
      %mul3A_953 = vector.broadcast %mul3A_952 : i32 to vector<16xi32>
      %mul3A_954 = arith.muli %gather3A_946, %mul3A_953 : vector<16xi32>
      %add3A_955 = arith.addi %mul3A_954, %and3A_749 : vector<16xi32>
      %gather3A_956 = tpu.vector_load_idx %arg6[%add3A_955] : memref<40960xf32, #tpu.memory_space<vmem>>[vector<16xi32>], vector<16xf32>,
      %sub3A_957 = arith.subf %gather3A_951, %gather3A_956 : vector<16xf32>
      %swap3A_958 = arith.constant 144 : index
      %swap3A_959 = tpu.vector_load %arg12[%swap3A_958] {strides = array<i32>} : memref<512xf32, #tpu.memory_space<vmem>>, vector<16xf32>,
      tpu.vector_store %arg12[%swap3A_958], %sub3A_957 {strides = array<i32>} : memref<512xf32, #tpu.memory_space<vmem>>, vector<16xf32>,
      %add3A_960 = arith.constant 40 : i32
      %add3A_961 = vector.broadcast %add3A_960 : i32 to vector<16xi32>
      %add3A_962 = arith.addi %add3A_961, %shift_right_logical3A_746 : vector<16xi32>
      %gather3A_963 = tpu.vector_load_idx %arg9[%add3A_962] : memref<128xi32, #tpu.memory_space<vmem>>[vector<16xi32>], vector<16xi32>,
      %add3A_964 = arith.constant 40 : i32
      %add3A_965 = vector.broadcast %add3A_964 : i32 to vector<16xi32>
      %add3A_966 = arith.addi %add3A_965, %shift_right_logical3A_746 : vector<16xi32>
      %gather3A_967 = tpu.vector_load_idx %arg10[%add3A_966] : memref<128xi32, #tpu.memory_space<vmem>>[vector<16xi32>], vector<16xi32>,
      %mul3A_968 = arith.constant 4 : i32
      %mul3A_969 = vector.broadcast %mul3A_968 : i32 to vector<16xi32>
      %mul3A_970 = arith.muli %gather3A_963, %mul3A_969 : vector<16xi32>
      %add3A_971 = arith.addi %mul3A_970, %and3A_749 : vector<16xi32>
      %gather3A_972 = tpu.vector_load_idx %arg6[%add3A_971] : memref<40960xf32, #tpu.memory_space<vmem>>[vector<16xi32>], vector<16xf32>,
      %mul3A_973 = arith.constant 4 : i32
      %mul3A_974 = vector.broadcast %mul3A_973 : i32 to vector<16xi32>
      %mul3A_975 = arith.muli %gather3A_967, %mul3A_974 : vector<16xi32>
      %add3A_976 = arith.addi %mul3A_975, %and3A_749 : vector<16xi32>
      %gather3A_977 = tpu.vector_load_idx %arg6[%add3A_976] : memref<40960xf32, #tpu.memory_space<vmem>>[vector<16xi32>], vector<16xf32>,
      %sub3A_978 = arith.subf %gather3A_972, %gather3A_977 : vector<16xf32>
      %swap3A_979 = arith.constant 160 : index
      %swap3A_980 = tpu.vector_load %arg12[%swap3A_979] {strides = array<i32>} : memref<512xf32, #tpu.memory_space<vmem>>, vector<16xf32>,
      tpu.vector_store %arg12[%swap3A_979], %sub3A_978 {strides = array<i32>} : memref<512xf32, #tpu.memory_space<vmem>>, vector<16xf32>,
      %add3A_981 = arith.constant 44 : i32
      %add3A_982 = vector.broadcast %add3A_981 : i32 to vector<16xi32>
      %add3A_983 = arith.addi %add3A_982, %shift_right_logical3A_746 : vector<16xi32>
      %gather3A_984 = tpu.vector_load_idx %arg9[%add3A_983] : memref<128xi32, #tpu.memory_space<vmem>>[vector<16xi32>], vector<16xi32>,
      %add3A_985 = arith.constant 44 : i32
      %add3A_986 = vector.broadcast %add3A_985 : i32 to vector<16xi32>
      %add3A_987 = arith.addi %add3A_986, %shift_right_logical3A_746 : vector<16xi32>
      %gather3A_988 = tpu.vector_load_idx %arg10[%add3A_987] : memref<128xi32, #tpu.memory_space<vmem>>[vector<16xi32>], vector<16xi32>,
      %mul3A_989 = arith.constant 4 : i32
      %mul3A_990 = vector.broadcast %mul3A_989 : i32 to vector<16xi32>
      %mul3A_991 = arith.muli %gather3A_984, %mul3A_990 : vector<16xi32>
      %add3A_992 = arith.addi %mul3A_991, %and3A_749 : vector<16xi32>
      %gather3A_993 = tpu.vector_load_idx %arg6[%add3A_992] : memref<40960xf32, #tpu.memory_space<vmem>>[vector<16xi32>], vector<16xf32>,
      %mul3A_994 = arith.constant 4 : i32
      %mul3A_995 = vector.broadcast %mul3A_994 : i32 to vector<16xi32>
      %mul3A_996 = arith.muli %gather3A_988, %mul3A_995 : vector<16xi32>
      %add3A_997 = arith.addi %mul3A_996, %and3A_749 : vector<16xi32>
      %gather3A_998 = tpu.vector_load_idx %arg6[%add3A_997] : memref<40960xf32, #tpu.memory_space<vmem>>[vector<16xi32>], vector<16xf32>,
      %sub3A_999 = arith.subf %gather3A_993, %gather3A_998 : vector<16xf32>
      %swap3A_1000 = arith.constant 176 : index
      %swap3A_1001 = tpu.vector_load %arg12[%swap3A_1000] {strides = array<i32>} : memref<512xf32, #tpu.memory_space<vmem>>, vector<16xf32>,
      tpu.vector_store %arg12[%swap3A_1000], %sub3A_999 {strides = array<i32>} : memref<512xf32, #tpu.memory_space<vmem>>, vector<16xf32>,
      %add3A_1002 = arith.constant 48 : i32
      %add3A_1003 = vector.broadcast %add3A_1002 : i32 to vector<16xi32>
      %add3A_1004 = arith.addi %add3A_1003, %shift_right_logical3A_746 : vector<16xi32>
      %gather3A_1005 = tpu.vector_load_idx %arg9[%add3A_1004] : memref<128xi32, #tpu.memory_space<vmem>>[vector<16xi32>], vector<16xi32>,
      %add3A_1006 = arith.constant 48 : i32
      %add3A_1007 = vector.broadcast %add3A_1006 : i32 to vector<16xi32>
      %add3A_1008 = arith.addi %add3A_1007, %shift_right_logical3A_746 : vector<16xi32>
      %gather3A_1009 = tpu.vector_load_idx %arg10[%add3A_1008] : memref<128xi32, #tpu.memory_space<vmem>>[vector<16xi32>], vector<16xi32>,
      %mul3A_1010 = arith.constant 4 : i32
      %mul3A_1011 = vector.broadcast %mul3A_1010 : i32 to vector<16xi32>
      %mul3A_1012 = arith.muli %gather3A_1005, %mul3A_1011 : vector<16xi32>
      %add3A_1013 = arith.addi %mul3A_1012, %and3A_749 : vector<16xi32>
      %gather3A_1014 = tpu.vector_load_idx %arg6[%add3A_1013] : memref<40960xf32, #tpu.memory_space<vmem>>[vector<16xi32>], vector<16xf32>,
      %mul3A_1015 = arith.constant 4 : i32
      %mul3A_1016 = vector.broadcast %mul3A_1015 : i32 to vector<16xi32>
      %mul3A_1017 = arith.muli %gather3A_1009, %mul3A_1016 : vector<16xi32>
      %add3A_1018 = arith.addi %mul3A_1017, %and3A_749 : vector<16xi32>
      %gather3A_1019 = tpu.vector_load_idx %arg6[%add3A_1018] : memref<40960xf32, #tpu.memory_space<vmem>>[vector<16xi32>], vector<16xf32>,
      %sub3A_1020 = arith.subf %gather3A_1014, %gather3A_1019 : vector<16xf32>
      %swap3A_1021 = arith.constant 192 : index
      %swap3A_1022 = tpu.vector_load %arg12[%swap3A_1021] {strides = array<i32>} : memref<512xf32, #tpu.memory_space<vmem>>, vector<16xf32>,
      tpu.vector_store %arg12[%swap3A_1021], %sub3A_1020 {strides = array<i32>} : memref<512xf32, #tpu.memory_space<vmem>>, vector<16xf32>,
      %add3A_1023 = arith.constant 52 : i32
      %add3A_1024 = vector.broadcast %add3A_1023 : i32 to vector<16xi32>
      %add3A_1025 = arith.addi %add3A_1024, %shift_right_logical3A_746 : vector<16xi32>
      %gather3A_1026 = tpu.vector_load_idx %arg9[%add3A_1025] : memref<128xi32, #tpu.memory_space<vmem>>[vector<16xi32>], vector<16xi32>,
      %add3A_1027 = arith.constant 52 : i32
      %add3A_1028 = vector.broadcast %add3A_1027 : i32 to vector<16xi32>
      %add3A_1029 = arith.addi %add3A_1028, %shift_right_logical3A_746 : vector<16xi32>
      %gather3A_1030 = tpu.vector_load_idx %arg10[%add3A_1029] : memref<128xi32, #tpu.memory_space<vmem>>[vector<16xi32>], vector<16xi32>,
      %mul3A_1031 = arith.constant 4 : i32
      %mul3A_1032 = vector.broadcast %mul3A_1031 : i32 to vector<16xi32>
      %mul3A_1033 = arith.muli %gather3A_1026, %mul3A_1032 : vector<16xi32>
      %add3A_1034 = arith.addi %mul3A_1033, %and3A_749 : vector<16xi32>
      %gather3A_1035 = tpu.vector_load_idx %arg6[%add3A_1034] : memref<40960xf32, #tpu.memory_space<vmem>>[vector<16xi32>], vector<16xf32>,
      %mul3A_1036 = arith.constant 4 : i32
      %mul3A_1037 = vector.broadcast %mul3A_1036 : i32 to vector<16xi32>
      %mul3A_1038 = arith.muli %gather3A_1030, %mul3A_1037 : vector<16xi32>
      %add3A_1039 = arith.addi %mul3A_1038, %and3A_749 : vector<16xi32>
      %gather3A_1040 = tpu.vector_load_idx %arg6[%add3A_1039] : memref<40960xf32, #tpu.memory_space<vmem>>[vector<16xi32>], vector<16xf32>,
      %sub3A_1041 = arith.subf %gather3A_1035, %gather3A_1040 : vector<16xf32>
      %swap3A_1042 = arith.constant 208 : index
      %swap3A_1043 = tpu.vector_load %arg12[%swap3A_1042] {strides = array<i32>} : memref<512xf32, #tpu.memory_space<vmem>>, vector<16xf32>,
      tpu.vector_store %arg12[%swap3A_1042], %sub3A_1041 {strides = array<i32>} : memref<512xf32, #tpu.memory_space<vmem>>, vector<16xf32>,
      %add3A_1044 = arith.constant 56 : i32
      %add3A_1045 = vector.broadcast %add3A_1044 : i32 to vector<16xi32>
      %add3A_1046 = arith.addi %add3A_1045, %shift_right_logical3A_746 : vector<16xi32>
      %gather3A_1047 = tpu.vector_load_idx %arg9[%add3A_1046] : memref<128xi32, #tpu.memory_space<vmem>>[vector<16xi32>], vector<16xi32>,
      %add3A_1048 = arith.constant 56 : i32
      %add3A_1049 = vector.broadcast %add3A_1048 : i32 to vector<16xi32>
      %add3A_1050 = arith.addi %add3A_1049, %shift_right_logical3A_746 : vector<16xi32>
      %gather3A_1051 = tpu.vector_load_idx %arg10[%add3A_1050] : memref<128xi32, #tpu.memory_space<vmem>>[vector<16xi32>], vector<16xi32>,
      %mul3A_1052 = arith.constant 4 : i32
      %mul3A_1053 = vector.broadcast %mul3A_1052 : i32 to vector<16xi32>
      %mul3A_1054 = arith.muli %gather3A_1047, %mul3A_1053 : vector<16xi32>
      %add3A_1055 = arith.addi %mul3A_1054, %and3A_749 : vector<16xi32>
      %gather3A_1056 = tpu.vector_load_idx %arg6[%add3A_1055] : memref<40960xf32, #tpu.memory_space<vmem>>[vector<16xi32>], vector<16xf32>,
      %mul3A_1057 = arith.constant 4 : i32
      %mul3A_1058 = vector.broadcast %mul3A_1057 : i32 to vector<16xi32>
      %mul3A_1059 = arith.muli %gather3A_1051, %mul3A_1058 : vector<16xi32>
      %add3A_1060 = arith.addi %mul3A_1059, %and3A_749 : vector<16xi32>
      %gather3A_1061 = tpu.vector_load_idx %arg6[%add3A_1060] : memref<40960xf32, #tpu.memory_space<vmem>>[vector<16xi32>], vector<16xf32>,
      %sub3A_1062 = arith.subf %gather3A_1056, %gather3A_1061 : vector<16xf32>
      %swap3A_1063 = arith.constant 224 : index
      %swap3A_1064 = tpu.vector_load %arg12[%swap3A_1063] {strides = array<i32>} : memref<512xf32, #tpu.memory_space<vmem>>, vector<16xf32>,
      tpu.vector_store %arg12[%swap3A_1063], %sub3A_1062 {strides = array<i32>} : memref<512xf32, #tpu.memory_space<vmem>>, vector<16xf32>,
      %add3A_1065 = arith.constant 60 : i32
      %add3A_1066 = vector.broadcast %add3A_1065 : i32 to vector<16xi32>
      %add3A_1067 = arith.addi %add3A_1066, %shift_right_logical3A_746 : vector<16xi32>
      %gather3A_1068 = tpu.vector_load_idx %arg9[%add3A_1067] : memref<128xi32, #tpu.memory_space<vmem>>[vector<16xi32>], vector<16xi32>,
      %add3A_1069 = arith.constant 60 : i32
      %add3A_1070 = vector.broadcast %add3A_1069 : i32 to vector<16xi32>
      %add3A_1071 = arith.addi %add3A_1070, %shift_right_logical3A_746 : vector<16xi32>
      %gather3A_1072 = tpu.vector_load_idx %arg10[%add3A_1071] : memref<128xi32, #tpu.memory_space<vmem>>[vector<16xi32>], vector<16xi32>,
      %mul3A_1073 = arith.constant 4 : i32
      %mul3A_1074 = vector.broadcast %mul3A_1073 : i32 to vector<16xi32>
      %mul3A_1075 = arith.muli %gather3A_1068, %mul3A_1074 : vector<16xi32>
      %add3A_1076 = arith.addi %mul3A_1075, %and3A_749 : vector<16xi32>
      %gather3A_1077 = tpu.vector_load_idx %arg6[%add3A_1076] : memref<40960xf32, #tpu.memory_space<vmem>>[vector<16xi32>], vector<16xf32>,
      %mul3A_1078 = arith.constant 4 : i32
      %mul3A_1079 = vector.broadcast %mul3A_1078 : i32 to vector<16xi32>
      %mul3A_1080 = arith.muli %gather3A_1072, %mul3A_1079 : vector<16xi32>
      %add3A_1081 = arith.addi %mul3A_1080, %and3A_749 : vector<16xi32>
      %gather3A_1082 = tpu.vector_load_idx %arg6[%add3A_1081] : memref<40960xf32, #tpu.memory_space<vmem>>[vector<16xi32>], vector<16xf32>,
      %sub3A_1083 = arith.subf %gather3A_1077, %gather3A_1082 : vector<16xf32>
      %swap3A_1084 = arith.constant 240 : index
      %swap3A_1085 = tpu.vector_load %arg12[%swap3A_1084] {strides = array<i32>} : memref<512xf32, #tpu.memory_space<vmem>>, vector<16xf32>,
      tpu.vector_store %arg12[%swap3A_1084], %sub3A_1083 {strides = array<i32>} : memref<512xf32, #tpu.memory_space<vmem>>, vector<16xf32>,
      %add3A_1086 = arith.constant 64 : i32
      %add3A_1087 = vector.broadcast %add3A_1086 : i32 to vector<16xi32>
      %add3A_1088 = arith.addi %add3A_1087, %shift_right_logical3A_746 : vector<16xi32>
      %gather3A_1089 = tpu.vector_load_idx %arg9[%add3A_1088] : memref<128xi32, #tpu.memory_space<vmem>>[vector<16xi32>], vector<16xi32>,
      %add3A_1090 = arith.constant 64 : i32
      %add3A_1091 = vector.broadcast %add3A_1090 : i32 to vector<16xi32>
      %add3A_1092 = arith.addi %add3A_1091, %shift_right_logical3A_746 : vector<16xi32>
      %gather3A_1093 = tpu.vector_load_idx %arg10[%add3A_1092] : memref<128xi32, #tpu.memory_space<vmem>>[vector<16xi32>], vector<16xi32>,
      %mul3A_1094 = arith.constant 4 : i32
      %mul3A_1095 = vector.broadcast %mul3A_1094 : i32 to vector<16xi32>
      %mul3A_1096 = arith.muli %gather3A_1089, %mul3A_1095 : vector<16xi32>
      %add3A_1097 = arith.addi %mul3A_1096, %and3A_749 : vector<16xi32>
      %gather3A_1098 = tpu.vector_load_idx %arg6[%add3A_1097] : memref<40960xf32, #tpu.memory_space<vmem>>[vector<16xi32>], vector<16xf32>,
      %mul3A_1099 = arith.constant 4 : i32
      %mul3A_1100 = vector.broadcast %mul3A_1099 : i32 to vector<16xi32>
      %mul3A_1101 = arith.muli %gather3A_1093, %mul3A_1100 : vector<16xi32>
      %add3A_1102 = arith.addi %mul3A_1101, %and3A_749 : vector<16xi32>
      %gather3A_1103 = tpu.vector_load_idx %arg6[%add3A_1102] : memref<40960xf32, #tpu.memory_space<vmem>>[vector<16xi32>], vector<16xf32>,
      %sub3A_1104 = arith.subf %gather3A_1098, %gather3A_1103 : vector<16xf32>
      %swap3A_1105 = arith.constant 256 : index
      %swap3A_1106 = tpu.vector_load %arg12[%swap3A_1105] {strides = array<i32>} : memref<512xf32, #tpu.memory_space<vmem>>, vector<16xf32>,
      tpu.vector_store %arg12[%swap3A_1105], %sub3A_1104 {strides = array<i32>} : memref<512xf32, #tpu.memory_space<vmem>>, vector<16xf32>,
      %add3A_1107 = arith.constant 68 : i32
      %add3A_1108 = vector.broadcast %add3A_1107 : i32 to vector<16xi32>
      %add3A_1109 = arith.addi %add3A_1108, %shift_right_logical3A_746 : vector<16xi32>
      %gather3A_1110 = tpu.vector_load_idx %arg9[%add3A_1109] : memref<128xi32, #tpu.memory_space<vmem>>[vector<16xi32>], vector<16xi32>,
      %add3A_1111 = arith.constant 68 : i32
      %add3A_1112 = vector.broadcast %add3A_1111 : i32 to vector<16xi32>
      %add3A_1113 = arith.addi %add3A_1112, %shift_right_logical3A_746 : vector<16xi32>
      %gather3A_1114 = tpu.vector_load_idx %arg10[%add3A_1113] : memref<128xi32, #tpu.memory_space<vmem>>[vector<16xi32>], vector<16xi32>,
      %mul3A_1115 = arith.constant 4 : i32
      %mul3A_1116 = vector.broadcast %mul3A_1115 : i32 to vector<16xi32>
      %mul3A_1117 = arith.muli %gather3A_1110, %mul3A_1116 : vector<16xi32>
      %add3A_1118 = arith.addi %mul3A_1117, %and3A_749 : vector<16xi32>
      %gather3A_1119 = tpu.vector_load_idx %arg6[%add3A_1118] : memref<40960xf32, #tpu.memory_space<vmem>>[vector<16xi32>], vector<16xf32>,
      %mul3A_1120 = arith.constant 4 : i32
      %mul3A_1121 = vector.broadcast %mul3A_1120 : i32 to vector<16xi32>
      %mul3A_1122 = arith.muli %gather3A_1114, %mul3A_1121 : vector<16xi32>
      %add3A_1123 = arith.addi %mul3A_1122, %and3A_749 : vector<16xi32>
      %gather3A_1124 = tpu.vector_load_idx %arg6[%add3A_1123] : memref<40960xf32, #tpu.memory_space<vmem>>[vector<16xi32>], vector<16xf32>,
      %sub3A_1125 = arith.subf %gather3A_1119, %gather3A_1124 : vector<16xf32>
      %swap3A_1126 = arith.constant 272 : index
      %swap3A_1127 = tpu.vector_load %arg12[%swap3A_1126] {strides = array<i32>} : memref<512xf32, #tpu.memory_space<vmem>>, vector<16xf32>,
      tpu.vector_store %arg12[%swap3A_1126], %sub3A_1125 {strides = array<i32>} : memref<512xf32, #tpu.memory_space<vmem>>, vector<16xf32>,
      %add3A_1128 = arith.constant 72 : i32
      %add3A_1129 = vector.broadcast %add3A_1128 : i32 to vector<16xi32>
      %add3A_1130 = arith.addi %add3A_1129, %shift_right_logical3A_746 : vector<16xi32>
      %gather3A_1131 = tpu.vector_load_idx %arg9[%add3A_1130] : memref<128xi32, #tpu.memory_space<vmem>>[vector<16xi32>], vector<16xi32>,
      %add3A_1132 = arith.constant 72 : i32
      %add3A_1133 = vector.broadcast %add3A_1132 : i32 to vector<16xi32>
      %add3A_1134 = arith.addi %add3A_1133, %shift_right_logical3A_746 : vector<16xi32>
      %gather3A_1135 = tpu.vector_load_idx %arg10[%add3A_1134] : memref<128xi32, #tpu.memory_space<vmem>>[vector<16xi32>], vector<16xi32>,
      %mul3A_1136 = arith.constant 4 : i32
      %mul3A_1137 = vector.broadcast %mul3A_1136 : i32 to vector<16xi32>
      %mul3A_1138 = arith.muli %gather3A_1131, %mul3A_1137 : vector<16xi32>
      %add3A_1139 = arith.addi %mul3A_1138, %and3A_749 : vector<16xi32>
      %gather3A_1140 = tpu.vector_load_idx %arg6[%add3A_1139] : memref<40960xf32, #tpu.memory_space<vmem>>[vector<16xi32>], vector<16xf32>,
      %mul3A_1141 = arith.constant 4 : i32
      %mul3A_1142 = vector.broadcast %mul3A_1141 : i32 to vector<16xi32>
      %mul3A_1143 = arith.muli %gather3A_1135, %mul3A_1142 : vector<16xi32>
      %add3A_1144 = arith.addi %mul3A_1143, %and3A_749 : vector<16xi32>
      %gather3A_1145 = tpu.vector_load_idx %arg6[%add3A_1144] : memref<40960xf32, #tpu.memory_space<vmem>>[vector<16xi32>], vector<16xf32>,
      %sub3A_1146 = arith.subf %gather3A_1140, %gather3A_1145 : vector<16xf32>
      %swap3A_1147 = arith.constant 288 : index
      %swap3A_1148 = tpu.vector_load %arg12[%swap3A_1147] {strides = array<i32>} : memref<512xf32, #tpu.memory_space<vmem>>, vector<16xf32>,
      tpu.vector_store %arg12[%swap3A_1147], %sub3A_1146 {strides = array<i32>} : memref<512xf32, #tpu.memory_space<vmem>>, vector<16xf32>,
      %add3A_1149 = arith.constant 76 : i32
      %add3A_1150 = vector.broadcast %add3A_1149 : i32 to vector<16xi32>
      %add3A_1151 = arith.addi %add3A_1150, %shift_right_logical3A_746 : vector<16xi32>
      %gather3A_1152 = tpu.vector_load_idx %arg9[%add3A_1151] : memref<128xi32, #tpu.memory_space<vmem>>[vector<16xi32>], vector<16xi32>,
      %add3A_1153 = arith.constant 76 : i32
      %add3A_1154 = vector.broadcast %add3A_1153 : i32 to vector<16xi32>
      %add3A_1155 = arith.addi %add3A_1154, %shift_right_logical3A_746 : vector<16xi32>
      %gather3A_1156 = tpu.vector_load_idx %arg10[%add3A_1155] : memref<128xi32, #tpu.memory_space<vmem>>[vector<16xi32>], vector<16xi32>,
      %mul3A_1157 = arith.constant 4 : i32
      %mul3A_1158 = vector.broadcast %mul3A_1157 : i32 to vector<16xi32>
      %mul3A_1159 = arith.muli %gather3A_1152, %mul3A_1158 : vector<16xi32>
      %add3A_1160 = arith.addi %mul3A_1159, %and3A_749 : vector<16xi32>
      %gather3A_1161 = tpu.vector_load_idx %arg6[%add3A_1160] : memref<40960xf32, #tpu.memory_space<vmem>>[vector<16xi32>], vector<16xf32>,
      %mul3A_1162 = arith.constant 4 : i32
      %mul3A_1163 = vector.broadcast %mul3A_1162 : i32 to vector<16xi32>
      %mul3A_1164 = arith.muli %gather3A_1156, %mul3A_1163 : vector<16xi32>
      %add3A_1165 = arith.addi %mul3A_1164, %and3A_749 : vector<16xi32>
      %gather3A_1166 = tpu.vector_load_idx %arg6[%add3A_1165] : memref<40960xf32, #tpu.memory_space<vmem>>[vector<16xi32>], vector<16xf32>,
      %sub3A_1167 = arith.subf %gather3A_1161, %gather3A_1166 : vector<16xf32>
      %swap3A_1168 = arith.constant 304 : index
      %swap3A_1169 = tpu.vector_load %arg12[%swap3A_1168] {strides = array<i32>} : memref<512xf32, #tpu.memory_space<vmem>>, vector<16xf32>,
      tpu.vector_store %arg12[%swap3A_1168], %sub3A_1167 {strides = array<i32>} : memref<512xf32, #tpu.memory_space<vmem>>, vector<16xf32>,
      %add3A_1170 = arith.constant 80 : i32
      %add3A_1171 = vector.broadcast %add3A_1170 : i32 to vector<16xi32>
      %add3A_1172 = arith.addi %add3A_1171, %shift_right_logical3A_746 : vector<16xi32>
      %gather3A_1173 = tpu.vector_load_idx %arg9[%add3A_1172] : memref<128xi32, #tpu.memory_space<vmem>>[vector<16xi32>], vector<16xi32>,
      %add3A_1174 = arith.constant 80 : i32
      %add3A_1175 = vector.broadcast %add3A_1174 : i32 to vector<16xi32>
      %add3A_1176 = arith.addi %add3A_1175, %shift_right_logical3A_746 : vector<16xi32>
      %gather3A_1177 = tpu.vector_load_idx %arg10[%add3A_1176] : memref<128xi32, #tpu.memory_space<vmem>>[vector<16xi32>], vector<16xi32>,
      %mul3A_1178 = arith.constant 4 : i32
      %mul3A_1179 = vector.broadcast %mul3A_1178 : i32 to vector<16xi32>
      %mul3A_1180 = arith.muli %gather3A_1173, %mul3A_1179 : vector<16xi32>
      %add3A_1181 = arith.addi %mul3A_1180, %and3A_749 : vector<16xi32>
      %gather3A_1182 = tpu.vector_load_idx %arg6[%add3A_1181] : memref<40960xf32, #tpu.memory_space<vmem>>[vector<16xi32>], vector<16xf32>,
      %mul3A_1183 = arith.constant 4 : i32
      %mul3A_1184 = vector.broadcast %mul3A_1183 : i32 to vector<16xi32>
      %mul3A_1185 = arith.muli %gather3A_1177, %mul3A_1184 : vector<16xi32>
      %add3A_1186 = arith.addi %mul3A_1185, %and3A_749 : vector<16xi32>
      %gather3A_1187 = tpu.vector_load_idx %arg6[%add3A_1186] : memref<40960xf32, #tpu.memory_space<vmem>>[vector<16xi32>], vector<16xf32>,
      %sub3A_1188 = arith.subf %gather3A_1182, %gather3A_1187 : vector<16xf32>
      %swap3A_1189 = arith.constant 320 : index
      %swap3A_1190 = tpu.vector_load %arg12[%swap3A_1189] {strides = array<i32>} : memref<512xf32, #tpu.memory_space<vmem>>, vector<16xf32>,
      tpu.vector_store %arg12[%swap3A_1189], %sub3A_1188 {strides = array<i32>} : memref<512xf32, #tpu.memory_space<vmem>>, vector<16xf32>,
      %add3A_1191 = arith.constant 84 : i32
      %add3A_1192 = vector.broadcast %add3A_1191 : i32 to vector<16xi32>
      %add3A_1193 = arith.addi %add3A_1192, %shift_right_logical3A_746 : vector<16xi32>
      %gather3A_1194 = tpu.vector_load_idx %arg9[%add3A_1193] : memref<128xi32, #tpu.memory_space<vmem>>[vector<16xi32>], vector<16xi32>,
      %add3A_1195 = arith.constant 84 : i32
      %add3A_1196 = vector.broadcast %add3A_1195 : i32 to vector<16xi32>
      %add3A_1197 = arith.addi %add3A_1196, %shift_right_logical3A_746 : vector<16xi32>
      %gather3A_1198 = tpu.vector_load_idx %arg10[%add3A_1197] : memref<128xi32, #tpu.memory_space<vmem>>[vector<16xi32>], vector<16xi32>,
      %mul3A_1199 = arith.constant 4 : i32
      %mul3A_1200 = vector.broadcast %mul3A_1199 : i32 to vector<16xi32>
      %mul3A_1201 = arith.muli %gather3A_1194, %mul3A_1200 : vector<16xi32>
      %add3A_1202 = arith.addi %mul3A_1201, %and3A_749 : vector<16xi32>
      %gather3A_1203 = tpu.vector_load_idx %arg6[%add3A_1202] : memref<40960xf32, #tpu.memory_space<vmem>>[vector<16xi32>], vector<16xf32>,
      %mul3A_1204 = arith.constant 4 : i32
      %mul3A_1205 = vector.broadcast %mul3A_1204 : i32 to vector<16xi32>
      %mul3A_1206 = arith.muli %gather3A_1198, %mul3A_1205 : vector<16xi32>
      %add3A_1207 = arith.addi %mul3A_1206, %and3A_749 : vector<16xi32>
      %gather3A_1208 = tpu.vector_load_idx %arg6[%add3A_1207] : memref<40960xf32, #tpu.memory_space<vmem>>[vector<16xi32>], vector<16xf32>,
      %sub3A_1209 = arith.subf %gather3A_1203, %gather3A_1208 : vector<16xf32>
      %swap3A_1210 = arith.constant 336 : index
      %swap3A_1211 = tpu.vector_load %arg12[%swap3A_1210] {strides = array<i32>} : memref<512xf32, #tpu.memory_space<vmem>>, vector<16xf32>,
      tpu.vector_store %arg12[%swap3A_1210], %sub3A_1209 {strides = array<i32>} : memref<512xf32, #tpu.memory_space<vmem>>, vector<16xf32>,
      %add3A_1212 = arith.constant 88 : i32
      %add3A_1213 = vector.broadcast %add3A_1212 : i32 to vector<16xi32>
      %add3A_1214 = arith.addi %add3A_1213, %shift_right_logical3A_746 : vector<16xi32>
      %gather3A_1215 = tpu.vector_load_idx %arg9[%add3A_1214] : memref<128xi32, #tpu.memory_space<vmem>>[vector<16xi32>], vector<16xi32>,
      %add3A_1216 = arith.constant 88 : i32
      %add3A_1217 = vector.broadcast %add3A_1216 : i32 to vector<16xi32>
      %add3A_1218 = arith.addi %add3A_1217, %shift_right_logical3A_746 : vector<16xi32>
      %gather3A_1219 = tpu.vector_load_idx %arg10[%add3A_1218] : memref<128xi32, #tpu.memory_space<vmem>>[vector<16xi32>], vector<16xi32>,
      %mul3A_1220 = arith.constant 4 : i32
      %mul3A_1221 = vector.broadcast %mul3A_1220 : i32 to vector<16xi32>
      %mul3A_1222 = arith.muli %gather3A_1215, %mul3A_1221 : vector<16xi32>
      %add3A_1223 = arith.addi %mul3A_1222, %and3A_749 : vector<16xi32>
      %gather3A_1224 = tpu.vector_load_idx %arg6[%add3A_1223] : memref<40960xf32, #tpu.memory_space<vmem>>[vector<16xi32>], vector<16xf32>,
      %mul3A_1225 = arith.constant 4 : i32
      %mul3A_1226 = vector.broadcast %mul3A_1225 : i32 to vector<16xi32>
      %mul3A_1227 = arith.muli %gather3A_1219, %mul3A_1226 : vector<16xi32>
      %add3A_1228 = arith.addi %mul3A_1227, %and3A_749 : vector<16xi32>
      %gather3A_1229 = tpu.vector_load_idx %arg6[%add3A_1228] : memref<40960xf32, #tpu.memory_space<vmem>>[vector<16xi32>], vector<16xf32>,
      %sub3A_1230 = arith.subf %gather3A_1224, %gather3A_1229 : vector<16xf32>
      %swap3A_1231 = arith.constant 352 : index
      %swap3A_1232 = tpu.vector_load %arg12[%swap3A_1231] {strides = array<i32>} : memref<512xf32, #tpu.memory_space<vmem>>, vector<16xf32>,
      tpu.vector_store %arg12[%swap3A_1231], %sub3A_1230 {strides = array<i32>} : memref<512xf32, #tpu.memory_space<vmem>>, vector<16xf32>,
      %add3A_1233 = arith.constant 92 : i32
      %add3A_1234 = vector.broadcast %add3A_1233 : i32 to vector<16xi32>
      %add3A_1235 = arith.addi %add3A_1234, %shift_right_logical3A_746 : vector<16xi32>
      %gather3A_1236 = tpu.vector_load_idx %arg9[%add3A_1235] : memref<128xi32, #tpu.memory_space<vmem>>[vector<16xi32>], vector<16xi32>,
      %add3A_1237 = arith.constant 92 : i32
      %add3A_1238 = vector.broadcast %add3A_1237 : i32 to vector<16xi32>
      %add3A_1239 = arith.addi %add3A_1238, %shift_right_logical3A_746 : vector<16xi32>
      %gather3A_1240 = tpu.vector_load_idx %arg10[%add3A_1239] : memref<128xi32, #tpu.memory_space<vmem>>[vector<16xi32>], vector<16xi32>,
      %mul3A_1241 = arith.constant 4 : i32
      %mul3A_1242 = vector.broadcast %mul3A_1241 : i32 to vector<16xi32>
      %mul3A_1243 = arith.muli %gather3A_1236, %mul3A_1242 : vector<16xi32>
      %add3A_1244 = arith.addi %mul3A_1243, %and3A_749 : vector<16xi32>
      %gather3A_1245 = tpu.vector_load_idx %arg6[%add3A_1244] : memref<40960xf32, #tpu.memory_space<vmem>>[vector<16xi32>], vector<16xf32>,
      %mul3A_1246 = arith.constant 4 : i32
      %mul3A_1247 = vector.broadcast %mul3A_1246 : i32 to vector<16xi32>
      %mul3A_1248 = arith.muli %gather3A_1240, %mul3A_1247 : vector<16xi32>
      %add3A_1249 = arith.addi %mul3A_1248, %and3A_749 : vector<16xi32>
      %gather3A_1250 = tpu.vector_load_idx %arg6[%add3A_1249] : memref<40960xf32, #tpu.memory_space<vmem>>[vector<16xi32>], vector<16xf32>,
      %sub3A_1251 = arith.subf %gather3A_1245, %gather3A_1250 : vector<16xf32>
      %swap3A_1252 = arith.constant 368 : index
      %swap3A_1253 = tpu.vector_load %arg12[%swap3A_1252] {strides = array<i32>} : memref<512xf32, #tpu.memory_space<vmem>>, vector<16xf32>,
      tpu.vector_store %arg12[%swap3A_1252], %sub3A_1251 {strides = array<i32>} : memref<512xf32, #tpu.memory_space<vmem>>, vector<16xf32>,
      %add3A_1254 = arith.constant 96 : i32
      %add3A_1255 = vector.broadcast %add3A_1254 : i32 to vector<16xi32>
      %add3A_1256 = arith.addi %add3A_1255, %shift_right_logical3A_746 : vector<16xi32>
      %gather3A_1257 = tpu.vector_load_idx %arg9[%add3A_1256] : memref<128xi32, #tpu.memory_space<vmem>>[vector<16xi32>], vector<16xi32>,
      %add3A_1258 = arith.constant 96 : i32
      %add3A_1259 = vector.broadcast %add3A_1258 : i32 to vector<16xi32>
      %add3A_1260 = arith.addi %add3A_1259, %shift_right_logical3A_746 : vector<16xi32>
      %gather3A_1261 = tpu.vector_load_idx %arg10[%add3A_1260] : memref<128xi32, #tpu.memory_space<vmem>>[vector<16xi32>], vector<16xi32>,
      %mul3A_1262 = arith.constant 4 : i32
      %mul3A_1263 = vector.broadcast %mul3A_1262 : i32 to vector<16xi32>
      %mul3A_1264 = arith.muli %gather3A_1257, %mul3A_1263 : vector<16xi32>
      %add3A_1265 = arith.addi %mul3A_1264, %and3A_749 : vector<16xi32>
      %gather3A_1266 = tpu.vector_load_idx %arg6[%add3A_1265] : memref<40960xf32, #tpu.memory_space<vmem>>[vector<16xi32>], vector<16xf32>,
      %mul3A_1267 = arith.constant 4 : i32
      %mul3A_1268 = vector.broadcast %mul3A_1267 : i32 to vector<16xi32>
      %mul3A_1269 = arith.muli %gather3A_1261, %mul3A_1268 : vector<16xi32>
      %add3A_1270 = arith.addi %mul3A_1269, %and3A_749 : vector<16xi32>
      %gather3A_1271 = tpu.vector_load_idx %arg6[%add3A_1270] : memref<40960xf32, #tpu.memory_space<vmem>>[vector<16xi32>], vector<16xf32>,
      %sub3A_1272 = arith.subf %gather3A_1266, %gather3A_1271 : vector<16xf32>
      %swap3A_1273 = arith.constant 384 : index
      %swap3A_1274 = tpu.vector_load %arg12[%swap3A_1273] {strides = array<i32>} : memref<512xf32, #tpu.memory_space<vmem>>, vector<16xf32>,
      tpu.vector_store %arg12[%swap3A_1273], %sub3A_1272 {strides = array<i32>} : memref<512xf32, #tpu.memory_space<vmem>>, vector<16xf32>,
      %add3A_1275 = arith.constant 100 : i32
      %add3A_1276 = vector.broadcast %add3A_1275 : i32 to vector<16xi32>
      %add3A_1277 = arith.addi %add3A_1276, %shift_right_logical3A_746 : vector<16xi32>
      %gather3A_1278 = tpu.vector_load_idx %arg9[%add3A_1277] : memref<128xi32, #tpu.memory_space<vmem>>[vector<16xi32>], vector<16xi32>,
      %add3A_1279 = arith.constant 100 : i32
      %add3A_1280 = vector.broadcast %add3A_1279 : i32 to vector<16xi32>
      %add3A_1281 = arith.addi %add3A_1280, %shift_right_logical3A_746 : vector<16xi32>
      %gather3A_1282 = tpu.vector_load_idx %arg10[%add3A_1281] : memref<128xi32, #tpu.memory_space<vmem>>[vector<16xi32>], vector<16xi32>,
      %mul3A_1283 = arith.constant 4 : i32
      %mul3A_1284 = vector.broadcast %mul3A_1283 : i32 to vector<16xi32>
      %mul3A_1285 = arith.muli %gather3A_1278, %mul3A_1284 : vector<16xi32>
      %add3A_1286 = arith.addi %mul3A_1285, %and3A_749 : vector<16xi32>
      %gather3A_1287 = tpu.vector_load_idx %arg6[%add3A_1286] : memref<40960xf32, #tpu.memory_space<vmem>>[vector<16xi32>], vector<16xf32>,
      %mul3A_1288 = arith.constant 4 : i32
      %mul3A_1289 = vector.broadcast %mul3A_1288 : i32 to vector<16xi32>
      %mul3A_1290 = arith.muli %gather3A_1282, %mul3A_1289 : vector<16xi32>
      %add3A_1291 = arith.addi %mul3A_1290, %and3A_749 : vector<16xi32>
      %gather3A_1292 = tpu.vector_load_idx %arg6[%add3A_1291] : memref<40960xf32, #tpu.memory_space<vmem>>[vector<16xi32>], vector<16xf32>,
      %sub3A_1293 = arith.subf %gather3A_1287, %gather3A_1292 : vector<16xf32>
      %swap3A_1294 = arith.constant 400 : index
      %swap3A_1295 = tpu.vector_load %arg12[%swap3A_1294] {strides = array<i32>} : memref<512xf32, #tpu.memory_space<vmem>>, vector<16xf32>,
      tpu.vector_store %arg12[%swap3A_1294], %sub3A_1293 {strides = array<i32>} : memref<512xf32, #tpu.memory_space<vmem>>, vector<16xf32>,
      %add3A_1296 = arith.constant 104 : i32
      %add3A_1297 = vector.broadcast %add3A_1296 : i32 to vector<16xi32>
      %add3A_1298 = arith.addi %add3A_1297, %shift_right_logical3A_746 : vector<16xi32>
      %gather3A_1299 = tpu.vector_load_idx %arg9[%add3A_1298] : memref<128xi32, #tpu.memory_space<vmem>>[vector<16xi32>], vector<16xi32>,
      %add3A_1300 = arith.constant 104 : i32
      %add3A_1301 = vector.broadcast %add3A_1300 : i32 to vector<16xi32>
      %add3A_1302 = arith.addi %add3A_1301, %shift_right_logical3A_746 : vector<16xi32>
      %gather3A_1303 = tpu.vector_load_idx %arg10[%add3A_1302] : memref<128xi32, #tpu.memory_space<vmem>>[vector<16xi32>], vector<16xi32>,
      %mul3A_1304 = arith.constant 4 : i32
      %mul3A_1305 = vector.broadcast %mul3A_1304 : i32 to vector<16xi32>
      %mul3A_1306 = arith.muli %gather3A_1299, %mul3A_1305 : vector<16xi32>
      %add3A_1307 = arith.addi %mul3A_1306, %and3A_749 : vector<16xi32>
      %gather3A_1308 = tpu.vector_load_idx %arg6[%add3A_1307] : memref<40960xf32, #tpu.memory_space<vmem>>[vector<16xi32>], vector<16xf32>,
      %mul3A_1309 = arith.constant 4 : i32
      %mul3A_1310 = vector.broadcast %mul3A_1309 : i32 to vector<16xi32>
      %mul3A_1311 = arith.muli %gather3A_1303, %mul3A_1310 : vector<16xi32>
      %add3A_1312 = arith.addi %mul3A_1311, %and3A_749 : vector<16xi32>
      %gather3A_1313 = tpu.vector_load_idx %arg6[%add3A_1312] : memref<40960xf32, #tpu.memory_space<vmem>>[vector<16xi32>], vector<16xf32>,
      %sub3A_1314 = arith.subf %gather3A_1308, %gather3A_1313 : vector<16xf32>
      %swap3A_1315 = arith.constant 416 : index
      %swap3A_1316 = tpu.vector_load %arg12[%swap3A_1315] {strides = array<i32>} : memref<512xf32, #tpu.memory_space<vmem>>, vector<16xf32>,
      tpu.vector_store %arg12[%swap3A_1315], %sub3A_1314 {strides = array<i32>} : memref<512xf32, #tpu.memory_space<vmem>>, vector<16xf32>,
      %add3A_1317 = arith.constant 108 : i32
      %add3A_1318 = vector.broadcast %add3A_1317 : i32 to vector<16xi32>
      %add3A_1319 = arith.addi %add3A_1318, %shift_right_logical3A_746 : vector<16xi32>
      %gather3A_1320 = tpu.vector_load_idx %arg9[%add3A_1319] : memref<128xi32, #tpu.memory_space<vmem>>[vector<16xi32>], vector<16xi32>,
      %add3A_1321 = arith.constant 108 : i32
      %add3A_1322 = vector.broadcast %add3A_1321 : i32 to vector<16xi32>
      %add3A_1323 = arith.addi %add3A_1322, %shift_right_logical3A_746 : vector<16xi32>
      %gather3A_1324 = tpu.vector_load_idx %arg10[%add3A_1323] : memref<128xi32, #tpu.memory_space<vmem>>[vector<16xi32>], vector<16xi32>,
      %mul3A_1325 = arith.constant 4 : i32
      %mul3A_1326 = vector.broadcast %mul3A_1325 : i32 to vector<16xi32>
      %mul3A_1327 = arith.muli %gather3A_1320, %mul3A_1326 : vector<16xi32>
      %add3A_1328 = arith.addi %mul3A_1327, %and3A_749 : vector<16xi32>
      %gather3A_1329 = tpu.vector_load_idx %arg6[%add3A_1328] : memref<40960xf32, #tpu.memory_space<vmem>>[vector<16xi32>], vector<16xf32>,
      %mul3A_1330 = arith.constant 4 : i32
      %mul3A_1331 = vector.broadcast %mul3A_1330 : i32 to vector<16xi32>
      %mul3A_1332 = arith.muli %gather3A_1324, %mul3A_1331 : vector<16xi32>
      %add3A_1333 = arith.addi %mul3A_1332, %and3A_749 : vector<16xi32>
      %gather3A_1334 = tpu.vector_load_idx %arg6[%add3A_1333] : memref<40960xf32, #tpu.memory_space<vmem>>[vector<16xi32>], vector<16xf32>,
      %sub3A_1335 = arith.subf %gather3A_1329, %gather3A_1334 : vector<16xf32>
      %swap3A_1336 = arith.constant 432 : index
      %swap3A_1337 = tpu.vector_load %arg12[%swap3A_1336] {strides = array<i32>} : memref<512xf32, #tpu.memory_space<vmem>>, vector<16xf32>,
      tpu.vector_store %arg12[%swap3A_1336], %sub3A_1335 {strides = array<i32>} : memref<512xf32, #tpu.memory_space<vmem>>, vector<16xf32>,
      %add3A_1338 = arith.constant 112 : i32
      %add3A_1339 = vector.broadcast %add3A_1338 : i32 to vector<16xi32>
      %add3A_1340 = arith.addi %add3A_1339, %shift_right_logical3A_746 : vector<16xi32>
      %gather3A_1341 = tpu.vector_load_idx %arg9[%add3A_1340] : memref<128xi32, #tpu.memory_space<vmem>>[vector<16xi32>], vector<16xi32>,
      %add3A_1342 = arith.constant 112 : i32
      %add3A_1343 = vector.broadcast %add3A_1342 : i32 to vector<16xi32>
      %add3A_1344 = arith.addi %add3A_1343, %shift_right_logical3A_746 : vector<16xi32>
      %gather3A_1345 = tpu.vector_load_idx %arg10[%add3A_1344] : memref<128xi32, #tpu.memory_space<vmem>>[vector<16xi32>], vector<16xi32>,
      %mul3A_1346 = arith.constant 4 : i32
      %mul3A_1347 = vector.broadcast %mul3A_1346 : i32 to vector<16xi32>
      %mul3A_1348 = arith.muli %gather3A_1341, %mul3A_1347 : vector<16xi32>
      %add3A_1349 = arith.addi %mul3A_1348, %and3A_749 : vector<16xi32>
      %gather3A_1350 = tpu.vector_load_idx %arg6[%add3A_1349] : memref<40960xf32, #tpu.memory_space<vmem>>[vector<16xi32>], vector<16xf32>,
      %mul3A_1351 = arith.constant 4 : i32
      %mul3A_1352 = vector.broadcast %mul3A_1351 : i32 to vector<16xi32>
      %mul3A_1353 = arith.muli %gather3A_1345, %mul3A_1352 : vector<16xi32>
      %add3A_1354 = arith.addi %mul3A_1353, %and3A_749 : vector<16xi32>
      %gather3A_1355 = tpu.vector_load_idx %arg6[%add3A_1354] : memref<40960xf32, #tpu.memory_space<vmem>>[vector<16xi32>], vector<16xf32>,
      %sub3A_1356 = arith.subf %gather3A_1350, %gather3A_1355 : vector<16xf32>
      %swap3A_1357 = arith.constant 448 : index
      %swap3A_1358 = tpu.vector_load %arg12[%swap3A_1357] {strides = array<i32>} : memref<512xf32, #tpu.memory_space<vmem>>, vector<16xf32>,
      tpu.vector_store %arg12[%swap3A_1357], %sub3A_1356 {strides = array<i32>} : memref<512xf32, #tpu.memory_space<vmem>>, vector<16xf32>,
      %add3A_1359 = arith.constant 116 : i32
      %add3A_1360 = vector.broadcast %add3A_1359 : i32 to vector<16xi32>
      %add3A_1361 = arith.addi %add3A_1360, %shift_right_logical3A_746 : vector<16xi32>
      %gather3A_1362 = tpu.vector_load_idx %arg9[%add3A_1361] : memref<128xi32, #tpu.memory_space<vmem>>[vector<16xi32>], vector<16xi32>,
      %add3A_1363 = arith.constant 116 : i32
      %add3A_1364 = vector.broadcast %add3A_1363 : i32 to vector<16xi32>
      %add3A_1365 = arith.addi %add3A_1364, %shift_right_logical3A_746 : vector<16xi32>
      %gather3A_1366 = tpu.vector_load_idx %arg10[%add3A_1365] : memref<128xi32, #tpu.memory_space<vmem>>[vector<16xi32>], vector<16xi32>,
      %mul3A_1367 = arith.constant 4 : i32
      %mul3A_1368 = vector.broadcast %mul3A_1367 : i32 to vector<16xi32>
      %mul3A_1369 = arith.muli %gather3A_1362, %mul3A_1368 : vector<16xi32>
      %add3A_1370 = arith.addi %mul3A_1369, %and3A_749 : vector<16xi32>
      %gather3A_1371 = tpu.vector_load_idx %arg6[%add3A_1370] : memref<40960xf32, #tpu.memory_space<vmem>>[vector<16xi32>], vector<16xf32>,
      %mul3A_1372 = arith.constant 4 : i32
      %mul3A_1373 = vector.broadcast %mul3A_1372 : i32 to vector<16xi32>
      %mul3A_1374 = arith.muli %gather3A_1366, %mul3A_1373 : vector<16xi32>
      %add3A_1375 = arith.addi %mul3A_1374, %and3A_749 : vector<16xi32>
      %gather3A_1376 = tpu.vector_load_idx %arg6[%add3A_1375] : memref<40960xf32, #tpu.memory_space<vmem>>[vector<16xi32>], vector<16xf32>,
      %sub3A_1377 = arith.subf %gather3A_1371, %gather3A_1376 : vector<16xf32>
      %swap3A_1378 = arith.constant 464 : index
      %swap3A_1379 = tpu.vector_load %arg12[%swap3A_1378] {strides = array<i32>} : memref<512xf32, #tpu.memory_space<vmem>>, vector<16xf32>,
      tpu.vector_store %arg12[%swap3A_1378], %sub3A_1377 {strides = array<i32>} : memref<512xf32, #tpu.memory_space<vmem>>, vector<16xf32>,
      %add3A_1380 = arith.constant 120 : i32
      %add3A_1381 = vector.broadcast %add3A_1380 : i32 to vector<16xi32>
      %add3A_1382 = arith.addi %add3A_1381, %shift_right_logical3A_746 : vector<16xi32>
      %gather3A_1383 = tpu.vector_load_idx %arg9[%add3A_1382] : memref<128xi32, #tpu.memory_space<vmem>>[vector<16xi32>], vector<16xi32>,
      %add3A_1384 = arith.constant 120 : i32
      %add3A_1385 = vector.broadcast %add3A_1384 : i32 to vector<16xi32>
      %add3A_1386 = arith.addi %add3A_1385, %shift_right_logical3A_746 : vector<16xi32>
      %gather3A_1387 = tpu.vector_load_idx %arg10[%add3A_1386] : memref<128xi32, #tpu.memory_space<vmem>>[vector<16xi32>], vector<16xi32>,
      %mul3A_1388 = arith.constant 4 : i32
      %mul3A_1389 = vector.broadcast %mul3A_1388 : i32 to vector<16xi32>
      %mul3A_1390 = arith.muli %gather3A_1383, %mul3A_1389 : vector<16xi32>
      %add3A_1391 = arith.addi %mul3A_1390, %and3A_749 : vector<16xi32>
      %gather3A_1392 = tpu.vector_load_idx %arg6[%add3A_1391] : memref<40960xf32, #tpu.memory_space<vmem>>[vector<16xi32>], vector<16xf32>,
      %mul3A_1393 = arith.constant 4 : i32
      %mul3A_1394 = vector.broadcast %mul3A_1393 : i32 to vector<16xi32>
      %mul3A_1395 = arith.muli %gather3A_1387, %mul3A_1394 : vector<16xi32>
      %add3A_1396 = arith.addi %mul3A_1395, %and3A_749 : vector<16xi32>
      %gather3A_1397 = tpu.vector_load_idx %arg6[%add3A_1396] : memref<40960xf32, #tpu.memory_space<vmem>>[vector<16xi32>], vector<16xf32>,
      %sub3A_1398 = arith.subf %gather3A_1392, %gather3A_1397 : vector<16xf32>
      %swap3A_1399 = arith.constant 480 : index
      %swap3A_1400 = tpu.vector_load %arg12[%swap3A_1399] {strides = array<i32>} : memref<512xf32, #tpu.memory_space<vmem>>, vector<16xf32>,
      tpu.vector_store %arg12[%swap3A_1399], %sub3A_1398 {strides = array<i32>} : memref<512xf32, #tpu.memory_space<vmem>>, vector<16xf32>,
      %add3A_1401 = arith.constant 124 : i32
      %add3A_1402 = vector.broadcast %add3A_1401 : i32 to vector<16xi32>
      %add3A_1403 = arith.addi %add3A_1402, %shift_right_logical3A_746 : vector<16xi32>
      %gather3A_1404 = tpu.vector_load_idx %arg9[%add3A_1403] : memref<128xi32, #tpu.memory_space<vmem>>[vector<16xi32>], vector<16xi32>,
      %add3A_1405 = arith.constant 124 : i32
      %add3A_1406 = vector.broadcast %add3A_1405 : i32 to vector<16xi32>
      %add3A_1407 = arith.addi %add3A_1406, %shift_right_logical3A_746 : vector<16xi32>
      %gather3A_1408 = tpu.vector_load_idx %arg10[%add3A_1407] : memref<128xi32, #tpu.memory_space<vmem>>[vector<16xi32>], vector<16xi32>,
      %mul3A_1409 = arith.constant 4 : i32
      %mul3A_1410 = vector.broadcast %mul3A_1409 : i32 to vector<16xi32>
      %mul3A_1411 = arith.muli %gather3A_1404, %mul3A_1410 : vector<16xi32>
      %add3A_1412 = arith.addi %mul3A_1411, %and3A_749 : vector<16xi32>
      %gather3A_1413 = tpu.vector_load_idx %arg6[%add3A_1412] : memref<40960xf32, #tpu.memory_space<vmem>>[vector<16xi32>], vector<16xf32>,
      %mul3A_1414 = arith.constant 4 : i32
      %mul3A_1415 = vector.broadcast %mul3A_1414 : i32 to vector<16xi32>
      %mul3A_1416 = arith.muli %gather3A_1408, %mul3A_1415 : vector<16xi32>
      %add3A_1417 = arith.addi %mul3A_1416, %and3A_749 : vector<16xi32>
      %gather3A_1418 = tpu.vector_load_idx %arg6[%add3A_1417] : memref<40960xf32, #tpu.memory_space<vmem>>[vector<16xi32>], vector<16xf32>,
      %sub3A_1419 = arith.subf %gather3A_1413, %gather3A_1418 : vector<16xf32>
      %swap3A_1420 = arith.constant 496 : index
      %swap3A_1421 = tpu.vector_load %arg12[%swap3A_1420] {strides = array<i32>} : memref<512xf32, #tpu.memory_space<vmem>>, vector<16xf32>,
      tpu.vector_store %arg12[%swap3A_1420], %sub3A_1419 {strides = array<i32>} : memref<512xf32, #tpu.memory_space<vmem>>, vector<16xf32>,
      %mul3A_1422 = arith.constant 128 : i32
      %mul3A_1423 = arith.muli %add3A_722, %mul3A_1422 : i32
      %add3A_1424 = arith.addi %mul3A_2, %mul3A_1423 : i32
      %mul3A_1425 = arith.constant 4 : i32
      %mul3A_1426 = arith.muli %add3A_1424, %mul3A_1425 : i32
      %dma_start3A_1427 = tpu.memref_slice %arg5[%mul3A_1426] : memref<1310720xf32, #tpu.memory_space<hbm>> -> memref<512xf32, #tpu.memory_space<hbm>>
      %dma_start3A_1428 = tpu.memref_slice %arg5[%mul3A_1426] : memref<1310720xf32, #tpu.memory_space<hbm>> -> memref<512xf32, #tpu.memory_space<hbm>>
      tpu.enqueue_dma source(%arg12 : memref<512xf32, #tpu.memory_space<vmem>>) target(%dma_start3A_1428 : memref<512xf32, #tpu.memory_space<hbm>>) target_semaphore(%arg16 : memref<!tpu.dma_semaphore, #tpu.memory_space<semaphore_mem>>)
    }
    %scan3A_12 = arith.constant 40 : i32
    %dma_wait3A = arith.constant 0 : i32
    %dma_wait3A_13 = tpu.memref_slice %arg5[%dma_wait3A] : memref<1310720xf32, #tpu.memory_space<hbm>> -> memref<512xf32, #tpu.memory_space<hbm>>
    %dma_wait3A_14 = arith.constant 0 : i32
    %dma_wait3A_15 = tpu.memref_slice %arg5[%dma_wait3A_14] : memref<1310720xf32, #tpu.memory_space<hbm>> -> memref<512xf32, #tpu.memory_space<hbm>>
    tpu.wait_dma2 semaphore(%arg15 : memref<!tpu.dma_semaphore, #tpu.memory_space<semaphore_mem>>) src(%arg11 : memref<512xf32, #tpu.memory_space<vmem>>) dst(%dma_wait3A_15 : memref<512xf32, #tpu.memory_space<hbm>>)
    %dma_wait3A_16 = arith.constant 0 : i32
    %dma_wait3A_17 = tpu.memref_slice %arg5[%dma_wait3A_16] : memref<1310720xf32, #tpu.memory_space<hbm>> -> memref<512xf32, #tpu.memory_space<hbm>>
    %dma_wait3A_18 = arith.constant 0 : i32
    %dma_wait3A_19 = tpu.memref_slice %arg5[%dma_wait3A_18] : memref<1310720xf32, #tpu.memory_space<hbm>> -> memref<512xf32, #tpu.memory_space<hbm>>
    tpu.wait_dma2 semaphore(%arg16 : memref<!tpu.dma_semaphore, #tpu.memory_space<semaphore_mem>>) src(%arg12 : memref<512xf32, #tpu.memory_space<vmem>>) dst(%dma_wait3A_19 : memref<512xf32, #tpu.memory_space<hbm>>)
    return
  }
}

#map = affine_map<(d0, d1) -> (0, 0)>
#map1 = affine_map<(d0, d1) -> (0)>
module attributes {stable_mosaic.version = 14 : i64} {
  func.func @_scatter_body(%arg0: i32, %arg1: i32, %arg2: memref<327680x128xf32, #tpu.memory_space<hbm>>, %arg3: memref<327680xi32, #tpu.memory_space<hbm>>, %arg4: memref<10240x128xf32, #tpu.memory_space<hbm>>, %arg5: memref<20480x128xf32, #tpu.memory_space<hbm>>, %arg6: memref<128xi32, #tpu.memory_space<vmem>>, %arg7: memref<128xi32, #tpu.memory_space<vmem>>, %arg8: memref<128x128xf32, #tpu.memory_space<vmem>>, %arg9: memref<128x128xf32, #tpu.memory_space<vmem>>, %arg10: memref<10240x128xf32, #tpu.memory_space<vmem_shared>>, %arg11: memref<!tpu.dma_semaphore, #tpu.memory_space<semaphore_mem>>, %arg12: memref<!tpu.dma_semaphore, #tpu.memory_space<semaphore_mem>>) attributes {dimension_semantics = [#tpu.dimension_semantics<core_parallel>, #tpu.dimension_semantics<subcore_parallel>], iteration_bounds = array<i64: 2, 16>, scalar_prefetch = 0 : i64, scratch_operands = 7 : i64, tpu.core_type = #tpu.core_type<sc_vector_subcore>, window_params = [{transform_indices = #map}, {transform_indices = #map1}, {transform_indices = #map}, {transform_indices = #map}]} {
    %mul3A = arith.constant 2 : i32
    %mul3A_0 = arith.muli %arg1, %mul3A : i32
    %add3A = arith.addi %mul3A_0, %arg0 : i32
    %mul3A_1 = arith.constant 640 : i32
    %mul3A_2 = arith.muli %arg1, %mul3A_1 : i32
    %mul3A_3 = arith.constant 640 : i32
    %mul3A_4 = arith.muli %arg1, %mul3A_3 : i32
    "tpu.region"() ({
      %run_scoped3A = tpu.sem_alloc : memref<!tpu.dma_semaphore, #tpu.memory_space<semaphore_mem>>
      %dma_start3A_29 = arith.constant 0 : i32
      %dma_start3A_30 = tpu.memref_slice %arg10[%mul3A_4, %dma_start3A_29] : memref<10240x128xf32, #tpu.memory_space<vmem_shared>> -> memref<640x128xf32, #tpu.memory_space<vmem_shared>>
      %dma_start3A_31 = arith.constant 0 : i32
      %dma_start3A_32 = tpu.memref_slice %arg4[%mul3A_2, %dma_start3A_31] : memref<10240x128xf32, #tpu.memory_space<hbm>> -> memref<640x128xf32, #tpu.memory_space<hbm>>
      tpu.enqueue_dma source(%dma_start3A_32 : memref<640x128xf32, #tpu.memory_space<hbm>>) target(%dma_start3A_30 : memref<640x128xf32, #tpu.memory_space<vmem_shared>>) target_semaphore(%run_scoped3A : memref<!tpu.dma_semaphore, #tpu.memory_space<semaphore_mem>>)
      %dma_wait3A = arith.constant 0 : i32
      %dma_wait3A_33 = tpu.memref_slice %arg10[%mul3A_4, %dma_wait3A] : memref<10240x128xf32, #tpu.memory_space<vmem_shared>> -> memref<640x128xf32, #tpu.memory_space<vmem_shared>>
      %dma_wait3A_34 = arith.constant 0 : i32
      %dma_wait3A_35 = tpu.memref_slice %arg4[%mul3A_2, %dma_wait3A_34] : memref<10240x128xf32, #tpu.memory_space<hbm>> -> memref<640x128xf32, #tpu.memory_space<hbm>>
      tpu.wait_dma2 semaphore(%run_scoped3A : memref<!tpu.dma_semaphore, #tpu.memory_space<semaphore_mem>>) src(%dma_wait3A_35 : memref<640x128xf32, #tpu.memory_space<hbm>>) dst(%dma_wait3A_33 : memref<640x128xf32, #tpu.memory_space<vmem_shared>>)
      tpu.yield
    }) : () -> ()
    %barrier3A = arith.constant 0 : index
    tpu.barrier barrier_id(%barrier3A)
    %mul3A_5 = arith.constant 80 : i32
    %mul3A_6 = arith.muli %add3A, %mul3A_5 : i32
    %add3A_7 = arith.constant 0 : i32
    %add3A_8 = arith.addi %mul3A_6, %add3A_7 : i32
    %mul3A_9 = arith.constant 128 : i32
    %mul3A_10 = arith.muli %add3A_8, %mul3A_9 : i32
    %dma_start3A = arith.constant 0 : i32
    %dma_start3A_11 = tpu.memref_slice %arg2[%mul3A_10, %dma_start3A] : memref<327680x128xf32, #tpu.memory_space<hbm>> -> memref<128x128xf32, #tpu.memory_space<hbm>>
    %dma_start3A_12 = arith.constant 0 : i32
    %dma_start3A_13 = tpu.memref_slice %arg2[%mul3A_10, %dma_start3A_12] : memref<327680x128xf32, #tpu.memory_space<hbm>> -> memref<128x128xf32, #tpu.memory_space<hbm>>
    tpu.enqueue_dma source(%dma_start3A_13 : memref<128x128xf32, #tpu.memory_space<hbm>>) target(%arg8 : memref<128x128xf32, #tpu.memory_space<vmem>>) target_semaphore(%arg11 : memref<!tpu.dma_semaphore, #tpu.memory_space<semaphore_mem>>)
    %dma_start3A_14 = tpu.memref_slice %arg3[%mul3A_10] : memref<327680xi32, #tpu.memory_space<hbm>> -> memref<128xi32, #tpu.memory_space<hbm>>
    %dma_start3A_15 = tpu.memref_slice %arg3[%mul3A_10] : memref<327680xi32, #tpu.memory_space<hbm>> -> memref<128xi32, #tpu.memory_space<hbm>>
    tpu.enqueue_dma source(%dma_start3A_15 : memref<128xi32, #tpu.memory_space<hbm>>) target(%arg6 : memref<128xi32, #tpu.memory_space<vmem>>) target_semaphore(%arg11 : memref<!tpu.dma_semaphore, #tpu.memory_space<semaphore_mem>>)
    %scan3A = arith.constant 0 : i32
    %scan3A_16 = arith.constant 0 : i32
    %scan3A_17 = arith.constant 40 : i32
    %scan3A_18 = arith.addi %scan3A_16, %scan3A_17 : i32
    %scan3A_19 = arith.constant 1 : i32
    scf.for %scan3A_29 = %scan3A_16 to %scan3A_18 step %scan3A_19  : i32 {
      %mul3A_30 = arith.constant 2 : i32
      %mul3A_31 = arith.muli %mul3A_30, %scan3A_29 : i32
      %add3A_32 = arith.constant 1 : i32
      %add3A_33 = arith.addi %mul3A_31, %add3A_32 : i32
      %lt3A = arith.constant 80 : i32
      %lt3A_34 = arith.cmpi slt, %add3A_33, %lt3A : i32
      %convert_element_type3A = arith.extui %lt3A_34 : i1 to i32
      %cond3A = arith.constant 0 : i32
      %cond3A_35 = arith.cmpi ne, %convert_element_type3A, %cond3A : i32
      scf.if %cond3A_35 {
        %add3A_66 = arith.constant 1 : i32
        %add3A_67 = arith.addi %mul3A_31, %add3A_66 : i32
        %mul3A_68 = arith.constant 80 : i32
        %mul3A_69 = arith.muli %add3A, %mul3A_68 : i32
        %add3A_70 = arith.addi %mul3A_69, %add3A_67 : i32
        %mul3A_71 = arith.constant 128 : i32
        %mul3A_72 = arith.muli %add3A_70, %mul3A_71 : i32
        %dma_start3A_73 = arith.constant 0 : i32
        %dma_start3A_74 = tpu.memref_slice %arg2[%mul3A_72, %dma_start3A_73] : memref<327680x128xf32, #tpu.memory_space<hbm>> -> memref<128x128xf32, #tpu.memory_space<hbm>>
        %dma_start3A_75 = arith.constant 0 : i32
        %dma_start3A_76 = tpu.memref_slice %arg2[%mul3A_72, %dma_start3A_75] : memref<327680x128xf32, #tpu.memory_space<hbm>> -> memref<128x128xf32, #tpu.memory_space<hbm>>
        tpu.enqueue_dma source(%dma_start3A_76 : memref<128x128xf32, #tpu.memory_space<hbm>>) target(%arg9 : memref<128x128xf32, #tpu.memory_space<vmem>>) target_semaphore(%arg12 : memref<!tpu.dma_semaphore, #tpu.memory_space<semaphore_mem>>)
        %dma_start3A_77 = tpu.memref_slice %arg3[%mul3A_72] : memref<327680xi32, #tpu.memory_space<hbm>> -> memref<128xi32, #tpu.memory_space<hbm>>
        %dma_start3A_78 = tpu.memref_slice %arg3[%mul3A_72] : memref<327680xi32, #tpu.memory_space<hbm>> -> memref<128xi32, #tpu.memory_space<hbm>>
        tpu.enqueue_dma source(%dma_start3A_78 : memref<128xi32, #tpu.memory_space<hbm>>) target(%arg7 : memref<128xi32, #tpu.memory_space<vmem>>) target_semaphore(%arg12 : memref<!tpu.dma_semaphore, #tpu.memory_space<semaphore_mem>>)
      } else {
      }
      %dma_wait3A = arith.constant 0 : i32
      %dma_wait3A_36 = arith.constant 0 : i32
      %dma_wait3A_37 = tpu.memref_slice %arg2[%dma_wait3A, %dma_wait3A_36] : memref<327680x128xf32, #tpu.memory_space<hbm>> -> memref<128x128xf32, #tpu.memory_space<hbm>>
      %dma_wait3A_38 = arith.constant 0 : i32
      %dma_wait3A_39 = arith.constant 0 : i32
      %dma_wait3A_40 = tpu.memref_slice %arg2[%dma_wait3A_38, %dma_wait3A_39] : memref<327680x128xf32, #tpu.memory_space<hbm>> -> memref<128x128xf32, #tpu.memory_space<hbm>>
      tpu.wait_dma2 semaphore(%arg11 : memref<!tpu.dma_semaphore, #tpu.memory_space<semaphore_mem>>) src(%dma_wait3A_40 : memref<128x128xf32, #tpu.memory_space<hbm>>) dst(%arg8 : memref<128x128xf32, #tpu.memory_space<vmem>>)
      %dma_wait3A_41 = arith.constant 0 : i32
      %dma_wait3A_42 = tpu.memref_slice %arg3[%dma_wait3A_41] : memref<327680xi32, #tpu.memory_space<hbm>> -> memref<128xi32, #tpu.memory_space<hbm>>
      %dma_wait3A_43 = arith.constant 0 : i32
      %dma_wait3A_44 = tpu.memref_slice %arg3[%dma_wait3A_43] : memref<327680xi32, #tpu.memory_space<hbm>> -> memref<128xi32, #tpu.memory_space<hbm>>
      tpu.wait_dma2 semaphore(%arg11 : memref<!tpu.dma_semaphore, #tpu.memory_space<semaphore_mem>>) src(%dma_wait3A_44 : memref<128xi32, #tpu.memory_space<hbm>>) dst(%arg6 : memref<128xi32, #tpu.memory_space<vmem>>)
      "tpu.region"() ({
        %run_scoped3A = tpu.sem_alloc : memref<!tpu.dma_semaphore, #tpu.memory_space<semaphore_mem>>
        %dma_start3A_66 = arith.constant 0 : i32
        %dma_start3A_67 = arith.constant 0 : i32
        %dma_start3A_68 = tpu.memref_slice %arg10[%dma_start3A_66, %dma_start3A_67] : memref<10240x128xf32, #tpu.memory_space<vmem_shared>> -> memref<10240x128xf32, #tpu.memory_space<vmem_shared>>
        tpu.enqueue_indirect_dma source(%arg8 : memref<128x128xf32, #tpu.memory_space<vmem>>) target(%dma_start3A_68 : memref<10240x128xf32, #tpu.memory_space<vmem_shared>>) offsets(%arg6 : memref<128xi32, #tpu.memory_space<vmem>>) semaphore(%run_scoped3A : memref<!tpu.dma_semaphore, #tpu.memory_space<semaphore_mem>>) {add = true}
        %dma_wait3A_69 = arith.constant 0 : i32
        %dma_wait3A_70 = arith.constant 0 : i32
        %dma_wait3A_71 = tpu.memref_slice %arg10[%dma_wait3A_69, %dma_wait3A_70] : memref<10240x128xf32, #tpu.memory_space<vmem_shared>> -> memref<10240x128xf32, #tpu.memory_space<vmem_shared>>
        tpu.wait_indirect_dma semaphore(%run_scoped3A : memref<!tpu.dma_semaphore, #tpu.memory_space<semaphore_mem>>) src(%arg8 : memref<128x128xf32, #tpu.memory_space<vmem>>) dst(%dma_wait3A_71 : memref<10240x128xf32, #tpu.memory_space<vmem_shared>>)
        tpu.yield
      }) : () -> ()
      %mul3A_45 = arith.constant 2 : i32
      %mul3A_46 = arith.muli %mul3A_45, %scan3A_29 : i32
      %add3A_47 = arith.constant 1 : i32
      %add3A_48 = arith.addi %mul3A_46, %add3A_47 : i32
      %add3A_49 = arith.constant 1 : i32
      %add3A_50 = arith.addi %add3A_48, %add3A_49 : i32
      %lt3A_51 = arith.constant 80 : i32
      %lt3A_52 = arith.cmpi slt, %add3A_50, %lt3A_51 : i32
      %convert_element_type3A_53 = arith.extui %lt3A_52 : i1 to i32
      %cond3A_54 = arith.constant 0 : i32
      %cond3A_55 = arith.cmpi ne, %convert_element_type3A_53, %cond3A_54 : i32
      scf.if %cond3A_55 {
        %add3A_66 = arith.constant 1 : i32
        %add3A_67 = arith.addi %add3A_48, %add3A_66 : i32
        %mul3A_68 = arith.constant 80 : i32
        %mul3A_69 = arith.muli %add3A, %mul3A_68 : i32
        %add3A_70 = arith.addi %mul3A_69, %add3A_67 : i32
        %mul3A_71 = arith.constant 128 : i32
        %mul3A_72 = arith.muli %add3A_70, %mul3A_71 : i32
        %dma_start3A_73 = arith.constant 0 : i32
        %dma_start3A_74 = tpu.memref_slice %arg2[%mul3A_72, %dma_start3A_73] : memref<327680x128xf32, #tpu.memory_space<hbm>> -> memref<128x128xf32, #tpu.memory_space<hbm>>
        %dma_start3A_75 = arith.constant 0 : i32
        %dma_start3A_76 = tpu.memref_slice %arg2[%mul3A_72, %dma_start3A_75] : memref<327680x128xf32, #tpu.memory_space<hbm>> -> memref<128x128xf32, #tpu.memory_space<hbm>>
        tpu.enqueue_dma source(%dma_start3A_76 : memref<128x128xf32, #tpu.memory_space<hbm>>) target(%arg8 : memref<128x128xf32, #tpu.memory_space<vmem>>) target_semaphore(%arg11 : memref<!tpu.dma_semaphore, #tpu.memory_space<semaphore_mem>>)
        %dma_start3A_77 = tpu.memref_slice %arg3[%mul3A_72] : memref<327680xi32, #tpu.memory_space<hbm>> -> memref<128xi32, #tpu.memory_space<hbm>>
        %dma_start3A_78 = tpu.memref_slice %arg3[%mul3A_72] : memref<327680xi32, #tpu.memory_space<hbm>> -> memref<128xi32, #tpu.memory_space<hbm>>
        tpu.enqueue_dma source(%dma_start3A_78 : memref<128xi32, #tpu.memory_space<hbm>>) target(%arg6 : memref<128xi32, #tpu.memory_space<vmem>>) target_semaphore(%arg11 : memref<!tpu.dma_semaphore, #tpu.memory_space<semaphore_mem>>)
      } else {
      }
      %dma_wait3A_56 = arith.constant 0 : i32
      %dma_wait3A_57 = arith.constant 0 : i32
      %dma_wait3A_58 = tpu.memref_slice %arg2[%dma_wait3A_56, %dma_wait3A_57] : memref<327680x128xf32, #tpu.memory_space<hbm>> -> memref<128x128xf32, #tpu.memory_space<hbm>>
      %dma_wait3A_59 = arith.constant 0 : i32
      %dma_wait3A_60 = arith.constant 0 : i32
      %dma_wait3A_61 = tpu.memref_slice %arg2[%dma_wait3A_59, %dma_wait3A_60] : memref<327680x128xf32, #tpu.memory_space<hbm>> -> memref<128x128xf32, #tpu.memory_space<hbm>>
      tpu.wait_dma2 semaphore(%arg12 : memref<!tpu.dma_semaphore, #tpu.memory_space<semaphore_mem>>) src(%dma_wait3A_61 : memref<128x128xf32, #tpu.memory_space<hbm>>) dst(%arg9 : memref<128x128xf32, #tpu.memory_space<vmem>>)
      %dma_wait3A_62 = arith.constant 0 : i32
      %dma_wait3A_63 = tpu.memref_slice %arg3[%dma_wait3A_62] : memref<327680xi32, #tpu.memory_space<hbm>> -> memref<128xi32, #tpu.memory_space<hbm>>
      %dma_wait3A_64 = arith.constant 0 : i32
      %dma_wait3A_65 = tpu.memref_slice %arg3[%dma_wait3A_64] : memref<327680xi32, #tpu.memory_space<hbm>> -> memref<128xi32, #tpu.memory_space<hbm>>
      tpu.wait_dma2 semaphore(%arg12 : memref<!tpu.dma_semaphore, #tpu.memory_space<semaphore_mem>>) src(%dma_wait3A_65 : memref<128xi32, #tpu.memory_space<hbm>>) dst(%arg7 : memref<128xi32, #tpu.memory_space<vmem>>)
      "tpu.region"() ({
        %run_scoped3A = tpu.sem_alloc : memref<!tpu.dma_semaphore, #tpu.memory_space<semaphore_mem>>
        %dma_start3A_66 = arith.constant 0 : i32
        %dma_start3A_67 = arith.constant 0 : i32
        %dma_start3A_68 = tpu.memref_slice %arg10[%dma_start3A_66, %dma_start3A_67] : memref<10240x128xf32, #tpu.memory_space<vmem_shared>> -> memref<10240x128xf32, #tpu.memory_space<vmem_shared>>
        tpu.enqueue_indirect_dma source(%arg9 : memref<128x128xf32, #tpu.memory_space<vmem>>) target(%dma_start3A_68 : memref<10240x128xf32, #tpu.memory_space<vmem_shared>>) offsets(%arg7 : memref<128xi32, #tpu.memory_space<vmem>>) semaphore(%run_scoped3A : memref<!tpu.dma_semaphore, #tpu.memory_space<semaphore_mem>>) {add = true}
        %dma_wait3A_69 = arith.constant 0 : i32
        %dma_wait3A_70 = arith.constant 0 : i32
        %dma_wait3A_71 = tpu.memref_slice %arg10[%dma_wait3A_69, %dma_wait3A_70] : memref<10240x128xf32, #tpu.memory_space<vmem_shared>> -> memref<10240x128xf32, #tpu.memory_space<vmem_shared>>
        tpu.wait_indirect_dma semaphore(%run_scoped3A : memref<!tpu.dma_semaphore, #tpu.memory_space<semaphore_mem>>) src(%arg9 : memref<128x128xf32, #tpu.memory_space<vmem>>) dst(%dma_wait3A_71 : memref<10240x128xf32, #tpu.memory_space<vmem_shared>>)
        tpu.yield
      }) : () -> ()
    }
    %scan3A_20 = arith.constant 40 : i32
    %barrier3A_21 = arith.constant 0 : index
    tpu.barrier barrier_id(%barrier3A_21)
    %mul3A_22 = arith.constant 640 : i32
    %mul3A_23 = arith.muli %arg1, %mul3A_22 : i32
    %mul3A_24 = arith.constant 10240 : i32
    %mul3A_25 = arith.muli %arg0, %mul3A_24 : i32
    %mul3A_26 = arith.constant 640 : i32
    %mul3A_27 = arith.muli %arg1, %mul3A_26 : i32
    %add3A_28 = arith.addi %mul3A_25, %mul3A_27 : i32
    "tpu.region"() ({
      %run_scoped3A = tpu.sem_alloc : memref<!tpu.dma_semaphore, #tpu.memory_space<semaphore_mem>>
      %dma_start3A_29 = arith.constant 0 : i32
      %dma_start3A_30 = tpu.memref_slice %arg5[%add3A_28, %dma_start3A_29] : memref<20480x128xf32, #tpu.memory_space<hbm>> -> memref<640x128xf32, #tpu.memory_space<hbm>>
      %dma_start3A_31 = arith.constant 0 : i32
      %dma_start3A_32 = tpu.memref_slice %arg10[%mul3A_23, %dma_start3A_31] : memref<10240x128xf32, #tpu.memory_space<vmem_shared>> -> memref<640x128xf32, #tpu.memory_space<vmem_shared>>
      tpu.enqueue_dma source(%dma_start3A_32 : memref<640x128xf32, #tpu.memory_space<vmem_shared>>) target(%dma_start3A_30 : memref<640x128xf32, #tpu.memory_space<hbm>>) target_semaphore(%run_scoped3A : memref<!tpu.dma_semaphore, #tpu.memory_space<semaphore_mem>>)
      %dma_wait3A = arith.constant 0 : i32
      %dma_wait3A_33 = tpu.memref_slice %arg5[%add3A_28, %dma_wait3A] : memref<20480x128xf32, #tpu.memory_space<hbm>> -> memref<640x128xf32, #tpu.memory_space<hbm>>
      %dma_wait3A_34 = arith.constant 0 : i32
      %dma_wait3A_35 = tpu.memref_slice %arg10[%mul3A_23, %dma_wait3A_34] : memref<10240x128xf32, #tpu.memory_space<vmem_shared>> -> memref<640x128xf32, #tpu.memory_space<vmem_shared>>
      tpu.wait_dma2 semaphore(%run_scoped3A : memref<!tpu.dma_semaphore, #tpu.memory_space<semaphore_mem>>) src(%dma_wait3A_35 : memref<640x128xf32, #tpu.memory_space<vmem_shared>>) dst(%dma_wait3A_33 : memref<640x128xf32, #tpu.memory_space<hbm>>)
      tpu.yield
    }) : () -> ()
    return
  }
}

#map = affine_map<(d0, d1) -> (0, 0)>
#map1 = affine_map<(d0, d1) -> (0)>
module attributes {stable_mosaic.version = 14 : i64} {
  func.func @_gather_body(%arg0: i32, %arg1: i32, %arg2: memref<10240x128xf32, #tpu.memory_space<hbm>>, %arg3: memref<10240x128xf32, #tpu.memory_space<hbm>>, %arg4: memref<327680xi32, #tpu.memory_space<hbm>>, %arg5: memref<327680xi32, #tpu.memory_space<hbm>>, %arg6: memref<327680x128xf32, #tpu.memory_space<hbm>>, %arg7: memref<327680x128xf32, #tpu.memory_space<hbm>>, %arg8: memref<128xi32, #tpu.memory_space<vmem>>, %arg9: memref<128xi32, #tpu.memory_space<vmem>>, %arg10: memref<128xi32, #tpu.memory_space<vmem>>, %arg11: memref<128xi32, #tpu.memory_space<vmem>>, %arg12: memref<128x128xf32, #tpu.memory_space<vmem>>, %arg13: memref<128x128xf32, #tpu.memory_space<vmem>>, %arg14: memref<128x128xf32, #tpu.memory_space<vmem>>, %arg15: memref<128x128xf32, #tpu.memory_space<vmem>>, %arg16: memref<!tpu.dma_semaphore, #tpu.memory_space<semaphore_mem>>, %arg17: memref<!tpu.dma_semaphore, #tpu.memory_space<semaphore_mem>>, %arg18: memref<!tpu.dma_semaphore, #tpu.memory_space<semaphore_mem>>, %arg19: memref<!tpu.dma_semaphore, #tpu.memory_space<semaphore_mem>>, %arg20: memref<!tpu.dma_semaphore, #tpu.memory_space<semaphore_mem>>, %arg21: memref<!tpu.dma_semaphore, #tpu.memory_space<semaphore_mem>>) attributes {dimension_semantics = [#tpu.dimension_semantics<core_parallel>, #tpu.dimension_semantics<subcore_parallel>], iteration_bounds = array<i64: 2, 16>, scalar_prefetch = 0 : i64, scratch_operands = 14 : i64, tpu.core_type = #tpu.core_type<sc_vector_subcore>, window_params = [{transform_indices = #map}, {transform_indices = #map}, {transform_indices = #map1}, {transform_indices = #map1}, {transform_indices = #map}, {transform_indices = #map}]} {
    %mul3A = arith.constant 2 : i32
    %mul3A_0 = arith.muli %arg1, %mul3A : i32
    %add3A = arith.addi %mul3A_0, %arg0 : i32
    %mul3A_1 = arith.constant 10240 : i32
    %mul3A_2 = arith.muli %add3A, %mul3A_1 : i32
    %add3A_3 = arith.constant 0 : i32
    %add3A_4 = arith.addi %mul3A_2, %add3A_3 : i32
    %dma_start3A = tpu.memref_slice %arg4[%add3A_4] : memref<327680xi32, #tpu.memory_space<hbm>> -> memref<128xi32, #tpu.memory_space<hbm>>
    %dma_start3A_5 = tpu.memref_slice %arg4[%add3A_4] : memref<327680xi32, #tpu.memory_space<hbm>> -> memref<128xi32, #tpu.memory_space<hbm>>
    tpu.enqueue_dma source(%dma_start3A_5 : memref<128xi32, #tpu.memory_space<hbm>>) target(%arg8 : memref<128xi32, #tpu.memory_space<vmem>>) target_semaphore(%arg16 : memref<!tpu.dma_semaphore, #tpu.memory_space<semaphore_mem>>)
    %dma_start3A_6 = tpu.memref_slice %arg5[%add3A_4] : memref<327680xi32, #tpu.memory_space<hbm>> -> memref<128xi32, #tpu.memory_space<hbm>>
    %dma_start3A_7 = tpu.memref_slice %arg5[%add3A_4] : memref<327680xi32, #tpu.memory_space<hbm>> -> memref<128xi32, #tpu.memory_space<hbm>>
    tpu.enqueue_dma source(%dma_start3A_7 : memref<128xi32, #tpu.memory_space<hbm>>) target(%arg9 : memref<128xi32, #tpu.memory_space<vmem>>) target_semaphore(%arg16 : memref<!tpu.dma_semaphore, #tpu.memory_space<semaphore_mem>>)
    %dma_wait3A = arith.constant 0 : i32
    %dma_wait3A_8 = tpu.memref_slice %arg4[%dma_wait3A] : memref<327680xi32, #tpu.memory_space<hbm>> -> memref<128xi32, #tpu.memory_space<hbm>>
    %dma_wait3A_9 = arith.constant 0 : i32
    %dma_wait3A_10 = tpu.memref_slice %arg4[%dma_wait3A_9] : memref<327680xi32, #tpu.memory_space<hbm>> -> memref<128xi32, #tpu.memory_space<hbm>>
    tpu.wait_dma2 semaphore(%arg16 : memref<!tpu.dma_semaphore, #tpu.memory_space<semaphore_mem>>) src(%dma_wait3A_10 : memref<128xi32, #tpu.memory_space<hbm>>) dst(%arg8 : memref<128xi32, #tpu.memory_space<vmem>>)
    %dma_wait3A_11 = arith.constant 0 : i32
    %dma_wait3A_12 = tpu.memref_slice %arg5[%dma_wait3A_11] : memref<327680xi32, #tpu.memory_space<hbm>> -> memref<128xi32, #tpu.memory_space<hbm>>
    %dma_wait3A_13 = arith.constant 0 : i32
    %dma_wait3A_14 = tpu.memref_slice %arg5[%dma_wait3A_13] : memref<327680xi32, #tpu.memory_space<hbm>> -> memref<128xi32, #tpu.memory_space<hbm>>
    tpu.wait_dma2 semaphore(%arg16 : memref<!tpu.dma_semaphore, #tpu.memory_space<semaphore_mem>>) src(%dma_wait3A_14 : memref<128xi32, #tpu.memory_space<hbm>>) dst(%arg9 : memref<128xi32, #tpu.memory_space<vmem>>)
    %dma_start3A_15 = arith.constant 0 : i32
    %dma_start3A_16 = arith.constant 0 : i32
    %dma_start3A_17 = tpu.memref_slice %arg2[%dma_start3A_15, %dma_start3A_16] : memref<10240x128xf32, #tpu.memory_space<hbm>> -> memref<10240x128xf32, #tpu.memory_space<hbm>>
    tpu.enqueue_indirect_dma source(%dma_start3A_17 : memref<10240x128xf32, #tpu.memory_space<hbm>>) target(%arg12 : memref<128x128xf32, #tpu.memory_space<vmem>>) offsets(%arg8 : memref<128xi32, #tpu.memory_space<vmem>>) semaphore(%arg18 : memref<!tpu.dma_semaphore, #tpu.memory_space<semaphore_mem>>)
    %dma_start3A_18 = arith.constant 0 : i32
    %dma_start3A_19 = arith.constant 0 : i32
    %dma_start3A_20 = tpu.memref_slice %arg3[%dma_start3A_18, %dma_start3A_19] : memref<10240x128xf32, #tpu.memory_space<hbm>> -> memref<10240x128xf32, #tpu.memory_space<hbm>>
    tpu.enqueue_indirect_dma source(%dma_start3A_20 : memref<10240x128xf32, #tpu.memory_space<hbm>>) target(%arg13 : memref<128x128xf32, #tpu.memory_space<vmem>>) offsets(%arg9 : memref<128xi32, #tpu.memory_space<vmem>>) semaphore(%arg18 : memref<!tpu.dma_semaphore, #tpu.memory_space<semaphore_mem>>)
    %add3A_21 = arith.constant 128 : i32
    %add3A_22 = arith.addi %mul3A_2, %add3A_21 : i32
    %dma_start3A_23 = tpu.memref_slice %arg4[%add3A_22] : memref<327680xi32, #tpu.memory_space<hbm>> -> memref<128xi32, #tpu.memory_space<hbm>>
    %dma_start3A_24 = tpu.memref_slice %arg4[%add3A_22] : memref<327680xi32, #tpu.memory_space<hbm>> -> memref<128xi32, #tpu.memory_space<hbm>>
    tpu.enqueue_dma source(%dma_start3A_24 : memref<128xi32, #tpu.memory_space<hbm>>) target(%arg10 : memref<128xi32, #tpu.memory_space<vmem>>) target_semaphore(%arg17 : memref<!tpu.dma_semaphore, #tpu.memory_space<semaphore_mem>>)
    %dma_start3A_25 = tpu.memref_slice %arg5[%add3A_22] : memref<327680xi32, #tpu.memory_space<hbm>> -> memref<128xi32, #tpu.memory_space<hbm>>
    %dma_start3A_26 = tpu.memref_slice %arg5[%add3A_22] : memref<327680xi32, #tpu.memory_space<hbm>> -> memref<128xi32, #tpu.memory_space<hbm>>
    tpu.enqueue_dma source(%dma_start3A_26 : memref<128xi32, #tpu.memory_space<hbm>>) target(%arg11 : memref<128xi32, #tpu.memory_space<vmem>>) target_semaphore(%arg17 : memref<!tpu.dma_semaphore, #tpu.memory_space<semaphore_mem>>)
    %scan3A = arith.constant 0 : i32
    %scan3A_27 = arith.constant 0 : i32
    %scan3A_28 = arith.constant 40 : i32
    %scan3A_29 = arith.addi %scan3A_27, %scan3A_28 : i32
    %scan3A_30 = arith.constant 1 : i32
    scf.for %scan3A_44 = %scan3A_27 to %scan3A_29 step %scan3A_30  : i32 {
      %mul3A_45 = arith.constant 2 : i32
      %mul3A_46 = arith.muli %mul3A_45, %scan3A_44 : i32
      %ge3A = arith.constant 1 : i32
      %ge3A_47 = arith.cmpi sge, %mul3A_46, %ge3A : i32
      %convert_element_type3A = arith.extui %ge3A_47 : i1 to i32
      %cond3A = arith.constant 0 : i32
      %cond3A_48 = arith.cmpi ne, %convert_element_type3A, %cond3A : i32
      scf.if %cond3A_48 {
        %dma_wait3A_131 = arith.constant 0 : i32
        %dma_wait3A_132 = arith.constant 0 : i32
        %dma_wait3A_133 = tpu.memref_slice %arg6[%dma_wait3A_131, %dma_wait3A_132] : memref<327680x128xf32, #tpu.memory_space<hbm>> -> memref<128x128xf32, #tpu.memory_space<hbm>>
        %dma_wait3A_134 = arith.constant 0 : i32
        %dma_wait3A_135 = arith.constant 0 : i32
        %dma_wait3A_136 = tpu.memref_slice %arg6[%dma_wait3A_134, %dma_wait3A_135] : memref<327680x128xf32, #tpu.memory_space<hbm>> -> memref<128x128xf32, #tpu.memory_space<hbm>>
        tpu.wait_dma2 semaphore(%arg21 : memref<!tpu.dma_semaphore, #tpu.memory_space<semaphore_mem>>) src(%arg14 : memref<128x128xf32, #tpu.memory_space<vmem>>) dst(%dma_wait3A_136 : memref<128x128xf32, #tpu.memory_space<hbm>>)
        %dma_wait3A_137 = arith.constant 0 : i32
        %dma_wait3A_138 = arith.constant 0 : i32
        %dma_wait3A_139 = tpu.memref_slice %arg7[%dma_wait3A_137, %dma_wait3A_138] : memref<327680x128xf32, #tpu.memory_space<hbm>> -> memref<128x128xf32, #tpu.memory_space<hbm>>
        %dma_wait3A_140 = arith.constant 0 : i32
        %dma_wait3A_141 = arith.constant 0 : i32
        %dma_wait3A_142 = tpu.memref_slice %arg7[%dma_wait3A_140, %dma_wait3A_141] : memref<327680x128xf32, #tpu.memory_space<hbm>> -> memref<128x128xf32, #tpu.memory_space<hbm>>
        tpu.wait_dma2 semaphore(%arg21 : memref<!tpu.dma_semaphore, #tpu.memory_space<semaphore_mem>>) src(%arg15 : memref<128x128xf32, #tpu.memory_space<vmem>>) dst(%dma_wait3A_142 : memref<128x128xf32, #tpu.memory_space<hbm>>)
      } else {
      }
      %add3A_49 = arith.constant 1 : i32
      %add3A_50 = arith.addi %mul3A_46, %add3A_49 : i32
      %lt3A = arith.constant 80 : i32
      %lt3A_51 = arith.cmpi slt, %add3A_50, %lt3A : i32
      %convert_element_type3A_52 = arith.extui %lt3A_51 : i1 to i32
      %cond3A_53 = arith.constant 0 : i32
      %cond3A_54 = arith.cmpi ne, %convert_element_type3A_52, %cond3A_53 : i32
      scf.if %cond3A_54 {
        %dma_wait3A_131 = arith.constant 0 : i32
        %dma_wait3A_132 = tpu.memref_slice %arg4[%dma_wait3A_131] : memref<327680xi32, #tpu.memory_space<hbm>> -> memref<128xi32, #tpu.memory_space<hbm>>
        %dma_wait3A_133 = arith.constant 0 : i32
        %dma_wait3A_134 = tpu.memref_slice %arg4[%dma_wait3A_133] : memref<327680xi32, #tpu.memory_space<hbm>> -> memref<128xi32, #tpu.memory_space<hbm>>
        tpu.wait_dma2 semaphore(%arg17 : memref<!tpu.dma_semaphore, #tpu.memory_space<semaphore_mem>>) src(%dma_wait3A_134 : memref<128xi32, #tpu.memory_space<hbm>>) dst(%arg10 : memref<128xi32, #tpu.memory_space<vmem>>)
        %dma_wait3A_135 = arith.constant 0 : i32
        %dma_wait3A_136 = tpu.memref_slice %arg5[%dma_wait3A_135] : memref<327680xi32, #tpu.memory_space<hbm>> -> memref<128xi32, #tpu.memory_space<hbm>>
        %dma_wait3A_137 = arith.constant 0 : i32
        %dma_wait3A_138 = tpu.memref_slice %arg5[%dma_wait3A_137] : memref<327680xi32, #tpu.memory_space<hbm>> -> memref<128xi32, #tpu.memory_space<hbm>>
        tpu.wait_dma2 semaphore(%arg17 : memref<!tpu.dma_semaphore, #tpu.memory_space<semaphore_mem>>) src(%dma_wait3A_138 : memref<128xi32, #tpu.memory_space<hbm>>) dst(%arg11 : memref<128xi32, #tpu.memory_space<vmem>>)
        %dma_start3A_139 = arith.constant 0 : i32
        %dma_start3A_140 = arith.constant 0 : i32
        %dma_start3A_141 = tpu.memref_slice %arg2[%dma_start3A_139, %dma_start3A_140] : memref<10240x128xf32, #tpu.memory_space<hbm>> -> memref<10240x128xf32, #tpu.memory_space<hbm>>
        tpu.enqueue_indirect_dma source(%dma_start3A_141 : memref<10240x128xf32, #tpu.memory_space<hbm>>) target(%arg14 : memref<128x128xf32, #tpu.memory_space<vmem>>) offsets(%arg10 : memref<128xi32, #tpu.memory_space<vmem>>) semaphore(%arg19 : memref<!tpu.dma_semaphore, #tpu.memory_space<semaphore_mem>>)
        %dma_start3A_142 = arith.constant 0 : i32
        %dma_start3A_143 = arith.constant 0 : i32
        %dma_start3A_144 = tpu.memref_slice %arg3[%dma_start3A_142, %dma_start3A_143] : memref<10240x128xf32, #tpu.memory_space<hbm>> -> memref<10240x128xf32, #tpu.memory_space<hbm>>
        tpu.enqueue_indirect_dma source(%dma_start3A_144 : memref<10240x128xf32, #tpu.memory_space<hbm>>) target(%arg15 : memref<128x128xf32, #tpu.memory_space<vmem>>) offsets(%arg11 : memref<128xi32, #tpu.memory_space<vmem>>) semaphore(%arg19 : memref<!tpu.dma_semaphore, #tpu.memory_space<semaphore_mem>>)
      } else {
      }
      %dma_wait3A_55 = arith.constant 0 : i32
      %dma_wait3A_56 = arith.constant 0 : i32
      %dma_wait3A_57 = tpu.memref_slice %arg2[%dma_wait3A_55, %dma_wait3A_56] : memref<10240x128xf32, #tpu.memory_space<hbm>> -> memref<128x128xf32, #tpu.memory_space<hbm>>
      %dma_wait3A_58 = arith.constant 0 : i32
      %dma_wait3A_59 = arith.constant 0 : i32
      %dma_wait3A_60 = tpu.memref_slice %arg2[%dma_wait3A_58, %dma_wait3A_59] : memref<10240x128xf32, #tpu.memory_space<hbm>> -> memref<128x128xf32, #tpu.memory_space<hbm>>
      tpu.wait_dma2 semaphore(%arg18 : memref<!tpu.dma_semaphore, #tpu.memory_space<semaphore_mem>>) src(%dma_wait3A_60 : memref<128x128xf32, #tpu.memory_space<hbm>>) dst(%arg12 : memref<128x128xf32, #tpu.memory_space<vmem>>)
      %dma_wait3A_61 = arith.constant 0 : i32
      %dma_wait3A_62 = arith.constant 0 : i32
      %dma_wait3A_63 = tpu.memref_slice %arg3[%dma_wait3A_61, %dma_wait3A_62] : memref<10240x128xf32, #tpu.memory_space<hbm>> -> memref<128x128xf32, #tpu.memory_space<hbm>>
      %dma_wait3A_64 = arith.constant 0 : i32
      %dma_wait3A_65 = arith.constant 0 : i32
      %dma_wait3A_66 = tpu.memref_slice %arg3[%dma_wait3A_64, %dma_wait3A_65] : memref<10240x128xf32, #tpu.memory_space<hbm>> -> memref<128x128xf32, #tpu.memory_space<hbm>>
      tpu.wait_dma2 semaphore(%arg18 : memref<!tpu.dma_semaphore, #tpu.memory_space<semaphore_mem>>) src(%dma_wait3A_66 : memref<128x128xf32, #tpu.memory_space<hbm>>) dst(%arg13 : memref<128x128xf32, #tpu.memory_space<vmem>>)
      %add3A_67 = arith.constant 2 : i32
      %add3A_68 = arith.addi %mul3A_46, %add3A_67 : i32
      %lt3A_69 = arith.constant 80 : i32
      %lt3A_70 = arith.cmpi slt, %add3A_68, %lt3A_69 : i32
      %convert_element_type3A_71 = arith.extui %lt3A_70 : i1 to i32
      %cond3A_72 = arith.constant 0 : i32
      %cond3A_73 = arith.cmpi ne, %convert_element_type3A_71, %cond3A_72 : i32
      scf.if %cond3A_73 {
        %add3A_131 = arith.constant 2 : i32
        %add3A_132 = arith.addi %mul3A_46, %add3A_131 : i32
        %mul3A_133 = arith.constant 128 : i32
        %mul3A_134 = arith.muli %add3A_132, %mul3A_133 : i32
        %add3A_135 = arith.addi %mul3A_2, %mul3A_134 : i32
        %dma_start3A_136 = tpu.memref_slice %arg4[%add3A_135] : memref<327680xi32, #tpu.memory_space<hbm>> -> memref<128xi32, #tpu.memory_space<hbm>>
        %dma_start3A_137 = tpu.memref_slice %arg4[%add3A_135] : memref<327680xi32, #tpu.memory_space<hbm>> -> memref<128xi32, #tpu.memory_space<hbm>>
        tpu.enqueue_dma source(%dma_start3A_137 : memref<128xi32, #tpu.memory_space<hbm>>) target(%arg8 : memref<128xi32, #tpu.memory_space<vmem>>) target_semaphore(%arg16 : memref<!tpu.dma_semaphore, #tpu.memory_space<semaphore_mem>>)
        %dma_start3A_138 = tpu.memref_slice %arg5[%add3A_135] : memref<327680xi32, #tpu.memory_space<hbm>> -> memref<128xi32, #tpu.memory_space<hbm>>
        %dma_start3A_139 = tpu.memref_slice %arg5[%add3A_135] : memref<327680xi32, #tpu.memory_space<hbm>> -> memref<128xi32, #tpu.memory_space<hbm>>
        tpu.enqueue_dma source(%dma_start3A_139 : memref<128xi32, #tpu.memory_space<hbm>>) target(%arg9 : memref<128xi32, #tpu.memory_space<vmem>>) target_semaphore(%arg16 : memref<!tpu.dma_semaphore, #tpu.memory_space<semaphore_mem>>)
      } else {
      }
      %mul3A_74 = arith.constant 128 : i32
      %mul3A_75 = arith.muli %mul3A_46, %mul3A_74 : i32
      %add3A_76 = arith.addi %mul3A_2, %mul3A_75 : i32
      %dma_start3A_77 = arith.constant 0 : i32
      %dma_start3A_78 = tpu.memref_slice %arg6[%add3A_76, %dma_start3A_77] : memref<327680x128xf32, #tpu.memory_space<hbm>> -> memref<128x128xf32, #tpu.memory_space<hbm>>
      %dma_start3A_79 = arith.constant 0 : i32
      %dma_start3A_80 = tpu.memref_slice %arg6[%add3A_76, %dma_start3A_79] : memref<327680x128xf32, #tpu.memory_space<hbm>> -> memref<128x128xf32, #tpu.memory_space<hbm>>
      tpu.enqueue_dma source(%arg12 : memref<128x128xf32, #tpu.memory_space<vmem>>) target(%dma_start3A_80 : memref<128x128xf32, #tpu.memory_space<hbm>>) target_semaphore(%arg20 : memref<!tpu.dma_semaphore, #tpu.memory_space<semaphore_mem>>)
      %dma_start3A_81 = arith.constant 0 : i32
      %dma_start3A_82 = tpu.memref_slice %arg7[%add3A_76, %dma_start3A_81] : memref<327680x128xf32, #tpu.memory_space<hbm>> -> memref<128x128xf32, #tpu.memory_space<hbm>>
      %dma_start3A_83 = arith.constant 0 : i32
      %dma_start3A_84 = tpu.memref_slice %arg7[%add3A_76, %dma_start3A_83] : memref<327680x128xf32, #tpu.memory_space<hbm>> -> memref<128x128xf32, #tpu.memory_space<hbm>>
      tpu.enqueue_dma source(%arg13 : memref<128x128xf32, #tpu.memory_space<vmem>>) target(%dma_start3A_84 : memref<128x128xf32, #tpu.memory_space<hbm>>) target_semaphore(%arg20 : memref<!tpu.dma_semaphore, #tpu.memory_space<semaphore_mem>>)
      %mul3A_85 = arith.constant 2 : i32
      %mul3A_86 = arith.muli %mul3A_85, %scan3A_44 : i32
      %add3A_87 = arith.constant 1 : i32
      %add3A_88 = arith.addi %mul3A_86, %add3A_87 : i32
      %ge3A_89 = arith.constant 1 : i32
      %ge3A_90 = arith.cmpi sge, %add3A_88, %ge3A_89 : i32
      %convert_element_type3A_91 = arith.extui %ge3A_90 : i1 to i32
      %cond3A_92 = arith.constant 0 : i32
      %cond3A_93 = arith.cmpi ne, %convert_element_type3A_91, %cond3A_92 : i32
      scf.if %cond3A_93 {
        %dma_wait3A_131 = arith.constant 0 : i32
        %dma_wait3A_132 = arith.constant 0 : i32
        %dma_wait3A_133 = tpu.memref_slice %arg6[%dma_wait3A_131, %dma_wait3A_132] : memref<327680x128xf32, #tpu.memory_space<hbm>> -> memref<128x128xf32, #tpu.memory_space<hbm>>
        %dma_wait3A_134 = arith.constant 0 : i32
        %dma_wait3A_135 = arith.constant 0 : i32
        %dma_wait3A_136 = tpu.memref_slice %arg6[%dma_wait3A_134, %dma_wait3A_135] : memref<327680x128xf32, #tpu.memory_space<hbm>> -> memref<128x128xf32, #tpu.memory_space<hbm>>
        tpu.wait_dma2 semaphore(%arg20 : memref<!tpu.dma_semaphore, #tpu.memory_space<semaphore_mem>>) src(%arg12 : memref<128x128xf32, #tpu.memory_space<vmem>>) dst(%dma_wait3A_136 : memref<128x128xf32, #tpu.memory_space<hbm>>)
        %dma_wait3A_137 = arith.constant 0 : i32
        %dma_wait3A_138 = arith.constant 0 : i32
        %dma_wait3A_139 = tpu.memref_slice %arg7[%dma_wait3A_137, %dma_wait3A_138] : memref<327680x128xf32, #tpu.memory_space<hbm>> -> memref<128x128xf32, #tpu.memory_space<hbm>>
        %dma_wait3A_140 = arith.constant 0 : i32
        %dma_wait3A_141 = arith.constant 0 : i32
        %dma_wait3A_142 = tpu.memref_slice %arg7[%dma_wait3A_140, %dma_wait3A_141] : memref<327680x128xf32, #tpu.memory_space<hbm>> -> memref<128x128xf32, #tpu.memory_space<hbm>>
        tpu.wait_dma2 semaphore(%arg20 : memref<!tpu.dma_semaphore, #tpu.memory_space<semaphore_mem>>) src(%arg13 : memref<128x128xf32, #tpu.memory_space<vmem>>) dst(%dma_wait3A_142 : memref<128x128xf32, #tpu.memory_space<hbm>>)
      } else {
      }
      %add3A_94 = arith.constant 1 : i32
      %add3A_95 = arith.addi %add3A_88, %add3A_94 : i32
      %lt3A_96 = arith.constant 80 : i32
      %lt3A_97 = arith.cmpi slt, %add3A_95, %lt3A_96 : i32
      %convert_element_type3A_98 = arith.extui %lt3A_97 : i1 to i32
      %cond3A_99 = arith.constant 0 : i32
      %cond3A_100 = arith.cmpi ne, %convert_element_type3A_98, %cond3A_99 : i32
      scf.if %cond3A_100 {
        %dma_wait3A_131 = arith.constant 0 : i32
        %dma_wait3A_132 = tpu.memref_slice %arg4[%dma_wait3A_131] : memref<327680xi32, #tpu.memory_space<hbm>> -> memref<128xi32, #tpu.memory_space<hbm>>
        %dma_wait3A_133 = arith.constant 0 : i32
        %dma_wait3A_134 = tpu.memref_slice %arg4[%dma_wait3A_133] : memref<327680xi32, #tpu.memory_space<hbm>> -> memref<128xi32, #tpu.memory_space<hbm>>
        tpu.wait_dma2 semaphore(%arg16 : memref<!tpu.dma_semaphore, #tpu.memory_space<semaphore_mem>>) src(%dma_wait3A_134 : memref<128xi32, #tpu.memory_space<hbm>>) dst(%arg8 : memref<128xi32, #tpu.memory_space<vmem>>)
        %dma_wait3A_135 = arith.constant 0 : i32
        %dma_wait3A_136 = tpu.memref_slice %arg5[%dma_wait3A_135] : memref<327680xi32, #tpu.memory_space<hbm>> -> memref<128xi32, #tpu.memory_space<hbm>>
        %dma_wait3A_137 = arith.constant 0 : i32
        %dma_wait3A_138 = tpu.memref_slice %arg5[%dma_wait3A_137] : memref<327680xi32, #tpu.memory_space<hbm>> -> memref<128xi32, #tpu.memory_space<hbm>>
        tpu.wait_dma2 semaphore(%arg16 : memref<!tpu.dma_semaphore, #tpu.memory_space<semaphore_mem>>) src(%dma_wait3A_138 : memref<128xi32, #tpu.memory_space<hbm>>) dst(%arg9 : memref<128xi32, #tpu.memory_space<vmem>>)
        %dma_start3A_139 = arith.constant 0 : i32
        %dma_start3A_140 = arith.constant 0 : i32
        %dma_start3A_141 = tpu.memref_slice %arg2[%dma_start3A_139, %dma_start3A_140] : memref<10240x128xf32, #tpu.memory_space<hbm>> -> memref<10240x128xf32, #tpu.memory_space<hbm>>
        tpu.enqueue_indirect_dma source(%dma_start3A_141 : memref<10240x128xf32, #tpu.memory_space<hbm>>) target(%arg12 : memref<128x128xf32, #tpu.memory_space<vmem>>) offsets(%arg8 : memref<128xi32, #tpu.memory_space<vmem>>) semaphore(%arg18 : memref<!tpu.dma_semaphore, #tpu.memory_space<semaphore_mem>>)
        %dma_start3A_142 = arith.constant 0 : i32
        %dma_start3A_143 = arith.constant 0 : i32
        %dma_start3A_144 = tpu.memref_slice %arg3[%dma_start3A_142, %dma_start3A_143] : memref<10240x128xf32, #tpu.memory_space<hbm>> -> memref<10240x128xf32, #tpu.memory_space<hbm>>
        tpu.enqueue_indirect_dma source(%dma_start3A_144 : memref<10240x128xf32, #tpu.memory_space<hbm>>) target(%arg13 : memref<128x128xf32, #tpu.memory_space<vmem>>) offsets(%arg9 : memref<128xi32, #tpu.memory_space<vmem>>) semaphore(%arg18 : memref<!tpu.dma_semaphore, #tpu.memory_space<semaphore_mem>>)
      } else {
      }
      %dma_wait3A_101 = arith.constant 0 : i32
      %dma_wait3A_102 = arith.constant 0 : i32
      %dma_wait3A_103 = tpu.memref_slice %arg2[%dma_wait3A_101, %dma_wait3A_102] : memref<10240x128xf32, #tpu.memory_space<hbm>> -> memref<128x128xf32, #tpu.memory_space<hbm>>
      %dma_wait3A_104 = arith.constant 0 : i32
      %dma_wait3A_105 = arith.constant 0 : i32
      %dma_wait3A_106 = tpu.memref_slice %arg2[%dma_wait3A_104, %dma_wait3A_105] : memref<10240x128xf32, #tpu.memory_space<hbm>> -> memref<128x128xf32, #tpu.memory_space<hbm>>
      tpu.wait_dma2 semaphore(%arg19 : memref<!tpu.dma_semaphore, #tpu.memory_space<semaphore_mem>>) src(%dma_wait3A_106 : memref<128x128xf32, #tpu.memory_space<hbm>>) dst(%arg14 : memref<128x128xf32, #tpu.memory_space<vmem>>)
      %dma_wait3A_107 = arith.constant 0 : i32
      %dma_wait3A_108 = arith.constant 0 : i32
      %dma_wait3A_109 = tpu.memref_slice %arg3[%dma_wait3A_107, %dma_wait3A_108] : memref<10240x128xf32, #tpu.memory_space<hbm>> -> memref<128x128xf32, #tpu.memory_space<hbm>>
      %dma_wait3A_110 = arith.constant 0 : i32
      %dma_wait3A_111 = arith.constant 0 : i32
      %dma_wait3A_112 = tpu.memref_slice %arg3[%dma_wait3A_110, %dma_wait3A_111] : memref<10240x128xf32, #tpu.memory_space<hbm>> -> memref<128x128xf32, #tpu.memory_space<hbm>>
      tpu.wait_dma2 semaphore(%arg19 : memref<!tpu.dma_semaphore, #tpu.memory_space<semaphore_mem>>) src(%dma_wait3A_112 : memref<128x128xf32, #tpu.memory_space<hbm>>) dst(%arg15 : memref<128x128xf32, #tpu.memory_space<vmem>>)
      %add3A_113 = arith.constant 2 : i32
      %add3A_114 = arith.addi %add3A_88, %add3A_113 : i32
      %lt3A_115 = arith.constant 80 : i32
      %lt3A_116 = arith.cmpi slt, %add3A_114, %lt3A_115 : i32
      %convert_element_type3A_117 = arith.extui %lt3A_116 : i1 to i32
      %cond3A_118 = arith.constant 0 : i32
      %cond3A_119 = arith.cmpi ne, %convert_element_type3A_117, %cond3A_118 : i32
      scf.if %cond3A_119 {
        %add3A_131 = arith.constant 2 : i32
        %add3A_132 = arith.addi %add3A_88, %add3A_131 : i32
        %mul3A_133 = arith.constant 128 : i32
        %mul3A_134 = arith.muli %add3A_132, %mul3A_133 : i32
        %add3A_135 = arith.addi %mul3A_2, %mul3A_134 : i32
        %dma_start3A_136 = tpu.memref_slice %arg4[%add3A_135] : memref<327680xi32, #tpu.memory_space<hbm>> -> memref<128xi32, #tpu.memory_space<hbm>>
        %dma_start3A_137 = tpu.memref_slice %arg4[%add3A_135] : memref<327680xi32, #tpu.memory_space<hbm>> -> memref<128xi32, #tpu.memory_space<hbm>>
        tpu.enqueue_dma source(%dma_start3A_137 : memref<128xi32, #tpu.memory_space<hbm>>) target(%arg10 : memref<128xi32, #tpu.memory_space<vmem>>) target_semaphore(%arg17 : memref<!tpu.dma_semaphore, #tpu.memory_space<semaphore_mem>>)
        %dma_start3A_138 = tpu.memref_slice %arg5[%add3A_135] : memref<327680xi32, #tpu.memory_space<hbm>> -> memref<128xi32, #tpu.memory_space<hbm>>
        %dma_start3A_139 = tpu.memref_slice %arg5[%add3A_135] : memref<327680xi32, #tpu.memory_space<hbm>> -> memref<128xi32, #tpu.memory_space<hbm>>
        tpu.enqueue_dma source(%dma_start3A_139 : memref<128xi32, #tpu.memory_space<hbm>>) target(%arg11 : memref<128xi32, #tpu.memory_space<vmem>>) target_semaphore(%arg17 : memref<!tpu.dma_semaphore, #tpu.memory_space<semaphore_mem>>)
      } else {
      }
      %mul3A_120 = arith.constant 128 : i32
      %mul3A_121 = arith.muli %add3A_88, %mul3A_120 : i32
      %add3A_122 = arith.addi %mul3A_2, %mul3A_121 : i32
      %dma_start3A_123 = arith.constant 0 : i32
      %dma_start3A_124 = tpu.memref_slice %arg6[%add3A_122, %dma_start3A_123] : memref<327680x128xf32, #tpu.memory_space<hbm>> -> memref<128x128xf32, #tpu.memory_space<hbm>>
      %dma_start3A_125 = arith.constant 0 : i32
      %dma_start3A_126 = tpu.memref_slice %arg6[%add3A_122, %dma_start3A_125] : memref<327680x128xf32, #tpu.memory_space<hbm>> -> memref<128x128xf32, #tpu.memory_space<hbm>>
      tpu.enqueue_dma source(%arg14 : memref<128x128xf32, #tpu.memory_space<vmem>>) target(%dma_start3A_126 : memref<128x128xf32, #tpu.memory_space<hbm>>) target_semaphore(%arg21 : memref<!tpu.dma_semaphore, #tpu.memory_space<semaphore_mem>>)
      %dma_start3A_127 = arith.constant 0 : i32
      %dma_start3A_128 = tpu.memref_slice %arg7[%add3A_122, %dma_start3A_127] : memref<327680x128xf32, #tpu.memory_space<hbm>> -> memref<128x128xf32, #tpu.memory_space<hbm>>
      %dma_start3A_129 = arith.constant 0 : i32
      %dma_start3A_130 = tpu.memref_slice %arg7[%add3A_122, %dma_start3A_129] : memref<327680x128xf32, #tpu.memory_space<hbm>> -> memref<128x128xf32, #tpu.memory_space<hbm>>
      tpu.enqueue_dma source(%arg15 : memref<128x128xf32, #tpu.memory_space<vmem>>) target(%dma_start3A_130 : memref<128x128xf32, #tpu.memory_space<hbm>>) target_semaphore(%arg21 : memref<!tpu.dma_semaphore, #tpu.memory_space<semaphore_mem>>)
    }
    %scan3A_31 = arith.constant 40 : i32
    %dma_wait3A_32 = arith.constant 0 : i32
    %dma_wait3A_33 = arith.constant 0 : i32
    %dma_wait3A_34 = tpu.memref_slice %arg6[%dma_wait3A_32, %dma_wait3A_33] : memref<327680x128xf32, #tpu.memory_space<hbm>> -> memref<128x128xf32, #tpu.memory_space<hbm>>
    %dma_wait3A_35 = arith.constant 0 : i32
    %dma_wait3A_36 = arith.constant 0 : i32
    %dma_wait3A_37 = tpu.memref_slice %arg6[%dma_wait3A_35, %dma_wait3A_36] : memref<327680x128xf32, #tpu.memory_space<hbm>> -> memref<128x128xf32, #tpu.memory_space<hbm>>
    tpu.wait_dma2 semaphore(%arg21 : memref<!tpu.dma_semaphore, #tpu.memory_space<semaphore_mem>>) src(%arg14 : memref<128x128xf32, #tpu.memory_space<vmem>>) dst(%dma_wait3A_37 : memref<128x128xf32, #tpu.memory_space<hbm>>)
    %dma_wait3A_38 = arith.constant 0 : i32
    %dma_wait3A_39 = arith.constant 0 : i32
    %dma_wait3A_40 = tpu.memref_slice %arg7[%dma_wait3A_38, %dma_wait3A_39] : memref<327680x128xf32, #tpu.memory_space<hbm>> -> memref<128x128xf32, #tpu.memory_space<hbm>>
    %dma_wait3A_41 = arith.constant 0 : i32
    %dma_wait3A_42 = arith.constant 0 : i32
    %dma_wait3A_43 = tpu.memref_slice %arg7[%dma_wait3A_41, %dma_wait3A_42] : memref<327680x128xf32, #tpu.memory_space<hbm>> -> memref<128x128xf32, #tpu.memory_space<hbm>>
    tpu.wait_dma2 semaphore(%arg21 : memref<!tpu.dma_semaphore, #tpu.memory_space<semaphore_mem>>) src(%arg15 : memref<128x128xf32, #tpu.memory_space<vmem>>) dst(%dma_wait3A_43 : memref<128x128xf32, #tpu.memory_space<hbm>>)
    return
  }
}

#map = affine_map<(d0, d1) -> (0, 0)>
#map1 = affine_map<(d0, d1) -> (0)>
module attributes {stable_mosaic.version = 14 : i64} {
  func.func @_scatter_body(%arg0: i32, %arg1: i32, %arg2: memref<327680x128xf32, #tpu.memory_space<hbm>>, %arg3: memref<327680xi32, #tpu.memory_space<hbm>>, %arg4: memref<10240x128xf32, #tpu.memory_space<hbm>>, %arg5: memref<20480x128xf32, #tpu.memory_space<hbm>>, %arg6: memref<128xi32, #tpu.memory_space<vmem>>, %arg7: memref<128xi32, #tpu.memory_space<vmem>>, %arg8: memref<128x128xf32, #tpu.memory_space<vmem>>, %arg9: memref<128x128xf32, #tpu.memory_space<vmem>>, %arg10: memref<10240x128xf32, #tpu.memory_space<vmem_shared>>, %arg11: memref<!tpu.dma_semaphore, #tpu.memory_space<semaphore_mem>>, %arg12: memref<!tpu.dma_semaphore, #tpu.memory_space<semaphore_mem>>) attributes {dimension_semantics = [#tpu.dimension_semantics<core_parallel>, #tpu.dimension_semantics<subcore_parallel>], iteration_bounds = array<i64: 2, 16>, scalar_prefetch = 0 : i64, scratch_operands = 7 : i64, tpu.core_type = #tpu.core_type<sc_vector_subcore>, window_params = [{transform_indices = #map}, {transform_indices = #map1}, {transform_indices = #map}, {transform_indices = #map}]} {
    %mul3A = arith.constant 2 : i32
    %mul3A_0 = arith.muli %arg1, %mul3A : i32
    %add3A = arith.addi %mul3A_0, %arg0 : i32
    %mul3A_1 = arith.constant 640 : i32
    %mul3A_2 = arith.muli %arg1, %mul3A_1 : i32
    %mul3A_3 = arith.constant 640 : i32
    %mul3A_4 = arith.muli %arg1, %mul3A_3 : i32
    "tpu.region"() ({
      %run_scoped3A = tpu.sem_alloc : memref<!tpu.dma_semaphore, #tpu.memory_space<semaphore_mem>>
      %dma_start3A_29 = arith.constant 0 : i32
      %dma_start3A_30 = tpu.memref_slice %arg10[%mul3A_4, %dma_start3A_29] : memref<10240x128xf32, #tpu.memory_space<vmem_shared>> -> memref<640x128xf32, #tpu.memory_space<vmem_shared>>
      %dma_start3A_31 = arith.constant 0 : i32
      %dma_start3A_32 = tpu.memref_slice %arg4[%mul3A_2, %dma_start3A_31] : memref<10240x128xf32, #tpu.memory_space<hbm>> -> memref<640x128xf32, #tpu.memory_space<hbm>>
      tpu.enqueue_dma source(%dma_start3A_32 : memref<640x128xf32, #tpu.memory_space<hbm>>) target(%dma_start3A_30 : memref<640x128xf32, #tpu.memory_space<vmem_shared>>) target_semaphore(%run_scoped3A : memref<!tpu.dma_semaphore, #tpu.memory_space<semaphore_mem>>)
      %dma_wait3A = arith.constant 0 : i32
      %dma_wait3A_33 = tpu.memref_slice %arg10[%mul3A_4, %dma_wait3A] : memref<10240x128xf32, #tpu.memory_space<vmem_shared>> -> memref<640x128xf32, #tpu.memory_space<vmem_shared>>
      %dma_wait3A_34 = arith.constant 0 : i32
      %dma_wait3A_35 = tpu.memref_slice %arg4[%mul3A_2, %dma_wait3A_34] : memref<10240x128xf32, #tpu.memory_space<hbm>> -> memref<640x128xf32, #tpu.memory_space<hbm>>
      tpu.wait_dma2 semaphore(%run_scoped3A : memref<!tpu.dma_semaphore, #tpu.memory_space<semaphore_mem>>) src(%dma_wait3A_35 : memref<640x128xf32, #tpu.memory_space<hbm>>) dst(%dma_wait3A_33 : memref<640x128xf32, #tpu.memory_space<vmem_shared>>)
      tpu.yield
    }) : () -> ()
    %barrier3A = arith.constant 0 : index
    tpu.barrier barrier_id(%barrier3A)
    %mul3A_5 = arith.constant 80 : i32
    %mul3A_6 = arith.muli %add3A, %mul3A_5 : i32
    %add3A_7 = arith.constant 0 : i32
    %add3A_8 = arith.addi %mul3A_6, %add3A_7 : i32
    %mul3A_9 = arith.constant 128 : i32
    %mul3A_10 = arith.muli %add3A_8, %mul3A_9 : i32
    %dma_start3A = arith.constant 0 : i32
    %dma_start3A_11 = tpu.memref_slice %arg2[%mul3A_10, %dma_start3A] : memref<327680x128xf32, #tpu.memory_space<hbm>> -> memref<128x128xf32, #tpu.memory_space<hbm>>
    %dma_start3A_12 = arith.constant 0 : i32
    %dma_start3A_13 = tpu.memref_slice %arg2[%mul3A_10, %dma_start3A_12] : memref<327680x128xf32, #tpu.memory_space<hbm>> -> memref<128x128xf32, #tpu.memory_space<hbm>>
    tpu.enqueue_dma source(%dma_start3A_13 : memref<128x128xf32, #tpu.memory_space<hbm>>) target(%arg8 : memref<128x128xf32, #tpu.memory_space<vmem>>) target_semaphore(%arg11 : memref<!tpu.dma_semaphore, #tpu.memory_space<semaphore_mem>>)
    %dma_start3A_14 = tpu.memref_slice %arg3[%mul3A_10] : memref<327680xi32, #tpu.memory_space<hbm>> -> memref<128xi32, #tpu.memory_space<hbm>>
    %dma_start3A_15 = tpu.memref_slice %arg3[%mul3A_10] : memref<327680xi32, #tpu.memory_space<hbm>> -> memref<128xi32, #tpu.memory_space<hbm>>
    tpu.enqueue_dma source(%dma_start3A_15 : memref<128xi32, #tpu.memory_space<hbm>>) target(%arg6 : memref<128xi32, #tpu.memory_space<vmem>>) target_semaphore(%arg11 : memref<!tpu.dma_semaphore, #tpu.memory_space<semaphore_mem>>)
    %scan3A = arith.constant 0 : i32
    %scan3A_16 = arith.constant 0 : i32
    %scan3A_17 = arith.constant 40 : i32
    %scan3A_18 = arith.addi %scan3A_16, %scan3A_17 : i32
    %scan3A_19 = arith.constant 1 : i32
    scf.for %scan3A_29 = %scan3A_16 to %scan3A_18 step %scan3A_19  : i32 {
      %mul3A_30 = arith.constant 2 : i32
      %mul3A_31 = arith.muli %mul3A_30, %scan3A_29 : i32
      %add3A_32 = arith.constant 1 : i32
      %add3A_33 = arith.addi %mul3A_31, %add3A_32 : i32
      %lt3A = arith.constant 80 : i32
      %lt3A_34 = arith.cmpi slt, %add3A_33, %lt3A : i32
      %convert_element_type3A = arith.extui %lt3A_34 : i1 to i32
      %cond3A = arith.constant 0 : i32
      %cond3A_35 = arith.cmpi ne, %convert_element_type3A, %cond3A : i32
      scf.if %cond3A_35 {
        %add3A_66 = arith.constant 1 : i32
        %add3A_67 = arith.addi %mul3A_31, %add3A_66 : i32
        %mul3A_68 = arith.constant 80 : i32
        %mul3A_69 = arith.muli %add3A, %mul3A_68 : i32
        %add3A_70 = arith.addi %mul3A_69, %add3A_67 : i32
        %mul3A_71 = arith.constant 128 : i32
        %mul3A_72 = arith.muli %add3A_70, %mul3A_71 : i32
        %dma_start3A_73 = arith.constant 0 : i32
        %dma_start3A_74 = tpu.memref_slice %arg2[%mul3A_72, %dma_start3A_73] : memref<327680x128xf32, #tpu.memory_space<hbm>> -> memref<128x128xf32, #tpu.memory_space<hbm>>
        %dma_start3A_75 = arith.constant 0 : i32
        %dma_start3A_76 = tpu.memref_slice %arg2[%mul3A_72, %dma_start3A_75] : memref<327680x128xf32, #tpu.memory_space<hbm>> -> memref<128x128xf32, #tpu.memory_space<hbm>>
        tpu.enqueue_dma source(%dma_start3A_76 : memref<128x128xf32, #tpu.memory_space<hbm>>) target(%arg9 : memref<128x128xf32, #tpu.memory_space<vmem>>) target_semaphore(%arg12 : memref<!tpu.dma_semaphore, #tpu.memory_space<semaphore_mem>>)
        %dma_start3A_77 = tpu.memref_slice %arg3[%mul3A_72] : memref<327680xi32, #tpu.memory_space<hbm>> -> memref<128xi32, #tpu.memory_space<hbm>>
        %dma_start3A_78 = tpu.memref_slice %arg3[%mul3A_72] : memref<327680xi32, #tpu.memory_space<hbm>> -> memref<128xi32, #tpu.memory_space<hbm>>
        tpu.enqueue_dma source(%dma_start3A_78 : memref<128xi32, #tpu.memory_space<hbm>>) target(%arg7 : memref<128xi32, #tpu.memory_space<vmem>>) target_semaphore(%arg12 : memref<!tpu.dma_semaphore, #tpu.memory_space<semaphore_mem>>)
      } else {
      }
      %dma_wait3A = arith.constant 0 : i32
      %dma_wait3A_36 = arith.constant 0 : i32
      %dma_wait3A_37 = tpu.memref_slice %arg2[%dma_wait3A, %dma_wait3A_36] : memref<327680x128xf32, #tpu.memory_space<hbm>> -> memref<128x128xf32, #tpu.memory_space<hbm>>
      %dma_wait3A_38 = arith.constant 0 : i32
      %dma_wait3A_39 = arith.constant 0 : i32
      %dma_wait3A_40 = tpu.memref_slice %arg2[%dma_wait3A_38, %dma_wait3A_39] : memref<327680x128xf32, #tpu.memory_space<hbm>> -> memref<128x128xf32, #tpu.memory_space<hbm>>
      tpu.wait_dma2 semaphore(%arg11 : memref<!tpu.dma_semaphore, #tpu.memory_space<semaphore_mem>>) src(%dma_wait3A_40 : memref<128x128xf32, #tpu.memory_space<hbm>>) dst(%arg8 : memref<128x128xf32, #tpu.memory_space<vmem>>)
      %dma_wait3A_41 = arith.constant 0 : i32
      %dma_wait3A_42 = tpu.memref_slice %arg3[%dma_wait3A_41] : memref<327680xi32, #tpu.memory_space<hbm>> -> memref<128xi32, #tpu.memory_space<hbm>>
      %dma_wait3A_43 = arith.constant 0 : i32
      %dma_wait3A_44 = tpu.memref_slice %arg3[%dma_wait3A_43] : memref<327680xi32, #tpu.memory_space<hbm>> -> memref<128xi32, #tpu.memory_space<hbm>>
      tpu.wait_dma2 semaphore(%arg11 : memref<!tpu.dma_semaphore, #tpu.memory_space<semaphore_mem>>) src(%dma_wait3A_44 : memref<128xi32, #tpu.memory_space<hbm>>) dst(%arg6 : memref<128xi32, #tpu.memory_space<vmem>>)
      "tpu.region"() ({
        %run_scoped3A = tpu.sem_alloc : memref<!tpu.dma_semaphore, #tpu.memory_space<semaphore_mem>>
        %dma_start3A_66 = arith.constant 0 : i32
        %dma_start3A_67 = arith.constant 0 : i32
        %dma_start3A_68 = tpu.memref_slice %arg10[%dma_start3A_66, %dma_start3A_67] : memref<10240x128xf32, #tpu.memory_space<vmem_shared>> -> memref<10240x128xf32, #tpu.memory_space<vmem_shared>>
        tpu.enqueue_indirect_dma source(%arg8 : memref<128x128xf32, #tpu.memory_space<vmem>>) target(%dma_start3A_68 : memref<10240x128xf32, #tpu.memory_space<vmem_shared>>) offsets(%arg6 : memref<128xi32, #tpu.memory_space<vmem>>) semaphore(%run_scoped3A : memref<!tpu.dma_semaphore, #tpu.memory_space<semaphore_mem>>) {add = true}
        %dma_wait3A_69 = arith.constant 0 : i32
        %dma_wait3A_70 = arith.constant 0 : i32
        %dma_wait3A_71 = tpu.memref_slice %arg10[%dma_wait3A_69, %dma_wait3A_70] : memref<10240x128xf32, #tpu.memory_space<vmem_shared>> -> memref<10240x128xf32, #tpu.memory_space<vmem_shared>>
        tpu.wait_indirect_dma semaphore(%run_scoped3A : memref<!tpu.dma_semaphore, #tpu.memory_space<semaphore_mem>>) src(%arg8 : memref<128x128xf32, #tpu.memory_space<vmem>>) dst(%dma_wait3A_71 : memref<10240x128xf32, #tpu.memory_space<vmem_shared>>)
        tpu.yield
      }) : () -> ()
      %mul3A_45 = arith.constant 2 : i32
      %mul3A_46 = arith.muli %mul3A_45, %scan3A_29 : i32
      %add3A_47 = arith.constant 1 : i32
      %add3A_48 = arith.addi %mul3A_46, %add3A_47 : i32
      %add3A_49 = arith.constant 1 : i32
      %add3A_50 = arith.addi %add3A_48, %add3A_49 : i32
      %lt3A_51 = arith.constant 80 : i32
      %lt3A_52 = arith.cmpi slt, %add3A_50, %lt3A_51 : i32
      %convert_element_type3A_53 = arith.extui %lt3A_52 : i1 to i32
      %cond3A_54 = arith.constant 0 : i32
      %cond3A_55 = arith.cmpi ne, %convert_element_type3A_53, %cond3A_54 : i32
      scf.if %cond3A_55 {
        %add3A_66 = arith.constant 1 : i32
        %add3A_67 = arith.addi %add3A_48, %add3A_66 : i32
        %mul3A_68 = arith.constant 80 : i32
        %mul3A_69 = arith.muli %add3A, %mul3A_68 : i32
        %add3A_70 = arith.addi %mul3A_69, %add3A_67 : i32
        %mul3A_71 = arith.constant 128 : i32
        %mul3A_72 = arith.muli %add3A_70, %mul3A_71 : i32
        %dma_start3A_73 = arith.constant 0 : i32
        %dma_start3A_74 = tpu.memref_slice %arg2[%mul3A_72, %dma_start3A_73] : memref<327680x128xf32, #tpu.memory_space<hbm>> -> memref<128x128xf32, #tpu.memory_space<hbm>>
        %dma_start3A_75 = arith.constant 0 : i32
        %dma_start3A_76 = tpu.memref_slice %arg2[%mul3A_72, %dma_start3A_75] : memref<327680x128xf32, #tpu.memory_space<hbm>> -> memref<128x128xf32, #tpu.memory_space<hbm>>
        tpu.enqueue_dma source(%dma_start3A_76 : memref<128x128xf32, #tpu.memory_space<hbm>>) target(%arg8 : memref<128x128xf32, #tpu.memory_space<vmem>>) target_semaphore(%arg11 : memref<!tpu.dma_semaphore, #tpu.memory_space<semaphore_mem>>)
        %dma_start3A_77 = tpu.memref_slice %arg3[%mul3A_72] : memref<327680xi32, #tpu.memory_space<hbm>> -> memref<128xi32, #tpu.memory_space<hbm>>
        %dma_start3A_78 = tpu.memref_slice %arg3[%mul3A_72] : memref<327680xi32, #tpu.memory_space<hbm>> -> memref<128xi32, #tpu.memory_space<hbm>>
        tpu.enqueue_dma source(%dma_start3A_78 : memref<128xi32, #tpu.memory_space<hbm>>) target(%arg6 : memref<128xi32, #tpu.memory_space<vmem>>) target_semaphore(%arg11 : memref<!tpu.dma_semaphore, #tpu.memory_space<semaphore_mem>>)
      } else {
      }
      %dma_wait3A_56 = arith.constant 0 : i32
      %dma_wait3A_57 = arith.constant 0 : i32
      %dma_wait3A_58 = tpu.memref_slice %arg2[%dma_wait3A_56, %dma_wait3A_57] : memref<327680x128xf32, #tpu.memory_space<hbm>> -> memref<128x128xf32, #tpu.memory_space<hbm>>
      %dma_wait3A_59 = arith.constant 0 : i32
      %dma_wait3A_60 = arith.constant 0 : i32
      %dma_wait3A_61 = tpu.memref_slice %arg2[%dma_wait3A_59, %dma_wait3A_60] : memref<327680x128xf32, #tpu.memory_space<hbm>> -> memref<128x128xf32, #tpu.memory_space<hbm>>
      tpu.wait_dma2 semaphore(%arg12 : memref<!tpu.dma_semaphore, #tpu.memory_space<semaphore_mem>>) src(%dma_wait3A_61 : memref<128x128xf32, #tpu.memory_space<hbm>>) dst(%arg9 : memref<128x128xf32, #tpu.memory_space<vmem>>)
      %dma_wait3A_62 = arith.constant 0 : i32
      %dma_wait3A_63 = tpu.memref_slice %arg3[%dma_wait3A_62] : memref<327680xi32, #tpu.memory_space<hbm>> -> memref<128xi32, #tpu.memory_space<hbm>>
      %dma_wait3A_64 = arith.constant 0 : i32
      %dma_wait3A_65 = tpu.memref_slice %arg3[%dma_wait3A_64] : memref<327680xi32, #tpu.memory_space<hbm>> -> memref<128xi32, #tpu.memory_space<hbm>>
      tpu.wait_dma2 semaphore(%arg12 : memref<!tpu.dma_semaphore, #tpu.memory_space<semaphore_mem>>) src(%dma_wait3A_65 : memref<128xi32, #tpu.memory_space<hbm>>) dst(%arg7 : memref<128xi32, #tpu.memory_space<vmem>>)
      "tpu.region"() ({
        %run_scoped3A = tpu.sem_alloc : memref<!tpu.dma_semaphore, #tpu.memory_space<semaphore_mem>>
        %dma_start3A_66 = arith.constant 0 : i32
        %dma_start3A_67 = arith.constant 0 : i32
        %dma_start3A_68 = tpu.memref_slice %arg10[%dma_start3A_66, %dma_start3A_67] : memref<10240x128xf32, #tpu.memory_space<vmem_shared>> -> memref<10240x128xf32, #tpu.memory_space<vmem_shared>>
        tpu.enqueue_indirect_dma source(%arg9 : memref<128x128xf32, #tpu.memory_space<vmem>>) target(%dma_start3A_68 : memref<10240x128xf32, #tpu.memory_space<vmem_shared>>) offsets(%arg7 : memref<128xi32, #tpu.memory_space<vmem>>) semaphore(%run_scoped3A : memref<!tpu.dma_semaphore, #tpu.memory_space<semaphore_mem>>) {add = true}
        %dma_wait3A_69 = arith.constant 0 : i32
        %dma_wait3A_70 = arith.constant 0 : i32
        %dma_wait3A_71 = tpu.memref_slice %arg10[%dma_wait3A_69, %dma_wait3A_70] : memref<10240x128xf32, #tpu.memory_space<vmem_shared>> -> memref<10240x128xf32, #tpu.memory_space<vmem_shared>>
        tpu.wait_indirect_dma semaphore(%run_scoped3A : memref<!tpu.dma_semaphore, #tpu.memory_space<semaphore_mem>>) src(%arg9 : memref<128x128xf32, #tpu.memory_space<vmem>>) dst(%dma_wait3A_71 : memref<10240x128xf32, #tpu.memory_space<vmem_shared>>)
        tpu.yield
      }) : () -> ()
    }
    %scan3A_20 = arith.constant 40 : i32
    %barrier3A_21 = arith.constant 0 : index
    tpu.barrier barrier_id(%barrier3A_21)
    %mul3A_22 = arith.constant 640 : i32
    %mul3A_23 = arith.muli %arg1, %mul3A_22 : i32
    %mul3A_24 = arith.constant 10240 : i32
    %mul3A_25 = arith.muli %arg0, %mul3A_24 : i32
    %mul3A_26 = arith.constant 640 : i32
    %mul3A_27 = arith.muli %arg1, %mul3A_26 : i32
    %add3A_28 = arith.addi %mul3A_25, %mul3A_27 : i32
    "tpu.region"() ({
      %run_scoped3A = tpu.sem_alloc : memref<!tpu.dma_semaphore, #tpu.memory_space<semaphore_mem>>
      %dma_start3A_29 = arith.constant 0 : i32
      %dma_start3A_30 = tpu.memref_slice %arg5[%add3A_28, %dma_start3A_29] : memref<20480x128xf32, #tpu.memory_space<hbm>> -> memref<640x128xf32, #tpu.memory_space<hbm>>
      %dma_start3A_31 = arith.constant 0 : i32
      %dma_start3A_32 = tpu.memref_slice %arg10[%mul3A_23, %dma_start3A_31] : memref<10240x128xf32, #tpu.memory_space<vmem_shared>> -> memref<640x128xf32, #tpu.memory_space<vmem_shared>>
      tpu.enqueue_dma source(%dma_start3A_32 : memref<640x128xf32, #tpu.memory_space<vmem_shared>>) target(%dma_start3A_30 : memref<640x128xf32, #tpu.memory_space<hbm>>) target_semaphore(%run_scoped3A : memref<!tpu.dma_semaphore, #tpu.memory_space<semaphore_mem>>)
      %dma_wait3A = arith.constant 0 : i32
      %dma_wait3A_33 = tpu.memref_slice %arg5[%add3A_28, %dma_wait3A] : memref<20480x128xf32, #tpu.memory_space<hbm>> -> memref<640x128xf32, #tpu.memory_space<hbm>>
      %dma_wait3A_34 = arith.constant 0 : i32
      %dma_wait3A_35 = tpu.memref_slice %arg10[%mul3A_23, %dma_wait3A_34] : memref<10240x128xf32, #tpu.memory_space<vmem_shared>> -> memref<640x128xf32, #tpu.memory_space<vmem_shared>>
      tpu.wait_dma2 semaphore(%run_scoped3A : memref<!tpu.dma_semaphore, #tpu.memory_space<semaphore_mem>>) src(%dma_wait3A_35 : memref<640x128xf32, #tpu.memory_space<vmem_shared>>) dst(%dma_wait3A_33 : memref<640x128xf32, #tpu.memory_space<hbm>>)
      tpu.yield
    }) : () -> ()
    return
  }
}

module attributes {stable_mosaic.version = 14 : i64} {
  func.func @_ab_body(%arg0: i32, %arg1: memref<1024x128xf32, #tpu.memory_space<vmem>>, %arg2: memref<128x128xf32, #tpu.memory_space<vmem>>, %arg3: memref<128x128xf32, #tpu.memory_space<vmem>>, %arg4: memref<1x128xf32, #tpu.memory_space<vmem>>, %arg5: memref<1024x128xf32, #tpu.memory_space<vmem>>, %arg6: memref<1024x128xf32, #tpu.memory_space<vmem>>) attributes {dimension_semantics = [#tpu.dimension_semantics<arbitrary>], iteration_bounds = array<i64: 10>, scalar_prefetch = 0 : i64, scratch_operands = 0 : i64, tpu.core_type = #tpu.core_type<tc>, window_params = [{transform_indices = @transform_0, window_bounds = array<i64: 1024, 128>}, {pipeline_mode = #tpu.pipeline_mode<synchronous>, transform_indices = @transform_1, window_bounds = array<i64: 128, 128>}, {pipeline_mode = #tpu.pipeline_mode<synchronous>, transform_indices = @transform_2, window_bounds = array<i64: 128, 128>}, {pipeline_mode = #tpu.pipeline_mode<synchronous>, transform_indices = @transform_3, window_bounds = array<i64: 1, 128>}, {transform_indices = @transform_4, window_bounds = array<i64: 1024, 128>}, {transform_indices = @transform_5, window_bounds = array<i64: 1024, 128>}]} {
    %get3A = arith.constant 0 : index
    %get3A_0 = arith.constant 0 : index
    %get3A_1 = vector.load %arg1[%get3A, %get3A_0] : memref<1024x128xf32, #tpu.memory_space<vmem>>, vector<1024x128xf32>
    %get3A_2 = arith.constant 0 : index
    %get3A_3 = arith.constant 0 : index
    %get3A_4 = vector.load %arg2[%get3A_2, %get3A_3] : memref<128x128xf32, #tpu.memory_space<vmem>>, vector<128x128xf32>
    %dot_general3A = arith.constant dense<0.000000e+00> : vector<1024x128xf32>
    %dot_general3A_5 = tpu.matmul %get3A_1, %get3A_4, %dot_general3A {dimension_numbers = #tpu.dot_dimension_numbers<[1], [0], [0], [1], [0, 0, 1, 1], [], []>, transpose_lhs_hint = false} : vector<1024x128xf32>, vector<128x128xf32>, vector<1024x128xf32> -> vector<1024x128xf32>
    %get3A_6 = arith.constant 0 : index
    %get3A_7 = arith.constant 0 : index
    %get3A_8 = vector.load %arg4[%get3A_6, %get3A_7] : memref<1x128xf32, #tpu.memory_space<vmem>>, vector<1x128xf32>
    %add3A = vector.broadcast %get3A_8 : vector<1x128xf32> to vector<1024x128xf32>
    %add3A_9 = arith.addf %dot_general3A_5, %add3A : vector<1024x128xf32>
    %swap3A = arith.constant 0 : index
    %swap3A_10 = arith.constant 0 : index
    %swap3A_11 = vector.load %arg5[%swap3A, %swap3A_10] : memref<1024x128xf32, #tpu.memory_space<vmem>>, vector<1024x128xf32>
    tpu.vector_store %arg5[%swap3A, %swap3A_10], %add3A_9 {strides = array<i32>} : memref<1024x128xf32, #tpu.memory_space<vmem>>, vector<1024x128xf32>,
    %get3A_12 = arith.constant 0 : index
    %get3A_13 = arith.constant 0 : index
    %get3A_14 = vector.load %arg3[%get3A_12, %get3A_13] : memref<128x128xf32, #tpu.memory_space<vmem>>, vector<128x128xf32>
    %dot_general3A_15 = arith.constant dense<0.000000e+00> : vector<1024x128xf32>
    %dot_general3A_16 = tpu.matmul %get3A_1, %get3A_14, %dot_general3A_15 {dimension_numbers = #tpu.dot_dimension_numbers<[1], [0], [0], [1], [0, 0, 1, 1], [], []>, transpose_lhs_hint = false} : vector<1024x128xf32>, vector<128x128xf32>, vector<1024x128xf32> -> vector<1024x128xf32>
    %swap3A_17 = arith.constant 0 : index
    %swap3A_18 = arith.constant 0 : index
    %swap3A_19 = vector.load %arg6[%swap3A_17, %swap3A_18] : memref<1024x128xf32, #tpu.memory_space<vmem>>, vector<1024x128xf32>
    tpu.vector_store %arg6[%swap3A_17, %swap3A_18], %dot_general3A_16 {strides = array<i32>} : memref<1024x128xf32, #tpu.memory_space<vmem>>, vector<1024x128xf32>,
    return
  }
  func.func @transform_0(%arg0: i32) -> (i32, i32) {
    %c0_i32 = arith.constant 0 : i32
    %c0_i32_0 = arith.constant 0 : i32
    return %arg0, %c0_i32 : i32, i32
  }
  func.func @transform_1(%arg0: i32) -> (i32, i32) {
    %c0_i32 = arith.constant 0 : i32
    %c0_i32_0 = arith.constant 0 : i32
    %c0_i32_1 = arith.constant 0 : i32
    return %c0_i32, %c0_i32_0 : i32, i32
  }
  func.func @transform_2(%arg0: i32) -> (i32, i32) {
    %c0_i32 = arith.constant 0 : i32
    %c0_i32_0 = arith.constant 0 : i32
    %c0_i32_1 = arith.constant 0 : i32
    return %c0_i32, %c0_i32_0 : i32, i32
  }
  func.func @transform_3(%arg0: i32) -> (i32, i32) {
    %c0_i32 = arith.constant 0 : i32
    %c0_i32_0 = arith.constant 0 : i32
    %c0_i32_1 = arith.constant 0 : i32
    return %c0_i32, %c0_i32_0 : i32, i32
  }
  func.func @transform_4(%arg0: i32) -> (i32, i32) {
    %c0_i32 = arith.constant 0 : i32
    %c0_i32_0 = arith.constant 0 : i32
    return %arg0, %c0_i32 : i32, i32
  }
  func.func @transform_5(%arg0: i32) -> (i32, i32) {
    %c0_i32 = arith.constant 0 : i32
    %c0_i32_0 = arith.constant 0 : i32
    return %arg0, %c0_i32 : i32, i32
  }
}

module attributes {stable_mosaic.version = 14 : i64} {
  func.func @_edge_body(%arg0: i32, %arg1: memref<2048x128xf32, #tpu.memory_space<vmem>>, %arg2: memref<2048x128xf32, #tpu.memory_space<vmem>>, %arg3: memref<2048x4xf32, #tpu.memory_space<vmem>>, %arg4: memref<1x128xf32, #tpu.memory_space<vmem>>, %arg5: memref<128x128xf32, #tpu.memory_space<vmem>>, %arg6: memref<1x128xf32, #tpu.memory_space<vmem>>, %arg7: memref<128x128xf32, #tpu.memory_space<vmem>>, %arg8: memref<1x128xf32, #tpu.memory_space<vmem>>, %arg9: memref<1x128xf32, #tpu.memory_space<vmem>>, %arg10: memref<2048x128xf32, #tpu.memory_space<vmem>>, %arg11: memref<2048x128xf32, #tpu.memory_space<vmem>>) attributes {dimension_semantics = [#tpu.dimension_semantics<arbitrary>], iteration_bounds = array<i64: 160>, scalar_prefetch = 0 : i64, scratch_operands = 0 : i64, tpu.core_type = #tpu.core_type<tc>, window_params = [{transform_indices = @transform_0, window_bounds = array<i64: 2048, 128>}, {transform_indices = @transform_1, window_bounds = array<i64: 2048, 128>}, {transform_indices = @transform_2, window_bounds = array<i64: 2048, 4>}, {pipeline_mode = #tpu.pipeline_mode<synchronous>, transform_indices = @transform_3, window_bounds = array<i64: 1, 128>}, {pipeline_mode = #tpu.pipeline_mode<synchronous>, transform_indices = @transform_4, window_bounds = array<i64: 128, 128>}, {pipeline_mode = #tpu.pipeline_mode<synchronous>, transform_indices = @transform_5, window_bounds = array<i64: 1, 128>}, {pipeline_mode = #tpu.pipeline_mode<synchronous>, transform_indices = @transform_6, window_bounds = array<i64: 128, 128>}, {pipeline_mode = #tpu.pipeline_mode<synchronous>, transform_indices = @transform_7, window_bounds = array<i64: 1, 128>}, {pipeline_mode = #tpu.pipeline_mode<synchronous>, transform_indices = @transform_8, window_bounds = array<i64: 1, 128>}, {transform_indices = @transform_9, window_bounds = array<i64: 2048, 128>}, {transform_indices = @transform_10, window_bounds = array<i64: 2048, 128>}]} {
    %get3A = arith.constant 0 : index
    %get3A_0 = arith.constant 0 : index
    %get3A_1 = vector.load %arg3[%get3A, %get3A_0] : memref<2048x4xf32, #tpu.memory_space<vmem>>, vector<2048x4xf32>
    %mul3A = arith.mulf %get3A_1, %get3A_1 : vector<2048x4xf32>
    %reduce_sum3A = arith.constant dense<0.000000e+00> : vector<2048xf32>
    %reduce_sum3A_2 = vector.multi_reduction <add>, %mul3A, %reduce_sum3A [1] : vector<2048x4xf32> to vector<2048xf32>
    %broadcast_in_dim3A = vector.shape_cast %reduce_sum3A_2 : vector<2048xf32> to vector<2048x1xf32>
    %sqrt3A = math.sqrt %broadcast_in_dim3A : vector<2048x1xf32>
    %get3A_3 = arith.constant 0 : index
    %get3A_4 = arith.constant 0 : index
    %get3A_5 = vector.load %arg1[%get3A_3, %get3A_4] : memref<2048x128xf32, #tpu.memory_space<vmem>>, vector<2048x128xf32>
    %get3A_6 = arith.constant 0 : index
    %get3A_7 = arith.constant 0 : index
    %get3A_8 = vector.load %arg2[%get3A_6, %get3A_7] : memref<2048x128xf32, #tpu.memory_space<vmem>>, vector<2048x128xf32>
    %add3A = arith.addf %get3A_5, %get3A_8 : vector<2048x128xf32>
    %get3A_9 = arith.constant 0 : index
    %get3A_10 = arith.constant 0 : index
    %get3A_11 = vector.load %arg4[%get3A_9, %get3A_10] : memref<1x128xf32, #tpu.memory_space<vmem>>, vector<1x128xf32>
    %mul3A_12 = vector.broadcast %sqrt3A : vector<2048x1xf32> to vector<2048x128xf32>
    %mul3A_13 = vector.broadcast %get3A_11 : vector<1x128xf32> to vector<2048x128xf32>
    %mul3A_14 = arith.mulf %mul3A_12, %mul3A_13 : vector<2048x128xf32>
    %add3A_15 = arith.addf %add3A, %mul3A_14 : vector<2048x128xf32>
    %logistic3A = arith.negf %add3A_15 : vector<2048x128xf32>
    %logistic3A_16 = math.exp %logistic3A : vector<2048x128xf32>
    %logistic3A_17 = arith.constant 1.000000e+00 : f32
    %logistic3A_18 = vector.broadcast %logistic3A_17 : f32 to vector<2048x128xf32>
    %logistic3A_19 = arith.addf %logistic3A_18, %logistic3A_16 : vector<2048x128xf32>
    %logistic3A_20 = arith.divf %logistic3A_18, %logistic3A_19 : vector<2048x128xf32>
    %mul3A_21 = arith.mulf %add3A_15, %logistic3A_20 : vector<2048x128xf32>
    %get3A_22 = arith.constant 0 : index
    %get3A_23 = arith.constant 0 : index
    %get3A_24 = vector.load %arg5[%get3A_22, %get3A_23] : memref<128x128xf32, #tpu.memory_space<vmem>>, vector<128x128xf32>
    %dot_general3A = arith.constant dense<0.000000e+00> : vector<2048x128xf32>
    %dot_general3A_25 = tpu.matmul %mul3A_21, %get3A_24, %dot_general3A {dimension_numbers = #tpu.dot_dimension_numbers<[1], [0], [0], [1], [0, 0, 1, 1], [], []>, transpose_lhs_hint = false} : vector<2048x128xf32>, vector<128x128xf32>, vector<2048x128xf32> -> vector<2048x128xf32>
    %get3A_26 = arith.constant 0 : index
    %get3A_27 = arith.constant 0 : index
    %get3A_28 = vector.load %arg6[%get3A_26, %get3A_27] : memref<1x128xf32, #tpu.memory_space<vmem>>, vector<1x128xf32>
    %add3A_29 = vector.broadcast %get3A_28 : vector<1x128xf32> to vector<2048x128xf32>
    %add3A_30 = arith.addf %dot_general3A_25, %add3A_29 : vector<2048x128xf32>
    %logistic3A_31 = arith.negf %add3A_30 : vector<2048x128xf32>
    %logistic3A_32 = math.exp %logistic3A_31 : vector<2048x128xf32>
    %logistic3A_33 = arith.constant 1.000000e+00 : f32
    %logistic3A_34 = vector.broadcast %logistic3A_33 : f32 to vector<2048x128xf32>
    %logistic3A_35 = arith.addf %logistic3A_34, %logistic3A_32 : vector<2048x128xf32>
    %logistic3A_36 = arith.divf %logistic3A_34, %logistic3A_35 : vector<2048x128xf32>
    %mul3A_37 = arith.mulf %add3A_30, %logistic3A_36 : vector<2048x128xf32>
    %swap3A = arith.constant 0 : index
    %swap3A_38 = arith.constant 0 : index
    %swap3A_39 = vector.load %arg10[%swap3A, %swap3A_38] : memref<2048x128xf32, #tpu.memory_space<vmem>>, vector<2048x128xf32>
    tpu.vector_store %arg10[%swap3A, %swap3A_38], %mul3A_37 {strides = array<i32>} : memref<2048x128xf32, #tpu.memory_space<vmem>>, vector<2048x128xf32>,
    %get3A_40 = arith.constant 0 : index
    %get3A_41 = arith.constant 0 : index
    %get3A_42 = vector.load %arg7[%get3A_40, %get3A_41] : memref<128x128xf32, #tpu.memory_space<vmem>>, vector<128x128xf32>
    %dot_general3A_43 = arith.constant dense<0.000000e+00> : vector<2048x128xf32>
    %dot_general3A_44 = tpu.matmul %mul3A_37, %get3A_42, %dot_general3A_43 {dimension_numbers = #tpu.dot_dimension_numbers<[1], [0], [0], [1], [0, 0, 1, 1], [], []>, transpose_lhs_hint = false} : vector<2048x128xf32>, vector<128x128xf32>, vector<2048x128xf32> -> vector<2048x128xf32>
    %get3A_45 = arith.constant 0 : index
    %get3A_46 = arith.constant 0 : index
    %get3A_47 = vector.load %arg8[%get3A_45, %get3A_46] : memref<1x128xf32, #tpu.memory_space<vmem>>, vector<1x128xf32>
    %add3A_48 = vector.broadcast %get3A_47 : vector<1x128xf32> to vector<2048x128xf32>
    %add3A_49 = arith.addf %dot_general3A_44, %add3A_48 : vector<2048x128xf32>
    %logistic3A_50 = arith.negf %add3A_49 : vector<2048x128xf32>
    %logistic3A_51 = math.exp %logistic3A_50 : vector<2048x128xf32>
    %logistic3A_52 = arith.constant 1.000000e+00 : f32
    %logistic3A_53 = vector.broadcast %logistic3A_52 : f32 to vector<2048x128xf32>
    %logistic3A_54 = arith.addf %logistic3A_53, %logistic3A_51 : vector<2048x128xf32>
    %logistic3A_55 = arith.divf %logistic3A_53, %logistic3A_54 : vector<2048x128xf32>
    %mul3A_56 = arith.mulf %add3A_49, %logistic3A_55 : vector<2048x128xf32>
    %get3A_57 = arith.constant 0 : index
    %get3A_58 = arith.constant 0 : index
    %get3A_59 = vector.load %arg9[%get3A_57, %get3A_58] : memref<1x128xf32, #tpu.memory_space<vmem>>, vector<1x128xf32>
    %mul3A_60 = vector.broadcast %get3A_59 : vector<1x128xf32> to vector<2048x128xf32>
    %mul3A_61 = arith.mulf %mul3A_56, %mul3A_60 : vector<2048x128xf32>
    %reduce_sum3A_62 = arith.constant dense<0.000000e+00> : vector<2048xf32>
    %reduce_sum3A_63 = vector.multi_reduction <add>, %mul3A_61, %reduce_sum3A_62 [1] : vector<2048x128xf32> to vector<2048xf32>
    %broadcast_in_dim3A_64 = vector.shape_cast %reduce_sum3A_63 : vector<2048xf32> to vector<2048x1xf32>
    %tanh3A = math.tanh %broadcast_in_dim3A_64 : vector<2048x1xf32>
    %add3A_65 = arith.constant 9.99999993E-9 : f32
    %add3A_66 = vector.broadcast %add3A_65 : f32 to vector<2048x1xf32>
    %add3A_67 = arith.addf %sqrt3A, %add3A_66 : vector<2048x1xf32>
    %div3A = vector.broadcast %add3A_67 : vector<2048x1xf32> to vector<2048x4xf32>
    %div3A_68 = arith.divf %get3A_1, %div3A : vector<2048x4xf32>
    %mul3A_69 = vector.broadcast %tanh3A : vector<2048x1xf32> to vector<2048x4xf32>
    %mul3A_70 = arith.mulf %mul3A_69, %div3A_68 : vector<2048x4xf32>
    %broadcast_in_dim3A_71 = arith.constant 0.000000e+00 : f32
    %broadcast_in_dim3A_72 = vector.broadcast %broadcast_in_dim3A_71 : f32 to vector<2048x124xf32>
    %concatenate3A = tpu.concatenate %mul3A_70, %broadcast_in_dim3A_72 in 1 : vector<2048x4xf32>, vector<2048x124xf32> -> vector<2048x128xf32>
    %iota3A = tpu.iota {dimensions = array<i32: 1>} : vector<2048x128xi32>
    %eq3A = arith.constant 3 : i32
    %eq3A_73 = vector.broadcast %eq3A : i32 to vector<2048x128xi32>
    %eq3A_74 = arith.cmpi eq, %iota3A, %eq3A_73 : vector<2048x128xi32>
    %jit3A = arith.constant 1.000000e+00 : f32
    %broadcast_in_dim3A_75 = vector.broadcast %jit3A : f32 to vector<2048x128xf32>
    %select_n3A = arith.select %eq3A_74, %broadcast_in_dim3A_75, %concatenate3A : vector<2048x128xi1>, vector<2048x128xf32>
    %swap3A_76 = arith.constant 0 : index
    %swap3A_77 = arith.constant 0 : index
    %swap3A_78 = vector.load %arg11[%swap3A_76, %swap3A_77] : memref<2048x128xf32, #tpu.memory_space<vmem>>, vector<2048x128xf32>
    tpu.vector_store %arg11[%swap3A_76, %swap3A_77], %select_n3A {strides = array<i32>} : memref<2048x128xf32, #tpu.memory_space<vmem>>, vector<2048x128xf32>,
    return
  }
  func.func @transform_0(%arg0: i32) -> (i32, i32) {
    %c0_i32 = arith.constant 0 : i32
    %c0_i32_0 = arith.constant 0 : i32
    return %arg0, %c0_i32 : i32, i32
  }
  func.func @transform_1(%arg0: i32) -> (i32, i32) {
    %c0_i32 = arith.constant 0 : i32
    %c0_i32_0 = arith.constant 0 : i32
    return %arg0, %c0_i32 : i32, i32
  }
  func.func @transform_2(%arg0: i32) -> (i32, i32) {
    %c0_i32 = arith.constant 0 : i32
    %c0_i32_0 = arith.constant 0 : i32
    return %arg0, %c0_i32 : i32, i32
  }
  func.func @transform_3(%arg0: i32) -> (i32, i32) {
    %c0_i32 = arith.constant 0 : i32
    %c0_i32_0 = arith.constant 0 : i32
    %c0_i32_1 = arith.constant 0 : i32
    return %c0_i32, %c0_i32_0 : i32, i32
  }
  func.func @transform_4(%arg0: i32) -> (i32, i32) {
    %c0_i32 = arith.constant 0 : i32
    %c0_i32_0 = arith.constant 0 : i32
    %c0_i32_1 = arith.constant 0 : i32
    return %c0_i32, %c0_i32_0 : i32, i32
  }
  func.func @transform_5(%arg0: i32) -> (i32, i32) {
    %c0_i32 = arith.constant 0 : i32
    %c0_i32_0 = arith.constant 0 : i32
    %c0_i32_1 = arith.constant 0 : i32
    return %c0_i32, %c0_i32_0 : i32, i32
  }
  func.func @transform_6(%arg0: i32) -> (i32, i32) {
    %c0_i32 = arith.constant 0 : i32
    %c0_i32_0 = arith.constant 0 : i32
    %c0_i32_1 = arith.constant 0 : i32
    return %c0_i32, %c0_i32_0 : i32, i32
  }
  func.func @transform_7(%arg0: i32) -> (i32, i32) {
    %c0_i32 = arith.constant 0 : i32
    %c0_i32_0 = arith.constant 0 : i32
    %c0_i32_1 = arith.constant 0 : i32
    return %c0_i32, %c0_i32_0 : i32, i32
  }
  func.func @transform_8(%arg0: i32) -> (i32, i32) {
    %c0_i32 = arith.constant 0 : i32
    %c0_i32_0 = arith.constant 0 : i32
    %c0_i32_1 = arith.constant 0 : i32
    return %c0_i32, %c0_i32_0 : i32, i32
  }
  func.func @transform_9(%arg0: i32) -> (i32, i32) {
    %c0_i32 = arith.constant 0 : i32
    %c0_i32_0 = arith.constant 0 : i32
    return %arg0, %c0_i32 : i32, i32
  }
  func.func @transform_10(%arg0: i32) -> (i32, i32) {
    %c0_i32 = arith.constant 0 : i32
    %c0_i32_0 = arith.constant 0 : i32
    return %arg0, %c0_i32 : i32, i32
  }
}

module attributes {stable_mosaic.version = 14 : i64} {
  func.func @_node_body(%arg0: i32, %arg1: memref<1000x128xf32, #tpu.memory_space<vmem>>, %arg2: memref<2x1000x128xf32, #tpu.memory_space<vmem>>, %arg3: memref<2x1000x128xf32, #tpu.memory_space<vmem>>, %arg4: memref<1000x4xf32, #tpu.memory_space<vmem>>, %arg5: memref<128x128xf32, #tpu.memory_space<vmem>>, %arg6: memref<128x128xf32, #tpu.memory_space<vmem>>, %arg7: memref<1x128xf32, #tpu.memory_space<vmem>>, %arg8: memref<128x128xf32, #tpu.memory_space<vmem>>, %arg9: memref<1x128xf32, #tpu.memory_space<vmem>>, %arg10: memref<1x128xf32, #tpu.memory_space<vmem>>, %arg11: memref<1x128xf32, #tpu.memory_space<vmem>>, %arg12: memref<1000x128xf32, #tpu.memory_space<vmem>>, %arg13: memref<1000x4xf32, #tpu.memory_space<vmem>>) attributes {dimension_semantics = [#tpu.dimension_semantics<arbitrary>], iteration_bounds = array<i64: 10>, scalar_prefetch = 0 : i64, scratch_operands = 0 : i64, tpu.core_type = #tpu.core_type<tc>, window_params = [{transform_indices = @transform_0, window_bounds = array<i64: 1000, 128>}, {transform_indices = @transform_1, window_bounds = array<i64: 2, 1000, 128>}, {transform_indices = @transform_2, window_bounds = array<i64: 2, 1000, 128>}, {transform_indices = @transform_3, window_bounds = array<i64: 1000, 4>}, {pipeline_mode = #tpu.pipeline_mode<synchronous>, transform_indices = @transform_4, window_bounds = array<i64: 128, 128>}, {pipeline_mode = #tpu.pipeline_mode<synchronous>, transform_indices = @transform_5, window_bounds = array<i64: 128, 128>}, {pipeline_mode = #tpu.pipeline_mode<synchronous>, transform_indices = @transform_6, window_bounds = array<i64: 1, 128>}, {pipeline_mode = #tpu.pipeline_mode<synchronous>, transform_indices = @transform_7, window_bounds = array<i64: 128, 128>}, {pipeline_mode = #tpu.pipeline_mode<synchronous>, transform_indices = @transform_8, window_bounds = array<i64: 1, 128>}, {pipeline_mode = #tpu.pipeline_mode<synchronous>, transform_indices = @transform_9, window_bounds = array<i64: 1, 128>}, {pipeline_mode = #tpu.pipeline_mode<synchronous>, transform_indices = @transform_10, window_bounds = array<i64: 1, 128>}, {transform_indices = @transform_11, window_bounds = array<i64: 1000, 128>}, {transform_indices = @transform_12, window_bounds = array<i64: 1000, 4>}]} {
    %get3A = arith.constant 0 : index
    %get3A_0 = arith.constant 0 : index
    %get3A_1 = vector.load %arg1[%get3A, %get3A_0] : memref<1000x128xf32, #tpu.memory_space<vmem>>, vector<1000x128xf32>
    %get3A_2 = arith.constant 0 : index
    %get3A_3 = arith.constant 0 : index
    %get3A_4 = arith.constant 0 : index
    %get3A_5 = vector.load %arg2[%get3A_2, %get3A_3, %get3A_4] : memref<2x1000x128xf32, #tpu.memory_space<vmem>>, vector<1x1000x128xf32>
    %get3A_6 = vector.shape_cast %get3A_5 : vector<1x1000x128xf32> to vector<1000x128xf32>
    %get3A_7 = arith.constant 1 : index
    %get3A_8 = arith.constant 0 : index
    %get3A_9 = arith.constant 0 : index
    %get3A_10 = vector.load %arg2[%get3A_7, %get3A_8, %get3A_9] : memref<2x1000x128xf32, #tpu.memory_space<vmem>>, vector<1x1000x128xf32>
    %get3A_11 = vector.shape_cast %get3A_10 : vector<1x1000x128xf32> to vector<1000x128xf32>
    %add3A = arith.addf %get3A_6, %get3A_11 : vector<1000x128xf32>
    %get3A_12 = arith.constant 0 : index
    %get3A_13 = arith.constant 0 : index
    %get3A_14 = vector.load %arg5[%get3A_12, %get3A_13] : memref<128x128xf32, #tpu.memory_space<vmem>>, vector<128x128xf32>
    %dot_general3A = arith.constant dense<0.000000e+00> : vector<1000x128xf32>
    %dot_general3A_15 = tpu.matmul %get3A_1, %get3A_14, %dot_general3A {dimension_numbers = #tpu.dot_dimension_numbers<[1], [0], [0], [1], [0, 0, 1, 1], [], []>, transpose_lhs_hint = false} : vector<1000x128xf32>, vector<128x128xf32>, vector<1000x128xf32> -> vector<1000x128xf32>
    %get3A_16 = arith.constant 0 : index
    %get3A_17 = arith.constant 0 : index
    %get3A_18 = vector.load %arg6[%get3A_16, %get3A_17] : memref<128x128xf32, #tpu.memory_space<vmem>>, vector<128x128xf32>
    %dot_general3A_19 = arith.constant dense<0.000000e+00> : vector<1000x128xf32>
    %dot_general3A_20 = tpu.matmul %add3A, %get3A_18, %dot_general3A_19 {dimension_numbers = #tpu.dot_dimension_numbers<[1], [0], [0], [1], [0, 0, 1, 1], [], []>, transpose_lhs_hint = false} : vector<1000x128xf32>, vector<128x128xf32>, vector<1000x128xf32> -> vector<1000x128xf32>
    %add3A_21 = arith.addf %dot_general3A_15, %dot_general3A_20 : vector<1000x128xf32>
    %get3A_22 = arith.constant 0 : index
    %get3A_23 = arith.constant 0 : index
    %get3A_24 = vector.load %arg7[%get3A_22, %get3A_23] : memref<1x128xf32, #tpu.memory_space<vmem>>, vector<1x128xf32>
    %add3A_25 = vector.broadcast %get3A_24 : vector<1x128xf32> to vector<1000x128xf32>
    %add3A_26 = arith.addf %add3A_21, %add3A_25 : vector<1000x128xf32>
    %logistic3A = arith.negf %add3A_26 : vector<1000x128xf32>
    %logistic3A_27 = math.exp %logistic3A : vector<1000x128xf32>
    %logistic3A_28 = arith.constant 1.000000e+00 : f32
    %logistic3A_29 = vector.broadcast %logistic3A_28 : f32 to vector<1000x128xf32>
    %logistic3A_30 = arith.addf %logistic3A_29, %logistic3A_27 : vector<1000x128xf32>
    %logistic3A_31 = arith.divf %logistic3A_29, %logistic3A_30 : vector<1000x128xf32>
    %mul3A = arith.mulf %add3A_26, %logistic3A_31 : vector<1000x128xf32>
    %get3A_32 = arith.constant 0 : index
    %get3A_33 = arith.constant 0 : index
    %get3A_34 = vector.load %arg8[%get3A_32, %get3A_33] : memref<128x128xf32, #tpu.memory_space<vmem>>, vector<128x128xf32>
    %dot_general3A_35 = arith.constant dense<0.000000e+00> : vector<1000x128xf32>
    %dot_general3A_36 = tpu.matmul %mul3A, %get3A_34, %dot_general3A_35 {dimension_numbers = #tpu.dot_dimension_numbers<[1], [0], [0], [1], [0, 0, 1, 1], [], []>, transpose_lhs_hint = false} : vector<1000x128xf32>, vector<128x128xf32>, vector<1000x128xf32> -> vector<1000x128xf32>
    %get3A_37 = arith.constant 0 : index
    %get3A_38 = arith.constant 0 : index
    %get3A_39 = vector.load %arg9[%get3A_37, %get3A_38] : memref<1x128xf32, #tpu.memory_space<vmem>>, vector<1x128xf32>
    %add3A_40 = vector.broadcast %get3A_39 : vector<1x128xf32> to vector<1000x128xf32>
    %add3A_41 = arith.addf %dot_general3A_36, %add3A_40 : vector<1000x128xf32>
    %add3A_42 = arith.addf %get3A_1, %add3A_41 : vector<1000x128xf32>
    %reduce_sum3A = arith.constant dense<0.000000e+00> : vector<1000xf32>
    %reduce_sum3A_43 = vector.multi_reduction <add>, %add3A_42, %reduce_sum3A [1] : vector<1000x128xf32> to vector<1000xf32>
    %broadcast_in_dim3A = vector.shape_cast %reduce_sum3A_43 : vector<1000xf32> to vector<1000x1xf32>
    %div3A = arith.constant 1.280000e+02 : f32
    %div3A_44 = vector.broadcast %div3A : f32 to vector<1000x1xf32>
    %div3A_45 = arith.divf %broadcast_in_dim3A, %div3A_44 : vector<1000x1xf32>
    %sub3A = vector.broadcast %div3A_45 : vector<1000x1xf32> to vector<1000x128xf32>
    %sub3A_46 = arith.subf %add3A_42, %sub3A : vector<1000x128xf32>
    %mul3A_47 = arith.mulf %sub3A_46, %sub3A_46 : vector<1000x128xf32>
    %reduce_sum3A_48 = arith.constant dense<0.000000e+00> : vector<1000xf32>
    %reduce_sum3A_49 = vector.multi_reduction <add>, %mul3A_47, %reduce_sum3A_48 [1] : vector<1000x128xf32> to vector<1000xf32>
    %broadcast_in_dim3A_50 = vector.shape_cast %reduce_sum3A_49 : vector<1000xf32> to vector<1000x1xf32>
    %div3A_51 = arith.constant 1.280000e+02 : f32
    %div3A_52 = vector.broadcast %div3A_51 : f32 to vector<1000x1xf32>
    %div3A_53 = arith.divf %broadcast_in_dim3A_50, %div3A_52 : vector<1000x1xf32>
    %add3A_54 = arith.constant 9.99999974E-6 : f32
    %add3A_55 = vector.broadcast %add3A_54 : f32 to vector<1000x1xf32>
    %add3A_56 = arith.addf %div3A_53, %add3A_55 : vector<1000x1xf32>
    %rsqrt3A = math.rsqrt %add3A_56 : vector<1000x1xf32>
    %mul3A_57 = vector.broadcast %rsqrt3A : vector<1000x1xf32> to vector<1000x128xf32>
    %mul3A_58 = arith.mulf %sub3A_46, %mul3A_57 : vector<1000x128xf32>
    %get3A_59 = arith.constant 0 : index
    %get3A_60 = arith.constant 0 : index
    %get3A_61 = vector.load %arg10[%get3A_59, %get3A_60] : memref<1x128xf32, #tpu.memory_space<vmem>>, vector<1x128xf32>
    %mul3A_62 = vector.broadcast %get3A_61 : vector<1x128xf32> to vector<1000x128xf32>
    %mul3A_63 = arith.mulf %mul3A_58, %mul3A_62 : vector<1000x128xf32>
    %get3A_64 = arith.constant 0 : index
    %get3A_65 = arith.constant 0 : index
    %get3A_66 = vector.load %arg11[%get3A_64, %get3A_65] : memref<1x128xf32, #tpu.memory_space<vmem>>, vector<1x128xf32>
    %add3A_67 = vector.broadcast %get3A_66 : vector<1x128xf32> to vector<1000x128xf32>
    %add3A_68 = arith.addf %mul3A_63, %add3A_67 : vector<1000x128xf32>
    %swap3A = arith.constant 0 : index
    %swap3A_69 = arith.constant 0 : index
    %swap3A_70 = vector.load %arg12[%swap3A, %swap3A_69] : memref<1000x128xf32, #tpu.memory_space<vmem>>, vector<1000x128xf32>
    tpu.vector_store %arg12[%swap3A, %swap3A_69], %add3A_68 {strides = array<i32>} : memref<1000x128xf32, #tpu.memory_space<vmem>>, vector<1000x128xf32>,
    %get3A_71 = arith.constant 0 : index
    %get3A_72 = arith.constant 0 : index
    %get3A_73 = arith.constant 0 : index
    %get3A_74 = vector.load %arg3[%get3A_71, %get3A_72, %get3A_73] : memref<2x1000x128xf32, #tpu.memory_space<vmem>>, vector<1x1000x128xf32>
    %get3A_75 = vector.shape_cast %get3A_74 : vector<1x1000x128xf32> to vector<1000x128xf32>
    %slice3A = vector.extract_strided_slice %get3A_75 {offsets = [0, 0], sizes = [1000, 4], strides = [1, 1]} : vector<1000x128xf32> to vector<1000x4xf32>
    %get3A_76 = arith.constant 1 : index
    %get3A_77 = arith.constant 0 : index
    %get3A_78 = arith.constant 0 : index
    %get3A_79 = vector.load %arg3[%get3A_76, %get3A_77, %get3A_78] : memref<2x1000x128xf32, #tpu.memory_space<vmem>>, vector<1x1000x128xf32>
    %get3A_80 = vector.shape_cast %get3A_79 : vector<1x1000x128xf32> to vector<1000x128xf32>
    %slice3A_81 = vector.extract_strided_slice %get3A_80 {offsets = [0, 0], sizes = [1000, 4], strides = [1, 1]} : vector<1000x128xf32> to vector<1000x4xf32>
    %add3A_82 = arith.addf %slice3A, %slice3A_81 : vector<1000x4xf32>
    %slice3A_83 = vector.extract_strided_slice %add3A_82 {offsets = [0, 3], sizes = [1000, 1], strides = [1, 1]} : vector<1000x4xf32> to vector<1000x1xf32>
    %get3A_84 = arith.constant 0 : index
    %get3A_85 = arith.constant 0 : index
    %get3A_86 = vector.load %arg4[%get3A_84, %get3A_85] : memref<1000x4xf32, #tpu.memory_space<vmem>>, vector<1000x4xf32>
    %add3A_87 = arith.constant 1.000000e+00 : f32
    %add3A_88 = vector.broadcast %add3A_87 : f32 to vector<1000x1xf32>
    %add3A_89 = arith.addf %slice3A_83, %add3A_88 : vector<1000x1xf32>
    %div3A_90 = vector.broadcast %add3A_89 : vector<1000x1xf32> to vector<1000x4xf32>
    %div3A_91 = arith.divf %add3A_82, %div3A_90 : vector<1000x4xf32>
    %add3A_92 = arith.addf %get3A_86, %div3A_91 : vector<1000x4xf32>
    %swap3A_93 = arith.constant 0 : index
    %swap3A_94 = arith.constant 0 : index
    %swap3A_95 = vector.load %arg13[%swap3A_93, %swap3A_94] : memref<1000x4xf32, #tpu.memory_space<vmem>>, vector<1000x4xf32>
    tpu.vector_store %arg13[%swap3A_93, %swap3A_94], %add3A_92 {strides = array<i32>} : memref<1000x4xf32, #tpu.memory_space<vmem>>, vector<1000x4xf32>,
    return
  }
  func.func @transform_0(%arg0: i32) -> (i32, i32) {
    %c0_i32 = arith.constant 0 : i32
    %c0_i32_0 = arith.constant 0 : i32
    return %arg0, %c0_i32 : i32, i32
  }
  func.func @transform_1(%arg0: i32) -> (i32, i32, i32) {
    %c0_i32 = arith.constant 0 : i32
    %c0_i32_0 = arith.constant 0 : i32
    %c0_i32_1 = arith.constant 0 : i32
    return %c0_i32, %arg0, %c0_i32_0 : i32, i32, i32
  }
  func.func @transform_2(%arg0: i32) -> (i32, i32, i32) {
    %c0_i32 = arith.constant 0 : i32
    %c0_i32_0 = arith.constant 0 : i32
    %c0_i32_1 = arith.constant 0 : i32
    return %c0_i32, %arg0, %c0_i32_0 : i32, i32, i32
  }
  func.func @transform_3(%arg0: i32) -> (i32, i32) {
    %c0_i32 = arith.constant 0 : i32
    %c0_i32_0 = arith.constant 0 : i32
    return %arg0, %c0_i32 : i32, i32
  }
  func.func @transform_4(%arg0: i32) -> (i32, i32) {
    %c0_i32 = arith.constant 0 : i32
    %c0_i32_0 = arith.constant 0 : i32
    %c0_i32_1 = arith.constant 0 : i32
    return %c0_i32, %c0_i32_0 : i32, i32
  }
  func.func @transform_5(%arg0: i32) -> (i32, i32) {
    %c0_i32 = arith.constant 0 : i32
    %c0_i32_0 = arith.constant 0 : i32
    %c0_i32_1 = arith.constant 0 : i32
    return %c0_i32, %c0_i32_0 : i32, i32
  }
  func.func @transform_6(%arg0: i32) -> (i32, i32) {
    %c0_i32 = arith.constant 0 : i32
    %c0_i32_0 = arith.constant 0 : i32
    %c0_i32_1 = arith.constant 0 : i32
    return %c0_i32, %c0_i32_0 : i32, i32
  }
  func.func @transform_7(%arg0: i32) -> (i32, i32) {
    %c0_i32 = arith.constant 0 : i32
    %c0_i32_0 = arith.constant 0 : i32
    %c0_i32_1 = arith.constant 0 : i32
    return %c0_i32, %c0_i32_0 : i32, i32
  }
  func.func @transform_8(%arg0: i32) -> (i32, i32) {
    %c0_i32 = arith.constant 0 : i32
    %c0_i32_0 = arith.constant 0 : i32
    %c0_i32_1 = arith.constant 0 : i32
    return %c0_i32, %c0_i32_0 : i32, i32
  }
  func.func @transform_9(%arg0: i32) -> (i32, i32) {
    %c0_i32 = arith.constant 0 : i32
    %c0_i32_0 = arith.constant 0 : i32
    %c0_i32_1 = arith.constant 0 : i32
    return %c0_i32, %c0_i32_0 : i32, i32
  }
  func.func @transform_10(%arg0: i32) -> (i32, i32) {
    %c0_i32 = arith.constant 0 : i32
    %c0_i32_0 = arith.constant 0 : i32
    %c0_i32_1 = arith.constant 0 : i32
    return %c0_i32, %c0_i32_0 : i32, i32
  }
  func.func @transform_11(%arg0: i32) -> (i32, i32) {
    %c0_i32 = arith.constant 0 : i32
    %c0_i32_0 = arith.constant 0 : i32
    return %arg0, %c0_i32 : i32, i32
  }
  func.func @transform_12(%arg0: i32) -> (i32, i32) {
    %c0_i32 = arith.constant 0 : i32
    %c0_i32_0 = arith.constant 0 : i32
    return %arg0, %c0_i32 : i32, i32
  }
}

</mosaic_0001>

<sc_bundles>
// kernel: kernel.12.cloned.1.call-start
scs
__scs_entry_jumppad:
0x0: {  	(pc) =	sbr.rel $0x88, $3  }
0x1: {  	(tag) =	ssettag $0x0;
	lr =	simm.s32 $0x1  }
0x2: {  	[smem:$0x3F91] =	sst lr;
	_ =	strace $0xD0000000  }
0x3: {  	_ = 	snop  }
0x4: {  	_ = 	snop  }
0x5: {  	_ = 	snop  }
0x6: {  	_ = 	snop  }
0x7: {  	_ = 	snop  }
__scs_overlays_trampoline_lowered:
0x8: {  	[smem:$0x3FA0] =	sst s0  }
0x9: {  	[smem:$0x3FA1] =	sst s1  }
0xa: {  	[smem:$0x3FA2] =	sst s2  }
0xb: {  	[smem:$0x3FA3] =	sst s3  }
0xc: {  	[smem:$0x3FA4] =	sst s4  }
0xd: {  	[smem:$0x3FA5] =	sst s5  }
0xe: {  	[smem:$0x3FA6] =	sst s6  }
0xf: {  	[smem:$0x3FA7] =	sst s7  }
0x10: {  	[smem:$0x3FA8] =	sst s8  }
0x11: {  	[smem:$0x3FA9] =	sst s9;
	s0 =	simm.s32 @!p0 $0x0  }
0x12: {  	s1 =	sld [smem:$0x3F8F];
	s0 =	simm.s32 @p0 $0x1  }
0x13: {  	[smem:$0x3FAA] =	sst s0;
	s0 =	simm.s32 @!p1 $0x0  }
0x14: {  	s2 =	sld [smem:$0x3F8E];
	s0 =	simm.s32 @p1 $0x1  }
0x15: {  	[smem:$0x3FAB] =	sst s0;
	s0 =	simm.s32 @!p2 $0x0  }
0x16: {  	s3 =	sld [smem:$0x3FDB];
	s0 =	simm.s32 @p2 $0x1  }
0x17: {  	s4 =	simm.s32 $0x1BF5;
	[smem:$0x3FAD] =	sst s0  }
0x18: {  	s0 =	sld [smem:$0x3F90];
	_ =	swait.ge [sflag:s4], $0x0  }
0x19: {  	s7 =	sld [smem:$0x3F91]  }
0x1a: {  	s8 =	sadd.s32 $0xFFFFE003, lr  }
0x1b: {  	s9 =	sadd.s32 $0xFFFFFEF7, lr;
	s5 =	simm.s32 $0xFFFFFFFF;
	p2 =	slt.u32 s8, $0xFFFFF086  }
0x1c: {  	p1 =	slt.u32 s9, $0xF7A;
	s5 =	simm.s32 @!p2 $0x0  }
0x1d: {  	s5 =	simm.s32 @p1 $0x1;
	p0 =	seq.s32 s7, s2  }
0x1e: {  	s7 =	smul.u32 @!p0 $0xF7A, s2;
	p2 =	seq.s32 @!p0 s5, $0x0  }
0x1f: {  	s9 =	smul.u32 $0xF7A, s1;
	s8 =	simm.s32 @!p0 $0x1BF5;
	p2 =	por !p2, p0  }
0x20: {  	[sflag:s8] =	ssyncset.s32 @!p0 $0xFFFFF086;
	s6 =	sadd.s32 @!p0 s3, s7;
	s7 =	simm.s32 @!p0 $0x108  }
0x21: {  	s3 =	sadd.s32 s3, s9;
	s6 =	sadd.s32 @!p0 $0x88, s6;
	s7 =	simm.s32 @p2 $0x1082  }
0x22: {  	[simem:s7], [sflag:s8] =	dma.local @!p0 [hbm:s6], $0xF7A  }
0x23: {  	s9 =	sor.u32 $0xD0000000, s2;
	s6 =	simm.s32 $0x108;
	_ =	swait.ge @!p0 [sflag:s8], $0x0  }
0x24: {  	s3 =	sadd.s32 $0x88, s3;
	s6 =	simm.s32 @!p1 $0x1082;
	[sflag:s4] =	ssyncset.s32 $0xFFFFF086  }
0x25: {  	[simem:s6], [sflag:s4] =	dma.local [hbm:s3], $0xF7A  }
0x26: {  	[smem:$0x3F91] =	sst s1;
	(tag) =	ssettag s2;
	_ =	strace s9  }
0x27: {  	s1 =	sld [smem:$0x3FA1]  }
0x28: {  	s2 =	sld [smem:$0x3FA2]  }
0x29: {  	s4 =	sld [smem:$0x3FA4]  }
0x2a: {  	p0 =	seq.s32 s5, $0x0;
	s5 =	sld [smem:$0x3FA5]  }
0x2b: {  	s6 =	sld [smem:$0x3FA6]  }
0x2c: {  	s7 =	sld [smem:$0x3FA7]  }
0x2d: {  	s3 =	simm.s32 $0x108;
	s8 =	sld [smem:$0x3FA8]  }
0x2e: {  	s3 =	simm.s32 @!p0 $0x1082;
	s9 =	sld [smem:$0x3FA9]  }
0x2f: {  	lr =	sadd.s32 s0, s3;
	s0 =	sld [smem:$0x3FA0]  }
0x30: {  	s3 =	sld [smem:$0x3FA3]  }
0x31: {  	[smem:$0x3FAC] =	sst s10  }
0x32: {  	s10 =	sld [smem:$0x3FAA];
	_ =	sdelay $0x3  }
0x33: {  	p0 =	seq.s32 s10, $0x1;
	s10 =	sld [smem:$0x3FAC];
	_ =	sdelay $0x3  }
0x34: {  	[smem:$0x3FAC] =	sst s10  }
0x35: {  	s10 =	sld [smem:$0x3FAB];
	_ =	sdelay $0x3  }
0x36: {  	p1 =	seq.s32 s10, $0x1;
	s10 =	sld [smem:$0x3FAC];
	_ =	sdelay $0x3  }
0x37: {  	[smem:$0x3FAC] =	sst s10  }
0x38: {  	s10 =	sld [smem:$0x3FAD]  }
0x39: {  	_ = 	snop;
	(pc) =	sbr.ind lr, $3  }
0x3a: {  	_ = 	snop  }
0x3b: {  	_ = 	snop  }
0x3c: {  	p2 =	seq.s32 s10, $0x1;
	s10 =	sld [smem:$0x3FAC]  }
0x3d: {  	_ =	shalt  }
0x3e: {  	_ =	shalt  }
0x3f: {  	_ =	shalt  }
0x40: {  	_ =	shalt  }
0x41: {  	_ =	shalt  }
0x42: {  	_ =	shalt  }
0x43: {  	_ =	shalt  }
0x44: {  	_ =	shalt  }
0x45: {  	_ =	shalt  }
0x46: {  	_ =	shalt  }
0x47: {  	_ =	shalt  }
0x48: {  	_ =	shalt  }
0x49: {  	_ =	shalt  }
0x4a: {  	_ =	shalt  }
0x4b: {  	_ =	shalt  }
0x4c: {  	_ =	shalt  }
0x4d: {  	_ =	shalt  }
0x4e: {  	_ =	shalt  }
0x4f: {  	_ =	shalt  }
0x50: {  	_ =	shalt  }
0x51: {  	_ =	shalt  }
0x52: {  	_ =	shalt  }
0x53: {  	_ =	shalt  }
0x54: {  	_ =	shalt  }
0x55: {  	_ =	shalt  }
0x56: {  	_ =	shalt  }
0x57: {  	_ =	shalt  }
0x58: {  	_ =	shalt  }
0x59: {  	_ =	shalt  }
0x5a: {  	_ =	shalt  }
0x5b: {  	_ =	shalt  }
0x5c: {  	_ =	shalt  }
0x5d: {  	_ =	shalt  }
0x5e: {  	_ =	shalt  }
0x5f: {  	_ =	shalt  }
0x60: {  	_ =	shalt  }
0x61: {  	_ =	shalt  }
0x62: {  	_ =	shalt  }
0x63: {  	_ =	shalt  }
0x64: {  	_ =	shalt  }
0x65: {  	_ =	shalt  }
0x66: {  	_ =	shalt  }
0x67: {  	_ =	shalt  }
0x68: {  	_ =	shalt  }
0x69: {  	_ =	shalt  }
0x6a: {  	_ =	shalt  }
0x6b: {  	_ =	shalt  }
0x6c: {  	_ =	shalt  }
0x6d: {  	_ =	shalt  }
0x6e: {  	_ =	shalt  }
0x6f: {  	_ =	shalt  }
0x70: {  	_ =	shalt  }
0x71: {  	_ =	shalt  }
0x72: {  	_ =	shalt  }
0x73: {  	_ =	shalt  }
0x74: {  	_ =	shalt  }
0x75: {  	_ =	shalt  }
0x76: {  	_ =	shalt  }
0x77: {  	_ =	shalt  }
0x78: {  	_ =	shalt  }
0x79: {  	_ =	shalt  }
0x7a: {  	_ =	shalt  }
0x7b: {  	_ =	shalt  }
0x7c: {  	_ =	shalt  }
0x7d: {  	_ =	shalt  }
0x7e: {  	_ =	shalt  }
0x7f: {  	_ =	shalt  }
0x80: {  	_ =	shalt  }
0x81: {  	_ =	shalt  }
0x82: {  	_ =	shalt  }
0x83: {  	_ =	shalt  }
0x84: {  	_ =	shalt  }
0x85: {  	_ =	shalt  }
0x86: {  	_ =	shalt  }
0x87: {  	_ =	shalt  }
.Lfunc_end0:
.L_simem_size_0:
called_computation.1_lowered:
.L_overlay_start_0:
0x88: {  	s2 =	sld [smem:$0x3FD9]  }
0x89: {  	s3 =	sld [smem:$0x3FFE];
	_ =	sdelay $0x1  }
0x8a: {  	s1 =	srdreg.scid  }
0x8b: {  	s0 =	sand.u32 $0x1, s1  }
0x8c: {  	s16 =	sshll.u32 s0, $0xA;
	s2 =	sadd.s32 s3, s2  }
0x8d: {  	s2 =	sadd.s32 s2, s16  }
0x8e: {  	[smem:$0x3FB8] =	sst s2  }
0x8f: {  	_ = 	snop  }
0x90: {  	(tm) =	ssettm $0x1  }
0x91: {  	s17 =	sld [smem:$0x3FFB];
	_ =	sdelay $0x3  }
0x92: {  	_ =	strace s17  }
0x93: {  	s2 =	sld [smem:$0x3FFC];
	_ =	sdelay $0x3  }
0x94: {  	_ =	strace s2  }
0x95: {  	s2 =	sld [smem:$0x3FFD];
	_ =	sdelay $0x3  }
0x96: {  	_ =	strace s2  }
0x97: {  	_ =	strace $0x8FFFFFFF  }
0x98: {  	s18 =	sld [smem:$0x3FDB];
	_ =	sdelay $0x1  }
0x99: {  	s19 =	simm.s32 $_scs_section_size  }
0x9a: {  	s4 =	simm.s32 $_size__tile_overlayer_lowered;
	s5 =	simm.s32 $_tile_overlayer_lowered  }
0x9b: {  	s22 =	simm.s32 $0x1BFF;
	s21 =	sshll.u32 s5, $0x1;
	s2 =	sadd.s32 s19, s18  }
0x9c: {  	s6 =	simm.s32 $0x0;
	s20 =	sshll.u32 s4, $0x1;
	s4 =	sadd.s32 s21, s2  }
0x9d: {  	[timem:s6], [sflag:s22] =	dma.local [hbm:s4], s20  }
0x9e: {  	_ =	swait.ge [sflag:s22], s20  }
0x9f: {  	s3 =	ssub.s32 $0x0, s20;
	[sflag:s22] =	ssyncset.done $0x0  }
0xa0: {  	[sflag:s22] =	ssyncadd.s32 s3;
	_ =	sdelay $0x1  }
0xa1: {  	s23 =	simm.s32 $0x1B8B  }
0xa2: {  	_ =	swait.ge [sflag:s23], $0x1  }
0xa3: {  	[sflag:s23] =	ssyncset.done $0x0  }
0xa4: {  	s25 =	simm.s32 $0x1B8E;
	s24 =	sld [smem:$0x3FFE];
	[sflag:s23] =	ssyncadd.s32 $0xFFFFFFFF  }
0xa5: {  	s26 =	simm.s32 $execute0_lowered;
	[smem:$0x3FD2] =	sst s25  }
0xa6: {  	s4 =	sshll.u32 s26, $0x1;
	_ =	strace $0x80000046;
	[dreg:$0x1] =	wrdreg $0xFFFFFFFF  }
0xa7: {  	s28 =	simm.s32 $_size_execute0_lowered;
	s2 =	sadd.s32 s2, s4;
	[dreg:$0x0] =	wrdreg $0x0  }
0xa8: {  	s4 =	sshll.u32 s28, $0x1;
	[dreg:$0x2] =	wrdreg s2  }
0xa9: {  	[dreg:$0x3] =	wrdreg s4  }
0xaa: {  	[dreg:$0x4] =	wrdreg $0xC0  }
0xab: {  	_ =	task [dreg:s6], $0x5FFFF  }
0xac: {  	[dreg:$0x1] =	wrdreg $0xFFFFFFFF  }
0xad: {  	[dreg:$0x0] =	wrdreg $0x60  }
0xae: {  	[dreg:$0x2] =	wrdreg s24  }
0xaf: {  	[dreg:$0x3] =	wrdreg $0xA  }
0xb0: {  	_ =	task.clear_ibuf [dreg:s6], $0x4FFFF;
	_ =	strace $0x90000046  }
0xb1: {  	s29 =	simm.s32 $0xA;
	_ =	strace $0x80000048  }
0xb2: {  	_ =	swait.ge [sflag:s29], $0x1  }
0xb3: {  	[sflag:s29] =	ssyncadd.s32 $0xFFFFFFFF  }
0xb4: {  	_ =	strace $0x90000048  }
0xb5: {  	_ =	sfence  }
0xb6: {  	s30 =	sld [smem:$0x0];
	_ =	sdelay $0x2  }
0xb7: {  	s31 =	sshll.u32 s1, $0xD;
	s1 =	sshrl.u32 s1, $0x2  }
0xb8: {  	s3 =	sand.u32 $0x4000, s31;
	s1 =	sadd.s32 s1, s30  }
0xb9: {  	s0 =	sor.u32 s3, s0;
	s1 =	sshll.u32 s1, $0x11  }
0xba: {  	s0 =	sor.u32 s1, s0  }
0xbb: {  	s0 =	sadd.s32 $0x8F2B, s0  }
0xbc: {  	[sflag:s0] =	ssyncadd.remote.s32 $0x1  }
0xbd: {  	_ =	sfence.sel $0xFFFF  }
0xbe: {  	[dreg:$0x0] =	wrdreg $0xFFFFFFFF;
	(pc) =	sbr.abs _section_cstart, $3  }
0xbf: {  	[dreg:$0x1] =	wrdreg $0xFFFFFFFF  }
0xc0: {  	_ =	task.clear_ibuf [dreg:s6], $0x2FFFF;
	_ =	strace $0x9FFFFFFF  }
0xc1: {  	(tm) =	ssettm $0x7FFFFFFF  }
tec
execute0_lowered:
.L_overlay_start_1:
0x0: {  	(tag) =	ssettag $0x1  }
0x1: {  	s4 =	rddreg [dreg:$0x0]  }
0x2: {  	s0 =	rddreg [dreg:$0x1]  }
0x3: {  	s3 =	srdreg.scid;
	s1 =	stileid.u32;
	s2 =	simm.s32 $0x0  }
0x4: {  	s16 =	simm.s32 $0xA100;
	s17 =	simm.s32 $0xA180;
	s18 =	simm.s32 $0x1  }
0x5: {  	s19 =	simm.s32 $0xA200;
	s20 =	simm.s32 $0x2;
	s21 =	simm.s32 $0xA400  }
0x6: {  	s22 =	simm.s32 $0x3;
	s23 =	simm.s32 $0x4;
	s24 =	simm.s32 $0x0  }
0x7: {  	v1 =	vlaneseq.u32;
	s5 =	sand.u32 $0x1, s3;
	s28 =	sshll.u32 s1, $0x1;
	s8 =	smul.u32 $0x5000, s1  }
0x8: {  	[smem:$0x7FF] =	sst s2;
	s12 =	sadd.s32 $0x5A00, s4;
	v0 =	vshrl.u32 v1, $0x2;
	s30 =	smul.u32 $0x14000, s1  }
0x9: {  	s11 =	sadd.s32 $0xFA00, s4;
	s13 =	sadd.s32 $0x19A00, s4;
	v1 =	vand.u32 $0x3, v1;
	s10 =	smul.u32 $0x2800, s5;
	v2 =	vor.u32 $0x4, v0  }
0xa: {  	s3 =	sor.u32 s5, s28;
	s7 =	ssub.s32 $0x2, s5;
	s14 =	smul.u32 $0xA000, s5;
	v3 =	vor.u32 $0x8, v0;
	v4 =	vor.u32 $0xC, v0;
	v5 =	vor.u32 $0x10, v0  }
0xb: {  	_ =	strace $0x80000047;
	v6 =	vor.u32 $0x14, v0;
	v7 =	vor.u32 $0x18, v0;
	v8 =	vor.u32 $0x1C, v0;
	s6 =	smul.u32 $0x2800, s3;
	s9 =	sshrl.u32 s7, $0x1  }
0xc: {  	v9 =	vor.u32 $0x20, v0;
	v10 =	vor.u32 $0x24, v0;
	v11 =	vor.u32 $0x28, v0;
	s3 =	sadd.s32 $0x4600, s4;
	s7 =	ssub.s32 s7, s9;
	s29 =	sadd.s32 s10, s8  }
0xd: {  	v12 =	vor.u32 $0x2C, v0;
	v13 =	vor.u32 $0x30, v0;
	v14 =	vor.u32 $0x34, v0;
	s10 =	sadd.s32 s14, s30;
	s6 =	sshrl.u32 s6, $0x3;
	s8 =	sor.u32 $0x100, s29  }
0xe: {  	v15 =	vor.u32 $0x38, v0;
	v16 =	vor.u32 $0x3C, v0;
	v17 =	vor.u32 $0x40, v0;
	s14 =	sshrl.u32 s10, $0x3;
	s10 =	sor.u32 $0x200, s10;
	s15 =	sor.u32 $0x80, s29  }
0xf: {  	v18 =	vor.u32 $0x44, v0;
	v19 =	vor.u32 $0x48, v0;
	v20 =	vor.u32 $0x4C, v0;
	s4 =	sadd.s32 s12, s6;
	s5 =	sadd.s32 s11, s6;
	s6 =	smax.u32 s7, $0x1  }
0x10: {  	v21 =	vor.u32 $0x50, v0;
	v22 =	vor.u32 $0x54, v0;
	v23 =	vor.u32 $0x58, v0;
	s8 =	sshrl.u32 s8, $0x3;
	s9 =	sadd.s32 s14, s13;
	s10 =	sshrl.u32 s10, $0x3  }
0x11: {  	v24 =	vor.u32 $0x5C, v0;
	v25 =	vor.u32 $0x60, v0;
	v26 =	vor.u32 $0x64, v0;
	s31 =	sshrl.u32 s15, $0x3;
	s14 =	simm.s32 $0xA000;
	s15 =	simm.s32 $0xA080  }
0x12: {  	v27 =	vor.u32 $0x68, v0;
	v28 =	vor.u32 $0x6C, v0;
	v29 =	vor.u32 $0x70, v0;
	s7 =	sadd.s32 s8, s11;
	s8 =	sadd.s32 s8, s12;
	s10 =	sadd.s32 s10, s13  }
0x13: {  	v30 =	vor.u32 $0x74, v0;
	v31 =	vor.u32 $0x78, v0;
	v32 =	vor.u32 $0x7C, v0;
	s11 =	sadd.s32 s31, s11;
	s12 =	sadd.s32 s31, s12;
	s13 =	simm.s32 $0x5  }
.LBB2_1:
0x14: {  	[tilespmem:s2], [sflag:$0x5] =	stream.linear.gather [hbm4b:s3+s2], $0xA000, $0x38;
	[tilespmem:$0xA600] =	vst v63  }
0x15: {  	_ =	swait.ge [sflag:s13], $0xA000  }
0x16: {  	[sflag:s13] =	ssyncset.done $0x0  }
0x17: {  	[sflag:s13] =	ssyncadd.s32 $0xFFFF6000  }
0x18: {  	[tilespmem:s14], [sflag:$0x1] =	stream.linear.gather [hbm4b:s4+s2], $0x80, $0x38;
	[tilespmem:$0xA600] =	vst v63  }
0x19: {  	s25 =	smov.u32 s10;
	s26 =	smov.u32 s9;
	s28 =	simm.s32 $0x0  }
0x1a: {  	[tilespmem:s15], [sflag:$0x1] =	stream.linear.gather [hbm4b:s5+s2], $0x80, $0x38;
	[tilespmem:$0xA600] =	vst v63  }
.LBB2_2:
0x1b: {  	s29 =	sadd.s32 s28, s12  }
0x1c: {  	[tilespmem:s16], [sflag:$0x2] =	stream.linear.gather [hbm4b:s29+s2], $0x80, $0x38;
	[tilespmem:$0xA600] =	vst v63  }
0x1d: {  	s31 =	sadd.s32 s28, s11  }
0x1e: {  	[tilespmem:s17], [sflag:$0x2] =	stream.linear.gather [hbm4b:s31+s2], $0x80, $0x38;
	[tilespmem:$0xA600] =	vst v63  }
0x1f: {  	_ =	swait.ge [sflag:s18], $0x80  }
0x20: {  	[sflag:s18] =	ssyncset.done $0x0  }
0x21: {  	[sflag:s18] =	ssyncadd.s32 $0xFFFFFF80  }
0x22: {  	_ =	swait.ge [sflag:s18], $0x80  }
0x23: {  	p0 =	seq.s32 s28, $0x0;
	[sflag:s18] =	ssyncset.done $0x0  }
0x24: {  	s29 =	simm.s32 @!p0 $0x3;
	[sflag:s18] =	ssyncadd.s32 $0xFFFFFF80  }
0x25: {  	_ =	swait.ge @!p0 [sflag:s29], $0x200  }
0x26: {  	[sflag:s29] =	ssyncset.done @!p0 $0x0  }
0x27: {  	[sflag:s29] =	ssyncadd.s32 @!p0 $0xFFFFFE00  }
0x28: {  	v33 =	vld.idx.msk [tilespmem:v0+s14+$0x0], $0xffff  }
0x29: {  	v34 =	vld.idx.msk [tilespmem:v0+s15+$0x0], $0xffff;
	_ =	sdelay $0x3  }
0x2a: {  	v33 =	vshll.u32 v33, $0x2  }
0x2b: {  	v34 =	vshll.u32 v34, $0x2;
	v33 =	vor.u32 v1, v33  }
0x2c: {  	v34 =	vor.u32 v1, v34;
	_ =	sdelay $0x3  }
0x2d: {  	v33 =	vld.idx.msk [tilespmem:v33+s2+$0x0], $0xffff  }
0x2e: {  	v34 =	vld.idx.msk [tilespmem:v34+s2+$0x0], $0xffff;
	_ =	sdelay $0x4  }
0x2f: {  	v33 =	vsub.f32 v33, v34;
	_ =	sdelay $0x1  }
0x30: {  	[tilespmem:$0xA200] =	vst v33  }
0x31: {  	v33 =	vld.idx.msk [tilespmem:v2+s14+$0x0], $0xffff  }
0x32: {  	v56 =	vld.idx.msk [tilespmem:v2+s15+$0x0], $0xffff;
	_ =	sdelay $0x3  }
0x33: {  	v33 =	vshll.u32 v33, $0x2  }
0x34: {  	v34 =	vshll.u32 v56, $0x2;
	v33 =	vor.u32 v1, v33  }
0x35: {  	v34 =	vor.u32 v1, v34;
	_ =	sdelay $0x3  }
0x36: {  	v33 =	vld.idx.msk [tilespmem:v33+s2+$0x0], $0xffff  }
0x37: {  	v34 =	vld.idx.msk [tilespmem:v34+s2+$0x0], $0xffff;
	_ =	sdelay $0x4  }
0x38: {  	v33 =	vsub.f32 v33, v34;
	_ =	sdelay $0x1  }
0x39: {  	[tilespmem:$0xA210] =	vst v33  }
0x3a: {  	v33 =	vld.idx.msk [tilespmem:v3+s14+$0x0], $0xffff  }
0x3b: {  	v57 =	vld.idx.msk [tilespmem:v3+s15+$0x0], $0xffff;
	_ =	sdelay $0x3  }
0x3c: {  	v33 =	vshll.u32 v33, $0x2  }
0x3d: {  	v34 =	vshll.u32 v57, $0x2;
	v33 =	vor.u32 v1, v33  }
0x3e: {  	v34 =	vor.u32 v1, v34;
	_ =	sdelay $0x3  }
0x3f: {  	v33 =	vld.idx.msk [tilespmem:v33+s2+$0x0], $0xffff  }
0x40: {  	v34 =	vld.idx.msk [tilespmem:v34+s2+$0x0], $0xffff;
	_ =	sdelay $0x4  }
0x41: {  	v33 =	vsub.f32 v33, v34;
	_ =	sdelay $0x1  }
0x42: {  	[tilespmem:$0xA220] =	vst v33  }
0x43: {  	v33 =	vld.idx.msk [tilespmem:v4+s14+$0x0], $0xffff  }
0x44: {  	v58 =	vld.idx.msk [tilespmem:v4+s15+$0x0], $0xffff;
	_ =	sdelay $0x3  }
0x45: {  	v33 =	vshll.u32 v33, $0x2  }
0x46: {  	v34 =	vshll.u32 v58, $0x2;
	v33 =	vor.u32 v1, v33  }
0x47: {  	v34 =	vor.u32 v1, v34;
	_ =	sdelay $0x3  }
0x48: {  	v33 =	vld.idx.msk [tilespmem:v33+s2+$0x0], $0xffff  }
0x49: {  	v34 =	vld.idx.msk [tilespmem:v34+s2+$0x0], $0xffff;
	_ =	sdelay $0x4  }
0x4a: {  	v33 =	vsub.f32 v33, v34;
	_ =	sdelay $0x1  }
0x4b: {  	[tilespmem:$0xA230] =	vst v33  }
0x4c: {  	v33 =	vld.idx.msk [tilespmem:v5+s14+$0x0], $0xffff  }
0x4d: {  	v59 =	vld.idx.msk [tilespmem:v5+s15+$0x0], $0xffff;
	_ =	sdelay $0x3  }
0x4e: {  	v33 =	vshll.u32 v33, $0x2  }
0x4f: {  	v34 =	vshll.u32 v59, $0x2;
	v33 =	vor.u32 v1, v33  }
0x50: {  	v34 =	vor.u32 v1, v34;
	_ =	sdelay $0x3  }
0x51: {  	v33 =	vld.idx.msk [tilespmem:v33+s2+$0x0], $0xffff  }
0x52: {  	v34 =	vld.idx.msk [tilespmem:v34+s2+$0x0], $0xffff;
	_ =	sdelay $0x4  }
0x53: {  	v33 =	vsub.f32 v33, v34;
	_ =	sdelay $0x1  }
0x54: {  	[tilespmem:$0xA240] =	vst v33  }
0x55: {  	v33 =	vld.idx.msk [tilespmem:v6+s14+$0x0], $0xffff  }
0x56: {  	v60 =	vld.idx.msk [tilespmem:v6+s15+$0x0], $0xffff;
	_ =	sdelay $0x3  }
0x57: {  	v33 =	vshll.u32 v33, $0x2  }
0x58: {  	v34 =	vshll.u32 v60, $0x2;
	v33 =	vor.u32 v1, v33  }
0x59: {  	v34 =	vor.u32 v1, v34;
	_ =	sdelay $0x3  }
0x5a: {  	v33 =	vld.idx.msk [tilespmem:v33+s2+$0x0], $0xffff  }
0x5b: {  	v34 =	vld.idx.msk [tilespmem:v34+s2+$0x0], $0xffff;
	_ =	sdelay $0x4  }
0x5c: {  	v33 =	vsub.f32 v33, v34;
	_ =	sdelay $0x1  }
0x5d: {  	[tilespmem:$0xA250] =	vst v33  }
0x5e: {  	v33 =	vld.idx.msk [tilespmem:v7+s14+$0x0], $0xffff  }
0x5f: {  	v61 =	vld.idx.msk [tilespmem:v7+s15+$0x0], $0xffff;
	_ =	sdelay $0x3  }
0x60: {  	v33 =	vshll.u32 v33, $0x2  }
0x61: {  	v34 =	vshll.u32 v61, $0x2;
	v33 =	vor.u32 v1, v33  }
0x62: {  	v34 =	vor.u32 v1, v34;
	_ =	sdelay $0x3  }
0x63: {  	v33 =	vld.idx.msk [tilespmem:v33+s2+$0x0], $0xffff  }
0x64: {  	v34 =	vld.idx.msk [tilespmem:v34+s2+$0x0], $0xffff;
	_ =	sdelay $0x4  }
0x65: {  	v33 =	vsub.f32 v33, v34;
	_ =	sdelay $0x1  }
0x66: {  	[tilespmem:$0xA260] =	vst v33  }
0x67: {  	v33 =	vld.idx.msk [tilespmem:v8+s14+$0x0], $0xffff  }
0x68: {  	v62 =	vld.idx.msk [tilespmem:v8+s15+$0x0], $0xffff;
	_ =	sdelay $0x3  }
0x69: {  	v33 =	vshll.u32 v33, $0x2  }
0x6a: {  	v34 =	vshll.u32 v62, $0x2;
	v33 =	vor.u32 v1, v33  }
0x6b: {  	v34 =	vor.u32 v1, v34;
	_ =	sdelay $0x3  }
0x6c: {  	v33 =	vld.idx.msk [tilespmem:v33+s2+$0x0], $0xffff  }
0x6d: {  	v34 =	vld.idx.msk [tilespmem:v34+s2+$0x0], $0xffff;
	_ =	sdelay $0x4  }
0x6e: {  	v33 =	vsub.f32 v33, v34;
	_ =	sdelay $0x1  }
0x6f: {  	[tilespmem:$0xA270] =	vst v33  }
0x70: {  	v33 =	vld.idx.msk [tilespmem:v9+s14+$0x0], $0xffff  }
0x71: {  	v63 =	vld.idx.msk [tilespmem:v9+s15+$0x0], $0xffff;
	_ =	sdelay $0x3  }
0x72: {  	v33 =	vshll.u32 v33, $0x2  }
0x73: {  	v34 =	vshll.u32 v63, $0x2;
	v33 =	vor.u32 v1, v33  }
0x74: {  	v34 =	vor.u32 v1, v34;
	_ =	sdelay $0x3  }
0x75: {  	v33 =	vld.idx.msk [tilespmem:v33+s2+$0x0], $0xffff  }
0x76: {  	v34 =	vld.idx.msk [tilespmem:v34+s2+$0x0], $0xffff;
	_ =	sdelay $0x4  }
0x77: {  	v33 =	vsub.f32 v33, v34;
	_ =	sdelay $0x1  }
0x78: {  	[tilespmem:$0xA280] =	vst v33  }
0x79: {  	v33 =	vld.idx.msk [tilespmem:v10+s14+$0x0], $0xffff  }
0x7a: {  	v36 =	vld.idx.msk [tilespmem:v10+s15+$0x0], $0xffff;
	_ =	sdelay $0x3  }
0x7b: {  	v33 =	vshll.u32 v33, $0x2  }
0x7c: {  	v34 =	vshll.u32 v36, $0x2;
	v33 =	vor.u32 v1, v33  }
0x7d: {  	v34 =	vor.u32 v1, v34;
	_ =	sdelay $0x3  }
0x7e: {  	v33 =	vld.idx.msk [tilespmem:v33+s2+$0x0], $0xffff  }
0x7f: {  	v34 =	vld.idx.msk [tilespmem:v34+s2+$0x0], $0xffff;
	_ =	sdelay $0x4  }
0x80: {  	v33 =	vsub.f32 v33, v34;
	_ =	sdelay $0x1  }
0x81: {  	[tilespmem:$0xA290] =	vst v33  }
0x82: {  	v33 =	vld.idx.msk [tilespmem:v11+s14+$0x0], $0xffff  }
0x83: {  	v37 =	vld.idx.msk [tilespmem:v11+s15+$0x0], $0xffff;
	_ =	sdelay $0x3  }
0x84: {  	v33 =	vshll.u32 v33, $0x2  }
0x85: {  	v34 =	vshll.u32 v37, $0x2;
	v33 =	vor.u32 v1, v33  }
0x86: {  	v34 =	vor.u32 v1, v34;
	_ =	sdelay $0x3  }
0x87: {  	v33 =	vld.idx.msk [tilespmem:v33+s2+$0x0], $0xffff  }
0x88: {  	v34 =	vld.idx.msk [tilespmem:v34+s2+$0x0], $0xffff;
	_ =	sdelay $0x4  }
0x89: {  	v33 =	vsub.f32 v33, v34;
	_ =	sdelay $0x1  }
0x8a: {  	[tilespmem:$0xA2A0] =	vst v33  }
0x8b: {  	v33 =	vld.idx.msk [tilespmem:v12+s14+$0x0], $0xffff  }
0x8c: {  	v38 =	vld.idx.msk [tilespmem:v12+s15+$0x0], $0xffff;
	_ =	sdelay $0x3  }
0x8d: {  	v33 =	vshll.u32 v33, $0x2  }
0x8e: {  	v34 =	vshll.u32 v38, $0x2;
	v33 =	vor.u32 v1, v33  }
0x8f: {  	v34 =	vor.u32 v1, v34;
	_ =	sdelay $0x3  }
0x90: {  	v33 =	vld.idx.msk [tilespmem:v33+s2+$0x0], $0xffff  }
0x91: {  	v34 =	vld.idx.msk [tilespmem:v34+s2+$0x0], $0xffff;
	_ =	sdelay $0x4  }
0x92: {  	v33 =	vsub.f32 v33, v34;
	_ =	sdelay $0x1  }
0x93: {  	[tilespmem:$0xA2B0] =	vst v33  }
0x94: {  	v33 =	vld.idx.msk [tilespmem:v13+s14+$0x0], $0xffff  }
0x95: {  	v39 =	vld.idx.msk [tilespmem:v13+s15+$0x0], $0xffff;
	_ =	sdelay $0x3  }
0x96: {  	v33 =	vshll.u32 v33, $0x2  }
0x97: {  	v34 =	vshll.u32 v39, $0x2;
	v33 =	vor.u32 v1, v33  }
0x98: {  	v34 =	vor.u32 v1, v34;
	_ =	sdelay $0x3  }
0x99: {  	v33 =	vld.idx.msk [tilespmem:v33+s2+$0x0], $0xffff  }
0x9a: {  	v34 =	vld.idx.msk [tilespmem:v34+s2+$0x0], $0xffff;
	_ =	sdelay $0x4  }
0x9b: {  	v33 =	vsub.f32 v33, v34;
	_ =	sdelay $0x1  }
0x9c: {  	[tilespmem:$0xA2C0] =	vst v33  }
0x9d: {  	v33 =	vld.idx.msk [tilespmem:v14+s14+$0x0], $0xffff  }
0x9e: {  	v40 =	vld.idx.msk [tilespmem:v14+s15+$0x0], $0xffff;
	_ =	sdelay $0x3  }
0x9f: {  	v33 =	vshll.u32 v33, $0x2  }
0xa0: {  	v34 =	vshll.u32 v40, $0x2;
	v33 =	vor.u32 v1, v33  }
0xa1: {  	v34 =	vor.u32 v1, v34;
	_ =	sdelay $0x3  }
0xa2: {  	v33 =	vld.idx.msk [tilespmem:v33+s2+$0x0], $0xffff  }
0xa3: {  	v34 =	vld.idx.msk [tilespmem:v34+s2+$0x0], $0xffff;
	_ =	sdelay $0x4  }
0xa4: {  	v33 =	vsub.f32 v33, v34;
	_ =	sdelay $0x1  }
0xa5: {  	[tilespmem:$0xA2D0] =	vst v33  }
0xa6: {  	v33 =	vld.idx.msk [tilespmem:v15+s14+$0x0], $0xffff  }
0xa7: {  	v41 =	vld.idx.msk [tilespmem:v15+s15+$0x0], $0xffff;
	_ =	sdelay $0x3  }
0xa8: {  	v33 =	vshll.u32 v33, $0x2  }
0xa9: {  	v34 =	vshll.u32 v41, $0x2;
	v33 =	vor.u32 v1, v33  }
0xaa: {  	v34 =	vor.u32 v1, v34;
	_ =	sdelay $0x3  }
0xab: {  	v33 =	vld.idx.msk [tilespmem:v33+s2+$0x0], $0xffff  }
0xac: {  	v34 =	vld.idx.msk [tilespmem:v34+s2+$0x0], $0xffff;
	_ =	sdelay $0x4  }
0xad: {  	v33 =	vsub.f32 v33, v34;
	_ =	sdelay $0x1  }
0xae: {  	[tilespmem:$0xA2E0] =	vst v33  }
0xaf: {  	v33 =	vld.idx.msk [tilespmem:v16+s14+$0x0], $0xffff  }
0xb0: {  	v42 =	vld.idx.msk [tilespmem:v16+s15+$0x0], $0xffff;
	_ =	sdelay $0x3  }
0xb1: {  	v33 =	vshll.u32 v33, $0x2  }
0xb2: {  	v34 =	vshll.u32 v42, $0x2;
	v33 =	vor.u32 v1, v33  }
0xb3: {  	v34 =	vor.u32 v1, v34;
	_ =	sdelay $0x3  }
0xb4: {  	v33 =	vld.idx.msk [tilespmem:v33+s2+$0x0], $0xffff  }
0xb5: {  	v34 =	vld.idx.msk [tilespmem:v34+s2+$0x0], $0xffff;
	_ =	sdelay $0x4  }
0xb6: {  	v33 =	vsub.f32 v33, v34;
	_ =	sdelay $0x1  }
0xb7: {  	[tilespmem:$0xA2F0] =	vst v33  }
0xb8: {  	v33 =	vld.idx.msk [tilespmem:v17+s14+$0x0], $0xffff  }
0xb9: {  	v43 =	vld.idx.msk [tilespmem:v17+s15+$0x0], $0xffff;
	_ =	sdelay $0x3  }
0xba: {  	v33 =	vshll.u32 v33, $0x2  }
0xbb: {  	v34 =	vshll.u32 v43, $0x2;
	v33 =	vor.u32 v1, v33  }
0xbc: {  	v34 =	vor.u32 v1, v34;
	_ =	sdelay $0x3  }
0xbd: {  	v33 =	vld.idx.msk [tilespmem:v33+s2+$0x0], $0xffff  }
0xbe: {  	v34 =	vld.idx.msk [tilespmem:v34+s2+$0x0], $0xffff;
	_ =	sdelay $0x4  }
0xbf: {  	v33 =	vsub.f32 v33, v34;
	_ =	sdelay $0x1  }
0xc0: {  	[tilespmem:$0xA300] =	vst v33  }
0xc1: {  	v33 =	vld.idx.msk [tilespmem:v18+s14+$0x0], $0xffff  }
0xc2: {  	v44 =	vld.idx.msk [tilespmem:v18+s15+$0x0], $0xffff;
	_ =	sdelay $0x3  }
0xc3: {  	v33 =	vshll.u32 v33, $0x2  }
0xc4: {  	v34 =	vshll.u32 v44, $0x2;
	v33 =	vor.u32 v1, v33  }
0xc5: {  	v34 =	vor.u32 v1, v34;
	_ =	sdelay $0x3  }
0xc6: {  	v33 =	vld.idx.msk [tilespmem:v33+s2+$0x0], $0xffff  }
0xc7: {  	v34 =	vld.idx.msk [tilespmem:v34+s2+$0x0], $0xffff;
	_ =	sdelay $0x4  }
0xc8: {  	v33 =	vsub.f32 v33, v34;
	_ =	sdelay $0x1  }
0xc9: {  	[tilespmem:$0xA310] =	vst v33  }
0xca: {  	v33 =	vld.idx.msk [tilespmem:v19+s14+$0x0], $0xffff  }
0xcb: {  	v45 =	vld.idx.msk [tilespmem:v19+s15+$0x0], $0xffff;
	_ =	sdelay $0x3  }
0xcc: {  	v33 =	vshll.u32 v33, $0x2  }
0xcd: {  	v34 =	vshll.u32 v45, $0x2;
	v33 =	vor.u32 v1, v33  }
0xce: {  	v34 =	vor.u32 v1, v34;
	_ =	sdelay $0x3  }
0xcf: {  	v33 =	vld.idx.msk [tilespmem:v33+s2+$0x0], $0xffff  }
0xd0: {  	v34 =	vld.idx.msk [tilespmem:v34+s2+$0x0], $0xffff;
	_ =	sdelay $0x4  }
0xd1: {  	v33 =	vsub.f32 v33, v34;
	_ =	sdelay $0x1  }
0xd2: {  	[tilespmem:$0xA320] =	vst v33  }
0xd3: {  	v33 =	vld.idx.msk [tilespmem:v20+s14+$0x0], $0xffff  }
0xd4: {  	v46 =	vld.idx.msk [tilespmem:v20+s15+$0x0], $0xffff;
	_ =	sdelay $0x3  }
0xd5: {  	v33 =	vshll.u32 v33, $0x2  }
0xd6: {  	v34 =	vshll.u32 v46, $0x2;
	v33 =	vor.u32 v1, v33  }
0xd7: {  	v34 =	vor.u32 v1, v34;
	_ =	sdelay $0x3  }
0xd8: {  	v33 =	vld.idx.msk [tilespmem:v33+s2+$0x0], $0xffff  }
0xd9: {  	v34 =	vld.idx.msk [tilespmem:v34+s2+$0x0], $0xffff;
	_ =	sdelay $0x4  }
0xda: {  	v33 =	vsub.f32 v33, v34;
	_ =	sdelay $0x1  }
0xdb: {  	[tilespmem:$0xA330] =	vst v33  }
0xdc: {  	v33 =	vld.idx.msk [tilespmem:v21+s14+$0x0], $0xffff  }
0xdd: {  	v47 =	vld.idx.msk [tilespmem:v21+s15+$0x0], $0xffff;
	_ =	sdelay $0x3  }
0xde: {  	v33 =	vshll.u32 v33, $0x2  }
0xdf: {  	v34 =	vshll.u32 v47, $0x2;
	v33 =	vor.u32 v1, v33  }
0xe0: {  	v34 =	vor.u32 v1, v34;
	_ =	sdelay $0x3  }
0xe1: {  	v33 =	vld.idx.msk [tilespmem:v33+s2+$0x0], $0xffff  }
0xe2: {  	v34 =	vld.idx.msk [tilespmem:v34+s2+$0x0], $0xffff;
	_ =	sdelay $0x4  }
0xe3: {  	v33 =	vsub.f32 v33, v34;
	_ =	sdelay $0x1  }
0xe4: {  	[tilespmem:$0xA340] =	vst v33  }
0xe5: {  	v33 =	vld.idx.msk [tilespmem:v22+s14+$0x0], $0xffff  }
0xe6: {  	v48 =	vld.idx.msk [tilespmem:v22+s15+$0x0], $0xffff;
	_ =	sdelay $0x3  }
0xe7: {  	v33 =	vshll.u32 v33, $0x2  }
0xe8: {  	v34 =	vshll.u32 v48, $0x2;
	v33 =	vor.u32 v1, v33  }
0xe9: {  	v34 =	vor.u32 v1, v34;
	_ =	sdelay $0x3  }
0xea: {  	v33 =	vld.idx.msk [tilespmem:v33+s2+$0x0], $0xffff  }
0xeb: {  	v34 =	vld.idx.msk [tilespmem:v34+s2+$0x0], $0xffff;
	_ =	sdelay $0x4  }
0xec: {  	v33 =	vsub.f32 v33, v34;
	_ =	sdelay $0x1  }
0xed: {  	[tilespmem:$0xA350] =	vst v33  }
0xee: {  	v33 =	vld.idx.msk [tilespmem:v23+s14+$0x0], $0xffff  }
0xef: {  	v49 =	vld.idx.msk [tilespmem:v23+s15+$0x0], $0xffff;
	_ =	sdelay $0x3  }
0xf0: {  	v33 =	vshll.u32 v33, $0x2  }
0xf1: {  	v34 =	vshll.u32 v49, $0x2;
	v33 =	vor.u32 v1, v33  }
0xf2: {  	v34 =	vor.u32 v1, v34;
	_ =	sdelay $0x3  }
0xf3: {  	v33 =	vld.idx.msk [tilespmem:v33+s2+$0x0], $0xffff  }
0xf4: {  	v34 =	vld.idx.msk [tilespmem:v34+s2+$0x0], $0xffff;
	_ =	sdelay $0x4  }
0xf5: {  	v33 =	vsub.f32 v33, v34;
	_ =	sdelay $0x1  }
0xf6: {  	[tilespmem:$0xA360] =	vst v33  }
0xf7: {  	v33 =	vld.idx.msk [tilespmem:v24+s14+$0x0], $0xffff  }
0xf8: {  	v50 =	vld.idx.msk [tilespmem:v24+s15+$0x0], $0xffff;
	_ =	sdelay $0x3  }
0xf9: {  	v33 =	vshll.u32 v33, $0x2  }
0xfa: {  	v34 =	vshll.u32 v50, $0x2;
	v33 =	vor.u32 v1, v33  }
0xfb: {  	v34 =	vor.u32 v1, v34;
	_ =	sdelay $0x3  }
0xfc: {  	v33 =	vld.idx.msk [tilespmem:v33+s2+$0x0], $0xffff  }
0xfd: {  	v34 =	vld.idx.msk [tilespmem:v34+s2+$0x0], $0xffff;
	_ =	sdelay $0x4  }
0xfe: {  	v33 =	vsub.f32 v33, v34;
	_ =	sdelay $0x1  }
0xff: {  	[tilespmem:$0xA370] =	vst v33  }
0x100: {  	v33 =	vld.idx.msk [tilespmem:v25+s14+$0x0], $0xffff  }
0x101: {  	v51 =	vld.idx.msk [tilespmem:v25+s15+$0x0], $0xffff;
	_ =	sdelay $0x3  }
0x102: {  	v33 =	vshll.u32 v33, $0x2  }
0x103: {  	v34 =	vshll.u32 v51, $0x2;
	v33 =	vor.u32 v1, v33  }
0x104: {  	v34 =	vor.u32 v1, v34;
	_ =	sdelay $0x3  }
0x105: {  	v33 =	vld.idx.msk [tilespmem:v33+s2+$0x0], $0xffff  }
0x106: {  	v34 =	vld.idx.msk [tilespmem:v34+s2+$0x0], $0xffff;
	_ =	sdelay $0x4  }
0x107: {  	v33 =	vsub.f32 v33, v34;
	_ =	sdelay $0x1  }
0x108: {  	[tilespmem:$0xA380] =	vst v33  }
0x109: {  	v33 =	vld.idx.msk [tilespmem:v26+s14+$0x0], $0xffff  }
0x10a: {  	v52 =	vld.idx.msk [tilespmem:v26+s15+$0x0], $0xffff;
	_ =	sdelay $0x3  }
0x10b: {  	v33 =	vshll.u32 v33, $0x2  }
0x10c: {  	v34 =	vshll.u32 v52, $0x2;
	v33 =	vor.u32 v1, v33  }
0x10d: {  	v34 =	vor.u32 v1, v34;
	_ =	sdelay $0x3  }
0x10e: {  	v33 =	vld.idx.msk [tilespmem:v33+s2+$0x0], $0xffff  }
0x10f: {  	v34 =	vld.idx.msk [tilespmem:v34+s2+$0x0], $0xffff;
	_ =	sdelay $0x4  }
0x110: {  	v33 =	vsub.f32 v33, v34;
	_ =	sdelay $0x1  }
0x111: {  	[tilespmem:$0xA390] =	vst v33  }
0x112: {  	v33 =	vld.idx.msk [tilespmem:v27+s14+$0x0], $0xffff  }
0x113: {  	v53 =	vld.idx.msk [tilespmem:v27+s15+$0x0], $0xffff;
	_ =	sdelay $0x3  }
0x114: {  	v33 =	vshll.u32 v33, $0x2  }
0x115: {  	v34 =	vshll.u32 v53, $0x2;
	v33 =	vor.u32 v1, v33  }
0x116: {  	v34 =	vor.u32 v1, v34;
	_ =	sdelay $0x3  }
0x117: {  	v33 =	vld.idx.msk [tilespmem:v33+s2+$0x0], $0xffff  }
0x118: {  	v34 =	vld.idx.msk [tilespmem:v34+s2+$0x0], $0xffff;
	_ =	sdelay $0x4  }
0x119: {  	v33 =	vsub.f32 v33, v34;
	_ =	sdelay $0x1  }
0x11a: {  	[tilespmem:$0xA3A0] =	vst v33  }
0x11b: {  	v33 =	vld.idx.msk [tilespmem:v28+s14+$0x0], $0xffff  }
0x11c: {  	v54 =	vld.idx.msk [tilespmem:v28+s15+$0x0], $0xffff;
	_ =	sdelay $0x3  }
0x11d: {  	v33 =	vshll.u32 v33, $0x2  }
0x11e: {  	v34 =	vshll.u32 v54, $0x2;
	v33 =	vor.u32 v1, v33  }
0x11f: {  	v34 =	vor.u32 v1, v34;
	_ =	sdelay $0x3  }
0x120: {  	v33 =	vld.idx.msk [tilespmem:v33+s2+$0x0], $0xffff  }
0x121: {  	v34 =	vld.idx.msk [tilespmem:v34+s2+$0x0], $0xffff;
	_ =	sdelay $0x4  }
0x122: {  	v33 =	vsub.f32 v33, v34;
	_ =	sdelay $0x1  }
0x123: {  	[tilespmem:$0xA3B0] =	vst v33  }
0x124: {  	v33 =	vld.idx.msk [tilespmem:v29+s14+$0x0], $0xffff  }
0x125: {  	v55 =	vld.idx.msk [tilespmem:v29+s15+$0x0], $0xffff;
	_ =	sdelay $0x3  }
0x126: {  	v33 =	vshll.u32 v33, $0x2  }
0x127: {  	v34 =	vshll.u32 v55, $0x2;
	v33 =	vor.u32 v1, v33  }
0x128: {  	v34 =	vor.u32 v1, v34;
	_ =	sdelay $0x3  }
0x129: {  	v33 =	vld.idx.msk [tilespmem:v33+s2+$0x0], $0xffff  }
0x12a: {  	v34 =	vld.idx.msk [tilespmem:v34+s2+$0x0], $0xffff;
	_ =	sdelay $0x4  }
0x12b: {  	v33 =	vsub.f32 v33, v34;
	_ =	sdelay $0x1  }
0x12c: {  	[tilespmem:$0xA3C0] =	vst v33  }
0x12d: {  	v33 =	vld.idx.msk [tilespmem:v30+s14+$0x0], $0xffff  }
0x12e: {  	v56 =	vld.idx.msk [tilespmem:v30+s15+$0x0], $0xffff;
	_ =	sdelay $0x3  }
0x12f: {  	v33 =	vshll.u32 v33, $0x2  }
0x130: {  	v34 =	vshll.u32 v56, $0x2;
	v33 =	vor.u32 v1, v33  }
0x131: {  	v34 =	vor.u32 v1, v34;
	_ =	sdelay $0x3  }
0x132: {  	v33 =	vld.idx.msk [tilespmem:v33+s2+$0x0], $0xffff  }
0x133: {  	v34 =	vld.idx.msk [tilespmem:v34+s2+$0x0], $0xffff;
	_ =	sdelay $0x4  }
0x134: {  	v33 =	vsub.f32 v33, v34;
	_ =	sdelay $0x1  }
0x135: {  	[tilespmem:$0xA3D0] =	vst v33  }
0x136: {  	v33 =	vld.idx.msk [tilespmem:v31+s14+$0x0], $0xffff  }
0x137: {  	v57 =	vld.idx.msk [tilespmem:v31+s15+$0x0], $0xffff;
	_ =	sdelay $0x3  }
0x138: {  	v33 =	vshll.u32 v33, $0x2  }
0x139: {  	v34 =	vshll.u32 v57, $0x2;
	v33 =	vor.u32 v1, v33  }
0x13a: {  	v34 =	vor.u32 v1, v34;
	_ =	sdelay $0x3  }
0x13b: {  	v33 =	vld.idx.msk [tilespmem:v33+s2+$0x0], $0xffff  }
0x13c: {  	v34 =	vld.idx.msk [tilespmem:v34+s2+$0x0], $0xffff;
	_ =	sdelay $0x4  }
0x13d: {  	v33 =	vsub.f32 v33, v34;
	_ =	sdelay $0x1  }
0x13e: {  	[tilespmem:$0xA3E0] =	vst v33  }
0x13f: {  	v33 =	vld.idx.msk [tilespmem:v32+s14+$0x0], $0xffff  }
0x140: {  	v58 =	vld.idx.msk [tilespmem:v32+s15+$0x0], $0xffff;
	_ =	sdelay $0x3  }
0x141: {  	v33 =	vshll.u32 v33, $0x2  }
0x142: {  	v34 =	vshll.u32 v58, $0x2;
	v33 =	vor.u32 v1, v33  }
0x143: {  	v34 =	vor.u32 v1, v34;
	_ =	sdelay $0x3  }
0x144: {  	v33 =	vld.idx.msk [tilespmem:v33+s2+$0x0], $0xffff  }
0x145: {  	v34 =	vld.idx.msk [tilespmem:v34+s2+$0x0], $0xffff;
	_ =	sdelay $0x4  }
0x146: {  	v33 =	vsub.f32 v33, v34;
	_ =	sdelay $0x1  }
0x147: {  	p1 =	seq.s32 s28, $0x4E0;
	[tilespmem:$0xA3F0] =	vst v33  }
0x148: {  	[hbm4b:s26+s2] =	stream.linear.scatter [tilespmem:s19], [sflag:$0x3], $0x200, $0x38;
	[tilespmem:$0xA600] =	vst v63  }
0x149: {  	s30 =	simm.s32 @!p1 $0x0;
	s31 =	simm.s32 @!p1 $0xA000;
	s29 =	sadd.s32 @!p1 s28, s8  }
0x14a: {  	[tilespmem:s31], [sflag:$0x1] =	stream.linear.gather @!p1 [hbm4b:s29+s30], $0x80, $0x38;
	[tilespmem:$0xA600] =	vst v63  }
0x14b: {  	s29 =	sadd.s32 @!p1 s28, s7;
	s31 =	simm.s32 @!p1 $0xA080  }
0x14c: {  	[tilespmem:s31], [sflag:$0x1] =	stream.linear.gather @!p1 [hbm4b:s29+s30], $0x80, $0x38;
	[tilespmem:$0xA600] =	vst v63  }
0x14d: {  	_ =	swait.ge [sflag:s20], $0x80  }
0x14e: {  	[sflag:s20] =	ssyncset.done $0x0  }
0x14f: {  	[sflag:s20] =	ssyncadd.s32 $0xFFFFFF80  }
0x150: {  	_ =	swait.ge [sflag:s20], $0x80  }
0x151: {  	[sflag:s20] =	ssyncset.done $0x0  }
0x152: {  	s29 =	simm.s32 @!p0 $0x4;
	[sflag:s20] =	ssyncadd.s32 $0xFFFFFF80  }
0x153: {  	_ =	swait.ge @!p0 [sflag:s29], $0x200  }
0x154: {  	[sflag:s29] =	ssyncset.done @!p0 $0x0  }
0x155: {  	[sflag:s29] =	ssyncadd.s32 @!p0 $0xFFFFFE00  }
0x156: {  	v59 =	vld.idx.msk [tilespmem:v0+s16+$0x0], $0xffff  }
0x157: {  	v60 =	vld.idx.msk [tilespmem:v0+s17+$0x0], $0xffff;
	_ =	sdelay $0x3  }
0x158: {  	v33 =	vshll.u32 v59, $0x2  }
0x159: {  	v34 =	vshll.u32 v60, $0x2;
	v33 =	vor.u32 v1, v33  }
0x15a: {  	v34 =	vor.u32 v1, v34;
	_ =	sdelay $0x3  }
0x15b: {  	v33 =	vld.idx.msk [tilespmem:v33+s2+$0x0], $0xffff  }
0x15c: {  	v34 =	vld.idx.msk [tilespmem:v34+s2+$0x0], $0xffff;
	_ =	sdelay $0x4  }
0x15d: {  	v33 =	vsub.f32 v33, v34;
	_ =	sdelay $0x1  }
0x15e: {  	[tilespmem:$0xA400] =	vst v33  }
0x15f: {  	v33 =	vld.idx.msk [tilespmem:v2+s16+$0x0], $0xffff  }
0x160: {  	v61 =	vld.idx.msk [tilespmem:v2+s17+$0x0], $0xffff;
	_ =	sdelay $0x3  }
0x161: {  	v33 =	vshll.u32 v33, $0x2  }
0x162: {  	v34 =	vshll.u32 v61, $0x2;
	v33 =	vor.u32 v1, v33  }
0x163: {  	v34 =	vor.u32 v1, v34;
	_ =	sdelay $0x3  }
0x164: {  	v33 =	vld.idx.msk [tilespmem:v33+s2+$0x0], $0xffff  }
0x165: {  	v34 =	vld.idx.msk [tilespmem:v34+s2+$0x0], $0xffff;
	_ =	sdelay $0x4  }
0x166: {  	v33 =	vsub.f32 v33, v34;
	_ =	sdelay $0x1  }
0x167: {  	[tilespmem:$0xA410] =	vst v33  }
0x168: {  	v33 =	vld.idx.msk [tilespmem:v3+s16+$0x0], $0xffff  }
0x169: {  	v62 =	vld.idx.msk [tilespmem:v3+s17+$0x0], $0xffff;
	_ =	sdelay $0x3  }
0x16a: {  	v33 =	vshll.u32 v33, $0x2  }
0x16b: {  	v34 =	vshll.u32 v62, $0x2;
	v33 =	vor.u32 v1, v33  }
0x16c: {  	v34 =	vor.u32 v1, v34;
	_ =	sdelay $0x3  }
0x16d: {  	v33 =	vld.idx.msk [tilespmem:v33+s2+$0x0], $0xffff  }
0x16e: {  	v34 =	vld.idx.msk [tilespmem:v34+s2+$0x0], $0xffff;
	_ =	sdelay $0x4  }
0x16f: {  	v33 =	vsub.f32 v33, v34;
	_ =	sdelay $0x1  }
0x170: {  	[tilespmem:$0xA420] =	vst v33  }
0x171: {  	v33 =	vld.idx.msk [tilespmem:v4+s16+$0x0], $0xffff  }
0x172: {  	v63 =	vld.idx.msk [tilespmem:v4+s17+$0x0], $0xffff;
	_ =	sdelay $0x3  }
0x173: {  	v33 =	vshll.u32 v33, $0x2  }
0x174: {  	v34 =	vshll.u32 v63, $0x2;
	v33 =	vor.u32 v1, v33  }
0x175: {  	v34 =	vor.u32 v1, v34;
	_ =	sdelay $0x3  }
0x176: {  	v33 =	vld.idx.msk [tilespmem:v33+s2+$0x0], $0xffff  }
0x177: {  	v34 =	vld.idx.msk [tilespmem:v34+s2+$0x0], $0xffff;
	_ =	sdelay $0x4  }
0x178: {  	v33 =	vsub.f32 v33, v34;
	_ =	sdelay $0x1  }
0x179: {  	[tilespmem:$0xA430] =	vst v33  }
0x17a: {  	v33 =	vld.idx.msk [tilespmem:v5+s16+$0x0], $0xffff  }
0x17b: {  	v36 =	vld.idx.msk [tilespmem:v5+s17+$0x0], $0xffff;
	_ =	sdelay $0x3  }
0x17c: {  	v33 =	vshll.u32 v33, $0x2  }
0x17d: {  	v34 =	vshll.u32 v36, $0x2;
	v33 =	vor.u32 v1, v33  }
0x17e: {  	v34 =	vor.u32 v1, v34;
	_ =	sdelay $0x3  }
0x17f: {  	v33 =	vld.idx.msk [tilespmem:v33+s2+$0x0], $0xffff  }
0x180: {  	v34 =	vld.idx.msk [tilespmem:v34+s2+$0x0], $0xffff;
	_ =	sdelay $0x4  }
0x181: {  	v33 =	vsub.f32 v33, v34;
	_ =	sdelay $0x1  }
0x182: {  	[tilespmem:$0xA440] =	vst v33  }
0x183: {  	v33 =	vld.idx.msk [tilespmem:v6+s16+$0x0], $0xffff  }
0x184: {  	v37 =	vld.idx.msk [tilespmem:v6+s17+$0x0], $0xffff;
	_ =	sdelay $0x3  }
0x185: {  	v33 =	vshll.u32 v33, $0x2  }
0x186: {  	v34 =	vshll.u32 v37, $0x2;
	v33 =	vor.u32 v1, v33  }
0x187: {  	v34 =	vor.u32 v1, v34;
	_ =	sdelay $0x3  }
0x188: {  	v33 =	vld.idx.msk [tilespmem:v33+s2+$0x0], $0xffff  }
0x189: {  	v34 =	vld.idx.msk [tilespmem:v34+s2+$0x0], $0xffff;
	_ =	sdelay $0x4  }
0x18a: {  	v33 =	vsub.f32 v33, v34;
	_ =	sdelay $0x1  }
0x18b: {  	[tilespmem:$0xA450] =	vst v33  }
0x18c: {  	v33 =	vld.idx.msk [tilespmem:v7+s16+$0x0], $0xffff  }
0x18d: {  	v38 =	vld.idx.msk [tilespmem:v7+s17+$0x0], $0xffff;
	_ =	sdelay $0x3  }
0x18e: {  	v33 =	vshll.u32 v33, $0x2  }
0x18f: {  	v34 =	vshll.u32 v38, $0x2;
	v33 =	vor.u32 v1, v33  }
0x190: {  	v34 =	vor.u32 v1, v34;
	_ =	sdelay $0x3  }
0x191: {  	v33 =	vld.idx.msk [tilespmem:v33+s2+$0x0], $0xffff  }
0x192: {  	v34 =	vld.idx.msk [tilespmem:v34+s2+$0x0], $0xffff;
	_ =	sdelay $0x4  }
0x193: {  	v33 =	vsub.f32 v33, v34;
	_ =	sdelay $0x1  }
0x194: {  	[tilespmem:$0xA460] =	vst v33  }
0x195: {  	v33 =	vld.idx.msk [tilespmem:v8+s16+$0x0], $0xffff  }
0x196: {  	v39 =	vld.idx.msk [tilespmem:v8+s17+$0x0], $0xffff;
	_ =	sdelay $0x3  }
0x197: {  	v33 =	vshll.u32 v33, $0x2  }
0x198: {  	v34 =	vshll.u32 v39, $0x2;
	v33 =	vor.u32 v1, v33  }
0x199: {  	v34 =	vor.u32 v1, v34;
	_ =	sdelay $0x3  }
0x19a: {  	v33 =	vld.idx.msk [tilespmem:v33+s2+$0x0], $0xffff  }
0x19b: {  	v34 =	vld.idx.msk [tilespmem:v34+s2+$0x0], $0xffff;
	_ =	sdelay $0x4  }
0x19c: {  	v33 =	vsub.f32 v33, v34;
	_ =	sdelay $0x1  }
0x19d: {  	[tilespmem:$0xA470] =	vst v33  }
0x19e: {  	v33 =	vld.idx.msk [tilespmem:v9+s16+$0x0], $0xffff  }
0x19f: {  	v40 =	vld.idx.msk [tilespmem:v9+s17+$0x0], $0xffff;
	_ =	sdelay $0x3  }
0x1a0: {  	v33 =	vshll.u32 v33, $0x2  }
0x1a1: {  	v34 =	vshll.u32 v40, $0x2;
	v33 =	vor.u32 v1, v33  }
0x1a2: {  	v34 =	vor.u32 v1, v34;
	_ =	sdelay $0x3  }
0x1a3: {  	v33 =	vld.idx.msk [tilespmem:v33+s2+$0x0], $0xffff  }
0x1a4: {  	v34 =	vld.idx.msk [tilespmem:v34+s2+$0x0], $0xffff;
	_ =	sdelay $0x4  }
0x1a5: {  	v33 =	vsub.f32 v33, v34;
	_ =	sdelay $0x1  }
0x1a6: {  	[tilespmem:$0xA480] =	vst v33  }
0x1a7: {  	v33 =	vld.idx.msk [tilespmem:v10+s16+$0x0], $0xffff  }
0x1a8: {  	v41 =	vld.idx.msk [tilespmem:v10+s17+$0x0], $0xffff;
	_ =	sdelay $0x3  }
0x1a9: {  	v33 =	vshll.u32 v33, $0x2  }
0x1aa: {  	v34 =	vshll.u32 v41, $0x2;
	v33 =	vor.u32 v1, v33  }
0x1ab: {  	v34 =	vor.u32 v1, v34;
	_ =	sdelay $0x3  }
0x1ac: {  	v33 =	vld.idx.msk [tilespmem:v33+s2+$0x0], $0xffff  }
0x1ad: {  	v34 =	vld.idx.msk [tilespmem:v34+s2+$0x0], $0xffff;
	_ =	sdelay $0x4  }
0x1ae: {  	v33 =	vsub.f32 v33, v34;
	_ =	sdelay $0x1  }
0x1af: {  	[tilespmem:$0xA490] =	vst v33  }
0x1b0: {  	v33 =	vld.idx.msk [tilespmem:v11+s16+$0x0], $0xffff  }
0x1b1: {  	v42 =	vld.idx.msk [tilespmem:v11+s17+$0x0], $0xffff;
	_ =	sdelay $0x3  }
0x1b2: {  	v33 =	vshll.u32 v33, $0x2  }
0x1b3: {  	v34 =	vshll.u32 v42, $0x2;
	v33 =	vor.u32 v1, v33  }
0x1b4: {  	v34 =	vor.u32 v1, v34;
	_ =	sdelay $0x3  }
0x1b5: {  	v33 =	vld.idx.msk [tilespmem:v33+s2+$0x0], $0xffff  }
0x1b6: {  	v34 =	vld.idx.msk [tilespmem:v34+s2+$0x0], $0xffff;
	_ =	sdelay $0x4  }
0x1b7: {  	v33 =	vsub.f32 v33, v34;
	_ =	sdelay $0x1  }
0x1b8: {  	[tilespmem:$0xA4A0] =	vst v33  }
0x1b9: {  	v33 =	vld.idx.msk [tilespmem:v12+s16+$0x0], $0xffff  }
0x1ba: {  	v43 =	vld.idx.msk [tilespmem:v12+s17+$0x0], $0xffff;
	_ =	sdelay $0x3  }
0x1bb: {  	v33 =	vshll.u32 v33, $0x2  }
0x1bc: {  	v34 =	vshll.u32 v43, $0x2;
	v33 =	vor.u32 v1, v33  }
0x1bd: {  	v34 =	vor.u32 v1, v34;
	_ =	sdelay $0x3  }
0x1be: {  	v33 =	vld.idx.msk [tilespmem:v33+s2+$0x0], $0xffff  }
0x1bf: {  	v34 =	vld.idx.msk [tilespmem:v34+s2+$0x0], $0xffff;
	_ =	sdelay $0x4  }
0x1c0: {  	v33 =	vsub.f32 v33, v34;
	_ =	sdelay $0x1  }
0x1c1: {  	[tilespmem:$0xA4B0] =	vst v33  }
0x1c2: {  	v33 =	vld.idx.msk [tilespmem:v13+s16+$0x0], $0xffff  }
0x1c3: {  	v44 =	vld.idx.msk [tilespmem:v13+s17+$0x0], $0xffff;
	_ =	sdelay $0x3  }
0x1c4: {  	v33 =	vshll.u32 v33, $0x2  }
0x1c5: {  	v34 =	vshll.u32 v44, $0x2;
	v33 =	vor.u32 v1, v33  }
0x1c6: {  	v34 =	vor.u32 v1, v34;
	_ =	sdelay $0x3  }
0x1c7: {  	v33 =	vld.idx.msk [tilespmem:v33+s2+$0x0], $0xffff  }
0x1c8: {  	v34 =	vld.idx.msk [tilespmem:v34+s2+$0x0], $0xffff;
	_ =	sdelay $0x4  }
0x1c9: {  	v33 =	vsub.f32 v33, v34;
	_ =	sdelay $0x1  }
0x1ca: {  	[tilespmem:$0xA4C0] =	vst v33  }
0x1cb: {  	v33 =	vld.idx.msk [tilespmem:v14+s16+$0x0], $0xffff  }
0x1cc: {  	v45 =	vld.idx.msk [tilespmem:v14+s17+$0x0], $0xffff;
	_ =	sdelay $0x3  }
0x1cd: {  	v33 =	vshll.u32 v33, $0x2  }
0x1ce: {  	v34 =	vshll.u32 v45, $0x2;
	v33 =	vor.u32 v1, v33  }
0x1cf: {  	v34 =	vor.u32 v1, v34;
	_ =	sdelay $0x3  }
0x1d0: {  	v33 =	vld.idx.msk [tilespmem:v33+s2+$0x0], $0xffff  }
0x1d1: {  	v34 =	vld.idx.msk [tilespmem:v34+s2+$0x0], $0xffff;
	_ =	sdelay $0x4  }
0x1d2: {  	v33 =	vsub.f32 v33, v34;
	_ =	sdelay $0x1  }
0x1d3: {  	[tilespmem:$0xA4D0] =	vst v33  }
0x1d4: {  	v33 =	vld.idx.msk [tilespmem:v15+s16+$0x0], $0xffff  }
0x1d5: {  	v46 =	vld.idx.msk [tilespmem:v15+s17+$0x0], $0xffff;
	_ =	sdelay $0x3  }
0x1d6: {  	v33 =	vshll.u32 v33, $0x2  }
0x1d7: {  	v34 =	vshll.u32 v46, $0x2;
	v33 =	vor.u32 v1, v33  }
0x1d8: {  	v34 =	vor.u32 v1, v34;
	_ =	sdelay $0x3  }
0x1d9: {  	v33 =	vld.idx.msk [tilespmem:v33+s2+$0x0], $0xffff  }
0x1da: {  	v34 =	vld.idx.msk [tilespmem:v34+s2+$0x0], $0xffff;
	_ =	sdelay $0x4  }
0x1db: {  	v33 =	vsub.f32 v33, v34;
	_ =	sdelay $0x1  }
0x1dc: {  	[tilespmem:$0xA4E0] =	vst v33  }
0x1dd: {  	v33 =	vld.idx.msk [tilespmem:v16+s16+$0x0], $0xffff  }
0x1de: {  	v47 =	vld.idx.msk [tilespmem:v16+s17+$0x0], $0xffff;
	_ =	sdelay $0x3  }
0x1df: {  	v33 =	vshll.u32 v33, $0x2  }
0x1e0: {  	v34 =	vshll.u32 v47, $0x2;
	v33 =	vor.u32 v1, v33  }
0x1e1: {  	v34 =	vor.u32 v1, v34;
	_ =	sdelay $0x3  }
0x1e2: {  	v33 =	vld.idx.msk [tilespmem:v33+s2+$0x0], $0xffff  }
0x1e3: {  	v34 =	vld.idx.msk [tilespmem:v34+s2+$0x0], $0xffff;
	_ =	sdelay $0x4  }
0x1e4: {  	v33 =	vsub.f32 v33, v34;
	_ =	sdelay $0x1  }
0x1e5: {  	[tilespmem:$0xA4F0] =	vst v33  }
0x1e6: {  	v33 =	vld.idx.msk [tilespmem:v17+s16+$0x0], $0xffff  }
0x1e7: {  	v48 =	vld.idx.msk [tilespmem:v17+s17+$0x0], $0xffff;
	_ =	sdelay $0x3  }
0x1e8: {  	v33 =	vshll.u32 v33, $0x2  }
0x1e9: {  	v34 =	vshll.u32 v48, $0x2;
	v33 =	vor.u32 v1, v33  }
0x1ea: {  	v34 =	vor.u32 v1, v34;
	_ =	sdelay $0x3  }
0x1eb: {  	v33 =	vld.idx.msk [tilespmem:v33+s2+$0x0], $0xffff  }
0x1ec: {  	v34 =	vld.idx.msk [tilespmem:v34+s2+$0x0], $0xffff;
	_ =	sdelay $0x4  }
0x1ed: {  	v33 =	vsub.f32 v33, v34;
	_ =	sdelay $0x1  }
0x1ee: {  	[tilespmem:$0xA500] =	vst v33  }
0x1ef: {  	v33 =	vld.idx.msk [tilespmem:v18+s16+$0x0], $0xffff  }
0x1f0: {  	v49 =	vld.idx.msk [tilespmem:v18+s17+$0x0], $0xffff;
	_ =	sdelay $0x3  }
0x1f1: {  	v33 =	vshll.u32 v33, $0x2  }
0x1f2: {  	v34 =	vshll.u32 v49, $0x2;
	v33 =	vor.u32 v1, v33  }
0x1f3: {  	v34 =	vor.u32 v1, v34;
	_ =	sdelay $0x3  }
0x1f4: {  	v33 =	vld.idx.msk [tilespmem:v33+s2+$0x0], $0xffff  }
0x1f5: {  	v34 =	vld.idx.msk [tilespmem:v34+s2+$0x0], $0xffff;
	_ =	sdelay $0x4  }
0x1f6: {  	v33 =	vsub.f32 v33, v34;
	_ =	sdelay $0x1  }
0x1f7: {  	[tilespmem:$0xA510] =	vst v33  }
0x1f8: {  	v33 =	vld.idx.msk [tilespmem:v19+s16+$0x0], $0xffff  }
0x1f9: {  	v50 =	vld.idx.msk [tilespmem:v19+s17+$0x0], $0xffff;
	_ =	sdelay $0x3  }
0x1fa: {  	v33 =	vshll.u32 v33, $0x2  }
0x1fb: {  	v34 =	vshll.u32 v50, $0x2;
	v33 =	vor.u32 v1, v33  }
0x1fc: {  	v34 =	vor.u32 v1, v34;
	_ =	sdelay $0x3  }
0x1fd: {  	v33 =	vld.idx.msk [tilespmem:v33+s2+$0x0], $0xffff  }
0x1fe: {  	v34 =	vld.idx.msk [tilespmem:v34+s2+$0x0], $0xffff;
	_ =	sdelay $0x4  }
0x1ff: {  	v33 =	vsub.f32 v33, v34;
	_ =	sdelay $0x1  }
0x200: {  	[tilespmem:$0xA520] =	vst v33  }
0x201: {  	v33 =	vld.idx.msk [tilespmem:v20+s16+$0x0], $0xffff  }
0x202: {  	v51 =	vld.idx.msk [tilespmem:v20+s17+$0x0], $0xffff;
	_ =	sdelay $0x3  }
0x203: {  	v33 =	vshll.u32 v33, $0x2  }
0x204: {  	v34 =	vshll.u32 v51, $0x2;
	v33 =	vor.u32 v1, v33  }
0x205: {  	v34 =	vor.u32 v1, v34;
	_ =	sdelay $0x3  }
0x206: {  	v33 =	vld.idx.msk [tilespmem:v33+s2+$0x0], $0xffff  }
0x207: {  	v34 =	vld.idx.msk [tilespmem:v34+s2+$0x0], $0xffff;
	_ =	sdelay $0x4  }
0x208: {  	v33 =	vsub.f32 v33, v34;
	_ =	sdelay $0x1  }
0x209: {  	[tilespmem:$0xA530] =	vst v33  }
0x20a: {  	v33 =	vld.idx.msk [tilespmem:v21+s16+$0x0], $0xffff  }
0x20b: {  	v52 =	vld.idx.msk [tilespmem:v21+s17+$0x0], $0xffff;
	_ =	sdelay $0x3  }
0x20c: {  	v33 =	vshll.u32 v33, $0x2  }
0x20d: {  	v34 =	vshll.u32 v52, $0x2;
	v33 =	vor.u32 v1, v33  }
0x20e: {  	v34 =	vor.u32 v1, v34;
	_ =	sdelay $0x3  }
0x20f: {  	v33 =	vld.idx.msk [tilespmem:v33+s2+$0x0], $0xffff  }
0x210: {  	v34 =	vld.idx.msk [tilespmem:v34+s2+$0x0], $0xffff;
	_ =	sdelay $0x4  }
0x211: {  	v33 =	vsub.f32 v33, v34;
	_ =	sdelay $0x1  }
0x212: {  	[tilespmem:$0xA540] =	vst v33  }
0x213: {  	v33 =	vld.idx.msk [tilespmem:v22+s16+$0x0], $0xffff  }
0x214: {  	v53 =	vld.idx.msk [tilespmem:v22+s17+$0x0], $0xffff;
	_ =	sdelay $0x3  }
0x215: {  	v33 =	vshll.u32 v33, $0x2  }
0x216: {  	v34 =	vshll.u32 v53, $0x2;
	v33 =	vor.u32 v1, v33  }
0x217: {  	v34 =	vor.u32 v1, v34;
	_ =	sdelay $0x3  }
0x218: {  	v33 =	vld.idx.msk [tilespmem:v33+s2+$0x0], $0xffff  }
0x219: {  	v34 =	vld.idx.msk [tilespmem:v34+s2+$0x0], $0xffff;
	_ =	sdelay $0x4  }
0x21a: {  	v33 =	vsub.f32 v33, v34;
	_ =	sdelay $0x1  }
0x21b: {  	[tilespmem:$0xA550] =	vst v33  }
0x21c: {  	v33 =	vld.idx.msk [tilespmem:v23+s16+$0x0], $0xffff  }
0x21d: {  	v54 =	vld.idx.msk [tilespmem:v23+s17+$0x0], $0xffff;
	_ =	sdelay $0x3  }
0x21e: {  	v33 =	vshll.u32 v33, $0x2  }
0x21f: {  	v34 =	vshll.u32 v54, $0x2;
	v33 =	vor.u32 v1, v33  }
0x220: {  	v34 =	vor.u32 v1, v34;
	_ =	sdelay $0x3  }
0x221: {  	v33 =	vld.idx.msk [tilespmem:v33+s2+$0x0], $0xffff  }
0x222: {  	v34 =	vld.idx.msk [tilespmem:v34+s2+$0x0], $0xffff;
	_ =	sdelay $0x4  }
0x223: {  	v33 =	vsub.f32 v33, v34;
	_ =	sdelay $0x1  }
0x224: {  	[tilespmem:$0xA560] =	vst v33  }
0x225: {  	v33 =	vld.idx.msk [tilespmem:v24+s16+$0x0], $0xffff  }
0x226: {  	v55 =	vld.idx.msk [tilespmem:v24+s17+$0x0], $0xffff;
	_ =	sdelay $0x3  }
0x227: {  	v33 =	vshll.u32 v33, $0x2  }
0x228: {  	v34 =	vshll.u32 v55, $0x2;
	v33 =	vor.u32 v1, v33  }
0x229: {  	v34 =	vor.u32 v1, v34;
	_ =	sdelay $0x3  }
0x22a: {  	v33 =	vld.idx.msk [tilespmem:v33+s2+$0x0], $0xffff  }
0x22b: {  	v34 =	vld.idx.msk [tilespmem:v34+s2+$0x0], $0xffff;
	_ =	sdelay $0x4  }
0x22c: {  	v33 =	vsub.f32 v33, v34;
	_ =	sdelay $0x1  }
0x22d: {  	[tilespmem:$0xA570] =	vst v33  }
0x22e: {  	v33 =	vld.idx.msk [tilespmem:v25+s16+$0x0], $0xffff  }
0x22f: {  	v56 =	vld.idx.msk [tilespmem:v25+s17+$0x0], $0xffff;
	_ =	sdelay $0x3  }
0x230: {  	v33 =	vshll.u32 v33, $0x2  }
0x231: {  	v34 =	vshll.u32 v56, $0x2;
	v33 =	vor.u32 v1, v33  }
0x232: {  	v34 =	vor.u32 v1, v34;
	_ =	sdelay $0x3  }
0x233: {  	v33 =	vld.idx.msk [tilespmem:v33+s2+$0x0], $0xffff  }
0x234: {  	v34 =	vld.idx.msk [tilespmem:v34+s2+$0x0], $0xffff;
	_ =	sdelay $0x4  }
0x235: {  	v33 =	vsub.f32 v33, v34;
	_ =	sdelay $0x1  }
0x236: {  	[tilespmem:$0xA580] =	vst v33  }
0x237: {  	v33 =	vld.idx.msk [tilespmem:v26+s16+$0x0], $0xffff  }
0x238: {  	v57 =	vld.idx.msk [tilespmem:v26+s17+$0x0], $0xffff;
	_ =	sdelay $0x3  }
0x239: {  	v33 =	vshll.u32 v33, $0x2  }
0x23a: {  	v34 =	vshll.u32 v57, $0x2;
	v33 =	vor.u32 v1, v33  }
0x23b: {  	v34 =	vor.u32 v1, v34;
	_ =	sdelay $0x3  }
0x23c: {  	v33 =	vld.idx.msk [tilespmem:v33+s2+$0x0], $0xffff  }
0x23d: {  	v34 =	vld.idx.msk [tilespmem:v34+s2+$0x0], $0xffff;
	_ =	sdelay $0x4  }
0x23e: {  	v33 =	vsub.f32 v33, v34;
	_ =	sdelay $0x1  }
0x23f: {  	[tilespmem:$0xA590] =	vst v33  }
0x240: {  	v33 =	vld.idx.msk [tilespmem:v27+s16+$0x0], $0xffff  }
0x241: {  	v58 =	vld.idx.msk [tilespmem:v27+s17+$0x0], $0xffff;
	_ =	sdelay $0x3  }
0x242: {  	v33 =	vshll.u32 v33, $0x2  }
0x243: {  	v34 =	vshll.u32 v58, $0x2;
	v33 =	vor.u32 v1, v33  }
0x244: {  	v34 =	vor.u32 v1, v34;
	_ =	sdelay $0x3  }
0x245: {  	v33 =	vld.idx.msk [tilespmem:v33+s2+$0x0], $0xffff  }
0x246: {  	v34 =	vld.idx.msk [tilespmem:v34+s2+$0x0], $0xffff;
	_ =	sdelay $0x4  }
0x247: {  	v33 =	vsub.f32 v33, v34;
	_ =	sdelay $0x1  }
0x248: {  	[tilespmem:$0xA5A0] =	vst v33  }
0x249: {  	v33 =	vld.idx.msk [tilespmem:v28+s16+$0x0], $0xffff  }
0x24a: {  	v59 =	vld.idx.msk [tilespmem:v28+s17+$0x0], $0xffff;
	_ =	sdelay $0x3  }
0x24b: {  	v33 =	vshll.u32 v33, $0x2  }
0x24c: {  	v34 =	vshll.u32 v59, $0x2;
	v33 =	vor.u32 v1, v33  }
0x24d: {  	v34 =	vor.u32 v1, v34;
	_ =	sdelay $0x3  }
0x24e: {  	v33 =	vld.idx.msk [tilespmem:v33+s2+$0x0], $0xffff  }
0x24f: {  	v34 =	vld.idx.msk [tilespmem:v34+s2+$0x0], $0xffff;
	_ =	sdelay $0x4  }
0x250: {  	v33 =	vsub.f32 v33, v34;
	_ =	sdelay $0x1  }
0x251: {  	[tilespmem:$0xA5B0] =	vst v33  }
0x252: {  	v33 =	vld.idx.msk [tilespmem:v29+s16+$0x0], $0xffff  }
0x253: {  	v60 =	vld.idx.msk [tilespmem:v29+s17+$0x0], $0xffff;
	_ =	sdelay $0x3  }
0x254: {  	v33 =	vshll.u32 v33, $0x2  }
0x255: {  	v34 =	vshll.u32 v60, $0x2;
	v33 =	vor.u32 v1, v33  }
0x256: {  	v34 =	vor.u32 v1, v34;
	_ =	sdelay $0x3  }
0x257: {  	v33 =	vld.idx.msk [tilespmem:v33+s2+$0x0], $0xffff  }
0x258: {  	v34 =	vld.idx.msk [tilespmem:v34+s2+$0x0], $0xffff;
	_ =	sdelay $0x4  }
0x259: {  	v33 =	vsub.f32 v33, v34;
	_ =	sdelay $0x1  }
0x25a: {  	[tilespmem:$0xA5C0] =	vst v33  }
0x25b: {  	v33 =	vld.idx.msk [tilespmem:v30+s16+$0x0], $0xffff  }
0x25c: {  	v61 =	vld.idx.msk [tilespmem:v30+s17+$0x0], $0xffff;
	_ =	sdelay $0x3  }
0x25d: {  	v33 =	vshll.u32 v33, $0x2  }
0x25e: {  	v34 =	vshll.u32 v61, $0x2;
	v33 =	vor.u32 v1, v33  }
0x25f: {  	v34 =	vor.u32 v1, v34;
	_ =	sdelay $0x3  }
0x260: {  	v33 =	vld.idx.msk [tilespmem:v33+s2+$0x0], $0xffff  }
0x261: {  	v34 =	vld.idx.msk [tilespmem:v34+s2+$0x0], $0xffff;
	_ =	sdelay $0x4  }
0x262: {  	v33 =	vsub.f32 v33, v34;
	_ =	sdelay $0x1  }
0x263: {  	[tilespmem:$0xA5D0] =	vst v33  }
0x264: {  	v33 =	vld.idx.msk [tilespmem:v31+s16+$0x0], $0xffff  }
0x265: {  	v62 =	vld.idx.msk [tilespmem:v31+s17+$0x0], $0xffff;
	_ =	sdelay $0x3  }
0x266: {  	v33 =	vshll.u32 v33, $0x2  }
0x267: {  	v34 =	vshll.u32 v62, $0x2;
	v33 =	vor.u32 v1, v33  }
0x268: {  	v34 =	vor.u32 v1, v34;
	_ =	sdelay $0x3  }
0x269: {  	v33 =	vld.idx.msk [tilespmem:v33+s2+$0x0], $0xffff  }
0x26a: {  	v34 =	vld.idx.msk [tilespmem:v34+s2+$0x0], $0xffff;
	_ =	sdelay $0x4  }
0x26b: {  	v33 =	vsub.f32 v33, v34;
	_ =	sdelay $0x1  }
0x26c: {  	[tilespmem:$0xA5E0] =	vst v33  }
0x26d: {  	v33 =	vld.idx.msk [tilespmem:v32+s16+$0x0], $0xffff  }
0x26e: {  	v63 =	vld.idx.msk [tilespmem:v32+s17+$0x0], $0xffff;
	_ =	sdelay $0x3  }
0x26f: {  	v33 =	vshll.u32 v33, $0x2  }
0x270: {  	v34 =	vshll.u32 v63, $0x2;
	v33 =	vor.u32 v1, v33  }
0x271: {  	v34 =	vor.u32 v1, v34;
	_ =	sdelay $0x3  }
0x272: {  	v33 =	vld.idx.msk [tilespmem:v33+s2+$0x0], $0xffff  }
0x273: {  	v34 =	vld.idx.msk [tilespmem:v34+s2+$0x0], $0xffff;
	_ =	sdelay $0x2  }
0x274: {  	s28 =	sadd.s32 $0x20, s28  }
0x275: {  	p0 =	sne.s32 s28, $0x500  }
.Ltmp0:
0x276: {  	v33 =	vsub.f32 v33, v34;
	(pc) =	sbr.rel @p0 .LBB2_2-.Ltmp0, $4  }
0x277: {  	_ = 	snop  }
0x278: {  	[tilespmem:$0xA5F0] =	vst v33  }
0x279: {  	[hbm4b:s25+s2] =	stream.linear.scatter [tilespmem:s21], [sflag:$0x4], $0x200, $0x38;
	[tilespmem:$0xA600] =	vst v63  }
0x27a: {  	s26 =	sadd.s32 $0x80, s26;
	s25 =	sadd.s32 $0x80, s25  }
0x27b: {  	s24 =	sadd.s32 $0x1, s24  }
0x27c: {  	_ =	swait.ge [sflag:s22], $0x200;
	p0 =	sne.s32 s24, s6  }
.Ltmp1:
0x27d: {  	[sflag:s22] =	ssyncset.done $0x0;
	(pc) =	sbr.rel @p0 .LBB2_1-.Ltmp1, $4  }
0x27e: {  	[sflag:s22] =	ssyncadd.s32 $0xFFFFFE00  }
0x27f: {  	_ =	swait.ge [sflag:s23], $0x200  }
0x280: {  	[sflag:s23] =	ssyncset.done $0x0  }
0x281: {  	[sflag:s23] =	ssyncadd.s32 $0xFFFFFE00  }
0x282: {  	_ =	sfence.sel $0x180000  }
0x283: {  	[bflag:$0x0] =	sbarrier.arrive $0xFFFF  }
0x284: {  	p0 =	sne.s32 s1, $0x0;
	_ =	strace $0x90000047  }
0x285: {  	s0 =	sadd.s32 @!p0 $0x100000, s0;
	[bflag:$0x2] =	sbarrier.arrive $0xFFFF  }
0x286: {  	[sflag:s0] =	ssyncadd.tile.s32 @!p0 $0x1;
	_ =	shalt  }
.Lfunc_end2:
_tile_overlayer_lowered:
.L_overlay_start_2:
0x287: {  	(tag) =	ssettag $0x2  }
0x288: {  	s0 =	rddreg [dreg:$0x0];
	s2 =	stileid.u32  }
0x289: {  	s1 =	rddreg [dreg:$0x1];
	p0 =	sne.s32 s2, $0x0  }
0x28a: {  	s3 =	rddreg [dreg:$0x2];
	[bflag:$0x3] =	sbarrier.arrive $0xFFFF;
	s2 =	simm.s32 @!p0 $0x1C05  }
0x28b: {  	[timem:s3], [sflag:s2] =	dma.local @!p0 [hbm:s0], s1  }
0x28c: {  	s0 =	simm.s32 @!p0 $0x5  }
0x28d: {  	_ =	swait.ge @!p0 [sflag:s0], s1  }
0x28e: {  	s1 =	ssub.s32 @!p0 $0x0, s1;
	[sflag:s0] =	ssyncset.done @!p0 $0x0  }
0x28f: {  	[sflag:s0] =	ssyncadd.s32 @!p0 s1  }
0x290: {  	[bflag:$0x3] =	sbarrier.arrive $0xFFFF  }
0x291: {  	_ =	shalt  }

// kernel: kernel.15.cloned.1.call-start
scs
__scs_entry_jumppad:
0x0: {  	(pc) =	sbr.rel $0x88, $3  }
0x1: {  	(tag) =	ssettag $0x0;
	lr =	simm.s32 $0x1  }
0x2: {  	[smem:$0x3F91] =	sst lr;
	_ =	strace $0xD0000000  }
0x3: {  	_ = 	snop  }
0x4: {  	_ = 	snop  }
0x5: {  	_ = 	snop  }
0x6: {  	_ = 	snop  }
0x7: {  	_ = 	snop  }
__scs_overlays_trampoline_lowered:
0x8: {  	[smem:$0x3FA0] =	sst s0  }
0x9: {  	[smem:$0x3FA1] =	sst s1  }
0xa: {  	[smem:$0x3FA2] =	sst s2  }
0xb: {  	[smem:$0x3FA3] =	sst s3  }
0xc: {  	[smem:$0x3FA4] =	sst s4  }
0xd: {  	[smem:$0x3FA5] =	sst s5  }
0xe: {  	[smem:$0x3FA6] =	sst s6  }
0xf: {  	[smem:$0x3FA7] =	sst s7  }
0x10: {  	[smem:$0x3FA8] =	sst s8  }
0x11: {  	[smem:$0x3FA9] =	sst s9;
	s0 =	simm.s32 @!p0 $0x0  }
0x12: {  	s1 =	sld [smem:$0x3F8F];
	s0 =	simm.s32 @p0 $0x1  }
0x13: {  	[smem:$0x3FAA] =	sst s0;
	s0 =	simm.s32 @!p1 $0x0  }
0x14: {  	s2 =	sld [smem:$0x3F8E];
	s0 =	simm.s32 @p1 $0x1  }
0x15: {  	[smem:$0x3FAB] =	sst s0;
	s0 =	simm.s32 @!p2 $0x0  }
0x16: {  	s3 =	sld [smem:$0x3FDB];
	s0 =	simm.s32 @p2 $0x1  }
0x17: {  	s4 =	simm.s32 $0x1BF5;
	[smem:$0x3FAD] =	sst s0  }
0x18: {  	s0 =	sld [smem:$0x3F90];
	_ =	swait.ge [sflag:s4], $0x0  }
0x19: {  	s7 =	sld [smem:$0x3F91]  }
0x1a: {  	s8 =	sadd.s32 $0xFFFFE003, lr  }
0x1b: {  	s9 =	sadd.s32 $0xFFFFFEF7, lr;
	s5 =	simm.s32 $0xFFFFFFFF;
	p2 =	slt.u32 s8, $0xFFFFF086  }
0x1c: {  	p1 =	slt.u32 s9, $0xF7A;
	s5 =	simm.s32 @!p2 $0x0  }
0x1d: {  	s5 =	simm.s32 @p1 $0x1;
	p0 =	seq.s32 s7, s2  }
0x1e: {  	s7 =	smul.u32 @!p0 $0xF7A, s2;
	p2 =	seq.s32 @!p0 s5, $0x0  }
0x1f: {  	s9 =	smul.u32 $0xF7A, s1;
	s8 =	simm.s32 @!p0 $0x1BF5;
	p2 =	por !p2, p0  }
0x20: {  	[sflag:s8] =	ssyncset.s32 @!p0 $0xFFFFF086;
	s6 =	sadd.s32 @!p0 s3, s7;
	s7 =	simm.s32 @!p0 $0x108  }
0x21: {  	s3 =	sadd.s32 s3, s9;
	s6 =	sadd.s32 @!p0 $0x88, s6;
	s7 =	simm.s32 @p2 $0x1082  }
0x22: {  	[simem:s7], [sflag:s8] =	dma.local @!p0 [hbm:s6], $0xF7A  }
0x23: {  	s9 =	sor.u32 $0xD0000000, s2;
	s6 =	simm.s32 $0x108;
	_ =	swait.ge @!p0 [sflag:s8], $0x0  }
0x24: {  	s3 =	sadd.s32 $0x88, s3;
	s6 =	simm.s32 @!p1 $0x1082;
	[sflag:s4] =	ssyncset.s32 $0xFFFFF086  }
0x25: {  	[simem:s6], [sflag:s4] =	dma.local [hbm:s3], $0xF7A  }
0x26: {  	[smem:$0x3F91] =	sst s1;
	(tag) =	ssettag s2;
	_ =	strace s9  }
0x27: {  	s1 =	sld [smem:$0x3FA1]  }
0x28: {  	s2 =	sld [smem:$0x3FA2]  }
0x29: {  	s4 =	sld [smem:$0x3FA4]  }
0x2a: {  	p0 =	seq.s32 s5, $0x0;
	s5 =	sld [smem:$0x3FA5]  }
0x2b: {  	s6 =	sld [smem:$0x3FA6]  }
0x2c: {  	s7 =	sld [smem:$0x3FA7]  }
0x2d: {  	s3 =	simm.s32 $0x108;
	s8 =	sld [smem:$0x3FA8]  }
0x2e: {  	s3 =	simm.s32 @!p0 $0x1082;
	s9 =	sld [smem:$0x3FA9]  }
0x2f: {  	lr =	sadd.s32 s0, s3;
	s0 =	sld [smem:$0x3FA0]  }
0x30: {  	s3 =	sld [smem:$0x3FA3]  }
0x31: {  	[smem:$0x3FAC] =	sst s10  }
0x32: {  	s10 =	sld [smem:$0x3FAA];
	_ =	sdelay $0x3  }
0x33: {  	p0 =	seq.s32 s10, $0x1;
	s10 =	sld [smem:$0x3FAC];
	_ =	sdelay $0x3  }
0x34: {  	[smem:$0x3FAC] =	sst s10  }
0x35: {  	s10 =	sld [smem:$0x3FAB];
	_ =	sdelay $0x3  }
0x36: {  	p1 =	seq.s32 s10, $0x1;
	s10 =	sld [smem:$0x3FAC];
	_ =	sdelay $0x3  }
0x37: {  	[smem:$0x3FAC] =	sst s10  }
0x38: {  	s10 =	sld [smem:$0x3FAD]  }
0x39: {  	_ = 	snop;
	(pc) =	sbr.ind lr, $3  }
0x3a: {  	_ = 	snop  }
0x3b: {  	_ = 	snop  }
0x3c: {  	p2 =	seq.s32 s10, $0x1;
	s10 =	sld [smem:$0x3FAC]  }
0x3d: {  	_ =	shalt  }
0x3e: {  	_ =	shalt  }
0x3f: {  	_ =	shalt  }
0x40: {  	_ =	shalt  }
0x41: {  	_ =	shalt  }
0x42: {  	_ =	shalt  }
0x43: {  	_ =	shalt  }
0x44: {  	_ =	shalt  }
0x45: {  	_ =	shalt  }
0x46: {  	_ =	shalt  }
0x47: {  	_ =	shalt  }
0x48: {  	_ =	shalt  }
0x49: {  	_ =	shalt  }
0x4a: {  	_ =	shalt  }
0x4b: {  	_ =	shalt  }
0x4c: {  	_ =	shalt  }
0x4d: {  	_ =	shalt  }
0x4e: {  	_ =	shalt  }
0x4f: {  	_ =	shalt  }
0x50: {  	_ =	shalt  }
0x51: {  	_ =	shalt  }
0x52: {  	_ =	shalt  }
0x53: {  	_ =	shalt  }
0x54: {  	_ =	shalt  }
0x55: {  	_ =	shalt  }
0x56: {  	_ =	shalt  }
0x57: {  	_ =	shalt  }
0x58: {  	_ =	shalt  }
0x59: {  	_ =	shalt  }
0x5a: {  	_ =	shalt  }
0x5b: {  	_ =	shalt  }
0x5c: {  	_ =	shalt  }
0x5d: {  	_ =	shalt  }
0x5e: {  	_ =	shalt  }
0x5f: {  	_ =	shalt  }
0x60: {  	_ =	shalt  }
0x61: {  	_ =	shalt  }
0x62: {  	_ =	shalt  }
0x63: {  	_ =	shalt  }
0x64: {  	_ =	shalt  }
0x65: {  	_ =	shalt  }
0x66: {  	_ =	shalt  }
0x67: {  	_ =	shalt  }
0x68: {  	_ =	shalt  }
0x69: {  	_ =	shalt  }
0x6a: {  	_ =	shalt  }
0x6b: {  	_ =	shalt  }
0x6c: {  	_ =	shalt  }
0x6d: {  	_ =	shalt  }
0x6e: {  	_ =	shalt  }
0x6f: {  	_ =	shalt  }
0x70: {  	_ =	shalt  }
0x71: {  	_ =	shalt  }
0x72: {  	_ =	shalt  }
0x73: {  	_ =	shalt  }
0x74: {  	_ =	shalt  }
0x75: {  	_ =	shalt  }
0x76: {  	_ =	shalt  }
0x77: {  	_ =	shalt  }
0x78: {  	_ =	shalt  }
0x79: {  	_ =	shalt  }
0x7a: {  	_ =	shalt  }
0x7b: {  	_ =	shalt  }
0x7c: {  	_ =	shalt  }
0x7d: {  	_ =	shalt  }
0x7e: {  	_ =	shalt  }
0x7f: {  	_ =	shalt  }
0x80: {  	_ =	shalt  }
0x81: {  	_ =	shalt  }
0x82: {  	_ =	shalt  }
0x83: {  	_ =	shalt  }
0x84: {  	_ =	shalt  }
0x85: {  	_ =	shalt  }
0x86: {  	_ =	shalt  }
0x87: {  	_ =	shalt  }
.Lfunc_end0:
.L_simem_size_0:
called_computation.2_lowered:
.L_overlay_start_0:
0x88: {  	s2 =	sld [smem:$0x3FD9]  }
0x89: {  	s3 =	sld [smem:$0x3FFE];
	_ =	sdelay $0x1  }
0x8a: {  	s1 =	srdreg.scid  }
0x8b: {  	s0 =	sand.u32 $0x1, s1  }
0x8c: {  	s17 =	sshll.u32 s0, $0xA;
	s2 =	sadd.s32 s3, s2  }
0x8d: {  	s2 =	sadd.s32 s2, s17  }
0x8e: {  	[smem:$0x3FB8] =	sst s2  }
0x8f: {  	_ = 	snop  }
0x90: {  	(tm) =	ssettm $0x1  }
0x91: {  	s18 =	sld [smem:$0x3FFB];
	_ =	sdelay $0x3  }
0x92: {  	_ =	strace s18  }
0x93: {  	s2 =	sld [smem:$0x3FFC];
	_ =	sdelay $0x3  }
0x94: {  	_ =	strace s2  }
0x95: {  	s2 =	sld [smem:$0x3FFD];
	_ =	sdelay $0x3  }
0x96: {  	_ =	strace s2  }
0x97: {  	_ =	strace $0x8FFFFFFF  }
0x98: {  	s19 =	sld [smem:$0x3FDB];
	_ =	sdelay $0x1  }
0x99: {  	s20 =	simm.s32 $_scs_section_size  }
0x9a: {  	s4 =	simm.s32 $_size__tile_overlayer_lowered;
	s5 =	simm.s32 $_tile_overlayer_lowered  }
0x9b: {  	s6 =	simm.s32 $0x1BFF;
	s21 =	sshll.u32 s5, $0x1;
	s3 =	sadd.s32 s20, s19  }
0x9c: {  	s22 =	simm.s32 $0x0;
	s4 =	sshll.u32 s4, $0x1;
	s5 =	sadd.s32 s21, s3  }
0x9d: {  	[timem:s22], [sflag:s6] =	dma.local [hbm:s5], s4  }
0x9e: {  	_ =	swait.ge [sflag:s6], s4  }
0x9f: {  	s4 =	ssub.s32 $0x0, s4;
	[sflag:s6] =	ssyncset.done $0x0  }
0xa0: {  	[sflag:s6] =	ssyncadd.s32 s4;
	_ =	sdelay $0x1  }
0xa1: {  	s23 =	simm.s32 $0x1B8B  }
0xa2: {  	_ =	swait.ge [sflag:s23], $0x1  }
0xa3: {  	[sflag:s23] =	ssyncset.done $0x0  }
0xa4: {  	[sflag:s23] =	ssyncadd.s32 $0xFFFFFFFF  }
0xa5: {  	s4 =	sld [smem:$0x0]  }
0xa6: {  	s5 =	sand.u32 $0xFFFFFFFE, s1  }
0xa7: {  	p0 =	sne.s32 s1, s5  }
0xa8: {  	s5 =	sshll.u32 @p0 s5, $0xE  }
0xa9: {  	s5 =	sadd.s32 @p0 $0x11B8D, s5;
	s6 =	sshll.u32 @p0 s4, $0x11  }
0xaa: {  	s5 =	sor.u32 @p0 s6, s5  }
0xab: {  	[sflag:s5] =	ssyncadd.remote.s32 @p0 $0x1;
	_ =	sdelay $0x1  }
0xac: {  	s5 =	simm.s32 @p0 $0x1B8D  }
0xad: {  	_ =	swait.eq @p0 [sflag:s5], $0x1  }
0xae: {  	[sflag:s5] =	ssyncadd.s32 @p0 $0xFFFFFFFF  }
0xaf: {  	s6 =	sshll.u32 @!p0 s1, $0xE  }
0xb0: {  	s6 =	sor.u32 @!p0 $0x4000, s6;
	s5 =	simm.s32 @!p0 $0x1B8D  }
0xb1: {  	s4 =	sshll.u32 @!p0 s4, $0x11;
	s6 =	sadd.s32 @!p0 $0x11B8D, s6;
	_ =	swait.eq @!p0 [sflag:s5], $0x1  }
0xb2: {  	s4 =	sor.u32 @!p0 s4, s6;
	[sflag:s5] =	ssyncadd.s32 @!p0 $0xFFFFFFFF  }
0xb3: {  	s25 =	simm.s32 $0x1B8E;
	s24 =	sld [smem:$0x3FFE];
	[sflag:s4] =	ssyncadd.remote.s32 @!p0 $0x1  }
0xb4: {  	s26 =	simm.s32 $execute0_lowered;
	[smem:$0x3FD2] =	sst s25  }
0xb5: {  	s5 =	sshll.u32 s26, $0x1;
	_ =	strace $0x8000004F;
	[dreg:$0x1] =	wrdreg $0xFFFFFFFF  }
0xb6: {  	s28 =	simm.s32 $_size_execute0_lowered;
	s3 =	sadd.s32 s3, s5;
	[dreg:$0x0] =	wrdreg $0x0  }
0xb7: {  	s5 =	sshll.u32 s28, $0x1;
	[dreg:$0x2] =	wrdreg s3  }
0xb8: {  	[dreg:$0x3] =	wrdreg s5  }
0xb9: {  	[dreg:$0x4] =	wrdreg $0xC0  }
0xba: {  	_ =	task [dreg:s22], $0x5FFFF  }
0xbb: {  	[dreg:$0x1] =	wrdreg $0xFFFFFFFF  }
0xbc: {  	[dreg:$0x0] =	wrdreg $0x60  }
0xbd: {  	[dreg:$0x2] =	wrdreg s24  }
0xbe: {  	[dreg:$0x3] =	wrdreg $0x81000  }
0xbf: {  	[dreg:$0x4] =	wrdreg $0x9  }
0xc0: {  	_ =	task.clear_ibuf [dreg:s22], $0x5FFFF;
	_ =	strace $0x9000004F  }
0xc1: {  	s29 =	simm.s32 $0x9;
	_ =	strace $0x80000051  }
0xc2: {  	_ =	swait.ge [sflag:s29], $0x1  }
0xc3: {  	[sflag:s29] =	ssyncadd.s32 $0xFFFFFFFF  }
0xc4: {  	_ =	strace $0x90000051  }
0xc5: {  	_ =	sfence  }
0xc6: {  	s30 =	sld [smem:$0x0];
	_ =	sdelay $0x2  }
0xc7: {  	s31 =	sshll.u32 s1, $0xD;
	s1 =	sshrl.u32 s1, $0x2  }
0xc8: {  	s4 =	sand.u32 $0x4000, s31;
	s1 =	sadd.s32 s1, s30  }
0xc9: {  	s0 =	sor.u32 s4, s0;
	s1 =	sshll.u32 s1, $0x11  }
0xca: {  	s0 =	sor.u32 s1, s0  }
0xcb: {  	s0 =	sadd.s32 $0x8F2B, s0  }
0xcc: {  	[sflag:s0] =	ssyncadd.remote.s32 $0x1  }
0xcd: {  	_ =	sfence.sel $0xFFFF  }
0xce: {  	[dreg:$0x0] =	wrdreg $0xFFFFFFFF;
	(pc) =	sbr.abs _section_cstart, $3  }
0xcf: {  	[dreg:$0x1] =	wrdreg $0xFFFFFFFF  }
0xd0: {  	_ =	task.clear_ibuf [dreg:s22], $0x2FFFF;
	_ =	strace $0x9FFFFFFF  }
0xd1: {  	(tm) =	ssettm $0x7FFFFFFF  }
tec
execute0_lowered:
.L_overlay_start_1:
0x0: {  	(tag) =	ssettag $0x1  }
0x1: {  	s4 =	rddreg [dreg:$0x0]  }
0x2: {  	s1 =	rddreg [dreg:$0x1]  }
0x3: {  	s0 =	rddreg [dreg:$0x2]  }
0x4: {  	s3 =	simm.s32 $0x0;
	s2 =	stileid.u32;
	s5 =	srdreg.scid  }
0x5: {  	[smem:$0x7FF] =	sst s3;
	s6 =	smul.u32 $0x2800, s2  }
0x6: {  	s15 =	sadd.s32 $0x1491A00, s4;
	s5 =	sand.u32 $0x1, s5;
	s10 =	smul.u32 $0x50000, s2  }
0x7: {  	s13 =	sadd.s32 $0xFA00, s4;
	s8 =	sshll.u32 s2, $0x1;
	s23 =	smul.u32 $0xA0, s2  }
0x8: {  	s24 =	sshll.u32 s2, $0x6;
	_ =	strace $0x80000050;
	s7 =	smul.u32 $0x28000, s5  }
0x9: {  	s8 =	sor.u32 s5, s8;
	s20 =	ssub.s32 $0x2, s5;
	s18 =	smul.u32 $0x50, s5  }
0xa: {  	s5 =	sor.u32 $0x1C03, s24;
	s9 =	sadd.s32 s6, s4;
	s11 =	smul.u32 $0x28000, s8  }
0xb: {  	s21 =	sshrl.u32 s20, $0x1;
	s14 =	smul.u32 $0x500, s8;
	s22 =	sshrl.u32 s10, $0x2  }
0xc: {  	s25 =	smul.u32 $0x50, s8;
	s6 =	sadd.s32 s6, s7;
	s16 =	ssub.s32 s20, s21  }
0xd: {  	s17 =	sadd.s32 s22, s1;
	s26 =	sadd.s32 s18, s23;
	s20 =	simm.s32 $0x80  }
0xe: {  	s21 =	simm.s32 $0x1;
	s22 =	simm.s32 $0x2;
	s23 =	simm.s32 $0x0  }
0xf: {  	s12 =	sadd.s32 s6, s4;
	s4 =	sadd.s32 $0x19A00, s9;
	s6 =	sadd.s32 s15, s11  }
0x10: {  	s7 =	sadd.s32 s13, s14;
	s28 =	sadd.s32 $0x4F, s25;
	s10 =	sor.u32 $0x2, s26  }
0x11: {  	s9 =	smax.u32 s16, $0x1;
	s18 =	sshll.u32 s26, $0x4;
	s19 =	sshll.u32 s26, $0xB  }
0x12: {  	s8 =	sadd.s32 $0x91A00, s12;
	s29 =	sshll.u32 s28, $0xB;
	s30 =	sshrl.u32 s10, $0x1  }
0x13: {  	s11 =	sshll.u32 s28, $0x4;
	s18 =	sadd.s32 s18, s13;
	s10 =	sadd.s32 s15, s29  }
0x14: {  	s31 =	sshll.u32 s30, $0x5;
	s11 =	sadd.s32 s13, s11;
	s16 =	sshll.u32 s30, $0xC  }
0x15: {  	s14 =	sadd.s32 $0x10, s18;
	s18 =	simm.s32 $0x100;
	s12 =	sadd.s32 s31, s13  }
0x16: {  	s13 =	sadd.s32 s16, s15;
	s15 =	sadd.s32 s19, s15;
	s16 =	sshrl.u32 s17, $0x3  }
0x17: {  	s17 =	simm.s32 $0x3;
	s19 =	simm.s32 $0x4100;
	s15 =	sadd.s32 $0x800, s15  }
.LBB2_1:
0x18: {  	[spmem:s16], [sflag:s5] =	dma.local [hbm:s4], $0x2800  }
0x19: {  	_ =	swait.ge [sflag:s17], $0x2800  }
0x1a: {  	[sflag:s17] =	ssyncset.done $0x0  }
0x1b: {  	[sflag:s17] =	ssyncadd.s32 $0xFFFFD800  }
0x1c: {  	[bflag:$0x0] =	sbarrier.arrive $0xFFFF  }
0x1d: {  	[tilespmem:s18], [sflag:$0x1] =	stream.linear.gather [hbm4b:s6+s3], $0x4000, $0x38;
	[tilespmem:$0x1C100] =	vst v63  }
0x1e: {  	_ = 	snop  }
0x1f: {  	[tilespmem:s3], [sflag:$0x1] =	stream.linear.gather [hbm4b:s7+s3], $0x80, $0x38;
	[tilespmem:$0x1C100] =	vst v63  }
0x20: {  	_ = 	snop  }
0x21: {  	[tilespmem:s19], [sflag:$0x2] =	stream.linear.gather [hbm4b:s15+s3], $0x4000, $0x38;
	[tilespmem:$0x1C100] =	vst v63  }
0x22: {  	s24 =	sadd.s32 $0x0, s14  }
0x23: {  	[tilespmem:s20], [sflag:$0x2] =	stream.linear.gather [hbm4b:s24+s3], $0x80, $0x38;
	[tilespmem:$0x1C100] =	vst v63  }
0x24: {  	_ =	swait.ge [sflag:s21], $0x4000  }
0x25: {  	[sflag:s21] =	ssyncset.done $0x0  }
0x26: {  	[sflag:s21] =	ssyncadd.s32 $0xFFFFC000  }
0x27: {  	_ =	swait.ge [sflag:s21], $0x80  }
0x28: {  	[sflag:s21] =	ssyncset.done $0x0  }
0x29: {  	[sflag:s21] =	ssyncadd.s32 $0xFFFFFF80  }
0x2a: {  	[spmem:s1] =	stream.indirect.scatter.add.f32 [tilespmem:s18], [sflag:$0x3], $0x80, s3, s20, $0xb8;
	[tilespmem:$0x1C100] =	vst v63  }
0x2b: {  	_ =	swait.ge [sflag:s17], $0x4000  }
0x2c: {  	[sflag:s17] =	ssyncset.done $0x0  }
0x2d: {  	[sflag:s17] =	ssyncadd.s32 $0xFFFFC000  }
0x2e: {  	[tilespmem:s18], [sflag:$0x1] =	stream.linear.gather [hbm4b:s13+s3], $0x4000, $0x38;
	[tilespmem:$0x1C100] =	vst v63  }
0x2f: {  	s31 =	sadd.s32 $0x0, s12  }
0x30: {  	[tilespmem:s3], [sflag:$0x1] =	stream.linear.gather [hbm4b:s31+s3], $0x80, $0x38;
	[tilespmem:$0x1C100] =	vst v63  }
0x31: {  	_ =	swait.ge [sflag:s22], $0x4000  }
0x32: {  	[sflag:s22] =	ssyncset.done $0x0  }
0x33: {  	[sflag:s22] =	ssyncadd.s32 $0xFFFFC000  }
0x34: {  	_ =	swait.ge [sflag:s22], $0x80  }
0x35: {  	[sflag:s22] =	ssyncset.done $0x0  }
0x36: {  	[sflag:s22] =	ssyncadd.s32 $0xFFFFFF80  }
0x37: {  	[spmem:s1] =	stream.indirect.scatter.add.f32 [tilespmem:s19], [sflag:$0x3], $0x80, s20, s20, $0xb8;
	[tilespmem:$0x1C100] =	vst v63  }
0x38: {  	s25 =	smov.u32 s13;
	_ =	swait.ge [sflag:s17], $0x4000  }
0x39: {  	s26 =	smov.u32 s15;
	s24 =	simm.s32 $0x20;
	[sflag:s17] =	ssyncset.done $0x0  }
.LBB2_2:
0x3a: {  	[sflag:s17] =	ssyncadd.s32 $0xFFFFC000  }
0x3b: {  	s25 =	sadd.s32 $0x1000, s25;
	s26 =	sadd.s32 $0x1000, s26;
	s28 =	smov.u32 s24  }
0x3c: {  	[tilespmem:s19], [sflag:$0x2] =	stream.linear.gather [hbm4b:s26+s3], $0x4000, $0x38;
	[tilespmem:$0x1C100] =	vst v63  }
0x3d: {  	p0 =	sne.s32 s24, $0x4C0;
	s24 =	sadd.s32 $0x20, s24;
	s29 =	sadd.s32 s28, s14  }
0x3e: {  	[tilespmem:s20], [sflag:$0x2] =	stream.linear.gather [hbm4b:s29+s3], $0x80, $0x38;
	[tilespmem:$0x1C100] =	vst v63  }
0x3f: {  	_ =	swait.ge [sflag:s21], $0x4000  }
0x40: {  	[sflag:s21] =	ssyncset.done $0x0  }
0x41: {  	[sflag:s21] =	ssyncadd.s32 $0xFFFFC000  }
0x42: {  	_ =	swait.ge [sflag:s21], $0x80  }
0x43: {  	[sflag:s21] =	ssyncset.done $0x0  }
0x44: {  	[sflag:s21] =	ssyncadd.s32 $0xFFFFFF80  }
0x45: {  	[spmem:s1] =	stream.indirect.scatter.add.f32 [tilespmem:s18], [sflag:$0x3], $0x80, s3, s20, $0xb8;
	[tilespmem:$0x1C100] =	vst v63  }
0x46: {  	_ =	swait.ge [sflag:s17], $0x4000  }
0x47: {  	[sflag:s17] =	ssyncset.done $0x0  }
0x48: {  	[sflag:s17] =	ssyncadd.s32 $0xFFFFC000  }
0x49: {  	[tilespmem:s18], [sflag:$0x1] =	stream.linear.gather [hbm4b:s25+s3], $0x4000, $0x38;
	[tilespmem:$0x1C100] =	vst v63  }
0x4a: {  	s28 =	sadd.s32 s28, s12  }
0x4b: {  	[tilespmem:s3], [sflag:$0x1] =	stream.linear.gather [hbm4b:s28+s3], $0x80, $0x38;
	[tilespmem:$0x1C100] =	vst v63  }
0x4c: {  	_ =	swait.ge [sflag:s22], $0x4000  }
0x4d: {  	[sflag:s22] =	ssyncset.done $0x0  }
0x4e: {  	[sflag:s22] =	ssyncadd.s32 $0xFFFFC000  }
0x4f: {  	_ =	swait.ge [sflag:s22], $0x80  }
.Ltmp0:
0x50: {  	[sflag:s22] =	ssyncset.done $0x0;
	(pc) =	sbr.rel @p0 .LBB2_2-.Ltmp0, $4  }
0x51: {  	[sflag:s22] =	ssyncadd.s32 $0xFFFFFF80  }
0x52: {  	[spmem:s1] =	stream.indirect.scatter.add.f32 [tilespmem:s19], [sflag:$0x3], $0x80, s20, s20, $0xb8;
	[tilespmem:$0x1C100] =	vst v63  }
0x53: {  	_ =	swait.ge [sflag:s17], $0x4000  }
0x54: {  	[sflag:s17] =	ssyncset.done $0x0  }
0x55: {  	[sflag:s17] =	ssyncadd.s32 $0xFFFFC000  }
0x56: {  	[tilespmem:s19], [sflag:$0x2] =	stream.linear.gather [hbm4b:s10+s3], $0x4000, $0x38;
	[tilespmem:$0x1C100] =	vst v63  }
0x57: {  	_ = 	snop  }
0x58: {  	[tilespmem:s20], [sflag:$0x2] =	stream.linear.gather [hbm4b:s11+s3], $0x80, $0x38;
	[tilespmem:$0x1C100] =	vst v63  }
0x59: {  	_ =	swait.ge [sflag:s21], $0x4000  }
0x5a: {  	[sflag:s21] =	ssyncset.done $0x0  }
0x5b: {  	[sflag:s21] =	ssyncadd.s32 $0xFFFFC000  }
0x5c: {  	_ =	swait.ge [sflag:s21], $0x80  }
0x5d: {  	[sflag:s21] =	ssyncset.done $0x0  }
0x5e: {  	[sflag:s21] =	ssyncadd.s32 $0xFFFFFF80  }
0x5f: {  	[spmem:s1] =	stream.indirect.scatter.add.f32 [tilespmem:s18], [sflag:$0x3], $0x80, s3, s20, $0xb8;
	[tilespmem:$0x1C100] =	vst v63  }
0x60: {  	_ =	swait.ge [sflag:s17], $0x4000  }
0x61: {  	[sflag:s17] =	ssyncset.done $0x0  }
0x62: {  	[sflag:s17] =	ssyncadd.s32 $0xFFFFC000  }
0x63: {  	_ =	swait.ge [sflag:s22], $0x4000  }
0x64: {  	[sflag:s22] =	ssyncset.done $0x0  }
0x65: {  	[sflag:s22] =	ssyncadd.s32 $0xFFFFC000  }
0x66: {  	_ =	swait.ge [sflag:s22], $0x80  }
0x67: {  	[sflag:s22] =	ssyncset.done $0x0  }
0x68: {  	[sflag:s22] =	ssyncadd.s32 $0xFFFFFF80  }
0x69: {  	[spmem:s1] =	stream.indirect.scatter.add.f32 [tilespmem:s19], [sflag:$0x3], $0x80, s20, s20, $0xb8;
	[tilespmem:$0x1C100] =	vst v63  }
0x6a: {  	_ =	swait.ge [sflag:s17], $0x4000  }
0x6b: {  	s23 =	sadd.s32 $0x1, s23;
	[sflag:s17] =	ssyncset.done $0x0  }
0x6c: {  	p0 =	sne.s32 s23, s9;
	[sflag:s17] =	ssyncadd.s32 $0xFFFFC000  }
.Ltmp1:
0x6d: {  	[bflag:$0x0] =	sbarrier.arrive $0xFFFF;
	(pc) =	sbr.rel @p0 .LBB2_1-.Ltmp1, $4  }
0x6e: {  	[hbm:s8], [sflag:s5] =	dma.local [spmem:s16], $0x2800  }
0x6f: {  	_ =	swait.ge [sflag:s17], $0x2800  }
0x70: {  	[sflag:s17] =	ssyncset.done $0x0  }
0x71: {  	[sflag:s17] =	ssyncadd.s32 $0xFFFFD800  }
0x72: {  	_ =	sfence.sel $0x180000  }
0x73: {  	[bflag:$0x0] =	sbarrier.arrive $0xFFFF  }
0x74: {  	p0 =	sne.s32 s2, $0x0;
	_ =	strace $0x90000050  }
0x75: {  	s0 =	sadd.s32 @!p0 $0x100000, s0;
	[bflag:$0x2] =	sbarrier.arrive $0xFFFF  }
0x76: {  	[sflag:s0] =	ssyncadd.tile.s32 @!p0 $0x1;
	_ =	shalt  }
.Lfunc_end2:
_tile_overlayer_lowered:
.L_overlay_start_2:
0x77: {  	(tag) =	ssettag $0x2  }
0x78: {  	s0 =	rddreg [dreg:$0x0];
	s2 =	stileid.u32  }
0x79: {  	s1 =	rddreg [dreg:$0x1];
	p0 =	sne.s32 s2, $0x0  }
0x7a: {  	s3 =	rddreg [dreg:$0x2];
	[bflag:$0x3] =	sbarrier.arrive $0xFFFF;
	s2 =	simm.s32 @!p0 $0x1C03  }
0x7b: {  	[timem:s3], [sflag:s2] =	dma.local @!p0 [hbm:s0], s1  }
0x7c: {  	s0 =	simm.s32 @!p0 $0x3  }
0x7d: {  	_ =	swait.ge @!p0 [sflag:s0], s1  }
0x7e: {  	s1 =	ssub.s32 @!p0 $0x0, s1;
	[sflag:s0] =	ssyncset.done @!p0 $0x0  }
0x7f: {  	[sflag:s0] =	ssyncadd.s32 @!p0 s1  }
0x80: {  	[bflag:$0x3] =	sbarrier.arrive $0xFFFF  }
0x81: {  	_ =	shalt  }

// kernel: kernel.18.cloned.1.call-start
scs
__scs_entry_jumppad:
0x0: {  	(pc) =	sbr.rel $0x88, $3  }
0x1: {  	(tag) =	ssettag $0x0;
	lr =	simm.s32 $0x1  }
0x2: {  	[smem:$0x3F91] =	sst lr;
	_ =	strace $0xD0000000  }
0x3: {  	_ = 	snop  }
0x4: {  	_ = 	snop  }
0x5: {  	_ = 	snop  }
0x6: {  	_ = 	snop  }
0x7: {  	_ = 	snop  }
__scs_overlays_trampoline_lowered:
0x8: {  	[smem:$0x3FA0] =	sst s0  }
0x9: {  	[smem:$0x3FA1] =	sst s1  }
0xa: {  	[smem:$0x3FA2] =	sst s2  }
0xb: {  	[smem:$0x3FA3] =	sst s3  }
0xc: {  	[smem:$0x3FA4] =	sst s4  }
0xd: {  	[smem:$0x3FA5] =	sst s5  }
0xe: {  	[smem:$0x3FA6] =	sst s6  }
0xf: {  	[smem:$0x3FA7] =	sst s7  }
0x10: {  	[smem:$0x3FA8] =	sst s8  }
0x11: {  	[smem:$0x3FA9] =	sst s9;
	s0 =	simm.s32 @!p0 $0x0  }
0x12: {  	s1 =	sld [smem:$0x3F8F];
	s0 =	simm.s32 @p0 $0x1  }
0x13: {  	[smem:$0x3FAA] =	sst s0;
	s0 =	simm.s32 @!p1 $0x0  }
0x14: {  	s2 =	sld [smem:$0x3F8E];
	s0 =	simm.s32 @p1 $0x1  }
0x15: {  	[smem:$0x3FAB] =	sst s0;
	s0 =	simm.s32 @!p2 $0x0  }
0x16: {  	s3 =	sld [smem:$0x3FDB];
	s0 =	simm.s32 @p2 $0x1  }
0x17: {  	s4 =	simm.s32 $0x1BF5;
	[smem:$0x3FAD] =	sst s0  }
0x18: {  	s0 =	sld [smem:$0x3F90];
	_ =	swait.ge [sflag:s4], $0x0  }
0x19: {  	s7 =	sld [smem:$0x3F91]  }
0x1a: {  	s8 =	sadd.s32 $0xFFFFE003, lr  }
0x1b: {  	s9 =	sadd.s32 $0xFFFFFEF7, lr;
	s5 =	simm.s32 $0xFFFFFFFF;
	p2 =	slt.u32 s8, $0xFFFFF086  }
0x1c: {  	p1 =	slt.u32 s9, $0xF7A;
	s5 =	simm.s32 @!p2 $0x0  }
0x1d: {  	s5 =	simm.s32 @p1 $0x1;
	p0 =	seq.s32 s7, s2  }
0x1e: {  	s7 =	smul.u32 @!p0 $0xF7A, s2;
	p2 =	seq.s32 @!p0 s5, $0x0  }
0x1f: {  	s9 =	smul.u32 $0xF7A, s1;
	s8 =	simm.s32 @!p0 $0x1BF5;
	p2 =	por !p2, p0  }
0x20: {  	[sflag:s8] =	ssyncset.s32 @!p0 $0xFFFFF086;
	s6 =	sadd.s32 @!p0 s3, s7;
	s7 =	simm.s32 @!p0 $0x108  }
0x21: {  	s3 =	sadd.s32 s3, s9;
	s6 =	sadd.s32 @!p0 $0x88, s6;
	s7 =	simm.s32 @p2 $0x1082  }
0x22: {  	[simem:s7], [sflag:s8] =	dma.local @!p0 [hbm:s6], $0xF7A  }
0x23: {  	s9 =	sor.u32 $0xD0000000, s2;
	s6 =	simm.s32 $0x108;
	_ =	swait.ge @!p0 [sflag:s8], $0x0  }
0x24: {  	s3 =	sadd.s32 $0x88, s3;
	s6 =	simm.s32 @!p1 $0x1082;
	[sflag:s4] =	ssyncset.s32 $0xFFFFF086  }
0x25: {  	[simem:s6], [sflag:s4] =	dma.local [hbm:s3], $0xF7A  }
0x26: {  	[smem:$0x3F91] =	sst s1;
	(tag) =	ssettag s2;
	_ =	strace s9  }
0x27: {  	s1 =	sld [smem:$0x3FA1]  }
0x28: {  	s2 =	sld [smem:$0x3FA2]  }
0x29: {  	s4 =	sld [smem:$0x3FA4]  }
0x2a: {  	p0 =	seq.s32 s5, $0x0;
	s5 =	sld [smem:$0x3FA5]  }
0x2b: {  	s6 =	sld [smem:$0x3FA6]  }
0x2c: {  	s7 =	sld [smem:$0x3FA7]  }
0x2d: {  	s3 =	simm.s32 $0x108;
	s8 =	sld [smem:$0x3FA8]  }
0x2e: {  	s3 =	simm.s32 @!p0 $0x1082;
	s9 =	sld [smem:$0x3FA9]  }
0x2f: {  	lr =	sadd.s32 s0, s3;
	s0 =	sld [smem:$0x3FA0]  }
0x30: {  	s3 =	sld [smem:$0x3FA3]  }
0x31: {  	[smem:$0x3FAC] =	sst s10  }
0x32: {  	s10 =	sld [smem:$0x3FAA];
	_ =	sdelay $0x3  }
0x33: {  	p0 =	seq.s32 s10, $0x1;
	s10 =	sld [smem:$0x3FAC];
	_ =	sdelay $0x3  }
0x34: {  	[smem:$0x3FAC] =	sst s10  }
0x35: {  	s10 =	sld [smem:$0x3FAB];
	_ =	sdelay $0x3  }
0x36: {  	p1 =	seq.s32 s10, $0x1;
	s10 =	sld [smem:$0x3FAC];
	_ =	sdelay $0x3  }
0x37: {  	[smem:$0x3FAC] =	sst s10  }
0x38: {  	s10 =	sld [smem:$0x3FAD]  }
0x39: {  	_ = 	snop;
	(pc) =	sbr.ind lr, $3  }
0x3a: {  	_ = 	snop  }
0x3b: {  	_ = 	snop  }
0x3c: {  	p2 =	seq.s32 s10, $0x1;
	s10 =	sld [smem:$0x3FAC]  }
0x3d: {  	_ =	shalt  }
0x3e: {  	_ =	shalt  }
0x3f: {  	_ =	shalt  }
0x40: {  	_ =	shalt  }
0x41: {  	_ =	shalt  }
0x42: {  	_ =	shalt  }
0x43: {  	_ =	shalt  }
0x44: {  	_ =	shalt  }
0x45: {  	_ =	shalt  }
0x46: {  	_ =	shalt  }
0x47: {  	_ =	shalt  }
0x48: {  	_ =	shalt  }
0x49: {  	_ =	shalt  }
0x4a: {  	_ =	shalt  }
0x4b: {  	_ =	shalt  }
0x4c: {  	_ =	shalt  }
0x4d: {  	_ =	shalt  }
0x4e: {  	_ =	shalt  }
0x4f: {  	_ =	shalt  }
0x50: {  	_ =	shalt  }
0x51: {  	_ =	shalt  }
0x52: {  	_ =	shalt  }
0x53: {  	_ =	shalt  }
0x54: {  	_ =	shalt  }
0x55: {  	_ =	shalt  }
0x56: {  	_ =	shalt  }
0x57: {  	_ =	shalt  }
0x58: {  	_ =	shalt  }
0x59: {  	_ =	shalt  }
0x5a: {  	_ =	shalt  }
0x5b: {  	_ =	shalt  }
0x5c: {  	_ =	shalt  }
0x5d: {  	_ =	shalt  }
0x5e: {  	_ =	shalt  }
0x5f: {  	_ =	shalt  }
0x60: {  	_ =	shalt  }
0x61: {  	_ =	shalt  }
0x62: {  	_ =	shalt  }
0x63: {  	_ =	shalt  }
0x64: {  	_ =	shalt  }
0x65: {  	_ =	shalt  }
0x66: {  	_ =	shalt  }
0x67: {  	_ =	shalt  }
0x68: {  	_ =	shalt  }
0x69: {  	_ =	shalt  }
0x6a: {  	_ =	shalt  }
0x6b: {  	_ =	shalt  }
0x6c: {  	_ =	shalt  }
0x6d: {  	_ =	shalt  }
0x6e: {  	_ =	shalt  }
0x6f: {  	_ =	shalt  }
0x70: {  	_ =	shalt  }
0x71: {  	_ =	shalt  }
0x72: {  	_ =	shalt  }
0x73: {  	_ =	shalt  }
0x74: {  	_ =	shalt  }
0x75: {  	_ =	shalt  }
0x76: {  	_ =	shalt  }
0x77: {  	_ =	shalt  }
0x78: {  	_ =	shalt  }
0x79: {  	_ =	shalt  }
0x7a: {  	_ =	shalt  }
0x7b: {  	_ =	shalt  }
0x7c: {  	_ =	shalt  }
0x7d: {  	_ =	shalt  }
0x7e: {  	_ =	shalt  }
0x7f: {  	_ =	shalt  }
0x80: {  	_ =	shalt  }
0x81: {  	_ =	shalt  }
0x82: {  	_ =	shalt  }
0x83: {  	_ =	shalt  }
0x84: {  	_ =	shalt  }
0x85: {  	_ =	shalt  }
0x86: {  	_ =	shalt  }
0x87: {  	_ =	shalt  }
.Lfunc_end0:
.L_simem_size_0:
called_computation.3_lowered:
.L_overlay_start_0:
0x88: {  	s2 =	sld [smem:$0x3FD9]  }
0x89: {  	s3 =	sld [smem:$0x3FFE];
	_ =	sdelay $0x1  }
0x8a: {  	s1 =	srdreg.scid  }
0x8b: {  	s0 =	sand.u32 $0x1, s1  }
0x8c: {  	s16 =	sshll.u32 s0, $0xA;
	s2 =	sadd.s32 s3, s2  }
0x8d: {  	s2 =	sadd.s32 s2, s16  }
0x8e: {  	[smem:$0x3FB8] =	sst s2  }
0x8f: {  	_ = 	snop  }
0x90: {  	(tm) =	ssettm $0x1  }
0x91: {  	s17 =	sld [smem:$0x3FFB];
	_ =	sdelay $0x3  }
0x92: {  	_ =	strace s17  }
0x93: {  	s2 =	sld [smem:$0x3FFC];
	_ =	sdelay $0x3  }
0x94: {  	_ =	strace s2  }
0x95: {  	s2 =	sld [smem:$0x3FFD];
	_ =	sdelay $0x3  }
0x96: {  	_ =	strace s2  }
0x97: {  	_ =	strace $0x8FFFFFFF  }
0x98: {  	s18 =	sld [smem:$0x3FDB];
	_ =	sdelay $0x1  }
0x99: {  	s19 =	simm.s32 $_scs_section_size  }
0x9a: {  	s4 =	simm.s32 $_size__tile_overlayer_lowered;
	s5 =	simm.s32 $_tile_overlayer_lowered  }
0x9b: {  	s22 =	simm.s32 $0x1BFF;
	s21 =	sshll.u32 s5, $0x1;
	s2 =	sadd.s32 s19, s18  }
0x9c: {  	s6 =	simm.s32 $0x0;
	s20 =	sshll.u32 s4, $0x1;
	s4 =	sadd.s32 s21, s2  }
0x9d: {  	[timem:s6], [sflag:s22] =	dma.local [hbm:s4], s20  }
0x9e: {  	_ =	swait.ge [sflag:s22], s20  }
0x9f: {  	s3 =	ssub.s32 $0x0, s20;
	[sflag:s22] =	ssyncset.done $0x0  }
0xa0: {  	[sflag:s22] =	ssyncadd.s32 s3;
	_ =	sdelay $0x1  }
0xa1: {  	s23 =	simm.s32 $0x1B8B  }
0xa2: {  	_ =	swait.ge [sflag:s23], $0x1  }
0xa3: {  	[sflag:s23] =	ssyncset.done $0x0  }
0xa4: {  	s25 =	simm.s32 $0x1B8E;
	s24 =	sld [smem:$0x3FFE];
	[sflag:s23] =	ssyncadd.s32 $0xFFFFFFFF  }
0xa5: {  	s26 =	simm.s32 $execute0_lowered;
	[smem:$0x3FD2] =	sst s25  }
0xa6: {  	s4 =	sshll.u32 s26, $0x1;
	_ =	strace $0x8000004C;
	[dreg:$0x1] =	wrdreg $0xFFFFFFFF  }
0xa7: {  	s28 =	simm.s32 $_size_execute0_lowered;
	s2 =	sadd.s32 s2, s4;
	[dreg:$0x0] =	wrdreg $0x0  }
0xa8: {  	s4 =	sshll.u32 s28, $0x1;
	[dreg:$0x2] =	wrdreg s2  }
0xa9: {  	[dreg:$0x3] =	wrdreg s4  }
0xaa: {  	[dreg:$0x4] =	wrdreg $0xC0  }
0xab: {  	_ =	task [dreg:s6], $0x5FFFF  }
0xac: {  	[dreg:$0x1] =	wrdreg $0xFFFFFFFF  }
0xad: {  	[dreg:$0x0] =	wrdreg $0x60  }
0xae: {  	[dreg:$0x2] =	wrdreg s24  }
0xaf: {  	[dreg:$0x3] =	wrdreg $0x81000  }
0xb0: {  	[dreg:$0x4] =	wrdreg $0xA  }
0xb1: {  	_ =	task.clear_ibuf [dreg:s6], $0x5FFFF;
	_ =	strace $0x9000004C  }
0xb2: {  	s29 =	simm.s32 $0xA;
	_ =	strace $0x8000004E  }
0xb3: {  	_ =	swait.ge [sflag:s29], $0x1  }
0xb4: {  	[sflag:s29] =	ssyncadd.s32 $0xFFFFFFFF  }
0xb5: {  	_ =	strace $0x9000004E  }
0xb6: {  	_ =	sfence  }
0xb7: {  	s30 =	sld [smem:$0x0];
	_ =	sdelay $0x2  }
0xb8: {  	s31 =	sshll.u32 s1, $0xD;
	s1 =	sshrl.u32 s1, $0x2  }
0xb9: {  	s3 =	sand.u32 $0x4000, s31;
	s1 =	sadd.s32 s1, s30  }
0xba: {  	s0 =	sor.u32 s3, s0;
	s1 =	sshll.u32 s1, $0x11  }
0xbb: {  	s0 =	sor.u32 s1, s0  }
0xbc: {  	s0 =	sadd.s32 $0x8F2B, s0  }
0xbd: {  	[sflag:s0] =	ssyncadd.remote.s32 $0x1  }
0xbe: {  	_ =	sfence.sel $0xFFFF  }
0xbf: {  	[dreg:$0x0] =	wrdreg $0xFFFFFFFF;
	(pc) =	sbr.abs _section_cstart, $3  }
0xc0: {  	[dreg:$0x1] =	wrdreg $0xFFFFFFFF  }
0xc1: {  	_ =	task.clear_ibuf [dreg:s6], $0x2FFFF;
	_ =	strace $0x9FFFFFFF  }
0xc2: {  	(tm) =	ssettm $0x7FFFFFFF  }
0xc3: {  	_ =	shalt  }
tec
execute0_lowered:
.L_overlay_start_1:
0x0: {  	(tag) =	ssettag $0x1  }
0x1: {  	s4 =	rddreg [dreg:$0x0]  }
0x2: {  	s1 =	rddreg [dreg:$0x1]  }
0x3: {  	s0 =	rddreg [dreg:$0x2]  }
0x4: {  	s3 =	simm.s32 $0x0;
	s2 =	stileid.u32;
	s5 =	srdreg.scid  }
0x5: {  	[smem:$0x7FF] =	sst s3;
	s6 =	smul.u32 $0x2800, s2  }
0x6: {  	s15 =	sadd.s32 $0xF91A00, s4;
	s5 =	sand.u32 $0x1, s5;
	s10 =	smul.u32 $0x50000, s2  }
0x7: {  	s13 =	sadd.s32 $0xFA00, s4;
	s8 =	sshll.u32 s2, $0x1;
	s23 =	smul.u32 $0xA0, s2  }
0x8: {  	s24 =	sshll.u32 s2, $0x6;
	_ =	strace $0x8000004D;
	s7 =	smul.u32 $0x28000, s5  }
0x9: {  	s8 =	sor.u32 s5, s8;
	s20 =	ssub.s32 $0x2, s5;
	s18 =	smul.u32 $0x50, s5  }
0xa: {  	s5 =	sor.u32 $0x1C03, s24;
	s9 =	sadd.s32 s6, s4;
	s11 =	smul.u32 $0x28000, s8  }
0xb: {  	s21 =	sshrl.u32 s20, $0x1;
	s14 =	smul.u32 $0x500, s8;
	s22 =	sshrl.u32 s10, $0x2  }
0xc: {  	s25 =	smul.u32 $0x50, s8;
	s6 =	sadd.s32 s6, s7;
	s16 =	ssub.s32 s20, s21  }
0xd: {  	s17 =	sadd.s32 s22, s1;
	s26 =	sadd.s32 s18, s23;
	s20 =	simm.s32 $0x80  }
0xe: {  	s21 =	simm.s32 $0x1;
	s22 =	simm.s32 $0x2;
	s23 =	simm.s32 $0x0  }
0xf: {  	s12 =	sadd.s32 s6, s4;
	s4 =	sadd.s32 $0x19A00, s9;
	s6 =	sadd.s32 s15, s11  }
0x10: {  	s7 =	sadd.s32 s13, s14;
	s28 =	sadd.s32 $0x4F, s25;
	s10 =	sor.u32 $0x2, s26  }
0x11: {  	s9 =	smax.u32 s16, $0x1;
	s18 =	sshll.u32 s26, $0x4;
	s19 =	sshll.u32 s26, $0xB  }
0x12: {  	s8 =	sadd.s32 $0x41A00, s12;
	s29 =	sshll.u32 s28, $0xB;
	s30 =	sshrl.u32 s10, $0x1  }
0x13: {  	s11 =	sshll.u32 s28, $0x4;
	s18 =	sadd.s32 s18, s13;
	s10 =	sadd.s32 s15, s29  }
0x14: {  	s31 =	sshll.u32 s30, $0x5;
	s11 =	sadd.s32 s13, s11;
	s16 =	sshll.u32 s30, $0xC  }
0x15: {  	s14 =	sadd.s32 $0x10, s18;
	s18 =	simm.s32 $0x100;
	s12 =	sadd.s32 s31, s13  }
0x16: {  	s13 =	sadd.s32 s16, s15;
	s15 =	sadd.s32 s19, s15;
	s16 =	sshrl.u32 s17, $0x3  }
0x17: {  	s17 =	simm.s32 $0x3;
	s19 =	simm.s32 $0x4100;
	s15 =	sadd.s32 $0x800, s15  }
.LBB2_1:
0x18: {  	[spmem:s16], [sflag:s5] =	dma.local [hbm:s4], $0x2800  }
0x19: {  	_ =	swait.ge [sflag:s17], $0x2800  }
0x1a: {  	[sflag:s17] =	ssyncset.done $0x0  }
0x1b: {  	[sflag:s17] =	ssyncadd.s32 $0xFFFFD800  }
0x1c: {  	[bflag:$0x0] =	sbarrier.arrive $0xFFFF  }
0x1d: {  	[tilespmem:s18], [sflag:$0x1] =	stream.linear.gather [hbm4b:s6+s3], $0x4000, $0x38;
	[tilespmem:$0x1C100] =	vst v63  }
0x1e: {  	_ = 	snop  }
0x1f: {  	[tilespmem:s3], [sflag:$0x1] =	stream.linear.gather [hbm4b:s7+s3], $0x80, $0x38;
	[tilespmem:$0x1C100] =	vst v63  }
0x20: {  	_ = 	snop  }
0x21: {  	[tilespmem:s19], [sflag:$0x2] =	stream.linear.gather [hbm4b:s15+s3], $0x4000, $0x38;
	[tilespmem:$0x1C100] =	vst v63  }
0x22: {  	s24 =	sadd.s32 $0x0, s14  }
0x23: {  	[tilespmem:s20], [sflag:$0x2] =	stream.linear.gather [hbm4b:s24+s3], $0x80, $0x38;
	[tilespmem:$0x1C100] =	vst v63  }
0x24: {  	_ =	swait.ge [sflag:s21], $0x4000  }
0x25: {  	[sflag:s21] =	ssyncset.done $0x0  }
0x26: {  	[sflag:s21] =	ssyncadd.s32 $0xFFFFC000  }
0x27: {  	_ =	swait.ge [sflag:s21], $0x80  }
0x28: {  	[sflag:s21] =	ssyncset.done $0x0  }
0x29: {  	[sflag:s21] =	ssyncadd.s32 $0xFFFFFF80  }
0x2a: {  	[spmem:s1] =	stream.indirect.scatter.add.f32 [tilespmem:s18], [sflag:$0x3], $0x80, s3, s20, $0xb8;
	[tilespmem:$0x1C100] =	vst v63  }
0x2b: {  	_ =	swait.ge [sflag:s17], $0x4000  }
0x2c: {  	[sflag:s17] =	ssyncset.done $0x0  }
0x2d: {  	[sflag:s17] =	ssyncadd.s32 $0xFFFFC000  }
0x2e: {  	[tilespmem:s18], [sflag:$0x1] =	stream.linear.gather [hbm4b:s13+s3], $0x4000, $0x38;
	[tilespmem:$0x1C100] =	vst v63  }
0x2f: {  	s31 =	sadd.s32 $0x0, s12  }
0x30: {  	[tilespmem:s3], [sflag:$0x1] =	stream.linear.gather [hbm4b:s31+s3], $0x80, $0x38;
	[tilespmem:$0x1C100] =	vst v63  }
0x31: {  	_ =	swait.ge [sflag:s22], $0x4000  }
0x32: {  	[sflag:s22] =	ssyncset.done $0x0  }
0x33: {  	[sflag:s22] =	ssyncadd.s32 $0xFFFFC000  }
0x34: {  	_ =	swait.ge [sflag:s22], $0x80  }
0x35: {  	[sflag:s22] =	ssyncset.done $0x0  }
0x36: {  	[sflag:s22] =	ssyncadd.s32 $0xFFFFFF80  }
0x37: {  	[spmem:s1] =	stream.indirect.scatter.add.f32 [tilespmem:s19], [sflag:$0x3], $0x80, s20, s20, $0xb8;
	[tilespmem:$0x1C100] =	vst v63  }
0x38: {  	s25 =	smov.u32 s13;
	_ =	swait.ge [sflag:s17], $0x4000  }
0x39: {  	s26 =	smov.u32 s15;
	s24 =	simm.s32 $0x20;
	[sflag:s17] =	ssyncset.done $0x0  }
.LBB2_2:
0x3a: {  	[sflag:s17] =	ssyncadd.s32 $0xFFFFC000  }
0x3b: {  	s25 =	sadd.s32 $0x1000, s25;
	s26 =	sadd.s32 $0x1000, s26;
	s28 =	smov.u32 s24  }
0x3c: {  	[tilespmem:s19], [sflag:$0x2] =	stream.linear.gather [hbm4b:s26+s3], $0x4000, $0x38;
	[tilespmem:$0x1C100] =	vst v63  }
0x3d: {  	p0 =	sne.s32 s24, $0x4C0;
	s24 =	sadd.s32 $0x20, s24;
	s29 =	sadd.s32 s28, s14  }
0x3e: {  	[tilespmem:s20], [sflag:$0x2] =	stream.linear.gather [hbm4b:s29+s3], $0x80, $0x38;
	[tilespmem:$0x1C100] =	vst v63  }
0x3f: {  	_ =	swait.ge [sflag:s21], $0x4000  }
0x40: {  	[sflag:s21] =	ssyncset.done $0x0  }
0x41: {  	[sflag:s21] =	ssyncadd.s32 $0xFFFFC000  }
0x42: {  	_ =	swait.ge [sflag:s21], $0x80  }
0x43: {  	[sflag:s21] =	ssyncset.done $0x0  }
0x44: {  	[sflag:s21] =	ssyncadd.s32 $0xFFFFFF80  }
0x45: {  	[spmem:s1] =	stream.indirect.scatter.add.f32 [tilespmem:s18], [sflag:$0x3], $0x80, s3, s20, $0xb8;
	[tilespmem:$0x1C100] =	vst v63  }
0x46: {  	_ =	swait.ge [sflag:s17], $0x4000  }
0x47: {  	[sflag:s17] =	ssyncset.done $0x0  }
0x48: {  	[sflag:s17] =	ssyncadd.s32 $0xFFFFC000  }
0x49: {  	[tilespmem:s18], [sflag:$0x1] =	stream.linear.gather [hbm4b:s25+s3], $0x4000, $0x38;
	[tilespmem:$0x1C100] =	vst v63  }
0x4a: {  	s28 =	sadd.s32 s28, s12  }
0x4b: {  	[tilespmem:s3], [sflag:$0x1] =	stream.linear.gather [hbm4b:s28+s3], $0x80, $0x38;
	[tilespmem:$0x1C100] =	vst v63  }
0x4c: {  	_ =	swait.ge [sflag:s22], $0x4000  }
0x4d: {  	[sflag:s22] =	ssyncset.done $0x0  }
0x4e: {  	[sflag:s22] =	ssyncadd.s32 $0xFFFFC000  }
0x4f: {  	_ =	swait.ge [sflag:s22], $0x80  }
.Ltmp0:
0x50: {  	[sflag:s22] =	ssyncset.done $0x0;
	(pc) =	sbr.rel @p0 .LBB2_2-.Ltmp0, $4  }
0x51: {  	[sflag:s22] =	ssyncadd.s32 $0xFFFFFF80  }
0x52: {  	[spmem:s1] =	stream.indirect.scatter.add.f32 [tilespmem:s19], [sflag:$0x3], $0x80, s20, s20, $0xb8;
	[tilespmem:$0x1C100] =	vst v63  }
0x53: {  	_ =	swait.ge [sflag:s17], $0x4000  }
0x54: {  	[sflag:s17] =	ssyncset.done $0x0  }
0x55: {  	[sflag:s17] =	ssyncadd.s32 $0xFFFFC000  }
0x56: {  	[tilespmem:s19], [sflag:$0x2] =	stream.linear.gather [hbm4b:s10+s3], $0x4000, $0x38;
	[tilespmem:$0x1C100] =	vst v63  }
0x57: {  	_ = 	snop  }
0x58: {  	[tilespmem:s20], [sflag:$0x2] =	stream.linear.gather [hbm4b:s11+s3], $0x80, $0x38;
	[tilespmem:$0x1C100] =	vst v63  }
0x59: {  	_ =	swait.ge [sflag:s21], $0x4000  }
0x5a: {  	[sflag:s21] =	ssyncset.done $0x0  }
0x5b: {  	[sflag:s21] =	ssyncadd.s32 $0xFFFFC000  }
0x5c: {  	_ =	swait.ge [sflag:s21], $0x80  }
0x5d: {  	[sflag:s21] =	ssyncset.done $0x0  }
0x5e: {  	[sflag:s21] =	ssyncadd.s32 $0xFFFFFF80  }
0x5f: {  	[spmem:s1] =	stream.indirect.scatter.add.f32 [tilespmem:s18], [sflag:$0x3], $0x80, s3, s20, $0xb8;
	[tilespmem:$0x1C100] =	vst v63  }
0x60: {  	_ =	swait.ge [sflag:s17], $0x4000  }
0x61: {  	[sflag:s17] =	ssyncset.done $0x0  }
0x62: {  	[sflag:s17] =	ssyncadd.s32 $0xFFFFC000  }
0x63: {  	_ =	swait.ge [sflag:s22], $0x4000  }
0x64: {  	[sflag:s22] =	ssyncset.done $0x0  }
0x65: {  	[sflag:s22] =	ssyncadd.s32 $0xFFFFC000  }
0x66: {  	_ =	swait.ge [sflag:s22], $0x80  }
0x67: {  	[sflag:s22] =	ssyncset.done $0x0  }
0x68: {  	[sflag:s22] =	ssyncadd.s32 $0xFFFFFF80  }
0x69: {  	[spmem:s1] =	stream.indirect.scatter.add.f32 [tilespmem:s19], [sflag:$0x3], $0x80, s20, s20, $0xb8;
	[tilespmem:$0x1C100] =	vst v63  }
0x6a: {  	_ =	swait.ge [sflag:s17], $0x4000  }
0x6b: {  	s23 =	sadd.s32 $0x1, s23;
	[sflag:s17] =	ssyncset.done $0x0  }
0x6c: {  	p0 =	sne.s32 s23, s9;
	[sflag:s17] =	ssyncadd.s32 $0xFFFFC000  }
.Ltmp1:
0x6d: {  	[bflag:$0x0] =	sbarrier.arrive $0xFFFF;
	(pc) =	sbr.rel @p0 .LBB2_1-.Ltmp1, $4  }
0x6e: {  	[hbm:s8], [sflag:s5] =	dma.local [spmem:s16], $0x2800  }
0x6f: {  	_ =	swait.ge [sflag:s17], $0x2800  }
0x70: {  	[sflag:s17] =	ssyncset.done $0x0  }
0x71: {  	[sflag:s17] =	ssyncadd.s32 $0xFFFFD800  }
0x72: {  	_ =	sfence.sel $0x180000  }
0x73: {  	[bflag:$0x0] =	sbarrier.arrive $0xFFFF  }
0x74: {  	p0 =	sne.s32 s2, $0x0;
	_ =	strace $0x9000004D  }
0x75: {  	s0 =	sadd.s32 @!p0 $0x100000, s0;
	[bflag:$0x2] =	sbarrier.arrive $0xFFFF  }
0x76: {  	[sflag:s0] =	ssyncadd.tile.s32 @!p0 $0x1;
	_ =	shalt  }
.Lfunc_end2:
_tile_overlayer_lowered:
.L_overlay_start_2:
0x77: {  	(tag) =	ssettag $0x2  }
0x78: {  	s0 =	rddreg [dreg:$0x0];
	s2 =	stileid.u32  }
0x79: {  	s1 =	rddreg [dreg:$0x1];
	p0 =	sne.s32 s2, $0x0  }
0x7a: {  	s3 =	rddreg [dreg:$0x2];
	[bflag:$0x3] =	sbarrier.arrive $0xFFFF;
	s2 =	simm.s32 @!p0 $0x1C03  }
0x7b: {  	[timem:s3], [sflag:s2] =	dma.local @!p0 [hbm:s0], s1  }
0x7c: {  	s0 =	simm.s32 @!p0 $0x3  }
0x7d: {  	_ =	swait.ge @!p0 [sflag:s0], s1  }
0x7e: {  	s1 =	ssub.s32 @!p0 $0x0, s1;
	[sflag:s0] =	ssyncset.done @!p0 $0x0  }
0x7f: {  	[sflag:s0] =	ssyncadd.s32 @!p0 s1  }
0x80: {  	[bflag:$0x3] =	sbarrier.arrive $0xFFFF  }
0x81: {  	_ =	shalt  }

// kernel: kernel.9.cloned.1.call-start
scs
__scs_entry_jumppad:
0x0: {  	(pc) =	sbr.rel $0x88, $3  }
0x1: {  	(tag) =	ssettag $0x0;
	lr =	simm.s32 $0x1  }
0x2: {  	[smem:$0x3F91] =	sst lr;
	_ =	strace $0xD0000000  }
0x3: {  	_ = 	snop  }
0x4: {  	_ = 	snop  }
0x5: {  	_ = 	snop  }
0x6: {  	_ = 	snop  }
0x7: {  	_ = 	snop  }
__scs_overlays_trampoline_lowered:
0x8: {  	[smem:$0x3FA0] =	sst s0  }
0x9: {  	[smem:$0x3FA1] =	sst s1  }
0xa: {  	[smem:$0x3FA2] =	sst s2  }
0xb: {  	[smem:$0x3FA3] =	sst s3  }
0xc: {  	[smem:$0x3FA4] =	sst s4  }
0xd: {  	[smem:$0x3FA5] =	sst s5  }
0xe: {  	[smem:$0x3FA6] =	sst s6  }
0xf: {  	[smem:$0x3FA7] =	sst s7  }
0x10: {  	[smem:$0x3FA8] =	sst s8  }
0x11: {  	[smem:$0x3FA9] =	sst s9;
	s0 =	simm.s32 @!p0 $0x0  }
0x12: {  	s1 =	sld [smem:$0x3F8F];
	s0 =	simm.s32 @p0 $0x1  }
0x13: {  	[smem:$0x3FAA] =	sst s0;
	s0 =	simm.s32 @!p1 $0x0  }
0x14: {  	s2 =	sld [smem:$0x3F8E];
	s0 =	simm.s32 @p1 $0x1  }
0x15: {  	[smem:$0x3FAB] =	sst s0;
	s0 =	simm.s32 @!p2 $0x0  }
0x16: {  	s3 =	sld [smem:$0x3FDB];
	s0 =	simm.s32 @p2 $0x1  }
0x17: {  	s4 =	simm.s32 $0x1BF5;
	[smem:$0x3FAD] =	sst s0  }
0x18: {  	s0 =	sld [smem:$0x3F90];
	_ =	swait.ge [sflag:s4], $0x0  }
0x19: {  	s7 =	sld [smem:$0x3F91]  }
0x1a: {  	s8 =	sadd.s32 $0xFFFFE003, lr  }
0x1b: {  	s9 =	sadd.s32 $0xFFFFFEF7, lr;
	s5 =	simm.s32 $0xFFFFFFFF;
	p2 =	slt.u32 s8, $0xFFFFF086  }
0x1c: {  	p1 =	slt.u32 s9, $0xF7A;
	s5 =	simm.s32 @!p2 $0x0  }
0x1d: {  	s5 =	simm.s32 @p1 $0x1;
	p0 =	seq.s32 s7, s2  }
0x1e: {  	s7 =	smul.u32 @!p0 $0xF7A, s2;
	p2 =	seq.s32 @!p0 s5, $0x0  }
0x1f: {  	s9 =	smul.u32 $0xF7A, s1;
	s8 =	simm.s32 @!p0 $0x1BF5;
	p2 =	por !p2, p0  }
0x20: {  	[sflag:s8] =	ssyncset.s32 @!p0 $0xFFFFF086;
	s6 =	sadd.s32 @!p0 s3, s7;
	s7 =	simm.s32 @!p0 $0x108  }
0x21: {  	s3 =	sadd.s32 s3, s9;
	s6 =	sadd.s32 @!p0 $0x88, s6;
	s7 =	simm.s32 @p2 $0x1082  }
0x22: {  	[simem:s7], [sflag:s8] =	dma.local @!p0 [hbm:s6], $0xF7A  }
0x23: {  	s9 =	sor.u32 $0xD0000000, s2;
	s6 =	simm.s32 $0x108;
	_ =	swait.ge @!p0 [sflag:s8], $0x0  }
0x24: {  	s3 =	sadd.s32 $0x88, s3;
	s6 =	simm.s32 @!p1 $0x1082;
	[sflag:s4] =	ssyncset.s32 $0xFFFFF086  }
0x25: {  	[simem:s6], [sflag:s4] =	dma.local [hbm:s3], $0xF7A  }
0x26: {  	[smem:$0x3F91] =	sst s1;
	(tag) =	ssettag s2;
	_ =	strace s9  }
0x27: {  	s1 =	sld [smem:$0x3FA1]  }
0x28: {  	s2 =	sld [smem:$0x3FA2]  }
0x29: {  	s4 =	sld [smem:$0x3FA4]  }
0x2a: {  	p0 =	seq.s32 s5, $0x0;
	s5 =	sld [smem:$0x3FA5]  }
0x2b: {  	s6 =	sld [smem:$0x3FA6]  }
0x2c: {  	s7 =	sld [smem:$0x3FA7]  }
0x2d: {  	s3 =	simm.s32 $0x108;
	s8 =	sld [smem:$0x3FA8]  }
0x2e: {  	s3 =	simm.s32 @!p0 $0x1082;
	s9 =	sld [smem:$0x3FA9]  }
0x2f: {  	lr =	sadd.s32 s0, s3;
	s0 =	sld [smem:$0x3FA0]  }
0x30: {  	s3 =	sld [smem:$0x3FA3]  }
0x31: {  	[smem:$0x3FAC] =	sst s10  }
0x32: {  	s10 =	sld [smem:$0x3FAA];
	_ =	sdelay $0x3  }
0x33: {  	p0 =	seq.s32 s10, $0x1;
	s10 =	sld [smem:$0x3FAC];
	_ =	sdelay $0x3  }
0x34: {  	[smem:$0x3FAC] =	sst s10  }
0x35: {  	s10 =	sld [smem:$0x3FAB];
	_ =	sdelay $0x3  }
0x36: {  	p1 =	seq.s32 s10, $0x1;
	s10 =	sld [smem:$0x3FAC];
	_ =	sdelay $0x3  }
0x37: {  	[smem:$0x3FAC] =	sst s10  }
0x38: {  	s10 =	sld [smem:$0x3FAD]  }
0x39: {  	_ = 	snop;
	(pc) =	sbr.ind lr, $3  }
0x3a: {  	_ = 	snop  }
0x3b: {  	_ = 	snop  }
0x3c: {  	p2 =	seq.s32 s10, $0x1;
	s10 =	sld [smem:$0x3FAC]  }
0x3d: {  	_ =	shalt  }
0x3e: {  	_ =	shalt  }
0x3f: {  	_ =	shalt  }
0x40: {  	_ =	shalt  }
0x41: {  	_ =	shalt  }
0x42: {  	_ =	shalt  }
0x43: {  	_ =	shalt  }
0x44: {  	_ =	shalt  }
0x45: {  	_ =	shalt  }
0x46: {  	_ =	shalt  }
0x47: {  	_ =	shalt  }
0x48: {  	_ =	shalt  }
0x49: {  	_ =	shalt  }
0x4a: {  	_ =	shalt  }
0x4b: {  	_ =	shalt  }
0x4c: {  	_ =	shalt  }
0x4d: {  	_ =	shalt  }
0x4e: {  	_ =	shalt  }
0x4f: {  	_ =	shalt  }
0x50: {  	_ =	shalt  }
0x51: {  	_ =	shalt  }
0x52: {  	_ =	shalt  }
0x53: {  	_ =	shalt  }
0x54: {  	_ =	shalt  }
0x55: {  	_ =	shalt  }
0x56: {  	_ =	shalt  }
0x57: {  	_ =	shalt  }
0x58: {  	_ =	shalt  }
0x59: {  	_ =	shalt  }
0x5a: {  	_ =	shalt  }
0x5b: {  	_ =	shalt  }
0x5c: {  	_ =	shalt  }
0x5d: {  	_ =	shalt  }
0x5e: {  	_ =	shalt  }
0x5f: {  	_ =	shalt  }
0x60: {  	_ =	shalt  }
0x61: {  	_ =	shalt  }
0x62: {  	_ =	shalt  }
0x63: {  	_ =	shalt  }
0x64: {  	_ =	shalt  }
0x65: {  	_ =	shalt  }
0x66: {  	_ =	shalt  }
0x67: {  	_ =	shalt  }
0x68: {  	_ =	shalt  }
0x69: {  	_ =	shalt  }
0x6a: {  	_ =	shalt  }
0x6b: {  	_ =	shalt  }
0x6c: {  	_ =	shalt  }
0x6d: {  	_ =	shalt  }
0x6e: {  	_ =	shalt  }
0x6f: {  	_ =	shalt  }
0x70: {  	_ =	shalt  }
0x71: {  	_ =	shalt  }
0x72: {  	_ =	shalt  }
0x73: {  	_ =	shalt  }
0x74: {  	_ =	shalt  }
0x75: {  	_ =	shalt  }
0x76: {  	_ =	shalt  }
0x77: {  	_ =	shalt  }
0x78: {  	_ =	shalt  }
0x79: {  	_ =	shalt  }
0x7a: {  	_ =	shalt  }
0x7b: {  	_ =	shalt  }
0x7c: {  	_ =	shalt  }
0x7d: {  	_ =	shalt  }
0x7e: {  	_ =	shalt  }
0x7f: {  	_ =	shalt  }
0x80: {  	_ =	shalt  }
0x81: {  	_ =	shalt  }
0x82: {  	_ =	shalt  }
0x83: {  	_ =	shalt  }
0x84: {  	_ =	shalt  }
0x85: {  	_ =	shalt  }
0x86: {  	_ =	shalt  }
0x87: {  	_ =	shalt  }
.Lfunc_end0:
.L_simem_size_0:
called_computation_lowered:
.L_overlay_start_0:
0x88: {  	s2 =	sld [smem:$0x3FD9]  }
0x89: {  	s3 =	sld [smem:$0x3FFE];
	_ =	sdelay $0x1  }
0x8a: {  	s1 =	srdreg.scid  }
0x8b: {  	s0 =	sand.u32 $0x1, s1  }
0x8c: {  	s17 =	sshll.u32 s0, $0xA;
	s2 =	sadd.s32 s3, s2  }
0x8d: {  	s2 =	sadd.s32 s2, s17  }
0x8e: {  	[smem:$0x3FB8] =	sst s2  }
0x8f: {  	_ = 	snop  }
0x90: {  	(tm) =	ssettm $0x1  }
0x91: {  	s18 =	sld [smem:$0x3FFB];
	_ =	sdelay $0x3  }
0x92: {  	_ =	strace s18  }
0x93: {  	s2 =	sld [smem:$0x3FFC];
	_ =	sdelay $0x3  }
0x94: {  	_ =	strace s2  }
0x95: {  	s2 =	sld [smem:$0x3FFD];
	_ =	sdelay $0x3  }
0x96: {  	_ =	strace s2  }
0x97: {  	_ =	strace $0x8FFFFFFF  }
0x98: {  	s19 =	sld [smem:$0x3FDB];
	_ =	sdelay $0x1  }
0x99: {  	s20 =	simm.s32 $_scs_section_size  }
0x9a: {  	s4 =	simm.s32 $_size__tile_overlayer_lowered;
	s5 =	simm.s32 $_tile_overlayer_lowered  }
0x9b: {  	s6 =	simm.s32 $0x1BFF;
	s21 =	sshll.u32 s5, $0x1;
	s3 =	sadd.s32 s20, s19  }
0x9c: {  	s22 =	simm.s32 $0x0;
	s4 =	sshll.u32 s4, $0x1;
	s5 =	sadd.s32 s21, s3  }
0x9d: {  	[timem:s22], [sflag:s6] =	dma.local [hbm:s5], s4  }
0x9e: {  	_ =	swait.ge [sflag:s6], s4  }
0x9f: {  	s4 =	ssub.s32 $0x0, s4;
	[sflag:s6] =	ssyncset.done $0x0  }
0xa0: {  	[sflag:s6] =	ssyncadd.s32 s4;
	_ =	sdelay $0x1  }
0xa1: {  	s23 =	simm.s32 $0x1B8B  }
0xa2: {  	_ =	swait.ge [sflag:s23], $0x1  }
0xa3: {  	[sflag:s23] =	ssyncset.done $0x0  }
0xa4: {  	[sflag:s23] =	ssyncadd.s32 $0xFFFFFFFF  }
0xa5: {  	s4 =	sld [smem:$0x0]  }
0xa6: {  	s5 =	sand.u32 $0xFFFFFFFE, s1  }
0xa7: {  	p0 =	sne.s32 s1, s5  }
0xa8: {  	s5 =	sshll.u32 @p0 s5, $0xE  }
0xa9: {  	s5 =	sadd.s32 @p0 $0x11B8D, s5;
	s6 =	sshll.u32 @p0 s4, $0x11  }
0xaa: {  	s5 =	sor.u32 @p0 s6, s5  }
0xab: {  	[sflag:s5] =	ssyncadd.remote.s32 @p0 $0x1;
	_ =	sdelay $0x1  }
0xac: {  	s5 =	simm.s32 @p0 $0x1B8D  }
0xad: {  	_ =	swait.eq @p0 [sflag:s5], $0x1  }
0xae: {  	[sflag:s5] =	ssyncadd.s32 @p0 $0xFFFFFFFF  }
0xaf: {  	s6 =	sshll.u32 @!p0 s1, $0xE  }
0xb0: {  	s6 =	sor.u32 @!p0 $0x4000, s6;
	s5 =	simm.s32 @!p0 $0x1B8D  }
0xb1: {  	s4 =	sshll.u32 @!p0 s4, $0x11;
	s6 =	sadd.s32 @!p0 $0x11B8D, s6;
	_ =	swait.eq @!p0 [sflag:s5], $0x1  }
0xb2: {  	s4 =	sor.u32 @!p0 s4, s6;
	[sflag:s5] =	ssyncadd.s32 @!p0 $0xFFFFFFFF  }
0xb3: {  	s25 =	simm.s32 $0x1B8E;
	s24 =	sld [smem:$0x3FFE];
	[sflag:s4] =	ssyncadd.remote.s32 @!p0 $0x1  }
0xb4: {  	s26 =	simm.s32 $execute0_lowered;
	[smem:$0x3FD2] =	sst s25  }
0xb5: {  	s5 =	sshll.u32 s26, $0x1;
	_ =	strace $0x80000049;
	[dreg:$0x1] =	wrdreg $0xFFFFFFFF  }
0xb6: {  	s28 =	simm.s32 $_size_execute0_lowered;
	s3 =	sadd.s32 s3, s5;
	[dreg:$0x0] =	wrdreg $0x0  }
0xb7: {  	s5 =	sshll.u32 s28, $0x1;
	[dreg:$0x2] =	wrdreg s3  }
0xb8: {  	[dreg:$0x3] =	wrdreg s5  }
0xb9: {  	[dreg:$0x4] =	wrdreg $0xC0  }
0xba: {  	_ =	task [dreg:s22], $0x5FFFF  }
0xbb: {  	[dreg:$0x1] =	wrdreg $0xFFFFFFFF  }
0xbc: {  	[dreg:$0x0] =	wrdreg $0x60  }
0xbd: {  	[dreg:$0x2] =	wrdreg s24  }
0xbe: {  	[dreg:$0x3] =	wrdreg $0x9  }
0xbf: {  	_ =	task.clear_ibuf [dreg:s22], $0x4FFFF;
	_ =	strace $0x90000049  }
0xc0: {  	s29 =	simm.s32 $0x9;
	_ =	strace $0x8000004B  }
0xc1: {  	_ =	swait.ge [sflag:s29], $0x1  }
0xc2: {  	[sflag:s29] =	ssyncadd.s32 $0xFFFFFFFF  }
0xc3: {  	_ =	strace $0x9000004B  }
0xc4: {  	_ =	sfence  }
0xc5: {  	s30 =	sld [smem:$0x0];
	_ =	sdelay $0x2  }
0xc6: {  	s31 =	sshll.u32 s1, $0xD;
	s1 =	sshrl.u32 s1, $0x2  }
0xc7: {  	s4 =	sand.u32 $0x4000, s31;
	s1 =	sadd.s32 s1, s30  }
0xc8: {  	s0 =	sor.u32 s4, s0;
	s1 =	sshll.u32 s1, $0x11  }
0xc9: {  	s0 =	sor.u32 s1, s0  }
0xca: {  	s0 =	sadd.s32 $0x8F2B, s0  }
0xcb: {  	[sflag:s0] =	ssyncadd.remote.s32 $0x1  }
0xcc: {  	_ =	sfence.sel $0xFFFF  }
0xcd: {  	[dreg:$0x0] =	wrdreg $0xFFFFFFFF;
	(pc) =	sbr.abs _section_cstart, $3  }
0xce: {  	[dreg:$0x1] =	wrdreg $0xFFFFFFFF  }
0xcf: {  	_ =	task.clear_ibuf [dreg:s22], $0x2FFFF;
	_ =	strace $0x9FFFFFFF  }
0xd0: {  	(tm) =	ssettm $0x7FFFFFFF  }
0xd1: {  	_ =	shalt  }
tec
execute0_lowered:
.L_overlay_start_1:
0x0: {  	(tag) =	ssettag $0x1  }
0x1: {  	s0 =	rddreg [dreg:$0x0];
	s1 =	simm.s32 $0x0;
	s5 =	srdreg.scid  }
0x2: {  	s16 =	stileid.u32;
	s17 =	simm.s32 $0x4200;
	s18 =	simm.s32 $0x100  }
0x3: {  	s19 =	simm.s32 $0x180;
	[smem:$0x7FF] =	sst s1;
	s3 =	sadd.s32 $0x41A00, s0  }
0x4: {  	s4 =	sadd.s32 $0x69A00, s0;
	s2 =	sadd.s32 $0x5A00, s0;
	s10 =	sand.u32 $0x1, s5  }
0x5: {  	s20 =	sshll.u32 s16, $0x1;
	s7 =	smul.u32 $0x5000, s16;
	s11 =	sadd.s32 $0xFA00, s0  }
0x6: {  	s5 =	sadd.s32 $0x91A00, s0;
	s28 =	smul.u32 $0x280000, s16;
	s16 =	simm.s32 $0x200  }
0x7: {  	_ =	strace $0x8000004A;
	s6 =	sor.u32 s10, s20;
	s8 =	smul.u32 $0x2800, s10  }
0x8: {  	s9 =	ssub.s32 $0x2, s10;
	s29 =	smul.u32 $0x140000, s10;
	s20 =	simm.s32 $0x2  }
0x9: {  	s12 =	smul.u32 $0x2800, s6;
	s6 =	sadd.s32 $0x591A00, s0;
	s21 =	sshrl.u32 s9, $0x1  }
0xa: {  	s13 =	sadd.s32 s8, s7;
	s0 =	ssub.s32 s9, s21;
	s30 =	sadd.s32 s29, s28  }
0xb: {  	s21 =	simm.s32 $0x8200;
	s22 =	sshrl.u32 s12, $0x3;
	s23 =	sor.u32 $0x180, s13  }
0xc: {  	s13 =	sor.u32 $0x100, s13;
	s31 =	sor.u32 $0x4000, s30;
	s24 =	sadd.s32 s2, s22  }
0xd: {  	s12 =	sor.u32 $0x10, s22;
	s14 =	sshrl.u32 s23, $0x3;
	s25 =	sadd.s32 s11, s22  }
0xe: {  	s13 =	sshrl.u32 s13, $0x3;
	s22 =	simm.s32 $0xC200;
	[dreg:$0x6] =	wrdreg s24  }
0xf: {  	s23 =	simm.s32 $0x3;
	[dreg:$0x7] =	wrdreg s25;
	s26 =	sadd.s32 s2, s12  }
0x10: {  	s15 =	sadd.s32 s14, s11;
	s14 =	sadd.s32 s14, s2;
	[dreg:$0x8] =	wrdreg s26  }
0x11: {  	s10 =	sadd.s32 s11, s12;
	s11 =	sadd.s32 s13, s11;
	[dreg:$0x2] =	wrdreg s15  }
0x12: {  	s2 =	sadd.s32 s13, s2;
	s12 =	sshrl.u32 s31, $0x3;
	[dreg:$0x3] =	wrdreg s14  }
0x13: {  	s13 =	sshrl.u32 s30, $0x3;
	s24 =	simm.s32 $0x5;
	[dreg:$0x4] =	wrdreg s11  }
0x14: {  	s25 =	simm.s32 $0x6;
	s11 =	smax.u32 s0, $0x1;
	[dreg:$0x5] =	wrdreg s2  }
0x15: {  	s14 =	simm.s32 $0x80;
	s15 =	simm.s32 $0x1;
	s26 =	simm.s32 $0x0  }
.LBB2_1:
0x16: {  	s0 =	rddreg [dreg:$0x6]  }
0x17: {  	[tilespmem:s1], [sflag:$0x1] =	stream.linear.gather [hbm4b:s0+s1], $0x80, $0x38;
	[tilespmem:$0x10200] =	vst v63  }
0x18: {  	s9 =	rddreg [dreg:$0x7]  }
0x19: {  	[tilespmem:s14], [sflag:$0x1] =	stream.linear.gather [hbm4b:s9+s1], $0x80, $0x38;
	[tilespmem:$0x10200] =	vst v63  }
0x1a: {  	_ =	swait.ge [sflag:s15], $0x80  }
0x1b: {  	[sflag:s15] =	ssyncset.done $0x0  }
0x1c: {  	[sflag:s15] =	ssyncadd.s32 $0xFFFFFF80  }
0x1d: {  	_ =	swait.ge [sflag:s15], $0x80  }
0x1e: {  	[sflag:s15] =	ssyncset.done $0x0  }
0x1f: {  	[sflag:s15] =	ssyncadd.s32 $0xFFFFFF80  }
0x20: {  	[tilespmem:s16], [sflag:$0x3] =	stream.indirect.gather [hbm4b:s3+s14], $0x80, s1, s14, $0xb8;
	[tilespmem:$0x10200] =	vst v63  }
0x21: {  	p0 =	por $0x1, $0x1  }
0x22: {  	[tilespmem:s17], [sflag:$0x3] =	stream.indirect.gather [hbm4b:s4+s14], $0x80, s14, s14, $0xb8;
	[tilespmem:$0x10200] =	vst v63  }
0x23: {  	p0 =	por p0, p0;
	s2 =	rddreg [dreg:$0x8]  }
0x24: {  	[tilespmem:s18], [sflag:$0x2] =	stream.linear.gather [hbm4b:s2+s1], $0x80, $0x38;
	[tilespmem:$0x10200] =	vst v63  }
0x25: {  	s0 =	simm.s32 @!p0 $0x6  }
0x26: {  	[tilespmem:s19], [sflag:$0x2] =	stream.linear.gather [hbm4b:s10+s1], $0x80, $0x38;
	[tilespmem:$0x10200] =	vst v63  }
0x27: {  	_ =	swait.ge @!p0 [sflag:s0], $0x4000  }
0x28: {  	[sflag:s0] =	ssyncset.done @!p0 $0x0  }
0x29: {  	[sflag:s0] =	ssyncadd.s32 @!p0 $0xFFFFC000  }
0x2a: {  	_ =	swait.ge @!p0 [sflag:s0], $0x4000  }
0x2b: {  	[sflag:s0] =	ssyncset.done @!p0 $0x0  }
0x2c: {  	[sflag:s0] =	ssyncadd.s32 @!p0 $0xFFFFC000  }
0x2d: {  	_ =	swait.ge [sflag:s20], $0x80  }
0x2e: {  	[sflag:s20] =	ssyncset.done $0x0  }
0x2f: {  	[sflag:s20] =	ssyncadd.s32 $0xFFFFFF80  }
0x30: {  	_ =	swait.ge [sflag:s20], $0x80  }
0x31: {  	[sflag:s20] =	ssyncset.done $0x0  }
0x32: {  	[sflag:s20] =	ssyncadd.s32 $0xFFFFFF80  }
0x33: {  	[tilespmem:s21], [sflag:$0x4] =	stream.indirect.gather [hbm4b:s3+s14], $0x80, s18, s14, $0xb8;
	[tilespmem:$0x10200] =	vst v63  }
0x34: {  	_ = 	snop  }
0x35: {  	[tilespmem:s22], [sflag:$0x4] =	stream.indirect.gather [hbm4b:s4+s14], $0x80, s19, s14, $0xb8;
	[tilespmem:$0x10200] =	vst v63  }
0x36: {  	_ =	swait.ge [sflag:s23], $0x4000  }
0x37: {  	[sflag:s23] =	ssyncset.done $0x0  }
0x38: {  	[sflag:s23] =	ssyncadd.s32 $0xFFFFC000  }
0x39: {  	p0 =	por $0x0, $0x0;
	_ =	swait.ge [sflag:s23], $0x4000  }
0x3a: {  	s28 =	simm.s32 @!p0 $0x0;
	s0 =	rddreg [dreg:$0x5];
	[sflag:s23] =	ssyncset.done $0x0  }
0x3b: {  	s2 =	rddreg [dreg:$0x4];
	[sflag:s23] =	ssyncadd.s32 $0xFFFFC000;
	s0 =	sadd.s32 @!p0 $0x0, s0  }
0x3c: {  	[tilespmem:s28], [sflag:$0x1] =	stream.linear.gather @!p0 [hbm4b:s0+s28], $0x80, $0x38;
	[tilespmem:$0x10200] =	vst v63  }
0x3d: {  	s0 =	sadd.s32 @!p0 $0x0, s2;
	s2 =	simm.s32 @!p0 $0x80  }
0x3e: {  	[tilespmem:s2], [sflag:$0x1] =	stream.linear.gather @!p0 [hbm4b:s0+s28], $0x80, $0x38;
	[tilespmem:$0x10200] =	vst v63  }
0x3f: {  	s7 =	sadd.s32 s5, s13  }
0x40: {  	[hbm4b:s7+s1] =	stream.linear.scatter [tilespmem:s16], [sflag:$0x5], $0x4000, $0x38;
	[tilespmem:$0x10200] =	vst v63  }
0x41: {  	s8 =	sadd.s32 s6, s13  }
0x42: {  	[hbm4b:s8+s1] =	stream.linear.scatter [tilespmem:s17], [sflag:$0x5], $0x4000, $0x38;
	[tilespmem:$0x10200] =	vst v63  }
0x43: {  	_ =	swait.ge [sflag:s24], $0x4000  }
0x44: {  	[sflag:s24] =	ssyncset.done $0x0  }
0x45: {  	[sflag:s24] =	ssyncadd.s32 $0xFFFFC000  }
0x46: {  	_ =	swait.ge [sflag:s24], $0x4000  }
0x47: {  	[sflag:s24] =	ssyncset.done $0x0  }
0x48: {  	s0 =	simm.s32 @p0 $0x4;
	[sflag:s24] =	ssyncadd.s32 $0xFFFFC000  }
0x49: {  	_ =	swait.ge @p0 [sflag:s0], $0x4000  }
0x4a: {  	[sflag:s0] =	ssyncset.done @p0 $0x0  }
0x4b: {  	[sflag:s0] =	ssyncadd.s32 @p0 $0xFFFFC000  }
0x4c: {  	_ =	swait.ge @p0 [sflag:s0], $0x4000  }
0x4d: {  	[sflag:s0] =	ssyncset.done @p0 $0x0  }
0x4e: {  	[sflag:s0] =	ssyncadd.s32 @p0 $0xFFFFC000;
	s0 =	simm.s32 @!p0 $0x1  }
0x4f: {  	_ =	swait.ge @!p0 [sflag:s0], $0x80  }
0x50: {  	[sflag:s0] =	ssyncset.done @!p0 $0x0  }
0x51: {  	[sflag:s0] =	ssyncadd.s32 @!p0 $0xFFFFFF80  }
0x52: {  	_ =	swait.ge @!p0 [sflag:s0], $0x80  }
0x53: {  	[sflag:s0] =	ssyncset.done @!p0 $0x0  }
0x54: {  	[sflag:s0] =	ssyncadd.s32 @!p0 $0xFFFFFF80;
	s0 =	simm.s32 @!p0 $0x200  }
0x55: {  	[tilespmem:s0], [sflag:$0x3] =	stream.indirect.gather @!p0 [hbm4b:s3+s2], $0x80, s28, s2, $0xb8;
	[tilespmem:$0x10200] =	vst v63  }
0x56: {  	s29 =	simm.s32 @!p0 $0x4;
	s0 =	simm.s32 @!p0 $0x4200  }
0x57: {  	[tilespmem:s0], [sflag:$0x3] =	stream.indirect.gather @!p0 [hbm4b:s4+s2], $0x80, s2, s2, $0xb8;
	[tilespmem:$0x10200] =	vst v63  }
0x58: {  	_ =	swait.ge @!p0 [sflag:s29], $0x4000  }
0x59: {  	[sflag:s29] =	ssyncset.done @!p0 $0x0  }
0x5a: {  	[sflag:s29] =	ssyncadd.s32 @!p0 $0xFFFFC000  }
0x5b: {  	p6 =	por $0x0, $0x0;
	_ =	swait.ge @!p0 [sflag:s29], $0x4000  }
0x5c: {  	s30 =	simm.s32 $0x20;
	s31 =	simm.s32 $0x40;
	s0 =	rddreg [dreg:$0x3]  }
0x5d: {  	s9 =	sadd.s32 s5, s12;
	s2 =	rddreg [dreg:$0x2];
	[sflag:s29] =	ssyncset.done @!p0 $0x0  }
0x5e: {  	[sflag:s29] =	ssyncadd.s32 @!p0 $0xFFFFC000;
	s0 =	sadd.s32 @!p0 $0x0, s0;
	s29 =	simm.s32 @!p0 $0x100  }
0x5f: {  	[tilespmem:s29], [sflag:$0x2] =	stream.linear.gather @!p0 [hbm4b:s0+s28], $0x80, $0x38;
	[tilespmem:$0x10200] =	vst v63  }
0x60: {  	s0 =	sadd.s32 @!p0 $0x0, s2;
	s2 =	simm.s32 @!p0 $0x180;
	s29 =	sadd.s32 $0x1000, s5  }
0x61: {  	[tilespmem:s2], [sflag:$0x2] =	stream.linear.gather @!p0 [hbm4b:s0+s28], $0x80, $0x38;
	[tilespmem:$0x10200] =	vst v63  }
0x62: {  	p0 =	por p6, p6;
	s0 =	sadd.s32 s6, s12;
	s28 =	sadd.s32 $0x1000, s6  }
0x63: {  	[hbm4b:s9+s1] =	stream.linear.scatter [tilespmem:s21], [sflag:$0x6], $0x4000, $0x38;
	[tilespmem:$0x10200] =	vst v63  }
.LBB2_2:
0x64: {  	[hbm4b:s0+s1] =	stream.linear.scatter [tilespmem:s22], [sflag:$0x6], $0x4000, $0x38;
	[tilespmem:$0x10200] =	vst v63  }
0x65: {  	s2 =	simm.s32 @!p0 $0x6  }
0x66: {  	_ =	swait.ge @!p0 [sflag:s2], $0x4000  }
0x67: {  	[sflag:s2] =	ssyncset.done @!p0 $0x0  }
0x68: {  	[sflag:s2] =	ssyncadd.s32 @!p0 $0xFFFFC000  }
0x69: {  	_ =	swait.ge @!p0 [sflag:s2], $0x4000  }
0x6a: {  	[sflag:s2] =	ssyncset.done @!p0 $0x0  }
0x6b: {  	[sflag:s2] =	ssyncadd.s32 @!p0 $0xFFFFC000  }
0x6c: {  	_ =	swait.ge [sflag:s20], $0x80  }
0x6d: {  	[sflag:s20] =	ssyncset.done $0x0  }
0x6e: {  	[sflag:s20] =	ssyncadd.s32 $0xFFFFFF80  }
0x6f: {  	_ =	swait.ge [sflag:s20], $0x80  }
0x70: {  	[sflag:s20] =	ssyncset.done $0x0  }
0x71: {  	[sflag:s20] =	ssyncadd.s32 $0xFFFFFF80  }
0x72: {  	[tilespmem:s21], [sflag:$0x4] =	stream.indirect.gather [hbm4b:s3+s14], $0x80, s18, s14, $0xb8;
	[tilespmem:$0x10200] =	vst v63  }
0x73: {  	_ = 	snop  }
0x74: {  	[tilespmem:s22], [sflag:$0x4] =	stream.indirect.gather [hbm4b:s4+s14], $0x80, s19, s14, $0xb8;
	[tilespmem:$0x10200] =	vst v63  }
0x75: {  	_ =	swait.ge [sflag:s23], $0x4000  }
0x76: {  	[sflag:s23] =	ssyncset.done $0x0  }
0x77: {  	s0 =	smov.u32 s31;
	[sflag:s23] =	ssyncadd.s32 $0xFFFFC000  }
0x78: {  	p2 =	seq.s32 s0, $0x0;
	_ =	swait.ge [sflag:s23], $0x4000  }
0x79: {  	p0 =	por p2, p2;
	s2 =	rddreg [dreg:$0x5]  }
0x7a: {  	p2 =	seq.s32 s30, $0x4E0;
	[sflag:s23] =	ssyncset.done $0x0;
	s7 =	rddreg [dreg:$0x4]  }
0x7b: {  	[sflag:s23] =	ssyncadd.s32 $0xFFFFC000;
	s8 =	sadd.s32 @!p2 s30, s2;
	s2 =	simm.s32 @!p2 $0x0  }
0x7c: {  	[tilespmem:s2], [sflag:$0x1] =	stream.linear.gather @!p2 [hbm4b:s8+s2], $0x80, $0x38;
	[tilespmem:$0x10200] =	vst v63  }
0x7d: {  	s7 =	sadd.s32 @!p2 s30, s7;
	s8 =	simm.s32 @!p2 $0x80  }
0x7e: {  	[tilespmem:s8], [sflag:$0x1] =	stream.linear.gather @!p2 [hbm4b:s7+s2], $0x80, $0x38;
	[tilespmem:$0x10200] =	vst v63  }
0x7f: {  	s9 =	sadd.s32 s29, s13  }
0x80: {  	[hbm4b:s9+s1] =	stream.linear.scatter [tilespmem:s16], [sflag:$0x5], $0x4000, $0x38;
	[tilespmem:$0x10200] =	vst v63  }
0x81: {  	s9 =	sadd.s32 s28, s13  }
0x82: {  	[hbm4b:s9+s1] =	stream.linear.scatter [tilespmem:s17], [sflag:$0x5], $0x4000, $0x38;
	[tilespmem:$0x10200] =	vst v63  }
0x83: {  	_ =	swait.ge [sflag:s24], $0x4000  }
0x84: {  	[sflag:s24] =	ssyncset.done $0x0  }
0x85: {  	[sflag:s24] =	ssyncadd.s32 $0xFFFFC000  }
0x86: {  	_ =	swait.ge [sflag:s24], $0x4000  }
0x87: {  	[sflag:s24] =	ssyncset.done $0x0  }
0x88: {  	s7 =	simm.s32 @p2 $0x4;
	[sflag:s24] =	ssyncadd.s32 $0xFFFFC000  }
0x89: {  	_ =	swait.ge @p2 [sflag:s7], $0x4000  }
0x8a: {  	[sflag:s7] =	ssyncset.done @p2 $0x0  }
0x8b: {  	[sflag:s7] =	ssyncadd.s32 @p2 $0xFFFFC000  }
0x8c: {  	_ =	swait.ge @p2 [sflag:s7], $0x4000  }
0x8d: {  	[sflag:s7] =	ssyncset.done @p2 $0x0  }
0x8e: {  	[sflag:s7] =	ssyncadd.s32 @p2 $0xFFFFC000;
	s7 =	simm.s32 @!p2 $0x1  }
0x8f: {  	_ =	swait.ge @!p2 [sflag:s7], $0x80  }
0x90: {  	[sflag:s7] =	ssyncset.done @!p2 $0x0  }
0x91: {  	[sflag:s7] =	ssyncadd.s32 @!p2 $0xFFFFFF80  }
0x92: {  	_ =	swait.ge @!p2 [sflag:s7], $0x80  }
0x93: {  	[sflag:s7] =	ssyncset.done @!p2 $0x0  }
0x94: {  	[sflag:s7] =	ssyncadd.s32 @!p2 $0xFFFFFF80;
	s7 =	simm.s32 @!p2 $0x200  }
0x95: {  	[tilespmem:s7], [sflag:$0x3] =	stream.indirect.gather @!p2 [hbm4b:s3+s8], $0x80, s2, s8, $0xb8;
	[tilespmem:$0x10200] =	vst v63  }
0x96: {  	s9 =	simm.s32 @!p2 $0x4;
	s7 =	simm.s32 @!p2 $0x4200  }
0x97: {  	[tilespmem:s7], [sflag:$0x3] =	stream.indirect.gather @!p2 [hbm4b:s4+s8], $0x80, s8, s8, $0xb8;
	[tilespmem:$0x10200] =	vst v63  }
0x98: {  	_ =	swait.ge @!p2 [sflag:s9], $0x4000  }
0x99: {  	[sflag:s9] =	ssyncset.done @!p2 $0x0  }
0x9a: {  	[sflag:s9] =	ssyncadd.s32 @!p2 $0xFFFFC000  }
0x9b: {  	_ =	swait.ge @!p2 [sflag:s9], $0x4000  }
0x9c: {  	s31 =	sadd.s32 $0x20, s31;
	s7 =	rddreg [dreg:$0x3]  }
0x9d: {  	p1 =	sne.s32 s31, $0x500;
	s8 =	rddreg [dreg:$0x2];
	[sflag:s9] =	ssyncset.done @!p2 $0x0  }
0x9e: {  	[sflag:s9] =	ssyncadd.s32 @!p2 $0xFFFFC000;
	s7 =	sadd.s32 @!p2 s30, s7;
	s9 =	simm.s32 @!p2 $0x100  }
0x9f: {  	[tilespmem:s9], [sflag:$0x2] =	stream.linear.gather @!p2 [hbm4b:s7+s2], $0x80, $0x38;
	[tilespmem:$0x10200] =	vst v63  }
.Ltmp0:
0xa0: {  	s7 =	sadd.s32 @!p2 s30, s8;
	(pc) =	sbr.rel @p1 .LBB2_2-.Ltmp0, $4  }
0xa1: {  	s8 =	simm.s32 @!p2 $0x180;
	s9 =	sadd.s32 s29, s12;
	s30 =	smov.u32 s0  }
0xa2: {  	[tilespmem:s8], [sflag:$0x2] =	stream.linear.gather @!p2 [hbm4b:s7+s2], $0x80, $0x38;
	[tilespmem:$0x10200] =	vst v63  }
0xa3: {  	s0 =	sadd.s32 s28, s12;
	s28 =	sadd.s32 $0x1000, s28;
	s29 =	sadd.s32 $0x1000, s29  }
0xa4: {  	[hbm4b:s9+s1] =	stream.linear.scatter [tilespmem:s21], [sflag:$0x6], $0x4000, $0x38;
	[tilespmem:$0x10200] =	vst v63  }
0xa5: {  	[hbm4b:s0+s1] =	stream.linear.scatter [tilespmem:s22], [sflag:$0x6], $0x4000, $0x38;
	[tilespmem:$0x10200] =	vst v63  }
0xa6: {  	s0 =	simm.s32 @!p0 $0x6  }
0xa7: {  	_ =	swait.ge @!p0 [sflag:s0], $0x4000  }
0xa8: {  	[sflag:s0] =	ssyncset.done @!p0 $0x0  }
0xa9: {  	[sflag:s0] =	ssyncadd.s32 @!p0 $0xFFFFC000  }
0xaa: {  	_ =	swait.ge @!p0 [sflag:s0], $0x4000  }
0xab: {  	[sflag:s0] =	ssyncset.done @!p0 $0x0  }
0xac: {  	[sflag:s0] =	ssyncadd.s32 @!p0 $0xFFFFC000  }
0xad: {  	_ =	swait.ge [sflag:s20], $0x80  }
0xae: {  	[sflag:s20] =	ssyncset.done $0x0  }
0xaf: {  	[sflag:s20] =	ssyncadd.s32 $0xFFFFFF80  }
0xb0: {  	_ =	swait.ge [sflag:s20], $0x80  }
0xb1: {  	[sflag:s20] =	ssyncset.done $0x0  }
0xb2: {  	[sflag:s20] =	ssyncadd.s32 $0xFFFFFF80  }
0xb3: {  	[tilespmem:s21], [sflag:$0x4] =	stream.indirect.gather [hbm4b:s3+s14], $0x80, s18, s14, $0xb8;
	[tilespmem:$0x10200] =	vst v63  }
0xb4: {  	_ = 	snop  }
0xb5: {  	[tilespmem:s22], [sflag:$0x4] =	stream.indirect.gather [hbm4b:s4+s14], $0x80, s19, s14, $0xb8;
	[tilespmem:$0x10200] =	vst v63  }
0xb6: {  	_ =	swait.ge [sflag:s23], $0x4000  }
0xb7: {  	[sflag:s23] =	ssyncset.done $0x0  }
0xb8: {  	[sflag:s23] =	ssyncadd.s32 $0xFFFFC000  }
0xb9: {  	p0 =	seq.s32 s30, $0x4E0;
	_ =	swait.ge [sflag:s23], $0x4000  }
0xba: {  	s7 =	simm.s32 @!p0 $0x0;
	s0 =	rddreg [dreg:$0x5];
	[sflag:s23] =	ssyncset.done $0x0  }
0xbb: {  	s2 =	rddreg [dreg:$0x4];
	[sflag:s23] =	ssyncadd.s32 $0xFFFFC000;
	s0 =	sadd.s32 @!p0 s30, s0  }
0xbc: {  	[tilespmem:s7], [sflag:$0x1] =	stream.linear.gather @!p0 [hbm4b:s0+s7], $0x80, $0x38;
	[tilespmem:$0x10200] =	vst v63  }
0xbd: {  	s0 =	sadd.s32 @!p0 s30, s2;
	s2 =	simm.s32 @!p0 $0x80  }
0xbe: {  	[tilespmem:s2], [sflag:$0x1] =	stream.linear.gather @!p0 [hbm4b:s0+s7], $0x80, $0x38;
	[tilespmem:$0x10200] =	vst v63  }
0xbf: {  	s8 =	sadd.s32 s29, s13  }
0xc0: {  	[hbm4b:s8+s1] =	stream.linear.scatter [tilespmem:s16], [sflag:$0x5], $0x4000, $0x38;
	[tilespmem:$0x10200] =	vst v63  }
0xc1: {  	s9 =	sadd.s32 s28, s13  }
0xc2: {  	[hbm4b:s9+s1] =	stream.linear.scatter [tilespmem:s17], [sflag:$0x5], $0x4000, $0x38;
	[tilespmem:$0x10200] =	vst v63  }
0xc3: {  	_ =	swait.ge [sflag:s24], $0x4000  }
0xc4: {  	[sflag:s24] =	ssyncset.done $0x0  }
0xc5: {  	[sflag:s24] =	ssyncadd.s32 $0xFFFFC000  }
0xc6: {  	_ =	swait.ge [sflag:s24], $0x4000  }
0xc7: {  	[sflag:s24] =	ssyncset.done $0x0  }
0xc8: {  	s0 =	simm.s32 @p0 $0x4;
	[sflag:s24] =	ssyncadd.s32 $0xFFFFC000  }
0xc9: {  	_ =	swait.ge @p0 [sflag:s0], $0x4000  }
0xca: {  	[sflag:s0] =	ssyncset.done @p0 $0x0  }
0xcb: {  	[sflag:s0] =	ssyncadd.s32 @p0 $0xFFFFC000  }
0xcc: {  	_ =	swait.ge @p0 [sflag:s0], $0x4000  }
0xcd: {  	[sflag:s0] =	ssyncset.done @p0 $0x0  }
0xce: {  	[sflag:s0] =	ssyncadd.s32 @p0 $0xFFFFC000;
	s0 =	simm.s32 @!p0 $0x1  }
0xcf: {  	_ =	swait.ge @!p0 [sflag:s0], $0x80  }
0xd0: {  	[sflag:s0] =	ssyncset.done @!p0 $0x0  }
0xd1: {  	[sflag:s0] =	ssyncadd.s32 @!p0 $0xFFFFFF80  }
0xd2: {  	_ =	swait.ge @!p0 [sflag:s0], $0x80  }
0xd3: {  	[sflag:s0] =	ssyncset.done @!p0 $0x0  }
0xd4: {  	[sflag:s0] =	ssyncadd.s32 @!p0 $0xFFFFFF80;
	s0 =	simm.s32 @!p0 $0x200  }
0xd5: {  	[tilespmem:s0], [sflag:$0x3] =	stream.indirect.gather @!p0 [hbm4b:s3+s2], $0x80, s7, s2, $0xb8;
	[tilespmem:$0x10200] =	vst v63  }
0xd6: {  	s8 =	simm.s32 @!p0 $0x4;
	s0 =	simm.s32 @!p0 $0x4200  }
0xd7: {  	[tilespmem:s0], [sflag:$0x3] =	stream.indirect.gather @!p0 [hbm4b:s4+s2], $0x80, s2, s2, $0xb8;
	[tilespmem:$0x10200] =	vst v63  }
0xd8: {  	_ =	swait.ge @!p0 [sflag:s8], $0x4000  }
0xd9: {  	[sflag:s8] =	ssyncset.done @!p0 $0x0  }
0xda: {  	[sflag:s8] =	ssyncadd.s32 @!p0 $0xFFFFC000  }
0xdb: {  	_ =	swait.ge @!p0 [sflag:s8], $0x4000  }
0xdc: {  	s0 =	rddreg [dreg:$0x3]  }
0xdd: {  	s2 =	rddreg [dreg:$0x2];
	[sflag:s8] =	ssyncset.done @!p0 $0x0  }
0xde: {  	[sflag:s8] =	ssyncadd.s32 @!p0 $0xFFFFC000;
	s0 =	sadd.s32 @!p0 s30, s0;
	s8 =	simm.s32 @!p0 $0x100  }
0xdf: {  	[tilespmem:s8], [sflag:$0x2] =	stream.linear.gather @!p0 [hbm4b:s0+s7], $0x80, $0x38;
	[tilespmem:$0x10200] =	vst v63  }
0xe0: {  	s0 =	sadd.s32 @!p0 s30, s2;
	s2 =	simm.s32 @!p0 $0x180  }
0xe1: {  	[tilespmem:s2], [sflag:$0x2] =	stream.linear.gather @!p0 [hbm4b:s0+s7], $0x80, $0x38;
	[tilespmem:$0x10200] =	vst v63  }
0xe2: {  	s30 =	sadd.s32 s29, s12  }
0xe3: {  	[hbm4b:s30+s1] =	stream.linear.scatter [tilespmem:s21], [sflag:$0x6], $0x4000, $0x38;
	[tilespmem:$0x10200] =	vst v63  }
0xe4: {  	s31 =	sadd.s32 s28, s12;
	s26 =	sadd.s32 $0x1, s26  }
0xe5: {  	[hbm4b:s31+s1] =	stream.linear.scatter [tilespmem:s22], [sflag:$0x6], $0x4000, $0x38;
	[tilespmem:$0x10200] =	vst v63  }
0xe6: {  	p0 =	sne.s32 s26, s11;
	_ =	swait.ge [sflag:s25], $0x4000  }
.Ltmp1:
0xe7: {  	[sflag:s25] =	ssyncset.done $0x0;
	(pc) =	sbr.rel @p0 .LBB2_1-.Ltmp1, $4  }
0xe8: {  	[sflag:s25] =	ssyncadd.s32 $0xFFFFC000  }
0xe9: {  	_ =	swait.ge [sflag:s25], $0x4000  }
0xea: {  	[sflag:s25] =	ssyncset.done $0x0  }
0xeb: {  	[sflag:s25] =	ssyncadd.s32 $0xFFFFC000  }
0xec: {  	_ =	sfence.sel $0x180000  }
0xed: {  	[bflag:$0x0] =	sbarrier.arrive $0xFFFF  }
0xee: {  	_ =	strace $0x9000004A  }
0xef: {  	s0 =	stileid.u32;
	[bflag:$0x2] =	sbarrier.arrive $0xFFFF  }
0xf0: {  	p0 =	sne.s32 s0, $0x0;
	s0 =	rddreg [dreg:$0x1]  }
0xf1: {  	s0 =	sadd.s32 @!p0 $0x100000, s0  }
0xf2: {  	[sflag:s0] =	ssyncadd.tile.s32 @!p0 $0x1;
	_ =	shalt  }
.Lfunc_end2:
_tile_overlayer_lowered:
.L_overlay_start_2:
0xf3: {  	(tag) =	ssettag $0x2  }
0xf4: {  	s0 =	rddreg [dreg:$0x0];
	s2 =	stileid.u32  }
0xf5: {  	s1 =	rddreg [dreg:$0x1];
	p0 =	sne.s32 s2, $0x0  }
0xf6: {  	s3 =	rddreg [dreg:$0x2];
	[bflag:$0x3] =	sbarrier.arrive $0xFFFF;
	s2 =	simm.s32 @!p0 $0x1C07  }
0xf7: {  	[timem:s3], [sflag:s2] =	dma.local @!p0 [hbm:s0], s1  }
0xf8: {  	s0 =	simm.s32 @!p0 $0x7  }
0xf9: {  	_ =	swait.ge @!p0 [sflag:s0], s1  }
0xfa: {  	s1 =	ssub.s32 @!p0 $0x0, s1;
	[sflag:s0] =	ssyncset.done @!p0 $0x0  }
0xfb: {  	[sflag:s0] =	ssyncadd.s32 @!p0 s1  }
0xfc: {  	[bflag:$0x3] =	sbarrier.arrive $0xFFFF  }
0xfd: {  	_ =	shalt  }

</sc_bundles>
